<compile_context>
chip_gen: v7x
topology: tpu7x:2x2x1
jax: 0.10.2.dev20260603
libtpu: 0.0.44.dev20260713+nightly
codegen_flags: <defaults>
</compile_context>

<pallas_src>
import functools

import jax
import jax.numpy as jnp
from jax import lax
from jax.experimental import pallas as pl
from jax.experimental.pallas import tpu as pltpu
from jax.experimental.pallas import tpu_sc as plsc

EMB = 32
BATCH = 16384
NUM_USERS = 1000000
NUM_MOVIES = 100000

_NC = 2
_NS = 16
_NW = _NC * _NS

_CHUNK = 512
_ROWCAP = 256
_FLUSH_AT = _ROWCAP - 16
_SPROWS = BATCH + _NW * 16
_TAILPAD = 256

_GD = jax.lax.GatherDimensionNumbers(
    offset_dims=(), collapsed_slice_dims=(0,), start_index_map=(0,))


def _splat0(v):
    return jax.lax.gather(v, jnp.zeros((16, 1), jnp.int32), _GD, (1,),
                          mode=jax.lax.GatherScatterMode.PROMISE_IN_BOUNDS)


def _scan_phase(tab3, ids, out, n_chunks, wid, scratch):
    (chunk_a, chunk_b, idst_v, hit_r, hit_b, lbuf, bidx_v, rows_v,
     sem0, sem1) = scratch
    scan_limit = n_chunks * _CHUNK
    iota = lax.iota(jnp.int32, 16)
    sentbase = BATCH + wid * _ROWCAP + iota

    def sentinit(i, _):
        bidx_v[pl.ds(i * 16, 16)] = sentbase + i * 16
        return 0

    nw_chunks = (n_chunks - 1 - wid) // _NW + 1

    def cs_of(k):
        return (wid + jnp.minimum(k, nw_chunks - 1) * _NW) * _CHUNK

    pltpu.async_copy(tab3.at[:, :, pl.ds(cs_of(0), _CHUNK)], chunk_a, sem0)
    pltpu.async_copy(tab3.at[:, :, pl.ds(cs_of(1), _CHUNK)], chunk_b, sem1)

    def piece(p, cnt):
        pltpu.sync_copy(ids.at[pl.ds(p * 2048, 2048)], idst_v)

        def scan(i, c):
            r = idst_v[pl.ds(i * 16, 16)]
            owner = jax.lax.shift_right_logical(r, 9) & (_NW - 1)
            m = (owner == wid) & (r < scan_limit)
            npop = jnp.max(plsc.all_reduce_population_count(m))
            b = p * 2048 + i * 16 + iota
            plsc.store_compressed(hit_r.at[pl.ds(c, 16)], r, mask=m)
            plsc.store_compressed(hit_b.at[pl.ds(c, 16)], b, mask=m)
            return c + npop

        return lax.fori_loop(0, 128, scan, cnt)

    cnt = lax.fori_loop(0, BATCH // 2048, piece, jnp.int32(0))
    nvreg = (cnt + 15) // 16

    e4a = jax.lax.shift_right_logical(iota, 3)
    sv = iota & 7

    def do_scatter():
        pltpu.sync_copy(rows_v, out.at[bidx_v])
        lax.fori_loop(0, _ROWCAP // 16, sentinit, 0)

    def filter_extract(chunk_ref, ck, o):
        def vreg_step(j, o):
            rv = hit_r[pl.ds(j * 16, 16)]
            bv = hit_b[pl.ds(j * 16, 16)]
            m = (jax.lax.shift_right_logical(rv, 9) == ck)
            m = m & ((j * 16 + iota) < cnt)
            npop = jnp.max(plsc.all_reduce_population_count(m))
            plsc.store_compressed(lbuf.at[pl.ds(o, 16)], rv - cs_z, mask=m)
            plsc.store_compressed(bidx_v.at[pl.ds(o, 16)], bv, mask=m)

            def extract(h, _):
                lsp = _splat0(lbuf[pl.ds(h, 16)])
                ga = plsc.load_gather(chunk_ref, [e4a, sv, lsp])
                gb = plsc.load_gather(chunk_ref, [e4a + 2, sv, lsp])
                rows_v.at[h][pl.ds(0, 16)] = ga
                rows_v.at[h][pl.ds(16, 16)] = gb
                return 0

            lax.fori_loop(o, o + npop, extract, 0)
            o = o + npop

            def flush(oo):
                do_scatter()
                return jnp.int32(0)

            return lax.cond(o >= _FLUSH_AT, flush, lambda oo: oo, o)

        cs_z = ck * _CHUNK
        return lax.fori_loop(0, nvreg, vreg_step, o)

    def wait_a():
        pltpu.make_async_copy(
            tab3.at[:, :, pl.ds(0, _CHUNK)], chunk_a, sem0).wait()

    def wait_b():
        pltpu.make_async_copy(
            tab3.at[:, :, pl.ds(0, _CHUNK)], chunk_b, sem1).wait()

    def pair_step(k2, o):
        k0 = 2 * k2
        wait_a()
        o = filter_extract(chunk_a, wid + k0 * _NW, o)
        pltpu.async_copy(
            tab3.at[:, :, pl.ds(cs_of(k0 + 2), _CHUNK)], chunk_a, sem0)
        wait_b()
        o = filter_extract(chunk_b, wid + (k0 + 1) * _NW, o)
        pltpu.async_copy(
            tab3.at[:, :, pl.ds(cs_of(k0 + 3), _CHUNK)], chunk_b, sem1)
        return o

    lax.fori_loop(0, (nw_chunks + 1) // 2, pair_step, jnp.int32(0))
    wait_a()
    wait_b()
    do_scatter()


def _scan_body(tab3_u, ids_u, tab3_m, ids_m, out_u, out_m,
               chunk_a, chunk_b, idst_v, hit_r, hit_b, lbuf, bidx_v, rows_v,
               sem0, sem1):
    cid = lax.axis_index("c")
    sid = lax.axis_index("s")
    wid = sid * _NC + cid
    iota = lax.iota(jnp.int32, 16)
    sentbase = BATCH + wid * _ROWCAP + iota

    def sentinit(i, _):
        bidx_v[pl.ds(i * 16, 16)] = sentbase + i * 16
        return 0

    lax.fori_loop(0, _ROWCAP // 16, sentinit, 0)
    scratch = (chunk_a, chunk_b, idst_v, hit_r, hit_b, lbuf, bidx_v, rows_v,
               sem0, sem1)
    _scan_phase(tab3_u, ids_u, out_u, NUM_USERS // _CHUNK, wid, scratch)
    _scan_phase(tab3_m, ids_m, out_m, NUM_MOVIES // _CHUNK, wid, scratch)


def _sc_scan(tab3_u, ids_u, tab3_m, ids_m):
    oshape = jax.ShapeDtypeStruct((BATCH + _NW * _ROWCAP, 128), jnp.float32)
    run = functools.partial(
        pl.kernel,
        mesh=plsc.VectorSubcoreMesh(core_axis_name="c", subcore_axis_name="s"),
        out_type=(oshape, oshape),
        scratch_types=[
            pltpu.VMEM((4, 8, _CHUNK), jnp.float32),
            pltpu.VMEM((4, 8, _CHUNK), jnp.float32),
            pltpu.VMEM((2048,), jnp.int32),
            pltpu.VMEM((BATCH,), jnp.int32),
            pltpu.VMEM((BATCH,), jnp.int32),
            pltpu.VMEM((_ROWCAP + 16,), jnp.int32),
            pltpu.VMEM((_ROWCAP,), jnp.int32),
            pltpu.VMEM((_ROWCAP, 128), jnp.float32),
            pltpu.SemaphoreType.DMA,
            pltpu.SemaphoreType.DMA,
        ],
        compiler_params=pltpu.CompilerParams(
            use_tc_tiling_on_sc=True, needs_layout_passes=False),
    )(_scan_body)
    return run(tab3_u, ids_u, tab3_m, ids_m)


_BLK = 2048


def _tower_body(us, uf, uid2, ut_tail,
                ms, mf, mid2, mt_tail,
                wu_e, wu_f, wm_e, wm_f, bu, bm, out):
    nu_full = (NUM_USERS // _CHUNK) * _CHUNK
    nm_full = (NUM_MOVIES // _CHUNK) * _CHUNK
    io = jax.lax.broadcasted_iota(jnp.int32, (_BLK, _TAILPAD), 1)
    oh_u = (io == (uid2[:] - nu_full)).astype(jnp.float32)
    oh_m = (io == (mid2[:] - nm_full)).astype(jnp.float32)
    ue = jnp.where(uid2[:] >= nu_full, oh_u @ ut_tail[:], us[:, :EMB])
    me = jnp.where(mid2[:] >= nm_full, oh_m @ mt_tail[:], ms[:, :EMB])
    u = jnp.maximum(ue @ wu_e[:] + uf[:] @ wu_f[:] + bu[:], 0.0)
    m = jnp.maximum(me @ wm_e[:] + mf[:] @ wm_f[:] + bm[:], 0.0)
    out[:] = jnp.sum(u * m, axis=1)


def _tc_towers(us, uf, uid2, ut_tail, ms, mf, mid2, mt_tail,
               wu_e, wu_f, wm_e, wm_f, bu, bm):
    nf = uf.shape[1]
    full = lambda s: pl.BlockSpec(s, lambda i: tuple(0 for _ in s))
    row = lambda c: pl.BlockSpec((_BLK, c), lambda i: (i, 0))
    return pl.pallas_call(
        _tower_body,
        grid=(BATCH // _BLK,),
        in_specs=[
            row(128), row(nf), row(1), full((_TAILPAD, EMB)),
            row(128), row(nf), row(1), full((_TAILPAD, EMB)),
            full((EMB, EMB)), full((nf, EMB)),
            full((EMB, EMB)), full((nf, EMB)),
            full((1, EMB)), full((1, EMB)),
        ],
        out_specs=pl.BlockSpec((_BLK,), lambda i: (i,)),
        out_shape=jax.ShapeDtypeStruct((BATCH,), jnp.float32),
    )(us, uf, uid2, ut_tail, ms, mf, mid2, mt_tail,
      wu_e, wu_f, wm_e, wm_f, bu, bm)


def kernel(user_id, user_features, movie_id, movie_features,
           user_table, user_W, user_b, movie_table, movie_W, movie_b):
    uid = user_id.astype(jnp.int32)
    mid = movie_id.astype(jnp.int32)
    tab3_u = user_table.T.reshape(4, 8, NUM_USERS)
    tab3_m = movie_table.T.reshape(4, 8, NUM_MOVIES)
    us, ms = _sc_scan(tab3_u, uid, tab3_m, mid)
    ut_tail = jnp.zeros((_TAILPAD, EMB), jnp.float32).at[
        : NUM_USERS - (NUM_USERS // _CHUNK) * _CHUNK].set(
        user_table[(NUM_USERS // _CHUNK) * _CHUNK:])
    mt_tail = jnp.zeros((_TAILPAD, EMB), jnp.float32).at[
        : NUM_MOVIES - (NUM_MOVIES // _CHUNK) * _CHUNK].set(
        movie_table[(NUM_MOVIES // _CHUNK) * _CHUNK:])
    return _tc_towers(
        us, user_features, uid.reshape(BATCH, 1), ut_tail,
        ms, movie_features, mid.reshape(BATCH, 1), mt_tail,
        user_W[:EMB], user_W[EMB:], movie_W[:EMB], movie_W[EMB:],
        user_b.reshape(1, EMB), movie_b.reshape(1, EMB))

# --- scband reference (transcript-rebuilt; emitter-appended) ---
"""Pipeline reference for scband-two-tower-model-3470333575590 (READ-ONLY COPY).

The authoritative reference and input builder live on the scoring server;
editing this copy changes nothing except your own understanding.
"""

import jax, jax.numpy as jnp
import numpy as np

NUM_USERS = 1000000
NUM_MOVIES = 100000
USER_FEAT = 16
MOVIE_FEAT = 16
EMB = 32
BATCH = 16384


def setup_inputs(seed: int = 0) -> dict:
    key = jax.random.key(seed)
    ks = jax.random.split(key, 12)
    user_id = jax.random.randint(ks[0], (BATCH,), 0, NUM_USERS, dtype=jnp.int64 if jax.config.jax_enable_x64 else jnp.int32)
    movie_id = jax.random.randint(ks[1], (BATCH,), 0, NUM_MOVIES, dtype=jnp.int64 if jax.config.jax_enable_x64 else jnp.int32)
    user_features = jax.random.normal(ks[2], (BATCH, USER_FEAT), dtype=jnp.float32)
    movie_features = jax.random.normal(ks[3], (BATCH, MOVIE_FEAT), dtype=jnp.float32)
    user_table = jax.random.normal(ks[4], (NUM_USERS, EMB), dtype=jnp.float32) * 0.05
    movie_table = jax.random.normal(ks[5], (NUM_MOVIES, EMB), dtype=jnp.float32) * 0.05
    user_W = jax.random.normal(ks[6], (EMB + USER_FEAT, EMB), dtype=jnp.float32) * (1.0 / np.sqrt(EMB + USER_FEAT))
    user_b = jnp.zeros((EMB,), dtype=jnp.float32)
    movie_W = jax.random.normal(ks[7], (EMB + MOVIE_FEAT, EMB), dtype=jnp.float32) * (1.0 / np.sqrt(EMB + MOVIE_FEAT))
    movie_b = jnp.zeros((EMB,), dtype=jnp.float32)
    return {
        'user_id': user_id,
        'user_features': user_features,
        'movie_id': movie_id,
        'movie_features': movie_features,
        'user_table': user_table,
        'user_W': user_W,
        'user_b': user_b,
        'movie_table': movie_table,
        'movie_W': movie_W,
        'movie_b': movie_b,
    }


def reference(user_id, user_features, movie_id, movie_features,
              user_table, user_W, user_b, movie_table, movie_W, movie_b):
    # User tower: embedding lookup -> concat features -> linear -> relu
    u_emb = jnp.take(user_table, user_id, axis=0)
    u_x = jnp.concatenate([u_emb, user_features], axis=1)
    user_embedding = jax.nn.relu(u_x @ user_W + user_b)
    # Movie tower: embedding lookup -> concat features -> linear -> relu
    m_emb = jnp.take(movie_table, movie_id, axis=0)
    m_x = jnp.concatenate([m_emb, movie_features], axis=1)
    movie_embedding = jax.nn.relu(m_x @ movie_W + movie_b)
    # Dot-product similarity
    similarity = jnp.sum(user_embedding * movie_embedding, axis=1)
    return similarity

if __name__ == "__main__":
    import jax
    _d = setup_inputs()
    print(jax.jit(kernel)(*tuple(_d.values())))

</pallas_src>

<mosaic_0001>
#map = affine_map<(d0, d1) -> (0, 0, 0)>
#map1 = affine_map<(d0, d1) -> (0)>
#map2 = affine_map<(d0, d1) -> (0, 0)>
module attributes {stable_mosaic.version = 14 : i64} {
  func.func @_scan_body(%arg0: i32, %arg1: i32, %arg2: memref<4x8x1000000xf32, #tpu.memory_space<hbm>>, %arg3: memref<16384xi32, #tpu.memory_space<hbm>>, %arg4: memref<4x8x100000xf32, #tpu.memory_space<hbm>>, %arg5: memref<16384xi32, #tpu.memory_space<hbm>>, %arg6: memref<24576x128xf32, #tpu.memory_space<hbm>>, %arg7: memref<24576x128xf32, #tpu.memory_space<hbm>>, %arg8: memref<4x8x512xf32, #tpu.memory_space<vmem>>, %arg9: memref<4x8x512xf32, #tpu.memory_space<vmem>>, %arg10: memref<2048xi32, #tpu.memory_space<vmem>>, %arg11: memref<16384xi32, #tpu.memory_space<vmem>>, %arg12: memref<16384xi32, #tpu.memory_space<vmem>>, %arg13: memref<272xi32, #tpu.memory_space<vmem>>, %arg14: memref<256xi32, #tpu.memory_space<vmem>>, %arg15: memref<256x128xf32, #tpu.memory_space<vmem>>, %arg16: memref<!tpu.dma_semaphore, #tpu.memory_space<semaphore_mem>>, %arg17: memref<!tpu.dma_semaphore, #tpu.memory_space<semaphore_mem>>) attributes {dimension_semantics = [#tpu.dimension_semantics<core_parallel>, #tpu.dimension_semantics<subcore_parallel>], iteration_bounds = array<i64: 2, 16>, scalar_prefetch = 0 : i64, scratch_operands = 10 : i64, tpu.core_type = #tpu.core_type<sc_vector_subcore>, window_params = [{transform_indices = #map}, {transform_indices = #map1}, {transform_indices = #map}, {transform_indices = #map1}, {transform_indices = #map2}, {transform_indices = #map2}]} {
    %mul3A = arith.constant 2 : i32
    %mul3A_0 = arith.muli %arg1, %mul3A : i32
    %add3A = arith.addi %mul3A_0, %arg0 : i32
    %iota3A = tpu.iota {dimensions = array<i32: 0>} : vector<16xi32>
    %mul3A_1 = arith.constant 256 : i32
    %mul3A_2 = arith.muli %add3A, %mul3A_1 : i32
    %add3A_3 = arith.constant 16384 : i32
    %add3A_4 = arith.addi %add3A_3, %mul3A_2 : i32
    %add3A_5 = vector.broadcast %add3A_4 : i32 to vector<16xi32>
    %add3A_6 = arith.addi %add3A_5, %iota3A : vector<16xi32>
    %scan3A = arith.constant 0 : i32
    %scan3A_7 = arith.constant 0 : i32
    %scan3A_8 = arith.constant 16 : i32
    %scan3A_9 = arith.addi %scan3A_7, %scan3A_8 : i32
    %scan3A_10 = arith.constant 1 : i32
    %scan3A_11 = scf.for %scan3A_330 = %scan3A_7 to %scan3A_9 step %scan3A_10 iter_args(%scan3A_331 = %scan3A) -> (i32)  : i32 {
      %mul3A_332 = arith.constant 16 : i32
      %mul3A_333 = arith.muli %scan3A_330, %mul3A_332 : i32
      %add3A_334 = vector.broadcast %mul3A_333 : i32 to vector<16xi32>
      %add3A_335 = arith.addi %add3A_6, %add3A_334 : vector<16xi32>
      %mul3A_336 = arith.constant 16 : i32
      %mul3A_337 = arith.muli %scan3A_330, %mul3A_336 : i32
      %swap3A = arith.index_cast %mul3A_337 : i32 to index
      %swap3A_338 = tpu.vector_load %arg14[%swap3A] {strides = array<i32>} : memref<256xi32, #tpu.memory_space<vmem>>, vector<16xi32>,
      tpu.vector_store %arg14[%swap3A], %add3A_335 {strides = array<i32>} : memref<256xi32, #tpu.memory_space<vmem>>, vector<16xi32>,
      %scan3A_339 = arith.constant 0 : i32
      scf.yield %scan3A_339 : i32
    }
    %scan3A_12 = arith.constant 16 : i32
    %iota3A_13 = tpu.iota {dimensions = array<i32: 0>} : vector<16xi32>
    %mul3A_14 = arith.constant 256 : i32
    %mul3A_15 = arith.muli %add3A, %mul3A_14 : i32
    %add3A_16 = arith.constant 16384 : i32
    %add3A_17 = arith.addi %add3A_16, %mul3A_15 : i32
    %add3A_18 = vector.broadcast %add3A_17 : i32 to vector<16xi32>
    %add3A_19 = arith.addi %add3A_18, %iota3A_13 : vector<16xi32>
    %sub3A = arith.constant 1952 : i32
    %sub3A_20 = arith.subi %sub3A, %add3A : i32
    %jit3A = arith.constant 32 : i32
    %div3A = arith.divsi %sub3A_20, %jit3A : i32
    %sign3A = arith.constant 0 : i32
    %sign3A_21 = arith.cmpi sgt, %sub3A_20, %sign3A : i32
    %sign3A_22 = arith.extui %sign3A_21 : i1 to i32
    %sign3A_23 = arith.constant 0 : i32
    %sign3A_24 = arith.cmpi slt, %sub3A_20, %sign3A_23 : i32
    %sign3A_25 = arith.extui %sign3A_24 : i1 to i32
    %sign3A_26 = arith.subi %sign3A_22, %sign3A_25 : i32
    %sign3A_27 = arith.constant 0 : i32
    %sign3A_28 = arith.cmpi sgt, %jit3A, %sign3A_27 : i32
    %sign3A_29 = arith.extui %sign3A_28 : i1 to i32
    %sign3A_30 = arith.constant 0 : i32
    %sign3A_31 = arith.cmpi slt, %jit3A, %sign3A_30 : i32
    %sign3A_32 = arith.extui %sign3A_31 : i1 to i32
    %sign3A_33 = arith.subi %sign3A_29, %sign3A_32 : i32
    %ne3A = arith.cmpi ne, %sign3A_26, %sign3A_33 : i32
    %rem3A = arith.remsi %sub3A_20, %jit3A : i32
    %ne3A_34 = arith.constant 0 : i32
    %ne3A_35 = arith.cmpi ne, %rem3A, %ne3A_34 : i32
    %and3A = arith.andi %ne3A, %ne3A_35 : i1
    %sub3A_36 = arith.constant 1 : i32
    %sub3A_37 = arith.subi %div3A, %sub3A_36 : i32
    %select_n3A = arith.select %and3A, %sub3A_37, %div3A : i32
    %add3A_38 = arith.constant 1 : i32
    %add3A_39 = arith.addi %select_n3A, %add3A_38 : i32
    %sub3A_40 = arith.constant 1 : i32
    %sub3A_41 = arith.subi %add3A_39, %sub3A_40 : i32
    %min3A = arith.constant 0 : i32
    %min3A_42 = arith.minsi %min3A, %sub3A_41 : i32
    %mul3A_43 = arith.constant 32 : i32
    %mul3A_44 = arith.muli %min3A_42, %mul3A_43 : i32
    %add3A_45 = arith.addi %add3A, %mul3A_44 : i32
    %mul3A_46 = arith.constant 512 : i32
    %mul3A_47 = arith.muli %add3A_45, %mul3A_46 : i32
    %dma_start3A = arith.constant 0 : i32
    %dma_start3A_48 = arith.constant 0 : i32
    %dma_start3A_49 = tpu.memref_slice %arg2[%dma_start3A, %dma_start3A_48, %mul3A_47] : memref<4x8x1000000xf32, #tpu.memory_space<hbm>> -> memref<4x8x512xf32, #tpu.memory_space<hbm>>
    %dma_start3A_50 = arith.constant 0 : i32
    %dma_start3A_51 = arith.constant 0 : i32
    %dma_start3A_52 = tpu.memref_slice %arg2[%dma_start3A_50, %dma_start3A_51, %mul3A_47] : memref<4x8x1000000xf32, #tpu.memory_space<hbm>> -> memref<4x8x512xf32, #tpu.memory_space<hbm>>
    tpu.enqueue_dma source(%dma_start3A_52 : memref<4x8x512xf32, #tpu.memory_space<hbm>>) target(%arg8 : memref<4x8x512xf32, #tpu.memory_space<vmem>>) target_semaphore(%arg16 : memref<!tpu.dma_semaphore, #tpu.memory_space<semaphore_mem>>)
    %sub3A_53 = arith.constant 1 : i32
    %sub3A_54 = arith.subi %add3A_39, %sub3A_53 : i32
    %min3A_55 = arith.constant 1 : i32
    %min3A_56 = arith.minsi %min3A_55, %sub3A_54 : i32
    %mul3A_57 = arith.constant 32 : i32
    %mul3A_58 = arith.muli %min3A_56, %mul3A_57 : i32
    %add3A_59 = arith.addi %add3A, %mul3A_58 : i32
    %mul3A_60 = arith.constant 512 : i32
    %mul3A_61 = arith.muli %add3A_59, %mul3A_60 : i32
    %dma_start3A_62 = arith.constant 0 : i32
    %dma_start3A_63 = arith.constant 0 : i32
    %dma_start3A_64 = tpu.memref_slice %arg2[%dma_start3A_62, %dma_start3A_63, %mul3A_61] : memref<4x8x1000000xf32, #tpu.memory_space<hbm>> -> memref<4x8x512xf32, #tpu.memory_space<hbm>>
    %dma_start3A_65 = arith.constant 0 : i32
    %dma_start3A_66 = arith.constant 0 : i32
    %dma_start3A_67 = tpu.memref_slice %arg2[%dma_start3A_65, %dma_start3A_66, %mul3A_61] : memref<4x8x1000000xf32, #tpu.memory_space<hbm>> -> memref<4x8x512xf32, #tpu.memory_space<hbm>>
    tpu.enqueue_dma source(%dma_start3A_67 : memref<4x8x512xf32, #tpu.memory_space<hbm>>) target(%arg9 : memref<4x8x512xf32, #tpu.memory_space<vmem>>) target_semaphore(%arg17 : memref<!tpu.dma_semaphore, #tpu.memory_space<semaphore_mem>>)
    %scan3A_68 = arith.constant 0 : i32
    %scan3A_69 = arith.constant 0 : i32
    %scan3A_70 = arith.constant 8 : i32
    %scan3A_71 = arith.addi %scan3A_69, %scan3A_70 : i32
    %scan3A_72 = arith.constant 1 : i32
    %scan3A_73 = scf.for %scan3A_330 = %scan3A_69 to %scan3A_71 step %scan3A_72 iter_args(%scan3A_331 = %scan3A_68) -> (i32)  : i32 {
      %mul3A_332 = arith.constant 2048 : i32
      %mul3A_333 = arith.muli %scan3A_330, %mul3A_332 : i32
      "tpu.region"() ({
        %run_scoped3A = tpu.sem_alloc : memref<!tpu.dma_semaphore, #tpu.memory_space<semaphore_mem>>
        %dma_start3A_340 = tpu.memref_slice %arg3[%mul3A_333] : memref<16384xi32, #tpu.memory_space<hbm>> -> memref<2048xi32, #tpu.memory_space<hbm>>
        %dma_start3A_341 = tpu.memref_slice %arg3[%mul3A_333] : memref<16384xi32, #tpu.memory_space<hbm>> -> memref<2048xi32, #tpu.memory_space<hbm>>
        tpu.enqueue_dma source(%dma_start3A_341 : memref<2048xi32, #tpu.memory_space<hbm>>) target(%arg10 : memref<2048xi32, #tpu.memory_space<vmem>>) target_semaphore(%run_scoped3A : memref<!tpu.dma_semaphore, #tpu.memory_space<semaphore_mem>>)
        %dma_wait3A_342 = tpu.memref_slice %arg3[%mul3A_333] : memref<16384xi32, #tpu.memory_space<hbm>> -> memref<2048xi32, #tpu.memory_space<hbm>>
        %dma_wait3A_343 = tpu.memref_slice %arg3[%mul3A_333] : memref<16384xi32, #tpu.memory_space<hbm>> -> memref<2048xi32, #tpu.memory_space<hbm>>
        tpu.wait_dma2 semaphore(%run_scoped3A : memref<!tpu.dma_semaphore, #tpu.memory_space<semaphore_mem>>) src(%dma_wait3A_343 : memref<2048xi32, #tpu.memory_space<hbm>>) dst(%arg10 : memref<2048xi32, #tpu.memory_space<vmem>>)
        tpu.yield
      }) : () -> ()
      %scan3A_334 = arith.constant 0 : i32
      %scan3A_335 = arith.constant 128 : i32
      %scan3A_336 = arith.addi %scan3A_334, %scan3A_335 : i32
      %scan3A_337 = arith.constant 1 : i32
      %scan3A_338 = scf.for %scan3A_340 = %scan3A_334 to %scan3A_336 step %scan3A_337 iter_args(%scan3A_341 = %scan3A_331) -> (i32)  : i32 {
        %mul3A_342 = arith.constant 16 : i32
        %mul3A_343 = arith.muli %scan3A_340, %mul3A_342 : i32
        %get3A = arith.index_cast %mul3A_343 : i32 to index
        %get3A_344 = tpu.vector_load %arg10[%get3A] {strides = array<i32>} : memref<2048xi32, #tpu.memory_space<vmem>>, vector<16xi32>,
        %shift_right_logical3A_345 = arith.constant 9 : i32
        %shift_right_logical3A_346 = vector.broadcast %shift_right_logical3A_345 : i32 to vector<16xi32>
        %shift_right_logical3A_347 = arith.shrui %get3A_344, %shift_right_logical3A_346 : vector<16xi32>
        %and3A_348 = arith.constant 31 : i32
        %and3A_349 = vector.broadcast %and3A_348 : i32 to vector<16xi32>
        %and3A_350 = arith.andi %shift_right_logical3A_347, %and3A_349 : vector<16xi32>
        %eq3A = vector.broadcast %add3A : i32 to vector<16xi32>
        %eq3A_351 = arith.cmpi eq, %and3A_350, %eq3A : vector<16xi32>
        %lt3A = arith.constant 999936 : i32
        %lt3A_352 = vector.broadcast %lt3A : i32 to vector<16xi32>
        %lt3A_353 = arith.cmpi slt, %get3A_344, %lt3A_352 : vector<16xi32>
        %and3A_354 = arith.andi %eq3A_351, %lt3A_353 : vector<16xi1>
        %all_reduce_population_count3A = tpu.all_reduce %and3A_354 {dim = 0 : i64, kind = #tpu.reduction_kind<sum>} : vector<16xi1> -> vector<16xi32>
        %reduce_max3A = arith.constant true
        %reduce_max3A_355 = vector.broadcast %reduce_max3A : i1 to vector<16xi1>
        %reduce_max3A_356 = arith.constant -2147483648 : i32
        %reduce_max3A_357 = vector.broadcast %reduce_max3A_356 : i32 to vector<16xi32>
        %reduce_max3A_358 = arith.xori %all_reduce_population_count3A, %reduce_max3A_357 : vector<16xi32>
        %reduce_max3A_359 = tpu.scan <max>, %reduce_max3A_358 masked %reduce_max3A_355 : vector<16xi32>, vector<16xi1> -> vector<16xi32>
        %reduce_max3A_360 = arith.xori %reduce_max3A_359, %reduce_max3A_357 : vector<16xi32>
        %reduce_max3A_361 = vector.extract %reduce_max3A_360[15] : i32 from vector<16xi32>
        %mul3A_362 = arith.constant 2048 : i32
        %mul3A_363 = arith.muli %scan3A_330, %mul3A_362 : i32
        %mul3A_364 = arith.constant 16 : i32
        %mul3A_365 = arith.muli %scan3A_340, %mul3A_364 : i32
        %add3A_366 = arith.addi %mul3A_363, %mul3A_365 : i32
        %add3A_367 = vector.broadcast %add3A_366 : i32 to vector<16xi32>
        %add3A_368 = arith.addi %add3A_367, %iota3A_13 : vector<16xi32>
        %swap3A = arith.index_cast %scan3A_341 : i32 to index
        %swap3A_369 = tpu.vector_load %arg11[%swap3A] masked %and3A_354 {strides = array<i32>} : memref<16384xi32, #tpu.memory_space<vmem>>, vector<16xi32>, vector<16xi1>
        tpu.vector_store %arg11[%swap3A], %get3A_344 masked %and3A_354 {strides = array<i32>} : memref<16384xi32, #tpu.memory_space<vmem>>, vector<16xi32>, vector<16xi1>
        %swap3A_370 = arith.index_cast %scan3A_341 : i32 to index
        %swap3A_371 = tpu.vector_load %arg12[%swap3A_370] masked %and3A_354 {strides = array<i32>} : memref<16384xi32, #tpu.memory_space<vmem>>, vector<16xi32>, vector<16xi1>
        tpu.vector_store %arg12[%swap3A_370], %add3A_368 masked %and3A_354 {strides = array<i32>} : memref<16384xi32, #tpu.memory_space<vmem>>, vector<16xi32>, vector<16xi1>
        %add3A_372 = arith.addi %scan3A_341, %reduce_max3A_361 : i32
        scf.yield %add3A_372 : i32
      }
      %scan3A_339 = arith.constant 128 : i32
      scf.yield %scan3A_338 : i32
    }
    %scan3A_74 = arith.constant 8 : i32
    %add3A_75 = arith.constant 15 : i32
    %add3A_76 = arith.addi %scan3A_73, %add3A_75 : i32
    %jit3A_77 = arith.constant 16 : i32
    %div3A_78 = arith.divsi %add3A_76, %jit3A_77 : i32
    %sign3A_79 = arith.constant 0 : i32
    %sign3A_80 = arith.cmpi sgt, %add3A_76, %sign3A_79 : i32
    %sign3A_81 = arith.extui %sign3A_80 : i1 to i32
    %sign3A_82 = arith.constant 0 : i32
    %sign3A_83 = arith.cmpi slt, %add3A_76, %sign3A_82 : i32
    %sign3A_84 = arith.extui %sign3A_83 : i1 to i32
    %sign3A_85 = arith.subi %sign3A_81, %sign3A_84 : i32
    %sign3A_86 = arith.constant 0 : i32
    %sign3A_87 = arith.cmpi sgt, %jit3A_77, %sign3A_86 : i32
    %sign3A_88 = arith.extui %sign3A_87 : i1 to i32
    %sign3A_89 = arith.constant 0 : i32
    %sign3A_90 = arith.cmpi slt, %jit3A_77, %sign3A_89 : i32
    %sign3A_91 = arith.extui %sign3A_90 : i1 to i32
    %sign3A_92 = arith.subi %sign3A_88, %sign3A_91 : i32
    %ne3A_93 = arith.cmpi ne, %sign3A_85, %sign3A_92 : i32
    %rem3A_94 = arith.remsi %add3A_76, %jit3A_77 : i32
    %ne3A_95 = arith.constant 0 : i32
    %ne3A_96 = arith.cmpi ne, %rem3A_94, %ne3A_95 : i32
    %and3A_97 = arith.andi %ne3A_93, %ne3A_96 : i1
    %sub3A_98 = arith.constant 1 : i32
    %sub3A_99 = arith.subi %div3A_78, %sub3A_98 : i32
    %select_n3A_100 = arith.select %and3A_97, %sub3A_99, %div3A_78 : i32
    %shift_right_logical3A = arith.constant 3 : i32
    %shift_right_logical3A_101 = vector.broadcast %shift_right_logical3A : i32 to vector<16xi32>
    %shift_right_logical3A_102 = arith.shrui %iota3A_13, %shift_right_logical3A_101 : vector<16xi32>
    %and3A_103 = arith.constant 7 : i32
    %and3A_104 = vector.broadcast %and3A_103 : i32 to vector<16xi32>
    %and3A_105 = arith.andi %iota3A_13, %and3A_104 : vector<16xi32>
    %add3A_106 = arith.constant 1 : i32
    %add3A_107 = arith.addi %add3A_39, %add3A_106 : i32
    %jit3A_108 = arith.constant 2 : i32
    %div3A_109 = arith.divsi %add3A_107, %jit3A_108 : i32
    %sign3A_110 = arith.constant 0 : i32
    %sign3A_111 = arith.cmpi sgt, %add3A_107, %sign3A_110 : i32
    %sign3A_112 = arith.extui %sign3A_111 : i1 to i32
    %sign3A_113 = arith.constant 0 : i32
    %sign3A_114 = arith.cmpi slt, %add3A_107, %sign3A_113 : i32
    %sign3A_115 = arith.extui %sign3A_114 : i1 to i32
    %sign3A_116 = arith.subi %sign3A_112, %sign3A_115 : i32
    %sign3A_117 = arith.constant 0 : i32
    %sign3A_118 = arith.cmpi sgt, %jit3A_108, %sign3A_117 : i32
    %sign3A_119 = arith.extui %sign3A_118 : i1 to i32
    %sign3A_120 = arith.constant 0 : i32
    %sign3A_121 = arith.cmpi slt, %jit3A_108, %sign3A_120 : i32
    %sign3A_122 = arith.extui %sign3A_121 : i1 to i32
    %sign3A_123 = arith.subi %sign3A_119, %sign3A_122 : i32
    %ne3A_124 = arith.cmpi ne, %sign3A_116, %sign3A_123 : i32
    %rem3A_125 = arith.remsi %add3A_107, %jit3A_108 : i32
    %ne3A_126 = arith.constant 0 : i32
    %ne3A_127 = arith.cmpi ne, %rem3A_125, %ne3A_126 : i32
    %and3A_128 = arith.andi %ne3A_124, %ne3A_127 : i1
    %sub3A_129 = arith.constant 1 : i32
    %sub3A_130 = arith.subi %div3A_109, %sub3A_129 : i32
    %select_n3A_131 = arith.select %and3A_128, %sub3A_130, %div3A_109 : i32
    %while3A = arith.constant 0 : i32
    %while3A_132 = arith.constant 0 : i32
    %while3A_133 = arith.subi %select_n3A_131, %while3A : i32
    %while3A_134 = arith.addi %while3A, %while3A_133 : i32
    %while3A_135 = arith.constant 1 : i32
    %while3A_136 = arith.divsi %while3A_133, %while3A_135 : i32
    %while3A_137 = arith.muli %while3A_136, %while3A_135 : i32
    %while3A_138 = arith.addi %while3A, %while3A_137 : i32
    %while3A_139 = arith.constant 1 : i32
    %while3A_140 = scf.for %while3A_330 = %while3A to %while3A_138 step %while3A_139 iter_args(%while3A_331 = %while3A_132) -> (i32)  : i32 {
      %mul3A_332 = arith.constant 2 : i32
      %mul3A_333 = arith.muli %mul3A_332, %while3A_330 : i32
      %dma_wait3A_334 = arith.constant 0 : i32
      %dma_wait3A_335 = arith.constant 0 : i32
      %dma_wait3A_336 = arith.constant 0 : i32
      %dma_wait3A_337 = tpu.memref_slice %arg2[%dma_wait3A_334, %dma_wait3A_335, %dma_wait3A_336] : memref<4x8x1000000xf32, #tpu.memory_space<hbm>> -> memref<4x8x512xf32, #tpu.memory_space<hbm>>
      %dma_wait3A_338 = arith.constant 0 : i32
      %dma_wait3A_339 = arith.constant 0 : i32
      %dma_wait3A_340 = arith.constant 0 : i32
      %dma_wait3A_341 = tpu.memref_slice %arg2[%dma_wait3A_338, %dma_wait3A_339, %dma_wait3A_340] : memref<4x8x1000000xf32, #tpu.memory_space<hbm>> -> memref<4x8x512xf32, #tpu.memory_space<hbm>>
      tpu.wait_dma2 semaphore(%arg16 : memref<!tpu.dma_semaphore, #tpu.memory_space<semaphore_mem>>) src(%dma_wait3A_341 : memref<4x8x512xf32, #tpu.memory_space<hbm>>) dst(%arg8 : memref<4x8x512xf32, #tpu.memory_space<vmem>>)
      %mul3A_342 = arith.constant 32 : i32
      %mul3A_343 = arith.muli %mul3A_333, %mul3A_342 : i32
      %add3A_344 = arith.addi %add3A, %mul3A_343 : i32
      %mul3A_345 = arith.constant 512 : i32
      %mul3A_346 = arith.muli %add3A_344, %mul3A_345 : i32
      %while3A_347 = arith.constant 0 : i32
      %while3A_348 = arith.subi %select_n3A_100, %while3A_347 : i32
      %while3A_349 = arith.addi %while3A_347, %while3A_348 : i32
      %while3A_350 = arith.constant 1 : i32
      %while3A_351 = arith.divsi %while3A_348, %while3A_350 : i32
      %while3A_352 = arith.muli %while3A_351, %while3A_350 : i32
      %while3A_353 = arith.addi %while3A_347, %while3A_352 : i32
      %while3A_354 = arith.constant 1 : i32
      %while3A_355 = scf.for %while3A_416 = %while3A_347 to %while3A_353 step %while3A_354 iter_args(%while3A_417 = %while3A_331) -> (i32)  : i32 {
        %mul3A_418 = arith.constant 16 : i32
        %mul3A_419 = arith.muli %while3A_416, %mul3A_418 : i32
        %get3A = arith.index_cast %mul3A_419 : i32 to index
        %get3A_420 = tpu.vector_load %arg11[%get3A] {strides = array<i32>} : memref<16384xi32, #tpu.memory_space<vmem>>, vector<16xi32>,
        %mul3A_421 = arith.constant 16 : i32
        %mul3A_422 = arith.muli %while3A_416, %mul3A_421 : i32
        %get3A_423 = arith.index_cast %mul3A_422 : i32 to index
        %get3A_424 = tpu.vector_load %arg12[%get3A_423] {strides = array<i32>} : memref<16384xi32, #tpu.memory_space<vmem>>, vector<16xi32>,
        %shift_right_logical3A_425 = arith.constant 9 : i32
        %shift_right_logical3A_426 = vector.broadcast %shift_right_logical3A_425 : i32 to vector<16xi32>
        %shift_right_logical3A_427 = arith.shrui %get3A_420, %shift_right_logical3A_426 : vector<16xi32>
        %eq3A = vector.broadcast %add3A_344 : i32 to vector<16xi32>
        %eq3A_428 = arith.cmpi eq, %shift_right_logical3A_427, %eq3A : vector<16xi32>
        %mul3A_429 = arith.constant 16 : i32
        %mul3A_430 = arith.muli %while3A_416, %mul3A_429 : i32
        %add3A_431 = vector.broadcast %mul3A_430 : i32 to vector<16xi32>
        %add3A_432 = arith.addi %add3A_431, %iota3A_13 : vector<16xi32>
        %lt3A = vector.broadcast %scan3A_73 : i32 to vector<16xi32>
        %lt3A_433 = arith.cmpi slt, %add3A_432, %lt3A : vector<16xi32>
        %and3A_434 = arith.andi %eq3A_428, %lt3A_433 : vector<16xi1>
        %all_reduce_population_count3A = tpu.all_reduce %and3A_434 {dim = 0 : i64, kind = #tpu.reduction_kind<sum>} : vector<16xi1> -> vector<16xi32>
        %reduce_max3A = arith.constant true
        %reduce_max3A_435 = vector.broadcast %reduce_max3A : i1 to vector<16xi1>
        %reduce_max3A_436 = arith.constant -2147483648 : i32
        %reduce_max3A_437 = vector.broadcast %reduce_max3A_436 : i32 to vector<16xi32>
        %reduce_max3A_438 = arith.xori %all_reduce_population_count3A, %reduce_max3A_437 : vector<16xi32>
        %reduce_max3A_439 = tpu.scan <max>, %reduce_max3A_438 masked %reduce_max3A_435 : vector<16xi32>, vector<16xi1> -> vector<16xi32>
        %reduce_max3A_440 = arith.xori %reduce_max3A_439, %reduce_max3A_437 : vector<16xi32>
        %reduce_max3A_441 = vector.extract %reduce_max3A_440[15] : i32 from vector<16xi32>
        %sub3A_442 = vector.broadcast %mul3A_346 : i32 to vector<16xi32>
        %sub3A_443 = arith.subi %get3A_420, %sub3A_442 : vector<16xi32>
        %swap3A = arith.index_cast %while3A_417 : i32 to index
        %swap3A_444 = tpu.vector_load %arg13[%swap3A] masked %and3A_434 {strides = array<i32>} : memref<272xi32, #tpu.memory_space<vmem>>, vector<16xi32>, vector<16xi1>
        tpu.vector_store %arg13[%swap3A], %sub3A_443 masked %and3A_434 {strides = array<i32>} : memref<272xi32, #tpu.memory_space<vmem>>, vector<16xi32>, vector<16xi1>
        %swap3A_445 = arith.index_cast %while3A_417 : i32 to index
        %swap3A_446 = tpu.vector_load %arg14[%swap3A_445] masked %and3A_434 {strides = array<i32>} : memref<256xi32, #tpu.memory_space<vmem>>, vector<16xi32>, vector<16xi1>
        tpu.vector_store %arg14[%swap3A_445], %get3A_424 masked %and3A_434 {strides = array<i32>} : memref<256xi32, #tpu.memory_space<vmem>>, vector<16xi32>, vector<16xi1>
        %add3A_447 = arith.addi %while3A_417, %reduce_max3A_441 : i32
        %while3A_448 = arith.constant 0 : i32
        %while3A_449 = arith.subi %add3A_447, %while3A_417 : i32
        %while3A_450 = arith.addi %while3A_417, %while3A_449 : i32
        %while3A_451 = arith.constant 1 : i32
        %while3A_452 = arith.divsi %while3A_449, %while3A_451 : i32
        %while3A_453 = arith.muli %while3A_452, %while3A_451 : i32
        %while3A_454 = arith.addi %while3A_417, %while3A_453 : i32
        %while3A_455 = arith.constant 1 : i32
        %while3A_456 = scf.for %while3A_463 = %while3A_417 to %while3A_454 step %while3A_455 iter_args(%while3A_464 = %while3A_448) -> (i32)  : i32 {
          %get3A_465 = arith.index_cast %while3A_463 : i32 to index
          %get3A_466 = tpu.vector_load %arg13[%get3A_465] {strides = array<i32>} : memref<272xi32, #tpu.memory_space<vmem>>, vector<16xi32>,
          %broadcast_in_dim3A = arith.constant 0 : i32
          %broadcast_in_dim3A_467 = vector.broadcast %broadcast_in_dim3A : i32 to vector<16x1xi32>
          %gather3A = vector.shape_cast %broadcast_in_dim3A_467 : vector<16x1xi32> to vector<16xi32>
          %gather3A_468 = tpu.dynamic_gather %get3A_466[%gather3A] in [0] : vector<16xi32>, vector<16xi32> -> vector<16xi32>
          %gather3A_469 = tpu.vector_load_idx %arg8[%shift_right_logical3A_102, %and3A_105, %gather3A_468] : memref<4x8x512xf32, #tpu.memory_space<vmem>>[vector<16xi32>, vector<16xi32>, vector<16xi32>], vector<16xf32>,
          %add3A_470 = arith.constant 2 : i32
          %add3A_471 = vector.broadcast %add3A_470 : i32 to vector<16xi32>
          %add3A_472 = arith.addi %shift_right_logical3A_102, %add3A_471 : vector<16xi32>
          %gather3A_473 = tpu.vector_load_idx %arg8[%add3A_472, %and3A_105, %gather3A_468] : memref<4x8x512xf32, #tpu.memory_space<vmem>>[vector<16xi32>, vector<16xi32>, vector<16xi32>], vector<16xf32>,
          %swap3A_474 = arith.constant 0 : i32
          %swap3A_475 = tpu.memref_slice %arg15[%while3A_463, %swap3A_474] : memref<256x128xf32, #tpu.memory_space<vmem>> -> memref<1x128xf32, #tpu.memory_space<vmem>>
          %swap3A_476 = tpu.memref_squeeze %swap3A_475 : memref<1x128xf32, #tpu.memory_space<vmem>> -> memref<128xf32, #tpu.memory_space<vmem>>
          %swap3A_477 = arith.constant 0 : index
          %swap3A_478 = tpu.vector_load %swap3A_476[%swap3A_477] {strides = array<i32>} : memref<128xf32, #tpu.memory_space<vmem>>, vector<16xf32>,
          tpu.vector_store %swap3A_476[%swap3A_477], %gather3A_469 {strides = array<i32>} : memref<128xf32, #tpu.memory_space<vmem>>, vector<16xf32>,
          %swap3A_479 = arith.constant 0 : i32
          %swap3A_480 = tpu.memref_slice %arg15[%while3A_463, %swap3A_479] : memref<256x128xf32, #tpu.memory_space<vmem>> -> memref<1x128xf32, #tpu.memory_space<vmem>>
          %swap3A_481 = tpu.memref_squeeze %swap3A_480 : memref<1x128xf32, #tpu.memory_space<vmem>> -> memref<128xf32, #tpu.memory_space<vmem>>
          %swap3A_482 = arith.constant 16 : index
          %swap3A_483 = tpu.vector_load %swap3A_481[%swap3A_482] {strides = array<i32>} : memref<128xf32, #tpu.memory_space<vmem>>, vector<16xf32>,
          tpu.vector_store %swap3A_481[%swap3A_482], %gather3A_473 {strides = array<i32>} : memref<128xf32, #tpu.memory_space<vmem>>, vector<16xf32>,
          %while3A_484 = arith.constant 0 : i32
          scf.yield %while3A_484 : i32
        }
        %while3A_457 = arith.constant 1 : i32
        %while3A_458 = scf.for %while3A_463 = %while3A_454 to %while3A_450 step %while3A_457 iter_args(%while3A_464 = %while3A_456) -> (i32)  : i32 {
          %get3A_465 = arith.index_cast %while3A_463 : i32 to index
          %get3A_466 = tpu.vector_load %arg13[%get3A_465] {strides = array<i32>} : memref<272xi32, #tpu.memory_space<vmem>>, vector<16xi32>,
          %broadcast_in_dim3A = arith.constant 0 : i32
          %broadcast_in_dim3A_467 = vector.broadcast %broadcast_in_dim3A : i32 to vector<16x1xi32>
          %gather3A = vector.shape_cast %broadcast_in_dim3A_467 : vector<16x1xi32> to vector<16xi32>
          %gather3A_468 = tpu.dynamic_gather %get3A_466[%gather3A] in [0] : vector<16xi32>, vector<16xi32> -> vector<16xi32>
          %gather3A_469 = tpu.vector_load_idx %arg8[%shift_right_logical3A_102, %and3A_105, %gather3A_468] : memref<4x8x512xf32, #tpu.memory_space<vmem>>[vector<16xi32>, vector<16xi32>, vector<16xi32>], vector<16xf32>,
          %add3A_470 = arith.constant 2 : i32
          %add3A_471 = vector.broadcast %add3A_470 : i32 to vector<16xi32>
          %add3A_472 = arith.addi %shift_right_logical3A_102, %add3A_471 : vector<16xi32>
          %gather3A_473 = tpu.vector_load_idx %arg8[%add3A_472, %and3A_105, %gather3A_468] : memref<4x8x512xf32, #tpu.memory_space<vmem>>[vector<16xi32>, vector<16xi32>, vector<16xi32>], vector<16xf32>,
          %swap3A_474 = arith.constant 0 : i32
          %swap3A_475 = tpu.memref_slice %arg15[%while3A_463, %swap3A_474] : memref<256x128xf32, #tpu.memory_space<vmem>> -> memref<1x128xf32, #tpu.memory_space<vmem>>
          %swap3A_476 = tpu.memref_squeeze %swap3A_475 : memref<1x128xf32, #tpu.memory_space<vmem>> -> memref<128xf32, #tpu.memory_space<vmem>>
          %swap3A_477 = arith.constant 0 : index
          %swap3A_478 = tpu.vector_load %swap3A_476[%swap3A_477] {strides = array<i32>} : memref<128xf32, #tpu.memory_space<vmem>>, vector<16xf32>,
          tpu.vector_store %swap3A_476[%swap3A_477], %gather3A_469 {strides = array<i32>} : memref<128xf32, #tpu.memory_space<vmem>>, vector<16xf32>,
          %swap3A_479 = arith.constant 0 : i32
          %swap3A_480 = tpu.memref_slice %arg15[%while3A_463, %swap3A_479] : memref<256x128xf32, #tpu.memory_space<vmem>> -> memref<1x128xf32, #tpu.memory_space<vmem>>
          %swap3A_481 = tpu.memref_squeeze %swap3A_480 : memref<1x128xf32, #tpu.memory_space<vmem>> -> memref<128xf32, #tpu.memory_space<vmem>>
          %swap3A_482 = arith.constant 16 : index
          %swap3A_483 = tpu.vector_load %swap3A_481[%swap3A_482] {strides = array<i32>} : memref<128xf32, #tpu.memory_space<vmem>>, vector<16xf32>,
          tpu.vector_store %swap3A_481[%swap3A_482], %gather3A_473 {strides = array<i32>} : memref<128xf32, #tpu.memory_space<vmem>>, vector<16xf32>,
          %while3A_484 = arith.constant 0 : i32
          scf.yield %while3A_484 : i32
        }
        %add3A_459 = arith.addi %while3A_417, %reduce_max3A_441 : i32
        %ge3A = arith.constant 240 : i32
        %ge3A_460 = arith.cmpi sge, %add3A_459, %ge3A : i32
        %convert_element_type3A = arith.extui %ge3A_460 : i1 to i32
        %cond3A = arith.constant 0 : i32
        %cond3A_461 = arith.cmpi ne, %convert_element_type3A, %cond3A : i32
        %cond3A_462 = scf.if %cond3A_461 -> (i32) {
          "tpu.region"() ({
            %run_scoped3A = tpu.sem_alloc : memref<!tpu.dma_semaphore, #tpu.memory_space<semaphore_mem>>
            %dma_start3A_471 = arith.constant 0 : i32
            %dma_start3A_472 = arith.constant 0 : i32
            %dma_start3A_473 = tpu.memref_slice %arg6[%dma_start3A_471, %dma_start3A_472] : memref<24576x128xf32, #tpu.memory_space<hbm>> -> memref<24576x128xf32, #tpu.memory_space<hbm>>
            tpu.enqueue_indirect_dma source(%arg15 : memref<256x128xf32, #tpu.memory_space<vmem>>) target(%dma_start3A_473 : memref<24576x128xf32, #tpu.memory_space<hbm>>) offsets(%arg14 : memref<256xi32, #tpu.memory_space<vmem>>) semaphore(%run_scoped3A : memref<!tpu.dma_semaphore, #tpu.memory_space<semaphore_mem>>)
            %dma_wait3A_474 = arith.constant 0 : i32
            %dma_wait3A_475 = arith.constant 0 : i32
            %dma_wait3A_476 = tpu.memref_slice %arg6[%dma_wait3A_474, %dma_wait3A_475] : memref<24576x128xf32, #tpu.memory_space<hbm>> -> memref<24576x128xf32, #tpu.memory_space<hbm>>
            tpu.wait_indirect_dma semaphore(%run_scoped3A : memref<!tpu.dma_semaphore, #tpu.memory_space<semaphore_mem>>) src(%arg15 : memref<256x128xf32, #tpu.memory_space<vmem>>) dst(%dma_wait3A_476 : memref<24576x128xf32, #tpu.memory_space<hbm>>)
            tpu.yield
          }) : () -> ()
          %scan3A_463 = arith.constant 0 : i32
          %scan3A_464 = arith.constant 0 : i32
          %scan3A_465 = arith.constant 16 : i32
          %scan3A_466 = arith.addi %scan3A_464, %scan3A_465 : i32
          %scan3A_467 = arith.constant 1 : i32
          %scan3A_468 = scf.for %scan3A_471 = %scan3A_464 to %scan3A_466 step %scan3A_467 iter_args(%scan3A_472 = %scan3A_463) -> (i32)  : i32 {
            %mul3A_473 = arith.constant 16 : i32
            %mul3A_474 = arith.muli %scan3A_471, %mul3A_473 : i32
            %add3A_475 = vector.broadcast %mul3A_474 : i32 to vector<16xi32>
            %add3A_476 = arith.addi %add3A_19, %add3A_475 : vector<16xi32>
            %mul3A_477 = arith.constant 16 : i32
            %mul3A_478 = arith.muli %scan3A_471, %mul3A_477 : i32
            %swap3A_479 = arith.index_cast %mul3A_478 : i32 to index
            %swap3A_480 = tpu.vector_load %arg14[%swap3A_479] {strides = array<i32>} : memref<256xi32, #tpu.memory_space<vmem>>, vector<16xi32>,
            tpu.vector_store %arg14[%swap3A_479], %add3A_476 {strides = array<i32>} : memref<256xi32, #tpu.memory_space<vmem>>, vector<16xi32>,
            %scan3A_481 = arith.constant 0 : i32
            scf.yield %scan3A_481 : i32
          }
          %scan3A_469 = arith.constant 16 : i32
          %cond3A_470 = arith.constant 0 : i32
          scf.yield %cond3A_470 : i32
        } else {
          scf.yield %add3A_459 : i32
        }
        scf.yield %cond3A_462 : i32
      }
      %while3A_356 = arith.constant 1 : i32
      %while3A_357 = scf.for %while3A_416 = %while3A_353 to %while3A_349 step %while3A_356 iter_args(%while3A_417 = %while3A_355) -> (i32)  : i32 {
        %mul3A_418 = arith.constant 16 : i32
        %mul3A_419 = arith.muli %while3A_416, %mul3A_418 : i32
        %get3A = arith.index_cast %mul3A_419 : i32 to index
        %get3A_420 = tpu.vector_load %arg11[%get3A] {strides = array<i32>} : memref<16384xi32, #tpu.memory_space<vmem>>, vector<16xi32>,
        %mul3A_421 = arith.constant 16 : i32
        %mul3A_422 = arith.muli %while3A_416, %mul3A_421 : i32
        %get3A_423 = arith.index_cast %mul3A_422 : i32 to index
        %get3A_424 = tpu.vector_load %arg12[%get3A_423] {strides = array<i32>} : memref<16384xi32, #tpu.memory_space<vmem>>, vector<16xi32>,
        %shift_right_logical3A_425 = arith.constant 9 : i32
        %shift_right_logical3A_426 = vector.broadcast %shift_right_logical3A_425 : i32 to vector<16xi32>
        %shift_right_logical3A_427 = arith.shrui %get3A_420, %shift_right_logical3A_426 : vector<16xi32>
        %eq3A = vector.broadcast %add3A_344 : i32 to vector<16xi32>
        %eq3A_428 = arith.cmpi eq, %shift_right_logical3A_427, %eq3A : vector<16xi32>
        %mul3A_429 = arith.constant 16 : i32
        %mul3A_430 = arith.muli %while3A_416, %mul3A_429 : i32
        %add3A_431 = vector.broadcast %mul3A_430 : i32 to vector<16xi32>
        %add3A_432 = arith.addi %add3A_431, %iota3A_13 : vector<16xi32>
        %lt3A = vector.broadcast %scan3A_73 : i32 to vector<16xi32>
        %lt3A_433 = arith.cmpi slt, %add3A_432, %lt3A : vector<16xi32>
        %and3A_434 = arith.andi %eq3A_428, %lt3A_433 : vector<16xi1>
        %all_reduce_population_count3A = tpu.all_reduce %and3A_434 {dim = 0 : i64, kind = #tpu.reduction_kind<sum>} : vector<16xi1> -> vector<16xi32>
        %reduce_max3A = arith.constant true
        %reduce_max3A_435 = vector.broadcast %reduce_max3A : i1 to vector<16xi1>
        %reduce_max3A_436 = arith.constant -2147483648 : i32
        %reduce_max3A_437 = vector.broadcast %reduce_max3A_436 : i32 to vector<16xi32>
        %reduce_max3A_438 = arith.xori %all_reduce_population_count3A, %reduce_max3A_437 : vector<16xi32>
        %reduce_max3A_439 = tpu.scan <max>, %reduce_max3A_438 masked %reduce_max3A_435 : vector<16xi32>, vector<16xi1> -> vector<16xi32>
        %reduce_max3A_440 = arith.xori %reduce_max3A_439, %reduce_max3A_437 : vector<16xi32>
        %reduce_max3A_441 = vector.extract %reduce_max3A_440[15] : i32 from vector<16xi32>
        %sub3A_442 = vector.broadcast %mul3A_346 : i32 to vector<16xi32>
        %sub3A_443 = arith.subi %get3A_420, %sub3A_442 : vector<16xi32>
        %swap3A = arith.index_cast %while3A_417 : i32 to index
        %swap3A_444 = tpu.vector_load %arg13[%swap3A] masked %and3A_434 {strides = array<i32>} : memref<272xi32, #tpu.memory_space<vmem>>, vector<16xi32>, vector<16xi1>
        tpu.vector_store %arg13[%swap3A], %sub3A_443 masked %and3A_434 {strides = array<i32>} : memref<272xi32, #tpu.memory_space<vmem>>, vector<16xi32>, vector<16xi1>
        %swap3A_445 = arith.index_cast %while3A_417 : i32 to index
        %swap3A_446 = tpu.vector_load %arg14[%swap3A_445] masked %and3A_434 {strides = array<i32>} : memref<256xi32, #tpu.memory_space<vmem>>, vector<16xi32>, vector<16xi1>
        tpu.vector_store %arg14[%swap3A_445], %get3A_424 masked %and3A_434 {strides = array<i32>} : memref<256xi32, #tpu.memory_space<vmem>>, vector<16xi32>, vector<16xi1>
        %add3A_447 = arith.addi %while3A_417, %reduce_max3A_441 : i32
        %while3A_448 = arith.constant 0 : i32
        %while3A_449 = arith.subi %add3A_447, %while3A_417 : i32
        %while3A_450 = arith.addi %while3A_417, %while3A_449 : i32
        %while3A_451 = arith.constant 1 : i32
        %while3A_452 = arith.divsi %while3A_449, %while3A_451 : i32
        %while3A_453 = arith.muli %while3A_452, %while3A_451 : i32
        %while3A_454 = arith.addi %while3A_417, %while3A_453 : i32
        %while3A_455 = arith.constant 1 : i32
        %while3A_456 = scf.for %while3A_463 = %while3A_417 to %while3A_454 step %while3A_455 iter_args(%while3A_464 = %while3A_448) -> (i32)  : i32 {
          %get3A_465 = arith.index_cast %while3A_463 : i32 to index
          %get3A_466 = tpu.vector_load %arg13[%get3A_465] {strides = array<i32>} : memref<272xi32, #tpu.memory_space<vmem>>, vector<16xi32>,
          %broadcast_in_dim3A = arith.constant 0 : i32
          %broadcast_in_dim3A_467 = vector.broadcast %broadcast_in_dim3A : i32 to vector<16x1xi32>
          %gather3A = vector.shape_cast %broadcast_in_dim3A_467 : vector<16x1xi32> to vector<16xi32>
          %gather3A_468 = tpu.dynamic_gather %get3A_466[%gather3A] in [0] : vector<16xi32>, vector<16xi32> -> vector<16xi32>
          %gather3A_469 = tpu.vector_load_idx %arg8[%shift_right_logical3A_102, %and3A_105, %gather3A_468] : memref<4x8x512xf32, #tpu.memory_space<vmem>>[vector<16xi32>, vector<16xi32>, vector<16xi32>], vector<16xf32>,
          %add3A_470 = arith.constant 2 : i32
          %add3A_471 = vector.broadcast %add3A_470 : i32 to vector<16xi32>
          %add3A_472 = arith.addi %shift_right_logical3A_102, %add3A_471 : vector<16xi32>
          %gather3A_473 = tpu.vector_load_idx %arg8[%add3A_472, %and3A_105, %gather3A_468] : memref<4x8x512xf32, #tpu.memory_space<vmem>>[vector<16xi32>, vector<16xi32>, vector<16xi32>], vector<16xf32>,
          %swap3A_474 = arith.constant 0 : i32
          %swap3A_475 = tpu.memref_slice %arg15[%while3A_463, %swap3A_474] : memref<256x128xf32, #tpu.memory_space<vmem>> -> memref<1x128xf32, #tpu.memory_space<vmem>>
          %swap3A_476 = tpu.memref_squeeze %swap3A_475 : memref<1x128xf32, #tpu.memory_space<vmem>> -> memref<128xf32, #tpu.memory_space<vmem>>
          %swap3A_477 = arith.constant 0 : index
          %swap3A_478 = tpu.vector_load %swap3A_476[%swap3A_477] {strides = array<i32>} : memref<128xf32, #tpu.memory_space<vmem>>, vector<16xf32>,
          tpu.vector_store %swap3A_476[%swap3A_477], %gather3A_469 {strides = array<i32>} : memref<128xf32, #tpu.memory_space<vmem>>, vector<16xf32>,
          %swap3A_479 = arith.constant 0 : i32
          %swap3A_480 = tpu.memref_slice %arg15[%while3A_463, %swap3A_479] : memref<256x128xf32, #tpu.memory_space<vmem>> -> memref<1x128xf32, #tpu.memory_space<vmem>>
          %swap3A_481 = tpu.memref_squeeze %swap3A_480 : memref<1x128xf32, #tpu.memory_space<vmem>> -> memref<128xf32, #tpu.memory_space<vmem>>
          %swap3A_482 = arith.constant 16 : index
          %swap3A_483 = tpu.vector_load %swap3A_481[%swap3A_482] {strides = array<i32>} : memref<128xf32, #tpu.memory_space<vmem>>, vector<16xf32>,
          tpu.vector_store %swap3A_481[%swap3A_482], %gather3A_473 {strides = array<i32>} : memref<128xf32, #tpu.memory_space<vmem>>, vector<16xf32>,
          %while3A_484 = arith.constant 0 : i32
          scf.yield %while3A_484 : i32
        }
        %while3A_457 = arith.constant 1 : i32
        %while3A_458 = scf.for %while3A_463 = %while3A_454 to %while3A_450 step %while3A_457 iter_args(%while3A_464 = %while3A_456) -> (i32)  : i32 {
          %get3A_465 = arith.index_cast %while3A_463 : i32 to index
          %get3A_466 = tpu.vector_load %arg13[%get3A_465] {strides = array<i32>} : memref<272xi32, #tpu.memory_space<vmem>>, vector<16xi32>,
          %broadcast_in_dim3A = arith.constant 0 : i32
          %broadcast_in_dim3A_467 = vector.broadcast %broadcast_in_dim3A : i32 to vector<16x1xi32>
          %gather3A = vector.shape_cast %broadcast_in_dim3A_467 : vector<16x1xi32> to vector<16xi32>
          %gather3A_468 = tpu.dynamic_gather %get3A_466[%gather3A] in [0] : vector<16xi32>, vector<16xi32> -> vector<16xi32>
          %gather3A_469 = tpu.vector_load_idx %arg8[%shift_right_logical3A_102, %and3A_105, %gather3A_468] : memref<4x8x512xf32, #tpu.memory_space<vmem>>[vector<16xi32>, vector<16xi32>, vector<16xi32>], vector<16xf32>,
          %add3A_470 = arith.constant 2 : i32
          %add3A_471 = vector.broadcast %add3A_470 : i32 to vector<16xi32>
          %add3A_472 = arith.addi %shift_right_logical3A_102, %add3A_471 : vector<16xi32>
          %gather3A_473 = tpu.vector_load_idx %arg8[%add3A_472, %and3A_105, %gather3A_468] : memref<4x8x512xf32, #tpu.memory_space<vmem>>[vector<16xi32>, vector<16xi32>, vector<16xi32>], vector<16xf32>,
          %swap3A_474 = arith.constant 0 : i32
          %swap3A_475 = tpu.memref_slice %arg15[%while3A_463, %swap3A_474] : memref<256x128xf32, #tpu.memory_space<vmem>> -> memref<1x128xf32, #tpu.memory_space<vmem>>
          %swap3A_476 = tpu.memref_squeeze %swap3A_475 : memref<1x128xf32, #tpu.memory_space<vmem>> -> memref<128xf32, #tpu.memory_space<vmem>>
          %swap3A_477 = arith.constant 0 : index
          %swap3A_478 = tpu.vector_load %swap3A_476[%swap3A_477] {strides = array<i32>} : memref<128xf32, #tpu.memory_space<vmem>>, vector<16xf32>,
          tpu.vector_store %swap3A_476[%swap3A_477], %gather3A_469 {strides = array<i32>} : memref<128xf32, #tpu.memory_space<vmem>>, vector<16xf32>,
          %swap3A_479 = arith.constant 0 : i32
          %swap3A_480 = tpu.memref_slice %arg15[%while3A_463, %swap3A_479] : memref<256x128xf32, #tpu.memory_space<vmem>> -> memref<1x128xf32, #tpu.memory_space<vmem>>
          %swap3A_481 = tpu.memref_squeeze %swap3A_480 : memref<1x128xf32, #tpu.memory_space<vmem>> -> memref<128xf32, #tpu.memory_space<vmem>>
          %swap3A_482 = arith.constant 16 : index
          %swap3A_483 = tpu.vector_load %swap3A_481[%swap3A_482] {strides = array<i32>} : memref<128xf32, #tpu.memory_space<vmem>>, vector<16xf32>,
          tpu.vector_store %swap3A_481[%swap3A_482], %gather3A_473 {strides = array<i32>} : memref<128xf32, #tpu.memory_space<vmem>>, vector<16xf32>,
          %while3A_484 = arith.constant 0 : i32
          scf.yield %while3A_484 : i32
        }
        %add3A_459 = arith.addi %while3A_417, %reduce_max3A_441 : i32
        %ge3A = arith.constant 240 : i32
        %ge3A_460 = arith.cmpi sge, %add3A_459, %ge3A : i32
        %convert_element_type3A = arith.extui %ge3A_460 : i1 to i32
        %cond3A = arith.constant 0 : i32
        %cond3A_461 = arith.cmpi ne, %convert_element_type3A, %cond3A : i32
        %cond3A_462 = scf.if %cond3A_461 -> (i32) {
          "tpu.region"() ({
            %run_scoped3A = tpu.sem_alloc : memref<!tpu.dma_semaphore, #tpu.memory_space<semaphore_mem>>
            %dma_start3A_471 = arith.constant 0 : i32
            %dma_start3A_472 = arith.constant 0 : i32
            %dma_start3A_473 = tpu.memref_slice %arg6[%dma_start3A_471, %dma_start3A_472] : memref<24576x128xf32, #tpu.memory_space<hbm>> -> memref<24576x128xf32, #tpu.memory_space<hbm>>
            tpu.enqueue_indirect_dma source(%arg15 : memref<256x128xf32, #tpu.memory_space<vmem>>) target(%dma_start3A_473 : memref<24576x128xf32, #tpu.memory_space<hbm>>) offsets(%arg14 : memref<256xi32, #tpu.memory_space<vmem>>) semaphore(%run_scoped3A : memref<!tpu.dma_semaphore, #tpu.memory_space<semaphore_mem>>)
            %dma_wait3A_474 = arith.constant 0 : i32
            %dma_wait3A_475 = arith.constant 0 : i32
            %dma_wait3A_476 = tpu.memref_slice %arg6[%dma_wait3A_474, %dma_wait3A_475] : memref<24576x128xf32, #tpu.memory_space<hbm>> -> memref<24576x128xf32, #tpu.memory_space<hbm>>
            tpu.wait_indirect_dma semaphore(%run_scoped3A : memref<!tpu.dma_semaphore, #tpu.memory_space<semaphore_mem>>) src(%arg15 : memref<256x128xf32, #tpu.memory_space<vmem>>) dst(%dma_wait3A_476 : memref<24576x128xf32, #tpu.memory_space<hbm>>)
            tpu.yield
          }) : () -> ()
          %scan3A_463 = arith.constant 0 : i32
          %scan3A_464 = arith.constant 0 : i32
          %scan3A_465 = arith.constant 16 : i32
          %scan3A_466 = arith.addi %scan3A_464, %scan3A_465 : i32
          %scan3A_467 = arith.constant 1 : i32
          %scan3A_468 = scf.for %scan3A_471 = %scan3A_464 to %scan3A_466 step %scan3A_467 iter_args(%scan3A_472 = %scan3A_463) -> (i32)  : i32 {
            %mul3A_473 = arith.constant 16 : i32
            %mul3A_474 = arith.muli %scan3A_471, %mul3A_473 : i32
            %add3A_475 = vector.broadcast %mul3A_474 : i32 to vector<16xi32>
            %add3A_476 = arith.addi %add3A_19, %add3A_475 : vector<16xi32>
            %mul3A_477 = arith.constant 16 : i32
            %mul3A_478 = arith.muli %scan3A_471, %mul3A_477 : i32
            %swap3A_479 = arith.index_cast %mul3A_478 : i32 to index
            %swap3A_480 = tpu.vector_load %arg14[%swap3A_479] {strides = array<i32>} : memref<256xi32, #tpu.memory_space<vmem>>, vector<16xi32>,
            tpu.vector_store %arg14[%swap3A_479], %add3A_476 {strides = array<i32>} : memref<256xi32, #tpu.memory_space<vmem>>, vector<16xi32>,
            %scan3A_481 = arith.constant 0 : i32
            scf.yield %scan3A_481 : i32
          }
          %scan3A_469 = arith.constant 16 : i32
          %cond3A_470 = arith.constant 0 : i32
          scf.yield %cond3A_470 : i32
        } else {
          scf.yield %add3A_459 : i32
        }
        scf.yield %cond3A_462 : i32
      }
      %add3A_358 = arith.constant 2 : i32
      %add3A_359 = arith.addi %mul3A_333, %add3A_358 : i32
      %sub3A_360 = arith.constant 1 : i32
      %sub3A_361 = arith.subi %add3A_39, %sub3A_360 : i32
      %min3A_362 = arith.minsi %add3A_359, %sub3A_361 : i32
      %mul3A_363 = arith.constant 32 : i32
      %mul3A_364 = arith.muli %min3A_362, %mul3A_363 : i32
      %add3A_365 = arith.addi %add3A, %mul3A_364 : i32
      %mul3A_366 = arith.constant 512 : i32
      %mul3A_367 = arith.muli %add3A_365, %mul3A_366 : i32
      %dma_start3A_368 = arith.constant 0 : i32
      %dma_start3A_369 = arith.constant 0 : i32
      %dma_start3A_370 = tpu.memref_slice %arg2[%dma_start3A_368, %dma_start3A_369, %mul3A_367] : memref<4x8x1000000xf32, #tpu.memory_space<hbm>> -> memref<4x8x512xf32, #tpu.memory_space<hbm>>
      %dma_start3A_371 = arith.constant 0 : i32
      %dma_start3A_372 = arith.constant 0 : i32
      %dma_start3A_373 = tpu.memref_slice %arg2[%dma_start3A_371, %dma_start3A_372, %mul3A_367] : memref<4x8x1000000xf32, #tpu.memory_space<hbm>> -> memref<4x8x512xf32, #tpu.memory_space<hbm>>
      tpu.enqueue_dma source(%dma_start3A_373 : memref<4x8x512xf32, #tpu.memory_space<hbm>>) target(%arg8 : memref<4x8x512xf32, #tpu.memory_space<vmem>>) target_semaphore(%arg16 : memref<!tpu.dma_semaphore, #tpu.memory_space<semaphore_mem>>)
      %dma_wait3A_374 = arith.constant 0 : i32
      %dma_wait3A_375 = arith.constant 0 : i32
      %dma_wait3A_376 = arith.constant 0 : i32
      %dma_wait3A_377 = tpu.memref_slice %arg2[%dma_wait3A_374, %dma_wait3A_375, %dma_wait3A_376] : memref<4x8x1000000xf32, #tpu.memory_space<hbm>> -> memref<4x8x512xf32, #tpu.memory_space<hbm>>
      %dma_wait3A_378 = arith.constant 0 : i32
      %dma_wait3A_379 = arith.constant 0 : i32
      %dma_wait3A_380 = arith.constant 0 : i32
      %dma_wait3A_381 = tpu.memref_slice %arg2[%dma_wait3A_378, %dma_wait3A_379, %dma_wait3A_380] : memref<4x8x1000000xf32, #tpu.memory_space<hbm>> -> memref<4x8x512xf32, #tpu.memory_space<hbm>>
      tpu.wait_dma2 semaphore(%arg17 : memref<!tpu.dma_semaphore, #tpu.memory_space<semaphore_mem>>) src(%dma_wait3A_381 : memref<4x8x512xf32, #tpu.memory_space<hbm>>) dst(%arg9 : memref<4x8x512xf32, #tpu.memory_space<vmem>>)
      %add3A_382 = arith.constant 1 : i32
      %add3A_383 = arith.addi %mul3A_333, %add3A_382 : i32
      %mul3A_384 = arith.constant 32 : i32
      %mul3A_385 = arith.muli %add3A_383, %mul3A_384 : i32
      %add3A_386 = arith.addi %add3A, %mul3A_385 : i32
      %mul3A_387 = arith.constant 512 : i32
      %mul3A_388 = arith.muli %add3A_386, %mul3A_387 : i32
      %while3A_389 = arith.constant 0 : i32
      %while3A_390 = arith.subi %select_n3A_100, %while3A_389 : i32
      %while3A_391 = arith.addi %while3A_389, %while3A_390 : i32
      %while3A_392 = arith.constant 1 : i32
      %while3A_393 = arith.divsi %while3A_390, %while3A_392 : i32
      %while3A_394 = arith.muli %while3A_393, %while3A_392 : i32
      %while3A_395 = arith.addi %while3A_389, %while3A_394 : i32
      %while3A_396 = arith.constant 1 : i32
      %while3A_397 = scf.for %while3A_416 = %while3A_389 to %while3A_395 step %while3A_396 iter_args(%while3A_417 = %while3A_357) -> (i32)  : i32 {
        %mul3A_418 = arith.constant 16 : i32
        %mul3A_419 = arith.muli %while3A_416, %mul3A_418 : i32
        %get3A = arith.index_cast %mul3A_419 : i32 to index
        %get3A_420 = tpu.vector_load %arg11[%get3A] {strides = array<i32>} : memref<16384xi32, #tpu.memory_space<vmem>>, vector<16xi32>,
        %mul3A_421 = arith.constant 16 : i32
        %mul3A_422 = arith.muli %while3A_416, %mul3A_421 : i32
        %get3A_423 = arith.index_cast %mul3A_422 : i32 to index
        %get3A_424 = tpu.vector_load %arg12[%get3A_423] {strides = array<i32>} : memref<16384xi32, #tpu.memory_space<vmem>>, vector<16xi32>,
        %shift_right_logical3A_425 = arith.constant 9 : i32
        %shift_right_logical3A_426 = vector.broadcast %shift_right_logical3A_425 : i32 to vector<16xi32>
        %shift_right_logical3A_427 = arith.shrui %get3A_420, %shift_right_logical3A_426 : vector<16xi32>
        %eq3A = vector.broadcast %add3A_386 : i32 to vector<16xi32>
        %eq3A_428 = arith.cmpi eq, %shift_right_logical3A_427, %eq3A : vector<16xi32>
        %mul3A_429 = arith.constant 16 : i32
        %mul3A_430 = arith.muli %while3A_416, %mul3A_429 : i32
        %add3A_431 = vector.broadcast %mul3A_430 : i32 to vector<16xi32>
        %add3A_432 = arith.addi %add3A_431, %iota3A_13 : vector<16xi32>
        %lt3A = vector.broadcast %scan3A_73 : i32 to vector<16xi32>
        %lt3A_433 = arith.cmpi slt, %add3A_432, %lt3A : vector<16xi32>
        %and3A_434 = arith.andi %eq3A_428, %lt3A_433 : vector<16xi1>
        %all_reduce_population_count3A = tpu.all_reduce %and3A_434 {dim = 0 : i64, kind = #tpu.reduction_kind<sum>} : vector<16xi1> -> vector<16xi32>
        %reduce_max3A = arith.constant true
        %reduce_max3A_435 = vector.broadcast %reduce_max3A : i1 to vector<16xi1>
        %reduce_max3A_436 = arith.constant -2147483648 : i32
        %reduce_max3A_437 = vector.broadcast %reduce_max3A_436 : i32 to vector<16xi32>
        %reduce_max3A_438 = arith.xori %all_reduce_population_count3A, %reduce_max3A_437 : vector<16xi32>
        %reduce_max3A_439 = tpu.scan <max>, %reduce_max3A_438 masked %reduce_max3A_435 : vector<16xi32>, vector<16xi1> -> vector<16xi32>
        %reduce_max3A_440 = arith.xori %reduce_max3A_439, %reduce_max3A_437 : vector<16xi32>
        %reduce_max3A_441 = vector.extract %reduce_max3A_440[15] : i32 from vector<16xi32>
        %sub3A_442 = vector.broadcast %mul3A_388 : i32 to vector<16xi32>
        %sub3A_443 = arith.subi %get3A_420, %sub3A_442 : vector<16xi32>
        %swap3A = arith.index_cast %while3A_417 : i32 to index
        %swap3A_444 = tpu.vector_load %arg13[%swap3A] masked %and3A_434 {strides = array<i32>} : memref<272xi32, #tpu.memory_space<vmem>>, vector<16xi32>, vector<16xi1>
        tpu.vector_store %arg13[%swap3A], %sub3A_443 masked %and3A_434 {strides = array<i32>} : memref<272xi32, #tpu.memory_space<vmem>>, vector<16xi32>, vector<16xi1>
        %swap3A_445 = arith.index_cast %while3A_417 : i32 to index
        %swap3A_446 = tpu.vector_load %arg14[%swap3A_445] masked %and3A_434 {strides = array<i32>} : memref<256xi32, #tpu.memory_space<vmem>>, vector<16xi32>, vector<16xi1>
        tpu.vector_store %arg14[%swap3A_445], %get3A_424 masked %and3A_434 {strides = array<i32>} : memref<256xi32, #tpu.memory_space<vmem>>, vector<16xi32>, vector<16xi1>
        %add3A_447 = arith.addi %while3A_417, %reduce_max3A_441 : i32
        %while3A_448 = arith.constant 0 : i32
        %while3A_449 = arith.subi %add3A_447, %while3A_417 : i32
        %while3A_450 = arith.addi %while3A_417, %while3A_449 : i32
        %while3A_451 = arith.constant 1 : i32
        %while3A_452 = arith.divsi %while3A_449, %while3A_451 : i32
        %while3A_453 = arith.muli %while3A_452, %while3A_451 : i32
        %while3A_454 = arith.addi %while3A_417, %while3A_453 : i32
        %while3A_455 = arith.constant 1 : i32
        %while3A_456 = scf.for %while3A_463 = %while3A_417 to %while3A_454 step %while3A_455 iter_args(%while3A_464 = %while3A_448) -> (i32)  : i32 {
          %get3A_465 = arith.index_cast %while3A_463 : i32 to index
          %get3A_466 = tpu.vector_load %arg13[%get3A_465] {strides = array<i32>} : memref<272xi32, #tpu.memory_space<vmem>>, vector<16xi32>,
          %broadcast_in_dim3A = arith.constant 0 : i32
          %broadcast_in_dim3A_467 = vector.broadcast %broadcast_in_dim3A : i32 to vector<16x1xi32>
          %gather3A = vector.shape_cast %broadcast_in_dim3A_467 : vector<16x1xi32> to vector<16xi32>
          %gather3A_468 = tpu.dynamic_gather %get3A_466[%gather3A] in [0] : vector<16xi32>, vector<16xi32> -> vector<16xi32>
          %gather3A_469 = tpu.vector_load_idx %arg9[%shift_right_logical3A_102, %and3A_105, %gather3A_468] : memref<4x8x512xf32, #tpu.memory_space<vmem>>[vector<16xi32>, vector<16xi32>, vector<16xi32>], vector<16xf32>,
          %add3A_470 = arith.constant 2 : i32
          %add3A_471 = vector.broadcast %add3A_470 : i32 to vector<16xi32>
          %add3A_472 = arith.addi %shift_right_logical3A_102, %add3A_471 : vector<16xi32>
          %gather3A_473 = tpu.vector_load_idx %arg9[%add3A_472, %and3A_105, %gather3A_468] : memref<4x8x512xf32, #tpu.memory_space<vmem>>[vector<16xi32>, vector<16xi32>, vector<16xi32>], vector<16xf32>,
          %swap3A_474 = arith.constant 0 : i32
          %swap3A_475 = tpu.memref_slice %arg15[%while3A_463, %swap3A_474] : memref<256x128xf32, #tpu.memory_space<vmem>> -> memref<1x128xf32, #tpu.memory_space<vmem>>
          %swap3A_476 = tpu.memref_squeeze %swap3A_475 : memref<1x128xf32, #tpu.memory_space<vmem>> -> memref<128xf32, #tpu.memory_space<vmem>>
          %swap3A_477 = arith.constant 0 : index
          %swap3A_478 = tpu.vector_load %swap3A_476[%swap3A_477] {strides = array<i32>} : memref<128xf32, #tpu.memory_space<vmem>>, vector<16xf32>,
          tpu.vector_store %swap3A_476[%swap3A_477], %gather3A_469 {strides = array<i32>} : memref<128xf32, #tpu.memory_space<vmem>>, vector<16xf32>,
          %swap3A_479 = arith.constant 0 : i32
          %swap3A_480 = tpu.memref_slice %arg15[%while3A_463, %swap3A_479] : memref<256x128xf32, #tpu.memory_space<vmem>> -> memref<1x128xf32, #tpu.memory_space<vmem>>
          %swap3A_481 = tpu.memref_squeeze %swap3A_480 : memref<1x128xf32, #tpu.memory_space<vmem>> -> memref<128xf32, #tpu.memory_space<vmem>>
          %swap3A_482 = arith.constant 16 : index
          %swap3A_483 = tpu.vector_load %swap3A_481[%swap3A_482] {strides = array<i32>} : memref<128xf32, #tpu.memory_space<vmem>>, vector<16xf32>,
          tpu.vector_store %swap3A_481[%swap3A_482], %gather3A_473 {strides = array<i32>} : memref<128xf32, #tpu.memory_space<vmem>>, vector<16xf32>,
          %while3A_484 = arith.constant 0 : i32
          scf.yield %while3A_484 : i32
        }
        %while3A_457 = arith.constant 1 : i32
        %while3A_458 = scf.for %while3A_463 = %while3A_454 to %while3A_450 step %while3A_457 iter_args(%while3A_464 = %while3A_456) -> (i32)  : i32 {
          %get3A_465 = arith.index_cast %while3A_463 : i32 to index
          %get3A_466 = tpu.vector_load %arg13[%get3A_465] {strides = array<i32>} : memref<272xi32, #tpu.memory_space<vmem>>, vector<16xi32>,
          %broadcast_in_dim3A = arith.constant 0 : i32
          %broadcast_in_dim3A_467 = vector.broadcast %broadcast_in_dim3A : i32 to vector<16x1xi32>
          %gather3A = vector.shape_cast %broadcast_in_dim3A_467 : vector<16x1xi32> to vector<16xi32>
          %gather3A_468 = tpu.dynamic_gather %get3A_466[%gather3A] in [0] : vector<16xi32>, vector<16xi32> -> vector<16xi32>
          %gather3A_469 = tpu.vector_load_idx %arg9[%shift_right_logical3A_102, %and3A_105, %gather3A_468] : memref<4x8x512xf32, #tpu.memory_space<vmem>>[vector<16xi32>, vector<16xi32>, vector<16xi32>], vector<16xf32>,
          %add3A_470 = arith.constant 2 : i32
          %add3A_471 = vector.broadcast %add3A_470 : i32 to vector<16xi32>
          %add3A_472 = arith.addi %shift_right_logical3A_102, %add3A_471 : vector<16xi32>
          %gather3A_473 = tpu.vector_load_idx %arg9[%add3A_472, %and3A_105, %gather3A_468] : memref<4x8x512xf32, #tpu.memory_space<vmem>>[vector<16xi32>, vector<16xi32>, vector<16xi32>], vector<16xf32>,
          %swap3A_474 = arith.constant 0 : i32
          %swap3A_475 = tpu.memref_slice %arg15[%while3A_463, %swap3A_474] : memref<256x128xf32, #tpu.memory_space<vmem>> -> memref<1x128xf32, #tpu.memory_space<vmem>>
          %swap3A_476 = tpu.memref_squeeze %swap3A_475 : memref<1x128xf32, #tpu.memory_space<vmem>> -> memref<128xf32, #tpu.memory_space<vmem>>
          %swap3A_477 = arith.constant 0 : index
          %swap3A_478 = tpu.vector_load %swap3A_476[%swap3A_477] {strides = array<i32>} : memref<128xf32, #tpu.memory_space<vmem>>, vector<16xf32>,
          tpu.vector_store %swap3A_476[%swap3A_477], %gather3A_469 {strides = array<i32>} : memref<128xf32, #tpu.memory_space<vmem>>, vector<16xf32>,
          %swap3A_479 = arith.constant 0 : i32
          %swap3A_480 = tpu.memref_slice %arg15[%while3A_463, %swap3A_479] : memref<256x128xf32, #tpu.memory_space<vmem>> -> memref<1x128xf32, #tpu.memory_space<vmem>>
          %swap3A_481 = tpu.memref_squeeze %swap3A_480 : memref<1x128xf32, #tpu.memory_space<vmem>> -> memref<128xf32, #tpu.memory_space<vmem>>
          %swap3A_482 = arith.constant 16 : index
          %swap3A_483 = tpu.vector_load %swap3A_481[%swap3A_482] {strides = array<i32>} : memref<128xf32, #tpu.memory_space<vmem>>, vector<16xf32>,
          tpu.vector_store %swap3A_481[%swap3A_482], %gather3A_473 {strides = array<i32>} : memref<128xf32, #tpu.memory_space<vmem>>, vector<16xf32>,
          %while3A_484 = arith.constant 0 : i32
          scf.yield %while3A_484 : i32
        }
        %add3A_459 = arith.addi %while3A_417, %reduce_max3A_441 : i32
        %ge3A = arith.constant 240 : i32
        %ge3A_460 = arith.cmpi sge, %add3A_459, %ge3A : i32
        %convert_element_type3A = arith.extui %ge3A_460 : i1 to i32
        %cond3A = arith.constant 0 : i32
        %cond3A_461 = arith.cmpi ne, %convert_element_type3A, %cond3A : i32
        %cond3A_462 = scf.if %cond3A_461 -> (i32) {
          "tpu.region"() ({
            %run_scoped3A = tpu.sem_alloc : memref<!tpu.dma_semaphore, #tpu.memory_space<semaphore_mem>>
            %dma_start3A_471 = arith.constant 0 : i32
            %dma_start3A_472 = arith.constant 0 : i32
            %dma_start3A_473 = tpu.memref_slice %arg6[%dma_start3A_471, %dma_start3A_472] : memref<24576x128xf32, #tpu.memory_space<hbm>> -> memref<24576x128xf32, #tpu.memory_space<hbm>>
            tpu.enqueue_indirect_dma source(%arg15 : memref<256x128xf32, #tpu.memory_space<vmem>>) target(%dma_start3A_473 : memref<24576x128xf32, #tpu.memory_space<hbm>>) offsets(%arg14 : memref<256xi32, #tpu.memory_space<vmem>>) semaphore(%run_scoped3A : memref<!tpu.dma_semaphore, #tpu.memory_space<semaphore_mem>>)
            %dma_wait3A_474 = arith.constant 0 : i32
            %dma_wait3A_475 = arith.constant 0 : i32
            %dma_wait3A_476 = tpu.memref_slice %arg6[%dma_wait3A_474, %dma_wait3A_475] : memref<24576x128xf32, #tpu.memory_space<hbm>> -> memref<24576x128xf32, #tpu.memory_space<hbm>>
            tpu.wait_indirect_dma semaphore(%run_scoped3A : memref<!tpu.dma_semaphore, #tpu.memory_space<semaphore_mem>>) src(%arg15 : memref<256x128xf32, #tpu.memory_space<vmem>>) dst(%dma_wait3A_476 : memref<24576x128xf32, #tpu.memory_space<hbm>>)
            tpu.yield
          }) : () -> ()
          %scan3A_463 = arith.constant 0 : i32
          %scan3A_464 = arith.constant 0 : i32
          %scan3A_465 = arith.constant 16 : i32
          %scan3A_466 = arith.addi %scan3A_464, %scan3A_465 : i32
          %scan3A_467 = arith.constant 1 : i32
          %scan3A_468 = scf.for %scan3A_471 = %scan3A_464 to %scan3A_466 step %scan3A_467 iter_args(%scan3A_472 = %scan3A_463) -> (i32)  : i32 {
            %mul3A_473 = arith.constant 16 : i32
            %mul3A_474 = arith.muli %scan3A_471, %mul3A_473 : i32
            %add3A_475 = vector.broadcast %mul3A_474 : i32 to vector<16xi32>
            %add3A_476 = arith.addi %add3A_19, %add3A_475 : vector<16xi32>
            %mul3A_477 = arith.constant 16 : i32
            %mul3A_478 = arith.muli %scan3A_471, %mul3A_477 : i32
            %swap3A_479 = arith.index_cast %mul3A_478 : i32 to index
            %swap3A_480 = tpu.vector_load %arg14[%swap3A_479] {strides = array<i32>} : memref<256xi32, #tpu.memory_space<vmem>>, vector<16xi32>,
            tpu.vector_store %arg14[%swap3A_479], %add3A_476 {strides = array<i32>} : memref<256xi32, #tpu.memory_space<vmem>>, vector<16xi32>,
            %scan3A_481 = arith.constant 0 : i32
            scf.yield %scan3A_481 : i32
          }
          %scan3A_469 = arith.constant 16 : i32
          %cond3A_470 = arith.constant 0 : i32
          scf.yield %cond3A_470 : i32
        } else {
          scf.yield %add3A_459 : i32
        }
        scf.yield %cond3A_462 : i32
      }
      %while3A_398 = arith.constant 1 : i32
      %while3A_399 = scf.for %while3A_416 = %while3A_395 to %while3A_391 step %while3A_398 iter_args(%while3A_417 = %while3A_397) -> (i32)  : i32 {
        %mul3A_418 = arith.constant 16 : i32
        %mul3A_419 = arith.muli %while3A_416, %mul3A_418 : i32
        %get3A = arith.index_cast %mul3A_419 : i32 to index
        %get3A_420 = tpu.vector_load %arg11[%get3A] {strides = array<i32>} : memref<16384xi32, #tpu.memory_space<vmem>>, vector<16xi32>,
        %mul3A_421 = arith.constant 16 : i32
        %mul3A_422 = arith.muli %while3A_416, %mul3A_421 : i32
        %get3A_423 = arith.index_cast %mul3A_422 : i32 to index
        %get3A_424 = tpu.vector_load %arg12[%get3A_423] {strides = array<i32>} : memref<16384xi32, #tpu.memory_space<vmem>>, vector<16xi32>,
        %shift_right_logical3A_425 = arith.constant 9 : i32
        %shift_right_logical3A_426 = vector.broadcast %shift_right_logical3A_425 : i32 to vector<16xi32>
        %shift_right_logical3A_427 = arith.shrui %get3A_420, %shift_right_logical3A_426 : vector<16xi32>
        %eq3A = vector.broadcast %add3A_386 : i32 to vector<16xi32>
        %eq3A_428 = arith.cmpi eq, %shift_right_logical3A_427, %eq3A : vector<16xi32>
        %mul3A_429 = arith.constant 16 : i32
        %mul3A_430 = arith.muli %while3A_416, %mul3A_429 : i32
        %add3A_431 = vector.broadcast %mul3A_430 : i32 to vector<16xi32>
        %add3A_432 = arith.addi %add3A_431, %iota3A_13 : vector<16xi32>
        %lt3A = vector.broadcast %scan3A_73 : i32 to vector<16xi32>
        %lt3A_433 = arith.cmpi slt, %add3A_432, %lt3A : vector<16xi32>
        %and3A_434 = arith.andi %eq3A_428, %lt3A_433 : vector<16xi1>
        %all_reduce_population_count3A = tpu.all_reduce %and3A_434 {dim = 0 : i64, kind = #tpu.reduction_kind<sum>} : vector<16xi1> -> vector<16xi32>
        %reduce_max3A = arith.constant true
        %reduce_max3A_435 = vector.broadcast %reduce_max3A : i1 to vector<16xi1>
        %reduce_max3A_436 = arith.constant -2147483648 : i32
        %reduce_max3A_437 = vector.broadcast %reduce_max3A_436 : i32 to vector<16xi32>
        %reduce_max3A_438 = arith.xori %all_reduce_population_count3A, %reduce_max3A_437 : vector<16xi32>
        %reduce_max3A_439 = tpu.scan <max>, %reduce_max3A_438 masked %reduce_max3A_435 : vector<16xi32>, vector<16xi1> -> vector<16xi32>
        %reduce_max3A_440 = arith.xori %reduce_max3A_439, %reduce_max3A_437 : vector<16xi32>
        %reduce_max3A_441 = vector.extract %reduce_max3A_440[15] : i32 from vector<16xi32>
        %sub3A_442 = vector.broadcast %mul3A_388 : i32 to vector<16xi32>
        %sub3A_443 = arith.subi %get3A_420, %sub3A_442 : vector<16xi32>
        %swap3A = arith.index_cast %while3A_417 : i32 to index
        %swap3A_444 = tpu.vector_load %arg13[%swap3A] masked %and3A_434 {strides = array<i32>} : memref<272xi32, #tpu.memory_space<vmem>>, vector<16xi32>, vector<16xi1>
        tpu.vector_store %arg13[%swap3A], %sub3A_443 masked %and3A_434 {strides = array<i32>} : memref<272xi32, #tpu.memory_space<vmem>>, vector<16xi32>, vector<16xi1>
        %swap3A_445 = arith.index_cast %while3A_417 : i32 to index
        %swap3A_446 = tpu.vector_load %arg14[%swap3A_445] masked %and3A_434 {strides = array<i32>} : memref<256xi32, #tpu.memory_space<vmem>>, vector<16xi32>, vector<16xi1>
        tpu.vector_store %arg14[%swap3A_445], %get3A_424 masked %and3A_434 {strides = array<i32>} : memref<256xi32, #tpu.memory_space<vmem>>, vector<16xi32>, vector<16xi1>
        %add3A_447 = arith.addi %while3A_417, %reduce_max3A_441 : i32
        %while3A_448 = arith.constant 0 : i32
        %while3A_449 = arith.subi %add3A_447, %while3A_417 : i32
        %while3A_450 = arith.addi %while3A_417, %while3A_449 : i32
        %while3A_451 = arith.constant 1 : i32
        %while3A_452 = arith.divsi %while3A_449, %while3A_451 : i32
        %while3A_453 = arith.muli %while3A_452, %while3A_451 : i32
        %while3A_454 = arith.addi %while3A_417, %while3A_453 : i32
        %while3A_455 = arith.constant 1 : i32
        %while3A_456 = scf.for %while3A_463 = %while3A_417 to %while3A_454 step %while3A_455 iter_args(%while3A_464 = %while3A_448) -> (i32)  : i32 {
          %get3A_465 = arith.index_cast %while3A_463 : i32 to index
          %get3A_466 = tpu.vector_load %arg13[%get3A_465] {strides = array<i32>} : memref<272xi32, #tpu.memory_space<vmem>>, vector<16xi32>,
          %broadcast_in_dim3A = arith.constant 0 : i32
          %broadcast_in_dim3A_467 = vector.broadcast %broadcast_in_dim3A : i32 to vector<16x1xi32>
          %gather3A = vector.shape_cast %broadcast_in_dim3A_467 : vector<16x1xi32> to vector<16xi32>
          %gather3A_468 = tpu.dynamic_gather %get3A_466[%gather3A] in [0] : vector<16xi32>, vector<16xi32> -> vector<16xi32>
          %gather3A_469 = tpu.vector_load_idx %arg9[%shift_right_logical3A_102, %and3A_105, %gather3A_468] : memref<4x8x512xf32, #tpu.memory_space<vmem>>[vector<16xi32>, vector<16xi32>, vector<16xi32>], vector<16xf32>,
          %add3A_470 = arith.constant 2 : i32
          %add3A_471 = vector.broadcast %add3A_470 : i32 to vector<16xi32>
          %add3A_472 = arith.addi %shift_right_logical3A_102, %add3A_471 : vector<16xi32>
          %gather3A_473 = tpu.vector_load_idx %arg9[%add3A_472, %and3A_105, %gather3A_468] : memref<4x8x512xf32, #tpu.memory_space<vmem>>[vector<16xi32>, vector<16xi32>, vector<16xi32>], vector<16xf32>,
          %swap3A_474 = arith.constant 0 : i32
          %swap3A_475 = tpu.memref_slice %arg15[%while3A_463, %swap3A_474] : memref<256x128xf32, #tpu.memory_space<vmem>> -> memref<1x128xf32, #tpu.memory_space<vmem>>
          %swap3A_476 = tpu.memref_squeeze %swap3A_475 : memref<1x128xf32, #tpu.memory_space<vmem>> -> memref<128xf32, #tpu.memory_space<vmem>>
          %swap3A_477 = arith.constant 0 : index
          %swap3A_478 = tpu.vector_load %swap3A_476[%swap3A_477] {strides = array<i32>} : memref<128xf32, #tpu.memory_space<vmem>>, vector<16xf32>,
          tpu.vector_store %swap3A_476[%swap3A_477], %gather3A_469 {strides = array<i32>} : memref<128xf32, #tpu.memory_space<vmem>>, vector<16xf32>,
          %swap3A_479 = arith.constant 0 : i32
          %swap3A_480 = tpu.memref_slice %arg15[%while3A_463, %swap3A_479] : memref<256x128xf32, #tpu.memory_space<vmem>> -> memref<1x128xf32, #tpu.memory_space<vmem>>
          %swap3A_481 = tpu.memref_squeeze %swap3A_480 : memref<1x128xf32, #tpu.memory_space<vmem>> -> memref<128xf32, #tpu.memory_space<vmem>>
          %swap3A_482 = arith.constant 16 : index
          %swap3A_483 = tpu.vector_load %swap3A_481[%swap3A_482] {strides = array<i32>} : memref<128xf32, #tpu.memory_space<vmem>>, vector<16xf32>,
          tpu.vector_store %swap3A_481[%swap3A_482], %gather3A_473 {strides = array<i32>} : memref<128xf32, #tpu.memory_space<vmem>>, vector<16xf32>,
          %while3A_484 = arith.constant 0 : i32
          scf.yield %while3A_484 : i32
        }
        %while3A_457 = arith.constant 1 : i32
        %while3A_458 = scf.for %while3A_463 = %while3A_454 to %while3A_450 step %while3A_457 iter_args(%while3A_464 = %while3A_456) -> (i32)  : i32 {
          %get3A_465 = arith.index_cast %while3A_463 : i32 to index
          %get3A_466 = tpu.vector_load %arg13[%get3A_465] {strides = array<i32>} : memref<272xi32, #tpu.memory_space<vmem>>, vector<16xi32>,
          %broadcast_in_dim3A = arith.constant 0 : i32
          %broadcast_in_dim3A_467 = vector.broadcast %broadcast_in_dim3A : i32 to vector<16x1xi32>
          %gather3A = vector.shape_cast %broadcast_in_dim3A_467 : vector<16x1xi32> to vector<16xi32>
          %gather3A_468 = tpu.dynamic_gather %get3A_466[%gather3A] in [0] : vector<16xi32>, vector<16xi32> -> vector<16xi32>
          %gather3A_469 = tpu.vector_load_idx %arg9[%shift_right_logical3A_102, %and3A_105, %gather3A_468] : memref<4x8x512xf32, #tpu.memory_space<vmem>>[vector<16xi32>, vector<16xi32>, vector<16xi32>], vector<16xf32>,
          %add3A_470 = arith.constant 2 : i32
          %add3A_471 = vector.broadcast %add3A_470 : i32 to vector<16xi32>
          %add3A_472 = arith.addi %shift_right_logical3A_102, %add3A_471 : vector<16xi32>
          %gather3A_473 = tpu.vector_load_idx %arg9[%add3A_472, %and3A_105, %gather3A_468] : memref<4x8x512xf32, #tpu.memory_space<vmem>>[vector<16xi32>, vector<16xi32>, vector<16xi32>], vector<16xf32>,
          %swap3A_474 = arith.constant 0 : i32
          %swap3A_475 = tpu.memref_slice %arg15[%while3A_463, %swap3A_474] : memref<256x128xf32, #tpu.memory_space<vmem>> -> memref<1x128xf32, #tpu.memory_space<vmem>>
          %swap3A_476 = tpu.memref_squeeze %swap3A_475 : memref<1x128xf32, #tpu.memory_space<vmem>> -> memref<128xf32, #tpu.memory_space<vmem>>
          %swap3A_477 = arith.constant 0 : index
          %swap3A_478 = tpu.vector_load %swap3A_476[%swap3A_477] {strides = array<i32>} : memref<128xf32, #tpu.memory_space<vmem>>, vector<16xf32>,
          tpu.vector_store %swap3A_476[%swap3A_477], %gather3A_469 {strides = array<i32>} : memref<128xf32, #tpu.memory_space<vmem>>, vector<16xf32>,
          %swap3A_479 = arith.constant 0 : i32
          %swap3A_480 = tpu.memref_slice %arg15[%while3A_463, %swap3A_479] : memref<256x128xf32, #tpu.memory_space<vmem>> -> memref<1x128xf32, #tpu.memory_space<vmem>>
          %swap3A_481 = tpu.memref_squeeze %swap3A_480 : memref<1x128xf32, #tpu.memory_space<vmem>> -> memref<128xf32, #tpu.memory_space<vmem>>
          %swap3A_482 = arith.constant 16 : index
          %swap3A_483 = tpu.vector_load %swap3A_481[%swap3A_482] {strides = array<i32>} : memref<128xf32, #tpu.memory_space<vmem>>, vector<16xf32>,
          tpu.vector_store %swap3A_481[%swap3A_482], %gather3A_473 {strides = array<i32>} : memref<128xf32, #tpu.memory_space<vmem>>, vector<16xf32>,
          %while3A_484 = arith.constant 0 : i32
          scf.yield %while3A_484 : i32
        }
        %add3A_459 = arith.addi %while3A_417, %reduce_max3A_441 : i32
        %ge3A = arith.constant 240 : i32
        %ge3A_460 = arith.cmpi sge, %add3A_459, %ge3A : i32
        %convert_element_type3A = arith.extui %ge3A_460 : i1 to i32
        %cond3A = arith.constant 0 : i32
        %cond3A_461 = arith.cmpi ne, %convert_element_type3A, %cond3A : i32
        %cond3A_462 = scf.if %cond3A_461 -> (i32) {
          "tpu.region"() ({
            %run_scoped3A = tpu.sem_alloc : memref<!tpu.dma_semaphore, #tpu.memory_space<semaphore_mem>>
            %dma_start3A_471 = arith.constant 0 : i32
            %dma_start3A_472 = arith.constant 0 : i32
            %dma_start3A_473 = tpu.memref_slice %arg6[%dma_start3A_471, %dma_start3A_472] : memref<24576x128xf32, #tpu.memory_space<hbm>> -> memref<24576x128xf32, #tpu.memory_space<hbm>>
            tpu.enqueue_indirect_dma source(%arg15 : memref<256x128xf32, #tpu.memory_space<vmem>>) target(%dma_start3A_473 : memref<24576x128xf32, #tpu.memory_space<hbm>>) offsets(%arg14 : memref<256xi32, #tpu.memory_space<vmem>>) semaphore(%run_scoped3A : memref<!tpu.dma_semaphore, #tpu.memory_space<semaphore_mem>>)
            %dma_wait3A_474 = arith.constant 0 : i32
            %dma_wait3A_475 = arith.constant 0 : i32
            %dma_wait3A_476 = tpu.memref_slice %arg6[%dma_wait3A_474, %dma_wait3A_475] : memref<24576x128xf32, #tpu.memory_space<hbm>> -> memref<24576x128xf32, #tpu.memory_space<hbm>>
            tpu.wait_indirect_dma semaphore(%run_scoped3A : memref<!tpu.dma_semaphore, #tpu.memory_space<semaphore_mem>>) src(%arg15 : memref<256x128xf32, #tpu.memory_space<vmem>>) dst(%dma_wait3A_476 : memref<24576x128xf32, #tpu.memory_space<hbm>>)
            tpu.yield
          }) : () -> ()
          %scan3A_463 = arith.constant 0 : i32
          %scan3A_464 = arith.constant 0 : i32
          %scan3A_465 = arith.constant 16 : i32
          %scan3A_466 = arith.addi %scan3A_464, %scan3A_465 : i32
          %scan3A_467 = arith.constant 1 : i32
          %scan3A_468 = scf.for %scan3A_471 = %scan3A_464 to %scan3A_466 step %scan3A_467 iter_args(%scan3A_472 = %scan3A_463) -> (i32)  : i32 {
            %mul3A_473 = arith.constant 16 : i32
            %mul3A_474 = arith.muli %scan3A_471, %mul3A_473 : i32
            %add3A_475 = vector.broadcast %mul3A_474 : i32 to vector<16xi32>
            %add3A_476 = arith.addi %add3A_19, %add3A_475 : vector<16xi32>
            %mul3A_477 = arith.constant 16 : i32
            %mul3A_478 = arith.muli %scan3A_471, %mul3A_477 : i32
            %swap3A_479 = arith.index_cast %mul3A_478 : i32 to index
            %swap3A_480 = tpu.vector_load %arg14[%swap3A_479] {strides = array<i32>} : memref<256xi32, #tpu.memory_space<vmem>>, vector<16xi32>,
            tpu.vector_store %arg14[%swap3A_479], %add3A_476 {strides = array<i32>} : memref<256xi32, #tpu.memory_space<vmem>>, vector<16xi32>,
            %scan3A_481 = arith.constant 0 : i32
            scf.yield %scan3A_481 : i32
          }
          %scan3A_469 = arith.constant 16 : i32
          %cond3A_470 = arith.constant 0 : i32
          scf.yield %cond3A_470 : i32
        } else {
          scf.yield %add3A_459 : i32
        }
        scf.yield %cond3A_462 : i32
      }
      %add3A_400 = arith.constant 3 : i32
      %add3A_401 = arith.addi %mul3A_333, %add3A_400 : i32
      %sub3A_402 = arith.constant 1 : i32
      %sub3A_403 = arith.subi %add3A_39, %sub3A_402 : i32
      %min3A_404 = arith.minsi %add3A_401, %sub3A_403 : i32
      %mul3A_405 = arith.constant 32 : i32
      %mul3A_406 = arith.muli %min3A_404, %mul3A_405 : i32
      %add3A_407 = arith.addi %add3A, %mul3A_406 : i32
      %mul3A_408 = arith.constant 512 : i32
      %mul3A_409 = arith.muli %add3A_407, %mul3A_408 : i32
      %dma_start3A_410 = arith.constant 0 : i32
      %dma_start3A_411 = arith.constant 0 : i32
      %dma_start3A_412 = tpu.memref_slice %arg2[%dma_start3A_410, %dma_start3A_411, %mul3A_409] : memref<4x8x1000000xf32, #tpu.memory_space<hbm>> -> memref<4x8x512xf32, #tpu.memory_space<hbm>>
      %dma_start3A_413 = arith.constant 0 : i32
      %dma_start3A_414 = arith.constant 0 : i32
      %dma_start3A_415 = tpu.memref_slice %arg2[%dma_start3A_413, %dma_start3A_414, %mul3A_409] : memref<4x8x1000000xf32, #tpu.memory_space<hbm>> -> memref<4x8x512xf32, #tpu.memory_space<hbm>>
      tpu.enqueue_dma source(%dma_start3A_415 : memref<4x8x512xf32, #tpu.memory_space<hbm>>) target(%arg9 : memref<4x8x512xf32, #tpu.memory_space<vmem>>) target_semaphore(%arg17 : memref<!tpu.dma_semaphore, #tpu.memory_space<semaphore_mem>>)
      scf.yield %while3A_399 : i32
    }
    %while3A_141 = arith.constant 1 : i32
    %while3A_142 = scf.for %while3A_330 = %while3A_138 to %while3A_134 step %while3A_141 iter_args(%while3A_331 = %while3A_140) -> (i32)  : i32 {
      %mul3A_332 = arith.constant 2 : i32
      %mul3A_333 = arith.muli %mul3A_332, %while3A_330 : i32
      %dma_wait3A_334 = arith.constant 0 : i32
      %dma_wait3A_335 = arith.constant 0 : i32
      %dma_wait3A_336 = arith.constant 0 : i32
      %dma_wait3A_337 = tpu.memref_slice %arg2[%dma_wait3A_334, %dma_wait3A_335, %dma_wait3A_336] : memref<4x8x1000000xf32, #tpu.memory_space<hbm>> -> memref<4x8x512xf32, #tpu.memory_space<hbm>>
      %dma_wait3A_338 = arith.constant 0 : i32
      %dma_wait3A_339 = arith.constant 0 : i32
      %dma_wait3A_340 = arith.constant 0 : i32
      %dma_wait3A_341 = tpu.memref_slice %arg2[%dma_wait3A_338, %dma_wait3A_339, %dma_wait3A_340] : memref<4x8x1000000xf32, #tpu.memory_space<hbm>> -> memref<4x8x512xf32, #tpu.memory_space<hbm>>
      tpu.wait_dma2 semaphore(%arg16 : memref<!tpu.dma_semaphore, #tpu.memory_space<semaphore_mem>>) src(%dma_wait3A_341 : memref<4x8x512xf32, #tpu.memory_space<hbm>>) dst(%arg8 : memref<4x8x512xf32, #tpu.memory_space<vmem>>)
      %mul3A_342 = arith.constant 32 : i32
      %mul3A_343 = arith.muli %mul3A_333, %mul3A_342 : i32
      %add3A_344 = arith.addi %add3A, %mul3A_343 : i32
      %mul3A_345 = arith.constant 512 : i32
      %mul3A_346 = arith.muli %add3A_344, %mul3A_345 : i32
      %while3A_347 = arith.constant 0 : i32
      %while3A_348 = arith.subi %select_n3A_100, %while3A_347 : i32
      %while3A_349 = arith.addi %while3A_347, %while3A_348 : i32
      %while3A_350 = arith.constant 1 : i32
      %while3A_351 = arith.divsi %while3A_348, %while3A_350 : i32
      %while3A_352 = arith.muli %while3A_351, %while3A_350 : i32
      %while3A_353 = arith.addi %while3A_347, %while3A_352 : i32
      %while3A_354 = arith.constant 1 : i32
      %while3A_355 = scf.for %while3A_416 = %while3A_347 to %while3A_353 step %while3A_354 iter_args(%while3A_417 = %while3A_331) -> (i32)  : i32 {
        %mul3A_418 = arith.constant 16 : i32
        %mul3A_419 = arith.muli %while3A_416, %mul3A_418 : i32
        %get3A = arith.index_cast %mul3A_419 : i32 to index
        %get3A_420 = tpu.vector_load %arg11[%get3A] {strides = array<i32>} : memref<16384xi32, #tpu.memory_space<vmem>>, vector<16xi32>,
        %mul3A_421 = arith.constant 16 : i32
        %mul3A_422 = arith.muli %while3A_416, %mul3A_421 : i32
        %get3A_423 = arith.index_cast %mul3A_422 : i32 to index
        %get3A_424 = tpu.vector_load %arg12[%get3A_423] {strides = array<i32>} : memref<16384xi32, #tpu.memory_space<vmem>>, vector<16xi32>,
        %shift_right_logical3A_425 = arith.constant 9 : i32
        %shift_right_logical3A_426 = vector.broadcast %shift_right_logical3A_425 : i32 to vector<16xi32>
        %shift_right_logical3A_427 = arith.shrui %get3A_420, %shift_right_logical3A_426 : vector<16xi32>
        %eq3A = vector.broadcast %add3A_344 : i32 to vector<16xi32>
        %eq3A_428 = arith.cmpi eq, %shift_right_logical3A_427, %eq3A : vector<16xi32>
        %mul3A_429 = arith.constant 16 : i32
        %mul3A_430 = arith.muli %while3A_416, %mul3A_429 : i32
        %add3A_431 = vector.broadcast %mul3A_430 : i32 to vector<16xi32>
        %add3A_432 = arith.addi %add3A_431, %iota3A_13 : vector<16xi32>
        %lt3A = vector.broadcast %scan3A_73 : i32 to vector<16xi32>
        %lt3A_433 = arith.cmpi slt, %add3A_432, %lt3A : vector<16xi32>
        %and3A_434 = arith.andi %eq3A_428, %lt3A_433 : vector<16xi1>
        %all_reduce_population_count3A = tpu.all_reduce %and3A_434 {dim = 0 : i64, kind = #tpu.reduction_kind<sum>} : vector<16xi1> -> vector<16xi32>
        %reduce_max3A = arith.constant true
        %reduce_max3A_435 = vector.broadcast %reduce_max3A : i1 to vector<16xi1>
        %reduce_max3A_436 = arith.constant -2147483648 : i32
        %reduce_max3A_437 = vector.broadcast %reduce_max3A_436 : i32 to vector<16xi32>
        %reduce_max3A_438 = arith.xori %all_reduce_population_count3A, %reduce_max3A_437 : vector<16xi32>
        %reduce_max3A_439 = tpu.scan <max>, %reduce_max3A_438 masked %reduce_max3A_435 : vector<16xi32>, vector<16xi1> -> vector<16xi32>
        %reduce_max3A_440 = arith.xori %reduce_max3A_439, %reduce_max3A_437 : vector<16xi32>
        %reduce_max3A_441 = vector.extract %reduce_max3A_440[15] : i32 from vector<16xi32>
        %sub3A_442 = vector.broadcast %mul3A_346 : i32 to vector<16xi32>
        %sub3A_443 = arith.subi %get3A_420, %sub3A_442 : vector<16xi32>
        %swap3A = arith.index_cast %while3A_417 : i32 to index
        %swap3A_444 = tpu.vector_load %arg13[%swap3A] masked %and3A_434 {strides = array<i32>} : memref<272xi32, #tpu.memory_space<vmem>>, vector<16xi32>, vector<16xi1>
        tpu.vector_store %arg13[%swap3A], %sub3A_443 masked %and3A_434 {strides = array<i32>} : memref<272xi32, #tpu.memory_space<vmem>>, vector<16xi32>, vector<16xi1>
        %swap3A_445 = arith.index_cast %while3A_417 : i32 to index
        %swap3A_446 = tpu.vector_load %arg14[%swap3A_445] masked %and3A_434 {strides = array<i32>} : memref<256xi32, #tpu.memory_space<vmem>>, vector<16xi32>, vector<16xi1>
        tpu.vector_store %arg14[%swap3A_445], %get3A_424 masked %and3A_434 {strides = array<i32>} : memref<256xi32, #tpu.memory_space<vmem>>, vector<16xi32>, vector<16xi1>
        %add3A_447 = arith.addi %while3A_417, %reduce_max3A_441 : i32
        %while3A_448 = arith.constant 0 : i32
        %while3A_449 = arith.subi %add3A_447, %while3A_417 : i32
        %while3A_450 = arith.addi %while3A_417, %while3A_449 : i32
        %while3A_451 = arith.constant 1 : i32
        %while3A_452 = arith.divsi %while3A_449, %while3A_451 : i32
        %while3A_453 = arith.muli %while3A_452, %while3A_451 : i32
        %while3A_454 = arith.addi %while3A_417, %while3A_453 : i32
        %while3A_455 = arith.constant 1 : i32
        %while3A_456 = scf.for %while3A_463 = %while3A_417 to %while3A_454 step %while3A_455 iter_args(%while3A_464 = %while3A_448) -> (i32)  : i32 {
          %get3A_465 = arith.index_cast %while3A_463 : i32 to index
          %get3A_466 = tpu.vector_load %arg13[%get3A_465] {strides = array<i32>} : memref<272xi32, #tpu.memory_space<vmem>>, vector<16xi32>,
          %broadcast_in_dim3A = arith.constant 0 : i32
          %broadcast_in_dim3A_467 = vector.broadcast %broadcast_in_dim3A : i32 to vector<16x1xi32>
          %gather3A = vector.shape_cast %broadcast_in_dim3A_467 : vector<16x1xi32> to vector<16xi32>
          %gather3A_468 = tpu.dynamic_gather %get3A_466[%gather3A] in [0] : vector<16xi32>, vector<16xi32> -> vector<16xi32>
          %gather3A_469 = tpu.vector_load_idx %arg8[%shift_right_logical3A_102, %and3A_105, %gather3A_468] : memref<4x8x512xf32, #tpu.memory_space<vmem>>[vector<16xi32>, vector<16xi32>, vector<16xi32>], vector<16xf32>,
          %add3A_470 = arith.constant 2 : i32
          %add3A_471 = vector.broadcast %add3A_470 : i32 to vector<16xi32>
          %add3A_472 = arith.addi %shift_right_logical3A_102, %add3A_471 : vector<16xi32>
          %gather3A_473 = tpu.vector_load_idx %arg8[%add3A_472, %and3A_105, %gather3A_468] : memref<4x8x512xf32, #tpu.memory_space<vmem>>[vector<16xi32>, vector<16xi32>, vector<16xi32>], vector<16xf32>,
          %swap3A_474 = arith.constant 0 : i32
          %swap3A_475 = tpu.memref_slice %arg15[%while3A_463, %swap3A_474] : memref<256x128xf32, #tpu.memory_space<vmem>> -> memref<1x128xf32, #tpu.memory_space<vmem>>
          %swap3A_476 = tpu.memref_squeeze %swap3A_475 : memref<1x128xf32, #tpu.memory_space<vmem>> -> memref<128xf32, #tpu.memory_space<vmem>>
          %swap3A_477 = arith.constant 0 : index
          %swap3A_478 = tpu.vector_load %swap3A_476[%swap3A_477] {strides = array<i32>} : memref<128xf32, #tpu.memory_space<vmem>>, vector<16xf32>,
          tpu.vector_store %swap3A_476[%swap3A_477], %gather3A_469 {strides = array<i32>} : memref<128xf32, #tpu.memory_space<vmem>>, vector<16xf32>,
          %swap3A_479 = arith.constant 0 : i32
          %swap3A_480 = tpu.memref_slice %arg15[%while3A_463, %swap3A_479] : memref<256x128xf32, #tpu.memory_space<vmem>> -> memref<1x128xf32, #tpu.memory_space<vmem>>
          %swap3A_481 = tpu.memref_squeeze %swap3A_480 : memref<1x128xf32, #tpu.memory_space<vmem>> -> memref<128xf32, #tpu.memory_space<vmem>>
          %swap3A_482 = arith.constant 16 : index
          %swap3A_483 = tpu.vector_load %swap3A_481[%swap3A_482] {strides = array<i32>} : memref<128xf32, #tpu.memory_space<vmem>>, vector<16xf32>,
          tpu.vector_store %swap3A_481[%swap3A_482], %gather3A_473 {strides = array<i32>} : memref<128xf32, #tpu.memory_space<vmem>>, vector<16xf32>,
          %while3A_484 = arith.constant 0 : i32
          scf.yield %while3A_484 : i32
        }
        %while3A_457 = arith.constant 1 : i32
        %while3A_458 = scf.for %while3A_463 = %while3A_454 to %while3A_450 step %while3A_457 iter_args(%while3A_464 = %while3A_456) -> (i32)  : i32 {
          %get3A_465 = arith.index_cast %while3A_463 : i32 to index
          %get3A_466 = tpu.vector_load %arg13[%get3A_465] {strides = array<i32>} : memref<272xi32, #tpu.memory_space<vmem>>, vector<16xi32>,
          %broadcast_in_dim3A = arith.constant 0 : i32
          %broadcast_in_dim3A_467 = vector.broadcast %broadcast_in_dim3A : i32 to vector<16x1xi32>
          %gather3A = vector.shape_cast %broadcast_in_dim3A_467 : vector<16x1xi32> to vector<16xi32>
          %gather3A_468 = tpu.dynamic_gather %get3A_466[%gather3A] in [0] : vector<16xi32>, vector<16xi32> -> vector<16xi32>
          %gather3A_469 = tpu.vector_load_idx %arg8[%shift_right_logical3A_102, %and3A_105, %gather3A_468] : memref<4x8x512xf32, #tpu.memory_space<vmem>>[vector<16xi32>, vector<16xi32>, vector<16xi32>], vector<16xf32>,
          %add3A_470 = arith.constant 2 : i32
          %add3A_471 = vector.broadcast %add3A_470 : i32 to vector<16xi32>
          %add3A_472 = arith.addi %shift_right_logical3A_102, %add3A_471 : vector<16xi32>
          %gather3A_473 = tpu.vector_load_idx %arg8[%add3A_472, %and3A_105, %gather3A_468] : memref<4x8x512xf32, #tpu.memory_space<vmem>>[vector<16xi32>, vector<16xi32>, vector<16xi32>], vector<16xf32>,
          %swap3A_474 = arith.constant 0 : i32
          %swap3A_475 = tpu.memref_slice %arg15[%while3A_463, %swap3A_474] : memref<256x128xf32, #tpu.memory_space<vmem>> -> memref<1x128xf32, #tpu.memory_space<vmem>>
          %swap3A_476 = tpu.memref_squeeze %swap3A_475 : memref<1x128xf32, #tpu.memory_space<vmem>> -> memref<128xf32, #tpu.memory_space<vmem>>
          %swap3A_477 = arith.constant 0 : index
          %swap3A_478 = tpu.vector_load %swap3A_476[%swap3A_477] {strides = array<i32>} : memref<128xf32, #tpu.memory_space<vmem>>, vector<16xf32>,
          tpu.vector_store %swap3A_476[%swap3A_477], %gather3A_469 {strides = array<i32>} : memref<128xf32, #tpu.memory_space<vmem>>, vector<16xf32>,
          %swap3A_479 = arith.constant 0 : i32
          %swap3A_480 = tpu.memref_slice %arg15[%while3A_463, %swap3A_479] : memref<256x128xf32, #tpu.memory_space<vmem>> -> memref<1x128xf32, #tpu.memory_space<vmem>>
          %swap3A_481 = tpu.memref_squeeze %swap3A_480 : memref<1x128xf32, #tpu.memory_space<vmem>> -> memref<128xf32, #tpu.memory_space<vmem>>
          %swap3A_482 = arith.constant 16 : index
          %swap3A_483 = tpu.vector_load %swap3A_481[%swap3A_482] {strides = array<i32>} : memref<128xf32, #tpu.memory_space<vmem>>, vector<16xf32>,
          tpu.vector_store %swap3A_481[%swap3A_482], %gather3A_473 {strides = array<i32>} : memref<128xf32, #tpu.memory_space<vmem>>, vector<16xf32>,
          %while3A_484 = arith.constant 0 : i32
          scf.yield %while3A_484 : i32
        }
        %add3A_459 = arith.addi %while3A_417, %reduce_max3A_441 : i32
        %ge3A = arith.constant 240 : i32
        %ge3A_460 = arith.cmpi sge, %add3A_459, %ge3A : i32
        %convert_element_type3A = arith.extui %ge3A_460 : i1 to i32
        %cond3A = arith.constant 0 : i32
        %cond3A_461 = arith.cmpi ne, %convert_element_type3A, %cond3A : i32
        %cond3A_462 = scf.if %cond3A_461 -> (i32) {
          "tpu.region"() ({
            %run_scoped3A = tpu.sem_alloc : memref<!tpu.dma_semaphore, #tpu.memory_space<semaphore_mem>>
            %dma_start3A_471 = arith.constant 0 : i32
            %dma_start3A_472 = arith.constant 0 : i32
            %dma_start3A_473 = tpu.memref_slice %arg6[%dma_start3A_471, %dma_start3A_472] : memref<24576x128xf32, #tpu.memory_space<hbm>> -> memref<24576x128xf32, #tpu.memory_space<hbm>>
            tpu.enqueue_indirect_dma source(%arg15 : memref<256x128xf32, #tpu.memory_space<vmem>>) target(%dma_start3A_473 : memref<24576x128xf32, #tpu.memory_space<hbm>>) offsets(%arg14 : memref<256xi32, #tpu.memory_space<vmem>>) semaphore(%run_scoped3A : memref<!tpu.dma_semaphore, #tpu.memory_space<semaphore_mem>>)
            %dma_wait3A_474 = arith.constant 0 : i32
            %dma_wait3A_475 = arith.constant 0 : i32
            %dma_wait3A_476 = tpu.memref_slice %arg6[%dma_wait3A_474, %dma_wait3A_475] : memref<24576x128xf32, #tpu.memory_space<hbm>> -> memref<24576x128xf32, #tpu.memory_space<hbm>>
            tpu.wait_indirect_dma semaphore(%run_scoped3A : memref<!tpu.dma_semaphore, #tpu.memory_space<semaphore_mem>>) src(%arg15 : memref<256x128xf32, #tpu.memory_space<vmem>>) dst(%dma_wait3A_476 : memref<24576x128xf32, #tpu.memory_space<hbm>>)
            tpu.yield
          }) : () -> ()
          %scan3A_463 = arith.constant 0 : i32
          %scan3A_464 = arith.constant 0 : i32
          %scan3A_465 = arith.constant 16 : i32
          %scan3A_466 = arith.addi %scan3A_464, %scan3A_465 : i32
          %scan3A_467 = arith.constant 1 : i32
          %scan3A_468 = scf.for %scan3A_471 = %scan3A_464 to %scan3A_466 step %scan3A_467 iter_args(%scan3A_472 = %scan3A_463) -> (i32)  : i32 {
            %mul3A_473 = arith.constant 16 : i32
            %mul3A_474 = arith.muli %scan3A_471, %mul3A_473 : i32
            %add3A_475 = vector.broadcast %mul3A_474 : i32 to vector<16xi32>
            %add3A_476 = arith.addi %add3A_19, %add3A_475 : vector<16xi32>
            %mul3A_477 = arith.constant 16 : i32
            %mul3A_478 = arith.muli %scan3A_471, %mul3A_477 : i32
            %swap3A_479 = arith.index_cast %mul3A_478 : i32 to index
            %swap3A_480 = tpu.vector_load %arg14[%swap3A_479] {strides = array<i32>} : memref<256xi32, #tpu.memory_space<vmem>>, vector<16xi32>,
            tpu.vector_store %arg14[%swap3A_479], %add3A_476 {strides = array<i32>} : memref<256xi32, #tpu.memory_space<vmem>>, vector<16xi32>,
            %scan3A_481 = arith.constant 0 : i32
            scf.yield %scan3A_481 : i32
          }
          %scan3A_469 = arith.constant 16 : i32
          %cond3A_470 = arith.constant 0 : i32
          scf.yield %cond3A_470 : i32
        } else {
          scf.yield %add3A_459 : i32
        }
        scf.yield %cond3A_462 : i32
      }
      %while3A_356 = arith.constant 1 : i32
      %while3A_357 = scf.for %while3A_416 = %while3A_353 to %while3A_349 step %while3A_356 iter_args(%while3A_417 = %while3A_355) -> (i32)  : i32 {
        %mul3A_418 = arith.constant 16 : i32
        %mul3A_419 = arith.muli %while3A_416, %mul3A_418 : i32
        %get3A = arith.index_cast %mul3A_419 : i32 to index
        %get3A_420 = tpu.vector_load %arg11[%get3A] {strides = array<i32>} : memref<16384xi32, #tpu.memory_space<vmem>>, vector<16xi32>,
        %mul3A_421 = arith.constant 16 : i32
        %mul3A_422 = arith.muli %while3A_416, %mul3A_421 : i32
        %get3A_423 = arith.index_cast %mul3A_422 : i32 to index
        %get3A_424 = tpu.vector_load %arg12[%get3A_423] {strides = array<i32>} : memref<16384xi32, #tpu.memory_space<vmem>>, vector<16xi32>,
        %shift_right_logical3A_425 = arith.constant 9 : i32
        %shift_right_logical3A_426 = vector.broadcast %shift_right_logical3A_425 : i32 to vector<16xi32>
        %shift_right_logical3A_427 = arith.shrui %get3A_420, %shift_right_logical3A_426 : vector<16xi32>
        %eq3A = vector.broadcast %add3A_344 : i32 to vector<16xi32>
        %eq3A_428 = arith.cmpi eq, %shift_right_logical3A_427, %eq3A : vector<16xi32>
        %mul3A_429 = arith.constant 16 : i32
        %mul3A_430 = arith.muli %while3A_416, %mul3A_429 : i32
        %add3A_431 = vector.broadcast %mul3A_430 : i32 to vector<16xi32>
        %add3A_432 = arith.addi %add3A_431, %iota3A_13 : vector<16xi32>
        %lt3A = vector.broadcast %scan3A_73 : i32 to vector<16xi32>
        %lt3A_433 = arith.cmpi slt, %add3A_432, %lt3A : vector<16xi32>
        %and3A_434 = arith.andi %eq3A_428, %lt3A_433 : vector<16xi1>
        %all_reduce_population_count3A = tpu.all_reduce %and3A_434 {dim = 0 : i64, kind = #tpu.reduction_kind<sum>} : vector<16xi1> -> vector<16xi32>
        %reduce_max3A = arith.constant true
        %reduce_max3A_435 = vector.broadcast %reduce_max3A : i1 to vector<16xi1>
        %reduce_max3A_436 = arith.constant -2147483648 : i32
        %reduce_max3A_437 = vector.broadcast %reduce_max3A_436 : i32 to vector<16xi32>
        %reduce_max3A_438 = arith.xori %all_reduce_population_count3A, %reduce_max3A_437 : vector<16xi32>
        %reduce_max3A_439 = tpu.scan <max>, %reduce_max3A_438 masked %reduce_max3A_435 : vector<16xi32>, vector<16xi1> -> vector<16xi32>
        %reduce_max3A_440 = arith.xori %reduce_max3A_439, %reduce_max3A_437 : vector<16xi32>
        %reduce_max3A_441 = vector.extract %reduce_max3A_440[15] : i32 from vector<16xi32>
        %sub3A_442 = vector.broadcast %mul3A_346 : i32 to vector<16xi32>
        %sub3A_443 = arith.subi %get3A_420, %sub3A_442 : vector<16xi32>
        %swap3A = arith.index_cast %while3A_417 : i32 to index
        %swap3A_444 = tpu.vector_load %arg13[%swap3A] masked %and3A_434 {strides = array<i32>} : memref<272xi32, #tpu.memory_space<vmem>>, vector<16xi32>, vector<16xi1>
        tpu.vector_store %arg13[%swap3A], %sub3A_443 masked %and3A_434 {strides = array<i32>} : memref<272xi32, #tpu.memory_space<vmem>>, vector<16xi32>, vector<16xi1>
        %swap3A_445 = arith.index_cast %while3A_417 : i32 to index
        %swap3A_446 = tpu.vector_load %arg14[%swap3A_445] masked %and3A_434 {strides = array<i32>} : memref<256xi32, #tpu.memory_space<vmem>>, vector<16xi32>, vector<16xi1>
        tpu.vector_store %arg14[%swap3A_445], %get3A_424 masked %and3A_434 {strides = array<i32>} : memref<256xi32, #tpu.memory_space<vmem>>, vector<16xi32>, vector<16xi1>
        %add3A_447 = arith.addi %while3A_417, %reduce_max3A_441 : i32
        %while3A_448 = arith.constant 0 : i32
        %while3A_449 = arith.subi %add3A_447, %while3A_417 : i32
        %while3A_450 = arith.addi %while3A_417, %while3A_449 : i32
        %while3A_451 = arith.constant 1 : i32
        %while3A_452 = arith.divsi %while3A_449, %while3A_451 : i32
        %while3A_453 = arith.muli %while3A_452, %while3A_451 : i32
        %while3A_454 = arith.addi %while3A_417, %while3A_453 : i32
        %while3A_455 = arith.constant 1 : i32
        %while3A_456 = scf.for %while3A_463 = %while3A_417 to %while3A_454 step %while3A_455 iter_args(%while3A_464 = %while3A_448) -> (i32)  : i32 {
          %get3A_465 = arith.index_cast %while3A_463 : i32 to index
          %get3A_466 = tpu.vector_load %arg13[%get3A_465] {strides = array<i32>} : memref<272xi32, #tpu.memory_space<vmem>>, vector<16xi32>,
          %broadcast_in_dim3A = arith.constant 0 : i32
          %broadcast_in_dim3A_467 = vector.broadcast %broadcast_in_dim3A : i32 to vector<16x1xi32>
          %gather3A = vector.shape_cast %broadcast_in_dim3A_467 : vector<16x1xi32> to vector<16xi32>
          %gather3A_468 = tpu.dynamic_gather %get3A_466[%gather3A] in [0] : vector<16xi32>, vector<16xi32> -> vector<16xi32>
          %gather3A_469 = tpu.vector_load_idx %arg8[%shift_right_logical3A_102, %and3A_105, %gather3A_468] : memref<4x8x512xf32, #tpu.memory_space<vmem>>[vector<16xi32>, vector<16xi32>, vector<16xi32>], vector<16xf32>,
          %add3A_470 = arith.constant 2 : i32
          %add3A_471 = vector.broadcast %add3A_470 : i32 to vector<16xi32>
          %add3A_472 = arith.addi %shift_right_logical3A_102, %add3A_471 : vector<16xi32>
          %gather3A_473 = tpu.vector_load_idx %arg8[%add3A_472, %and3A_105, %gather3A_468] : memref<4x8x512xf32, #tpu.memory_space<vmem>>[vector<16xi32>, vector<16xi32>, vector<16xi32>], vector<16xf32>,
          %swap3A_474 = arith.constant 0 : i32
          %swap3A_475 = tpu.memref_slice %arg15[%while3A_463, %swap3A_474] : memref<256x128xf32, #tpu.memory_space<vmem>> -> memref<1x128xf32, #tpu.memory_space<vmem>>
          %swap3A_476 = tpu.memref_squeeze %swap3A_475 : memref<1x128xf32, #tpu.memory_space<vmem>> -> memref<128xf32, #tpu.memory_space<vmem>>
          %swap3A_477 = arith.constant 0 : index
          %swap3A_478 = tpu.vector_load %swap3A_476[%swap3A_477] {strides = array<i32>} : memref<128xf32, #tpu.memory_space<vmem>>, vector<16xf32>,
          tpu.vector_store %swap3A_476[%swap3A_477], %gather3A_469 {strides = array<i32>} : memref<128xf32, #tpu.memory_space<vmem>>, vector<16xf32>,
          %swap3A_479 = arith.constant 0 : i32
          %swap3A_480 = tpu.memref_slice %arg15[%while3A_463, %swap3A_479] : memref<256x128xf32, #tpu.memory_space<vmem>> -> memref<1x128xf32, #tpu.memory_space<vmem>>
          %swap3A_481 = tpu.memref_squeeze %swap3A_480 : memref<1x128xf32, #tpu.memory_space<vmem>> -> memref<128xf32, #tpu.memory_space<vmem>>
          %swap3A_482 = arith.constant 16 : index
          %swap3A_483 = tpu.vector_load %swap3A_481[%swap3A_482] {strides = array<i32>} : memref<128xf32, #tpu.memory_space<vmem>>, vector<16xf32>,
          tpu.vector_store %swap3A_481[%swap3A_482], %gather3A_473 {strides = array<i32>} : memref<128xf32, #tpu.memory_space<vmem>>, vector<16xf32>,
          %while3A_484 = arith.constant 0 : i32
          scf.yield %while3A_484 : i32
        }
        %while3A_457 = arith.constant 1 : i32
        %while3A_458 = scf.for %while3A_463 = %while3A_454 to %while3A_450 step %while3A_457 iter_args(%while3A_464 = %while3A_456) -> (i32)  : i32 {
          %get3A_465 = arith.index_cast %while3A_463 : i32 to index
          %get3A_466 = tpu.vector_load %arg13[%get3A_465] {strides = array<i32>} : memref<272xi32, #tpu.memory_space<vmem>>, vector<16xi32>,
          %broadcast_in_dim3A = arith.constant 0 : i32
          %broadcast_in_dim3A_467 = vector.broadcast %broadcast_in_dim3A : i32 to vector<16x1xi32>
          %gather3A = vector.shape_cast %broadcast_in_dim3A_467 : vector<16x1xi32> to vector<16xi32>
          %gather3A_468 = tpu.dynamic_gather %get3A_466[%gather3A] in [0] : vector<16xi32>, vector<16xi32> -> vector<16xi32>
          %gather3A_469 = tpu.vector_load_idx %arg8[%shift_right_logical3A_102, %and3A_105, %gather3A_468] : memref<4x8x512xf32, #tpu.memory_space<vmem>>[vector<16xi32>, vector<16xi32>, vector<16xi32>], vector<16xf32>,
          %add3A_470 = arith.constant 2 : i32
          %add3A_471 = vector.broadcast %add3A_470 : i32 to vector<16xi32>
          %add3A_472 = arith.addi %shift_right_logical3A_102, %add3A_471 : vector<16xi32>
          %gather3A_473 = tpu.vector_load_idx %arg8[%add3A_472, %and3A_105, %gather3A_468] : memref<4x8x512xf32, #tpu.memory_space<vmem>>[vector<16xi32>, vector<16xi32>, vector<16xi32>], vector<16xf32>,
          %swap3A_474 = arith.constant 0 : i32
          %swap3A_475 = tpu.memref_slice %arg15[%while3A_463, %swap3A_474] : memref<256x128xf32, #tpu.memory_space<vmem>> -> memref<1x128xf32, #tpu.memory_space<vmem>>
          %swap3A_476 = tpu.memref_squeeze %swap3A_475 : memref<1x128xf32, #tpu.memory_space<vmem>> -> memref<128xf32, #tpu.memory_space<vmem>>
          %swap3A_477 = arith.constant 0 : index
          %swap3A_478 = tpu.vector_load %swap3A_476[%swap3A_477] {strides = array<i32>} : memref<128xf32, #tpu.memory_space<vmem>>, vector<16xf32>,
          tpu.vector_store %swap3A_476[%swap3A_477], %gather3A_469 {strides = array<i32>} : memref<128xf32, #tpu.memory_space<vmem>>, vector<16xf32>,
          %swap3A_479 = arith.constant 0 : i32
          %swap3A_480 = tpu.memref_slice %arg15[%while3A_463, %swap3A_479] : memref<256x128xf32, #tpu.memory_space<vmem>> -> memref<1x128xf32, #tpu.memory_space<vmem>>
          %swap3A_481 = tpu.memref_squeeze %swap3A_480 : memref<1x128xf32, #tpu.memory_space<vmem>> -> memref<128xf32, #tpu.memory_space<vmem>>
          %swap3A_482 = arith.constant 16 : index
          %swap3A_483 = tpu.vector_load %swap3A_481[%swap3A_482] {strides = array<i32>} : memref<128xf32, #tpu.memory_space<vmem>>, vector<16xf32>,
          tpu.vector_store %swap3A_481[%swap3A_482], %gather3A_473 {strides = array<i32>} : memref<128xf32, #tpu.memory_space<vmem>>, vector<16xf32>,
          %while3A_484 = arith.constant 0 : i32
          scf.yield %while3A_484 : i32
        }
        %add3A_459 = arith.addi %while3A_417, %reduce_max3A_441 : i32
        %ge3A = arith.constant 240 : i32
        %ge3A_460 = arith.cmpi sge, %add3A_459, %ge3A : i32
        %convert_element_type3A = arith.extui %ge3A_460 : i1 to i32
        %cond3A = arith.constant 0 : i32
        %cond3A_461 = arith.cmpi ne, %convert_element_type3A, %cond3A : i32
        %cond3A_462 = scf.if %cond3A_461 -> (i32) {
          "tpu.region"() ({
            %run_scoped3A = tpu.sem_alloc : memref<!tpu.dma_semaphore, #tpu.memory_space<semaphore_mem>>
            %dma_start3A_471 = arith.constant 0 : i32
            %dma_start3A_472 = arith.constant 0 : i32
            %dma_start3A_473 = tpu.memref_slice %arg6[%dma_start3A_471, %dma_start3A_472] : memref<24576x128xf32, #tpu.memory_space<hbm>> -> memref<24576x128xf32, #tpu.memory_space<hbm>>
            tpu.enqueue_indirect_dma source(%arg15 : memref<256x128xf32, #tpu.memory_space<vmem>>) target(%dma_start3A_473 : memref<24576x128xf32, #tpu.memory_space<hbm>>) offsets(%arg14 : memref<256xi32, #tpu.memory_space<vmem>>) semaphore(%run_scoped3A : memref<!tpu.dma_semaphore, #tpu.memory_space<semaphore_mem>>)
            %dma_wait3A_474 = arith.constant 0 : i32
            %dma_wait3A_475 = arith.constant 0 : i32
            %dma_wait3A_476 = tpu.memref_slice %arg6[%dma_wait3A_474, %dma_wait3A_475] : memref<24576x128xf32, #tpu.memory_space<hbm>> -> memref<24576x128xf32, #tpu.memory_space<hbm>>
            tpu.wait_indirect_dma semaphore(%run_scoped3A : memref<!tpu.dma_semaphore, #tpu.memory_space<semaphore_mem>>) src(%arg15 : memref<256x128xf32, #tpu.memory_space<vmem>>) dst(%dma_wait3A_476 : memref<24576x128xf32, #tpu.memory_space<hbm>>)
            tpu.yield
          }) : () -> ()
          %scan3A_463 = arith.constant 0 : i32
          %scan3A_464 = arith.constant 0 : i32
          %scan3A_465 = arith.constant 16 : i32
          %scan3A_466 = arith.addi %scan3A_464, %scan3A_465 : i32
          %scan3A_467 = arith.constant 1 : i32
          %scan3A_468 = scf.for %scan3A_471 = %scan3A_464 to %scan3A_466 step %scan3A_467 iter_args(%scan3A_472 = %scan3A_463) -> (i32)  : i32 {
            %mul3A_473 = arith.constant 16 : i32
            %mul3A_474 = arith.muli %scan3A_471, %mul3A_473 : i32
            %add3A_475 = vector.broadcast %mul3A_474 : i32 to vector<16xi32>
            %add3A_476 = arith.addi %add3A_19, %add3A_475 : vector<16xi32>
            %mul3A_477 = arith.constant 16 : i32
            %mul3A_478 = arith.muli %scan3A_471, %mul3A_477 : i32
            %swap3A_479 = arith.index_cast %mul3A_478 : i32 to index
            %swap3A_480 = tpu.vector_load %arg14[%swap3A_479] {strides = array<i32>} : memref<256xi32, #tpu.memory_space<vmem>>, vector<16xi32>,
            tpu.vector_store %arg14[%swap3A_479], %add3A_476 {strides = array<i32>} : memref<256xi32, #tpu.memory_space<vmem>>, vector<16xi32>,
            %scan3A_481 = arith.constant 0 : i32
            scf.yield %scan3A_481 : i32
          }
          %scan3A_469 = arith.constant 16 : i32
          %cond3A_470 = arith.constant 0 : i32
          scf.yield %cond3A_470 : i32
        } else {
          scf.yield %add3A_459 : i32
        }
        scf.yield %cond3A_462 : i32
      }
      %add3A_358 = arith.constant 2 : i32
      %add3A_359 = arith.addi %mul3A_333, %add3A_358 : i32
      %sub3A_360 = arith.constant 1 : i32
      %sub3A_361 = arith.subi %add3A_39, %sub3A_360 : i32
      %min3A_362 = arith.minsi %add3A_359, %sub3A_361 : i32
      %mul3A_363 = arith.constant 32 : i32
      %mul3A_364 = arith.muli %min3A_362, %mul3A_363 : i32
      %add3A_365 = arith.addi %add3A, %mul3A_364 : i32
      %mul3A_366 = arith.constant 512 : i32
      %mul3A_367 = arith.muli %add3A_365, %mul3A_366 : i32
      %dma_start3A_368 = arith.constant 0 : i32
      %dma_start3A_369 = arith.constant 0 : i32
      %dma_start3A_370 = tpu.memref_slice %arg2[%dma_start3A_368, %dma_start3A_369, %mul3A_367] : memref<4x8x1000000xf32, #tpu.memory_space<hbm>> -> memref<4x8x512xf32, #tpu.memory_space<hbm>>
      %dma_start3A_371 = arith.constant 0 : i32
      %dma_start3A_372 = arith.constant 0 : i32
      %dma_start3A_373 = tpu.memref_slice %arg2[%dma_start3A_371, %dma_start3A_372, %mul3A_367] : memref<4x8x1000000xf32, #tpu.memory_space<hbm>> -> memref<4x8x512xf32, #tpu.memory_space<hbm>>
      tpu.enqueue_dma source(%dma_start3A_373 : memref<4x8x512xf32, #tpu.memory_space<hbm>>) target(%arg8 : memref<4x8x512xf32, #tpu.memory_space<vmem>>) target_semaphore(%arg16 : memref<!tpu.dma_semaphore, #tpu.memory_space<semaphore_mem>>)
      %dma_wait3A_374 = arith.constant 0 : i32
      %dma_wait3A_375 = arith.constant 0 : i32
      %dma_wait3A_376 = arith.constant 0 : i32
      %dma_wait3A_377 = tpu.memref_slice %arg2[%dma_wait3A_374, %dma_wait3A_375, %dma_wait3A_376] : memref<4x8x1000000xf32, #tpu.memory_space<hbm>> -> memref<4x8x512xf32, #tpu.memory_space<hbm>>
      %dma_wait3A_378 = arith.constant 0 : i32
      %dma_wait3A_379 = arith.constant 0 : i32
      %dma_wait3A_380 = arith.constant 0 : i32
      %dma_wait3A_381 = tpu.memref_slice %arg2[%dma_wait3A_378, %dma_wait3A_379, %dma_wait3A_380] : memref<4x8x1000000xf32, #tpu.memory_space<hbm>> -> memref<4x8x512xf32, #tpu.memory_space<hbm>>
      tpu.wait_dma2 semaphore(%arg17 : memref<!tpu.dma_semaphore, #tpu.memory_space<semaphore_mem>>) src(%dma_wait3A_381 : memref<4x8x512xf32, #tpu.memory_space<hbm>>) dst(%arg9 : memref<4x8x512xf32, #tpu.memory_space<vmem>>)
      %add3A_382 = arith.constant 1 : i32
      %add3A_383 = arith.addi %mul3A_333, %add3A_382 : i32
      %mul3A_384 = arith.constant 32 : i32
      %mul3A_385 = arith.muli %add3A_383, %mul3A_384 : i32
      %add3A_386 = arith.addi %add3A, %mul3A_385 : i32
      %mul3A_387 = arith.constant 512 : i32
      %mul3A_388 = arith.muli %add3A_386, %mul3A_387 : i32
      %while3A_389 = arith.constant 0 : i32
      %while3A_390 = arith.subi %select_n3A_100, %while3A_389 : i32
      %while3A_391 = arith.addi %while3A_389, %while3A_390 : i32
      %while3A_392 = arith.constant 1 : i32
      %while3A_393 = arith.divsi %while3A_390, %while3A_392 : i32
      %while3A_394 = arith.muli %while3A_393, %while3A_392 : i32
      %while3A_395 = arith.addi %while3A_389, %while3A_394 : i32
      %while3A_396 = arith.constant 1 : i32
      %while3A_397 = scf.for %while3A_416 = %while3A_389 to %while3A_395 step %while3A_396 iter_args(%while3A_417 = %while3A_357) -> (i32)  : i32 {
        %mul3A_418 = arith.constant 16 : i32
        %mul3A_419 = arith.muli %while3A_416, %mul3A_418 : i32
        %get3A = arith.index_cast %mul3A_419 : i32 to index
        %get3A_420 = tpu.vector_load %arg11[%get3A] {strides = array<i32>} : memref<16384xi32, #tpu.memory_space<vmem>>, vector<16xi32>,
        %mul3A_421 = arith.constant 16 : i32
        %mul3A_422 = arith.muli %while3A_416, %mul3A_421 : i32
        %get3A_423 = arith.index_cast %mul3A_422 : i32 to index
        %get3A_424 = tpu.vector_load %arg12[%get3A_423] {strides = array<i32>} : memref<16384xi32, #tpu.memory_space<vmem>>, vector<16xi32>,
        %shift_right_logical3A_425 = arith.constant 9 : i32
        %shift_right_logical3A_426 = vector.broadcast %shift_right_logical3A_425 : i32 to vector<16xi32>
        %shift_right_logical3A_427 = arith.shrui %get3A_420, %shift_right_logical3A_426 : vector<16xi32>
        %eq3A = vector.broadcast %add3A_386 : i32 to vector<16xi32>
        %eq3A_428 = arith.cmpi eq, %shift_right_logical3A_427, %eq3A : vector<16xi32>
        %mul3A_429 = arith.constant 16 : i32
        %mul3A_430 = arith.muli %while3A_416, %mul3A_429 : i32
        %add3A_431 = vector.broadcast %mul3A_430 : i32 to vector<16xi32>
        %add3A_432 = arith.addi %add3A_431, %iota3A_13 : vector<16xi32>
        %lt3A = vector.broadcast %scan3A_73 : i32 to vector<16xi32>
        %lt3A_433 = arith.cmpi slt, %add3A_432, %lt3A : vector<16xi32>
        %and3A_434 = arith.andi %eq3A_428, %lt3A_433 : vector<16xi1>
        %all_reduce_population_count3A = tpu.all_reduce %and3A_434 {dim = 0 : i64, kind = #tpu.reduction_kind<sum>} : vector<16xi1> -> vector<16xi32>
        %reduce_max3A = arith.constant true
        %reduce_max3A_435 = vector.broadcast %reduce_max3A : i1 to vector<16xi1>
        %reduce_max3A_436 = arith.constant -2147483648 : i32
        %reduce_max3A_437 = vector.broadcast %reduce_max3A_436 : i32 to vector<16xi32>
        %reduce_max3A_438 = arith.xori %all_reduce_population_count3A, %reduce_max3A_437 : vector<16xi32>
        %reduce_max3A_439 = tpu.scan <max>, %reduce_max3A_438 masked %reduce_max3A_435 : vector<16xi32>, vector<16xi1> -> vector<16xi32>
        %reduce_max3A_440 = arith.xori %reduce_max3A_439, %reduce_max3A_437 : vector<16xi32>
        %reduce_max3A_441 = vector.extract %reduce_max3A_440[15] : i32 from vector<16xi32>
        %sub3A_442 = vector.broadcast %mul3A_388 : i32 to vector<16xi32>
        %sub3A_443 = arith.subi %get3A_420, %sub3A_442 : vector<16xi32>
        %swap3A = arith.index_cast %while3A_417 : i32 to index
        %swap3A_444 = tpu.vector_load %arg13[%swap3A] masked %and3A_434 {strides = array<i32>} : memref<272xi32, #tpu.memory_space<vmem>>, vector<16xi32>, vector<16xi1>
        tpu.vector_store %arg13[%swap3A], %sub3A_443 masked %and3A_434 {strides = array<i32>} : memref<272xi32, #tpu.memory_space<vmem>>, vector<16xi32>, vector<16xi1>
        %swap3A_445 = arith.index_cast %while3A_417 : i32 to index
        %swap3A_446 = tpu.vector_load %arg14[%swap3A_445] masked %and3A_434 {strides = array<i32>} : memref<256xi32, #tpu.memory_space<vmem>>, vector<16xi32>, vector<16xi1>
        tpu.vector_store %arg14[%swap3A_445], %get3A_424 masked %and3A_434 {strides = array<i32>} : memref<256xi32, #tpu.memory_space<vmem>>, vector<16xi32>, vector<16xi1>
        %add3A_447 = arith.addi %while3A_417, %reduce_max3A_441 : i32
        %while3A_448 = arith.constant 0 : i32
        %while3A_449 = arith.subi %add3A_447, %while3A_417 : i32
        %while3A_450 = arith.addi %while3A_417, %while3A_449 : i32
        %while3A_451 = arith.constant 1 : i32
        %while3A_452 = arith.divsi %while3A_449, %while3A_451 : i32
        %while3A_453 = arith.muli %while3A_452, %while3A_451 : i32
        %while3A_454 = arith.addi %while3A_417, %while3A_453 : i32
        %while3A_455 = arith.constant 1 : i32
        %while3A_456 = scf.for %while3A_463 = %while3A_417 to %while3A_454 step %while3A_455 iter_args(%while3A_464 = %while3A_448) -> (i32)  : i32 {
          %get3A_465 = arith.index_cast %while3A_463 : i32 to index
          %get3A_466 = tpu.vector_load %arg13[%get3A_465] {strides = array<i32>} : memref<272xi32, #tpu.memory_space<vmem>>, vector<16xi32>,
          %broadcast_in_dim3A = arith.constant 0 : i32
          %broadcast_in_dim3A_467 = vector.broadcast %broadcast_in_dim3A : i32 to vector<16x1xi32>
          %gather3A = vector.shape_cast %broadcast_in_dim3A_467 : vector<16x1xi32> to vector<16xi32>
          %gather3A_468 = tpu.dynamic_gather %get3A_466[%gather3A] in [0] : vector<16xi32>, vector<16xi32> -> vector<16xi32>
          %gather3A_469 = tpu.vector_load_idx %arg9[%shift_right_logical3A_102, %and3A_105, %gather3A_468] : memref<4x8x512xf32, #tpu.memory_space<vmem>>[vector<16xi32>, vector<16xi32>, vector<16xi32>], vector<16xf32>,
          %add3A_470 = arith.constant 2 : i32
          %add3A_471 = vector.broadcast %add3A_470 : i32 to vector<16xi32>
          %add3A_472 = arith.addi %shift_right_logical3A_102, %add3A_471 : vector<16xi32>
          %gather3A_473 = tpu.vector_load_idx %arg9[%add3A_472, %and3A_105, %gather3A_468] : memref<4x8x512xf32, #tpu.memory_space<vmem>>[vector<16xi32>, vector<16xi32>, vector<16xi32>], vector<16xf32>,
          %swap3A_474 = arith.constant 0 : i32
          %swap3A_475 = tpu.memref_slice %arg15[%while3A_463, %swap3A_474] : memref<256x128xf32, #tpu.memory_space<vmem>> -> memref<1x128xf32, #tpu.memory_space<vmem>>
          %swap3A_476 = tpu.memref_squeeze %swap3A_475 : memref<1x128xf32, #tpu.memory_space<vmem>> -> memref<128xf32, #tpu.memory_space<vmem>>
          %swap3A_477 = arith.constant 0 : index
          %swap3A_478 = tpu.vector_load %swap3A_476[%swap3A_477] {strides = array<i32>} : memref<128xf32, #tpu.memory_space<vmem>>, vector<16xf32>,
          tpu.vector_store %swap3A_476[%swap3A_477], %gather3A_469 {strides = array<i32>} : memref<128xf32, #tpu.memory_space<vmem>>, vector<16xf32>,
          %swap3A_479 = arith.constant 0 : i32
          %swap3A_480 = tpu.memref_slice %arg15[%while3A_463, %swap3A_479] : memref<256x128xf32, #tpu.memory_space<vmem>> -> memref<1x128xf32, #tpu.memory_space<vmem>>
          %swap3A_481 = tpu.memref_squeeze %swap3A_480 : memref<1x128xf32, #tpu.memory_space<vmem>> -> memref<128xf32, #tpu.memory_space<vmem>>
          %swap3A_482 = arith.constant 16 : index
          %swap3A_483 = tpu.vector_load %swap3A_481[%swap3A_482] {strides = array<i32>} : memref<128xf32, #tpu.memory_space<vmem>>, vector<16xf32>,
          tpu.vector_store %swap3A_481[%swap3A_482], %gather3A_473 {strides = array<i32>} : memref<128xf32, #tpu.memory_space<vmem>>, vector<16xf32>,
          %while3A_484 = arith.constant 0 : i32
          scf.yield %while3A_484 : i32
        }
        %while3A_457 = arith.constant 1 : i32
        %while3A_458 = scf.for %while3A_463 = %while3A_454 to %while3A_450 step %while3A_457 iter_args(%while3A_464 = %while3A_456) -> (i32)  : i32 {
          %get3A_465 = arith.index_cast %while3A_463 : i32 to index
          %get3A_466 = tpu.vector_load %arg13[%get3A_465] {strides = array<i32>} : memref<272xi32, #tpu.memory_space<vmem>>, vector<16xi32>,
          %broadcast_in_dim3A = arith.constant 0 : i32
          %broadcast_in_dim3A_467 = vector.broadcast %broadcast_in_dim3A : i32 to vector<16x1xi32>
          %gather3A = vector.shape_cast %broadcast_in_dim3A_467 : vector<16x1xi32> to vector<16xi32>
          %gather3A_468 = tpu.dynamic_gather %get3A_466[%gather3A] in [0] : vector<16xi32>, vector<16xi32> -> vector<16xi32>
          %gather3A_469 = tpu.vector_load_idx %arg9[%shift_right_logical3A_102, %and3A_105, %gather3A_468] : memref<4x8x512xf32, #tpu.memory_space<vmem>>[vector<16xi32>, vector<16xi32>, vector<16xi32>], vector<16xf32>,
          %add3A_470 = arith.constant 2 : i32
          %add3A_471 = vector.broadcast %add3A_470 : i32 to vector<16xi32>
          %add3A_472 = arith.addi %shift_right_logical3A_102, %add3A_471 : vector<16xi32>
          %gather3A_473 = tpu.vector_load_idx %arg9[%add3A_472, %and3A_105, %gather3A_468] : memref<4x8x512xf32, #tpu.memory_space<vmem>>[vector<16xi32>, vector<16xi32>, vector<16xi32>], vector<16xf32>,
          %swap3A_474 = arith.constant 0 : i32
          %swap3A_475 = tpu.memref_slice %arg15[%while3A_463, %swap3A_474] : memref<256x128xf32, #tpu.memory_space<vmem>> -> memref<1x128xf32, #tpu.memory_space<vmem>>
          %swap3A_476 = tpu.memref_squeeze %swap3A_475 : memref<1x128xf32, #tpu.memory_space<vmem>> -> memref<128xf32, #tpu.memory_space<vmem>>
          %swap3A_477 = arith.constant 0 : index
          %swap3A_478 = tpu.vector_load %swap3A_476[%swap3A_477] {strides = array<i32>} : memref<128xf32, #tpu.memory_space<vmem>>, vector<16xf32>,
          tpu.vector_store %swap3A_476[%swap3A_477], %gather3A_469 {strides = array<i32>} : memref<128xf32, #tpu.memory_space<vmem>>, vector<16xf32>,
          %swap3A_479 = arith.constant 0 : i32
          %swap3A_480 = tpu.memref_slice %arg15[%while3A_463, %swap3A_479] : memref<256x128xf32, #tpu.memory_space<vmem>> -> memref<1x128xf32, #tpu.memory_space<vmem>>
          %swap3A_481 = tpu.memref_squeeze %swap3A_480 : memref<1x128xf32, #tpu.memory_space<vmem>> -> memref<128xf32, #tpu.memory_space<vmem>>
          %swap3A_482 = arith.constant 16 : index
          %swap3A_483 = tpu.vector_load %swap3A_481[%swap3A_482] {strides = array<i32>} : memref<128xf32, #tpu.memory_space<vmem>>, vector<16xf32>,
          tpu.vector_store %swap3A_481[%swap3A_482], %gather3A_473 {strides = array<i32>} : memref<128xf32, #tpu.memory_space<vmem>>, vector<16xf32>,
          %while3A_484 = arith.constant 0 : i32
          scf.yield %while3A_484 : i32
        }
        %add3A_459 = arith.addi %while3A_417, %reduce_max3A_441 : i32
        %ge3A = arith.constant 240 : i32
        %ge3A_460 = arith.cmpi sge, %add3A_459, %ge3A : i32
        %convert_element_type3A = arith.extui %ge3A_460 : i1 to i32
        %cond3A = arith.constant 0 : i32
        %cond3A_461 = arith.cmpi ne, %convert_element_type3A, %cond3A : i32
        %cond3A_462 = scf.if %cond3A_461 -> (i32) {
          "tpu.region"() ({
            %run_scoped3A = tpu.sem_alloc : memref<!tpu.dma_semaphore, #tpu.memory_space<semaphore_mem>>
            %dma_start3A_471 = arith.constant 0 : i32
            %dma_start3A_472 = arith.constant 0 : i32
            %dma_start3A_473 = tpu.memref_slice %arg6[%dma_start3A_471, %dma_start3A_472] : memref<24576x128xf32, #tpu.memory_space<hbm>> -> memref<24576x128xf32, #tpu.memory_space<hbm>>
            tpu.enqueue_indirect_dma source(%arg15 : memref<256x128xf32, #tpu.memory_space<vmem>>) target(%dma_start3A_473 : memref<24576x128xf32, #tpu.memory_space<hbm>>) offsets(%arg14 : memref<256xi32, #tpu.memory_space<vmem>>) semaphore(%run_scoped3A : memref<!tpu.dma_semaphore, #tpu.memory_space<semaphore_mem>>)
            %dma_wait3A_474 = arith.constant 0 : i32
            %dma_wait3A_475 = arith.constant 0 : i32
            %dma_wait3A_476 = tpu.memref_slice %arg6[%dma_wait3A_474, %dma_wait3A_475] : memref<24576x128xf32, #tpu.memory_space<hbm>> -> memref<24576x128xf32, #tpu.memory_space<hbm>>
            tpu.wait_indirect_dma semaphore(%run_scoped3A : memref<!tpu.dma_semaphore, #tpu.memory_space<semaphore_mem>>) src(%arg15 : memref<256x128xf32, #tpu.memory_space<vmem>>) dst(%dma_wait3A_476 : memref<24576x128xf32, #tpu.memory_space<hbm>>)
            tpu.yield
          }) : () -> ()
          %scan3A_463 = arith.constant 0 : i32
          %scan3A_464 = arith.constant 0 : i32
          %scan3A_465 = arith.constant 16 : i32
          %scan3A_466 = arith.addi %scan3A_464, %scan3A_465 : i32
          %scan3A_467 = arith.constant 1 : i32
          %scan3A_468 = scf.for %scan3A_471 = %scan3A_464 to %scan3A_466 step %scan3A_467 iter_args(%scan3A_472 = %scan3A_463) -> (i32)  : i32 {
            %mul3A_473 = arith.constant 16 : i32
            %mul3A_474 = arith.muli %scan3A_471, %mul3A_473 : i32
            %add3A_475 = vector.broadcast %mul3A_474 : i32 to vector<16xi32>
            %add3A_476 = arith.addi %add3A_19, %add3A_475 : vector<16xi32>
            %mul3A_477 = arith.constant 16 : i32
            %mul3A_478 = arith.muli %scan3A_471, %mul3A_477 : i32
            %swap3A_479 = arith.index_cast %mul3A_478 : i32 to index
            %swap3A_480 = tpu.vector_load %arg14[%swap3A_479] {strides = array<i32>} : memref<256xi32, #tpu.memory_space<vmem>>, vector<16xi32>,
            tpu.vector_store %arg14[%swap3A_479], %add3A_476 {strides = array<i32>} : memref<256xi32, #tpu.memory_space<vmem>>, vector<16xi32>,
            %scan3A_481 = arith.constant 0 : i32
            scf.yield %scan3A_481 : i32
          }
          %scan3A_469 = arith.constant 16 : i32
          %cond3A_470 = arith.constant 0 : i32
          scf.yield %cond3A_470 : i32
        } else {
          scf.yield %add3A_459 : i32
        }
        scf.yield %cond3A_462 : i32
      }
      %while3A_398 = arith.constant 1 : i32
      %while3A_399 = scf.for %while3A_416 = %while3A_395 to %while3A_391 step %while3A_398 iter_args(%while3A_417 = %while3A_397) -> (i32)  : i32 {
        %mul3A_418 = arith.constant 16 : i32
        %mul3A_419 = arith.muli %while3A_416, %mul3A_418 : i32
        %get3A = arith.index_cast %mul3A_419 : i32 to index
        %get3A_420 = tpu.vector_load %arg11[%get3A] {strides = array<i32>} : memref<16384xi32, #tpu.memory_space<vmem>>, vector<16xi32>,
        %mul3A_421 = arith.constant 16 : i32
        %mul3A_422 = arith.muli %while3A_416, %mul3A_421 : i32
        %get3A_423 = arith.index_cast %mul3A_422 : i32 to index
        %get3A_424 = tpu.vector_load %arg12[%get3A_423] {strides = array<i32>} : memref<16384xi32, #tpu.memory_space<vmem>>, vector<16xi32>,
        %shift_right_logical3A_425 = arith.constant 9 : i32
        %shift_right_logical3A_426 = vector.broadcast %shift_right_logical3A_425 : i32 to vector<16xi32>
        %shift_right_logical3A_427 = arith.shrui %get3A_420, %shift_right_logical3A_426 : vector<16xi32>
        %eq3A = vector.broadcast %add3A_386 : i32 to vector<16xi32>
        %eq3A_428 = arith.cmpi eq, %shift_right_logical3A_427, %eq3A : vector<16xi32>
        %mul3A_429 = arith.constant 16 : i32
        %mul3A_430 = arith.muli %while3A_416, %mul3A_429 : i32
        %add3A_431 = vector.broadcast %mul3A_430 : i32 to vector<16xi32>
        %add3A_432 = arith.addi %add3A_431, %iota3A_13 : vector<16xi32>
        %lt3A = vector.broadcast %scan3A_73 : i32 to vector<16xi32>
        %lt3A_433 = arith.cmpi slt, %add3A_432, %lt3A : vector<16xi32>
        %and3A_434 = arith.andi %eq3A_428, %lt3A_433 : vector<16xi1>
        %all_reduce_population_count3A = tpu.all_reduce %and3A_434 {dim = 0 : i64, kind = #tpu.reduction_kind<sum>} : vector<16xi1> -> vector<16xi32>
        %reduce_max3A = arith.constant true
        %reduce_max3A_435 = vector.broadcast %reduce_max3A : i1 to vector<16xi1>
        %reduce_max3A_436 = arith.constant -2147483648 : i32
        %reduce_max3A_437 = vector.broadcast %reduce_max3A_436 : i32 to vector<16xi32>
        %reduce_max3A_438 = arith.xori %all_reduce_population_count3A, %reduce_max3A_437 : vector<16xi32>
        %reduce_max3A_439 = tpu.scan <max>, %reduce_max3A_438 masked %reduce_max3A_435 : vector<16xi32>, vector<16xi1> -> vector<16xi32>
        %reduce_max3A_440 = arith.xori %reduce_max3A_439, %reduce_max3A_437 : vector<16xi32>
        %reduce_max3A_441 = vector.extract %reduce_max3A_440[15] : i32 from vector<16xi32>
        %sub3A_442 = vector.broadcast %mul3A_388 : i32 to vector<16xi32>
        %sub3A_443 = arith.subi %get3A_420, %sub3A_442 : vector<16xi32>
        %swap3A = arith.index_cast %while3A_417 : i32 to index
        %swap3A_444 = tpu.vector_load %arg13[%swap3A] masked %and3A_434 {strides = array<i32>} : memref<272xi32, #tpu.memory_space<vmem>>, vector<16xi32>, vector<16xi1>
        tpu.vector_store %arg13[%swap3A], %sub3A_443 masked %and3A_434 {strides = array<i32>} : memref<272xi32, #tpu.memory_space<vmem>>, vector<16xi32>, vector<16xi1>
        %swap3A_445 = arith.index_cast %while3A_417 : i32 to index
        %swap3A_446 = tpu.vector_load %arg14[%swap3A_445] masked %and3A_434 {strides = array<i32>} : memref<256xi32, #tpu.memory_space<vmem>>, vector<16xi32>, vector<16xi1>
        tpu.vector_store %arg14[%swap3A_445], %get3A_424 masked %and3A_434 {strides = array<i32>} : memref<256xi32, #tpu.memory_space<vmem>>, vector<16xi32>, vector<16xi1>
        %add3A_447 = arith.addi %while3A_417, %reduce_max3A_441 : i32
        %while3A_448 = arith.constant 0 : i32
        %while3A_449 = arith.subi %add3A_447, %while3A_417 : i32
        %while3A_450 = arith.addi %while3A_417, %while3A_449 : i32
        %while3A_451 = arith.constant 1 : i32
        %while3A_452 = arith.divsi %while3A_449, %while3A_451 : i32
        %while3A_453 = arith.muli %while3A_452, %while3A_451 : i32
        %while3A_454 = arith.addi %while3A_417, %while3A_453 : i32
        %while3A_455 = arith.constant 1 : i32
        %while3A_456 = scf.for %while3A_463 = %while3A_417 to %while3A_454 step %while3A_455 iter_args(%while3A_464 = %while3A_448) -> (i32)  : i32 {
          %get3A_465 = arith.index_cast %while3A_463 : i32 to index
          %get3A_466 = tpu.vector_load %arg13[%get3A_465] {strides = array<i32>} : memref<272xi32, #tpu.memory_space<vmem>>, vector<16xi32>,
          %broadcast_in_dim3A = arith.constant 0 : i32
          %broadcast_in_dim3A_467 = vector.broadcast %broadcast_in_dim3A : i32 to vector<16x1xi32>
          %gather3A = vector.shape_cast %broadcast_in_dim3A_467 : vector<16x1xi32> to vector<16xi32>
          %gather3A_468 = tpu.dynamic_gather %get3A_466[%gather3A] in [0] : vector<16xi32>, vector<16xi32> -> vector<16xi32>
          %gather3A_469 = tpu.vector_load_idx %arg9[%shift_right_logical3A_102, %and3A_105, %gather3A_468] : memref<4x8x512xf32, #tpu.memory_space<vmem>>[vector<16xi32>, vector<16xi32>, vector<16xi32>], vector<16xf32>,
          %add3A_470 = arith.constant 2 : i32
          %add3A_471 = vector.broadcast %add3A_470 : i32 to vector<16xi32>
          %add3A_472 = arith.addi %shift_right_logical3A_102, %add3A_471 : vector<16xi32>
          %gather3A_473 = tpu.vector_load_idx %arg9[%add3A_472, %and3A_105, %gather3A_468] : memref<4x8x512xf32, #tpu.memory_space<vmem>>[vector<16xi32>, vector<16xi32>, vector<16xi32>], vector<16xf32>,
          %swap3A_474 = arith.constant 0 : i32
          %swap3A_475 = tpu.memref_slice %arg15[%while3A_463, %swap3A_474] : memref<256x128xf32, #tpu.memory_space<vmem>> -> memref<1x128xf32, #tpu.memory_space<vmem>>
          %swap3A_476 = tpu.memref_squeeze %swap3A_475 : memref<1x128xf32, #tpu.memory_space<vmem>> -> memref<128xf32, #tpu.memory_space<vmem>>
          %swap3A_477 = arith.constant 0 : index
          %swap3A_478 = tpu.vector_load %swap3A_476[%swap3A_477] {strides = array<i32>} : memref<128xf32, #tpu.memory_space<vmem>>, vector<16xf32>,
          tpu.vector_store %swap3A_476[%swap3A_477], %gather3A_469 {strides = array<i32>} : memref<128xf32, #tpu.memory_space<vmem>>, vector<16xf32>,
          %swap3A_479 = arith.constant 0 : i32
          %swap3A_480 = tpu.memref_slice %arg15[%while3A_463, %swap3A_479] : memref<256x128xf32, #tpu.memory_space<vmem>> -> memref<1x128xf32, #tpu.memory_space<vmem>>
          %swap3A_481 = tpu.memref_squeeze %swap3A_480 : memref<1x128xf32, #tpu.memory_space<vmem>> -> memref<128xf32, #tpu.memory_space<vmem>>
          %swap3A_482 = arith.constant 16 : index
          %swap3A_483 = tpu.vector_load %swap3A_481[%swap3A_482] {strides = array<i32>} : memref<128xf32, #tpu.memory_space<vmem>>, vector<16xf32>,
          tpu.vector_store %swap3A_481[%swap3A_482], %gather3A_473 {strides = array<i32>} : memref<128xf32, #tpu.memory_space<vmem>>, vector<16xf32>,
          %while3A_484 = arith.constant 0 : i32
          scf.yield %while3A_484 : i32
        }
        %while3A_457 = arith.constant 1 : i32
        %while3A_458 = scf.for %while3A_463 = %while3A_454 to %while3A_450 step %while3A_457 iter_args(%while3A_464 = %while3A_456) -> (i32)  : i32 {
          %get3A_465 = arith.index_cast %while3A_463 : i32 to index
          %get3A_466 = tpu.vector_load %arg13[%get3A_465] {strides = array<i32>} : memref<272xi32, #tpu.memory_space<vmem>>, vector<16xi32>,
          %broadcast_in_dim3A = arith.constant 0 : i32
          %broadcast_in_dim3A_467 = vector.broadcast %broadcast_in_dim3A : i32 to vector<16x1xi32>
          %gather3A = vector.shape_cast %broadcast_in_dim3A_467 : vector<16x1xi32> to vector<16xi32>
          %gather3A_468 = tpu.dynamic_gather %get3A_466[%gather3A] in [0] : vector<16xi32>, vector<16xi32> -> vector<16xi32>
          %gather3A_469 = tpu.vector_load_idx %arg9[%shift_right_logical3A_102, %and3A_105, %gather3A_468] : memref<4x8x512xf32, #tpu.memory_space<vmem>>[vector<16xi32>, vector<16xi32>, vector<16xi32>], vector<16xf32>,
          %add3A_470 = arith.constant 2 : i32
          %add3A_471 = vector.broadcast %add3A_470 : i32 to vector<16xi32>
          %add3A_472 = arith.addi %shift_right_logical3A_102, %add3A_471 : vector<16xi32>
          %gather3A_473 = tpu.vector_load_idx %arg9[%add3A_472, %and3A_105, %gather3A_468] : memref<4x8x512xf32, #tpu.memory_space<vmem>>[vector<16xi32>, vector<16xi32>, vector<16xi32>], vector<16xf32>,
          %swap3A_474 = arith.constant 0 : i32
          %swap3A_475 = tpu.memref_slice %arg15[%while3A_463, %swap3A_474] : memref<256x128xf32, #tpu.memory_space<vmem>> -> memref<1x128xf32, #tpu.memory_space<vmem>>
          %swap3A_476 = tpu.memref_squeeze %swap3A_475 : memref<1x128xf32, #tpu.memory_space<vmem>> -> memref<128xf32, #tpu.memory_space<vmem>>
          %swap3A_477 = arith.constant 0 : index
          %swap3A_478 = tpu.vector_load %swap3A_476[%swap3A_477] {strides = array<i32>} : memref<128xf32, #tpu.memory_space<vmem>>, vector<16xf32>,
          tpu.vector_store %swap3A_476[%swap3A_477], %gather3A_469 {strides = array<i32>} : memref<128xf32, #tpu.memory_space<vmem>>, vector<16xf32>,
          %swap3A_479 = arith.constant 0 : i32
          %swap3A_480 = tpu.memref_slice %arg15[%while3A_463, %swap3A_479] : memref<256x128xf32, #tpu.memory_space<vmem>> -> memref<1x128xf32, #tpu.memory_space<vmem>>
          %swap3A_481 = tpu.memref_squeeze %swap3A_480 : memref<1x128xf32, #tpu.memory_space<vmem>> -> memref<128xf32, #tpu.memory_space<vmem>>
          %swap3A_482 = arith.constant 16 : index
          %swap3A_483 = tpu.vector_load %swap3A_481[%swap3A_482] {strides = array<i32>} : memref<128xf32, #tpu.memory_space<vmem>>, vector<16xf32>,
          tpu.vector_store %swap3A_481[%swap3A_482], %gather3A_473 {strides = array<i32>} : memref<128xf32, #tpu.memory_space<vmem>>, vector<16xf32>,
          %while3A_484 = arith.constant 0 : i32
          scf.yield %while3A_484 : i32
        }
        %add3A_459 = arith.addi %while3A_417, %reduce_max3A_441 : i32
        %ge3A = arith.constant 240 : i32
        %ge3A_460 = arith.cmpi sge, %add3A_459, %ge3A : i32
        %convert_element_type3A = arith.extui %ge3A_460 : i1 to i32
        %cond3A = arith.constant 0 : i32
        %cond3A_461 = arith.cmpi ne, %convert_element_type3A, %cond3A : i32
        %cond3A_462 = scf.if %cond3A_461 -> (i32) {
          "tpu.region"() ({
            %run_scoped3A = tpu.sem_alloc : memref<!tpu.dma_semaphore, #tpu.memory_space<semaphore_mem>>
            %dma_start3A_471 = arith.constant 0 : i32
            %dma_start3A_472 = arith.constant 0 : i32
            %dma_start3A_473 = tpu.memref_slice %arg6[%dma_start3A_471, %dma_start3A_472] : memref<24576x128xf32, #tpu.memory_space<hbm>> -> memref<24576x128xf32, #tpu.memory_space<hbm>>
            tpu.enqueue_indirect_dma source(%arg15 : memref<256x128xf32, #tpu.memory_space<vmem>>) target(%dma_start3A_473 : memref<24576x128xf32, #tpu.memory_space<hbm>>) offsets(%arg14 : memref<256xi32, #tpu.memory_space<vmem>>) semaphore(%run_scoped3A : memref<!tpu.dma_semaphore, #tpu.memory_space<semaphore_mem>>)
            %dma_wait3A_474 = arith.constant 0 : i32
            %dma_wait3A_475 = arith.constant 0 : i32
            %dma_wait3A_476 = tpu.memref_slice %arg6[%dma_wait3A_474, %dma_wait3A_475] : memref<24576x128xf32, #tpu.memory_space<hbm>> -> memref<24576x128xf32, #tpu.memory_space<hbm>>
            tpu.wait_indirect_dma semaphore(%run_scoped3A : memref<!tpu.dma_semaphore, #tpu.memory_space<semaphore_mem>>) src(%arg15 : memref<256x128xf32, #tpu.memory_space<vmem>>) dst(%dma_wait3A_476 : memref<24576x128xf32, #tpu.memory_space<hbm>>)
            tpu.yield
          }) : () -> ()
          %scan3A_463 = arith.constant 0 : i32
          %scan3A_464 = arith.constant 0 : i32
          %scan3A_465 = arith.constant 16 : i32
          %scan3A_466 = arith.addi %scan3A_464, %scan3A_465 : i32
          %scan3A_467 = arith.constant 1 : i32
          %scan3A_468 = scf.for %scan3A_471 = %scan3A_464 to %scan3A_466 step %scan3A_467 iter_args(%scan3A_472 = %scan3A_463) -> (i32)  : i32 {
            %mul3A_473 = arith.constant 16 : i32
            %mul3A_474 = arith.muli %scan3A_471, %mul3A_473 : i32
            %add3A_475 = vector.broadcast %mul3A_474 : i32 to vector<16xi32>
            %add3A_476 = arith.addi %add3A_19, %add3A_475 : vector<16xi32>
            %mul3A_477 = arith.constant 16 : i32
            %mul3A_478 = arith.muli %scan3A_471, %mul3A_477 : i32
            %swap3A_479 = arith.index_cast %mul3A_478 : i32 to index
            %swap3A_480 = tpu.vector_load %arg14[%swap3A_479] {strides = array<i32>} : memref<256xi32, #tpu.memory_space<vmem>>, vector<16xi32>,
            tpu.vector_store %arg14[%swap3A_479], %add3A_476 {strides = array<i32>} : memref<256xi32, #tpu.memory_space<vmem>>, vector<16xi32>,
            %scan3A_481 = arith.constant 0 : i32
            scf.yield %scan3A_481 : i32
          }
          %scan3A_469 = arith.constant 16 : i32
          %cond3A_470 = arith.constant 0 : i32
          scf.yield %cond3A_470 : i32
        } else {
          scf.yield %add3A_459 : i32
        }
        scf.yield %cond3A_462 : i32
      }
      %add3A_400 = arith.constant 3 : i32
      %add3A_401 = arith.addi %mul3A_333, %add3A_400 : i32
      %sub3A_402 = arith.constant 1 : i32
      %sub3A_403 = arith.subi %add3A_39, %sub3A_402 : i32
      %min3A_404 = arith.minsi %add3A_401, %sub3A_403 : i32
      %mul3A_405 = arith.constant 32 : i32
      %mul3A_406 = arith.muli %min3A_404, %mul3A_405 : i32
      %add3A_407 = arith.addi %add3A, %mul3A_406 : i32
      %mul3A_408 = arith.constant 512 : i32
      %mul3A_409 = arith.muli %add3A_407, %mul3A_408 : i32
      %dma_start3A_410 = arith.constant 0 : i32
      %dma_start3A_411 = arith.constant 0 : i32
      %dma_start3A_412 = tpu.memref_slice %arg2[%dma_start3A_410, %dma_start3A_411, %mul3A_409] : memref<4x8x1000000xf32, #tpu.memory_space<hbm>> -> memref<4x8x512xf32, #tpu.memory_space<hbm>>
      %dma_start3A_413 = arith.constant 0 : i32
      %dma_start3A_414 = arith.constant 0 : i32
      %dma_start3A_415 = tpu.memref_slice %arg2[%dma_start3A_413, %dma_start3A_414, %mul3A_409] : memref<4x8x1000000xf32, #tpu.memory_space<hbm>> -> memref<4x8x512xf32, #tpu.memory_space<hbm>>
      tpu.enqueue_dma source(%dma_start3A_415 : memref<4x8x512xf32, #tpu.memory_space<hbm>>) target(%arg9 : memref<4x8x512xf32, #tpu.memory_space<vmem>>) target_semaphore(%arg17 : memref<!tpu.dma_semaphore, #tpu.memory_space<semaphore_mem>>)
      scf.yield %while3A_399 : i32
    }
    %dma_wait3A = arith.constant 0 : i32
    %dma_wait3A_143 = arith.constant 0 : i32
    %dma_wait3A_144 = arith.constant 0 : i32
    %dma_wait3A_145 = tpu.memref_slice %arg2[%dma_wait3A, %dma_wait3A_143, %dma_wait3A_144] : memref<4x8x1000000xf32, #tpu.memory_space<hbm>> -> memref<4x8x512xf32, #tpu.memory_space<hbm>>
    %dma_wait3A_146 = arith.constant 0 : i32
    %dma_wait3A_147 = arith.constant 0 : i32
    %dma_wait3A_148 = arith.constant 0 : i32
    %dma_wait3A_149 = tpu.memref_slice %arg2[%dma_wait3A_146, %dma_wait3A_147, %dma_wait3A_148] : memref<4x8x1000000xf32, #tpu.memory_space<hbm>> -> memref<4x8x512xf32, #tpu.memory_space<hbm>>
    tpu.wait_dma2 semaphore(%arg16 : memref<!tpu.dma_semaphore, #tpu.memory_space<semaphore_mem>>) src(%dma_wait3A_149 : memref<4x8x512xf32, #tpu.memory_space<hbm>>) dst(%arg8 : memref<4x8x512xf32, #tpu.memory_space<vmem>>)
    %dma_wait3A_150 = arith.constant 0 : i32
    %dma_wait3A_151 = arith.constant 0 : i32
    %dma_wait3A_152 = arith.constant 0 : i32
    %dma_wait3A_153 = tpu.memref_slice %arg2[%dma_wait3A_150, %dma_wait3A_151, %dma_wait3A_152] : memref<4x8x1000000xf32, #tpu.memory_space<hbm>> -> memref<4x8x512xf32, #tpu.memory_space<hbm>>
    %dma_wait3A_154 = arith.constant 0 : i32
    %dma_wait3A_155 = arith.constant 0 : i32
    %dma_wait3A_156 = arith.constant 0 : i32
    %dma_wait3A_157 = tpu.memref_slice %arg2[%dma_wait3A_154, %dma_wait3A_155, %dma_wait3A_156] : memref<4x8x1000000xf32, #tpu.memory_space<hbm>> -> memref<4x8x512xf32, #tpu.memory_space<hbm>>
    tpu.wait_dma2 semaphore(%arg17 : memref<!tpu.dma_semaphore, #tpu.memory_space<semaphore_mem>>) src(%dma_wait3A_157 : memref<4x8x512xf32, #tpu.memory_space<hbm>>) dst(%arg9 : memref<4x8x512xf32, #tpu.memory_space<vmem>>)
    "tpu.region"() ({
      %run_scoped3A = tpu.sem_alloc : memref<!tpu.dma_semaphore, #tpu.memory_space<semaphore_mem>>
      %dma_start3A_330 = arith.constant 0 : i32
      %dma_start3A_331 = arith.constant 0 : i32
      %dma_start3A_332 = tpu.memref_slice %arg6[%dma_start3A_330, %dma_start3A_331] : memref<24576x128xf32, #tpu.memory_space<hbm>> -> memref<24576x128xf32, #tpu.memory_space<hbm>>
      tpu.enqueue_indirect_dma source(%arg15 : memref<256x128xf32, #tpu.memory_space<vmem>>) target(%dma_start3A_332 : memref<24576x128xf32, #tpu.memory_space<hbm>>) offsets(%arg14 : memref<256xi32, #tpu.memory_space<vmem>>) semaphore(%run_scoped3A : memref<!tpu.dma_semaphore, #tpu.memory_space<semaphore_mem>>)
      %dma_wait3A_333 = arith.constant 0 : i32
      %dma_wait3A_334 = arith.constant 0 : i32
      %dma_wait3A_335 = tpu.memref_slice %arg6[%dma_wait3A_333, %dma_wait3A_334] : memref<24576x128xf32, #tpu.memory_space<hbm>> -> memref<24576x128xf32, #tpu.memory_space<hbm>>
      tpu.wait_indirect_dma semaphore(%run_scoped3A : memref<!tpu.dma_semaphore, #tpu.memory_space<semaphore_mem>>) src(%arg15 : memref<256x128xf32, #tpu.memory_space<vmem>>) dst(%dma_wait3A_335 : memref<24576x128xf32, #tpu.memory_space<hbm>>)
      tpu.yield
    }) : () -> ()
    %scan3A_158 = arith.constant 0 : i32
    %scan3A_159 = arith.constant 0 : i32
    %scan3A_160 = arith.constant 16 : i32
    %scan3A_161 = arith.addi %scan3A_159, %scan3A_160 : i32
    %scan3A_162 = arith.constant 1 : i32
    %scan3A_163 = scf.for %scan3A_330 = %scan3A_159 to %scan3A_161 step %scan3A_162 iter_args(%scan3A_331 = %scan3A_158) -> (i32)  : i32 {
      %mul3A_332 = arith.constant 16 : i32
      %mul3A_333 = arith.muli %scan3A_330, %mul3A_332 : i32
      %add3A_334 = vector.broadcast %mul3A_333 : i32 to vector<16xi32>
      %add3A_335 = arith.addi %add3A_19, %add3A_334 : vector<16xi32>
      %mul3A_336 = arith.constant 16 : i32
      %mul3A_337 = arith.muli %scan3A_330, %mul3A_336 : i32
      %swap3A = arith.index_cast %mul3A_337 : i32 to index
      %swap3A_338 = tpu.vector_load %arg14[%swap3A] {strides = array<i32>} : memref<256xi32, #tpu.memory_space<vmem>>, vector<16xi32>,
      tpu.vector_store %arg14[%swap3A], %add3A_335 {strides = array<i32>} : memref<256xi32, #tpu.memory_space<vmem>>, vector<16xi32>,
      %scan3A_339 = arith.constant 0 : i32
      scf.yield %scan3A_339 : i32
    }
    %scan3A_164 = arith.constant 16 : i32
    %iota3A_165 = tpu.iota {dimensions = array<i32: 0>} : vector<16xi32>
    %mul3A_166 = arith.constant 256 : i32
    %mul3A_167 = arith.muli %add3A, %mul3A_166 : i32
    %add3A_168 = arith.constant 16384 : i32
    %add3A_169 = arith.addi %add3A_168, %mul3A_167 : i32
    %add3A_170 = vector.broadcast %add3A_169 : i32 to vector<16xi32>
    %add3A_171 = arith.addi %add3A_170, %iota3A_165 : vector<16xi32>
    %sub3A_172 = arith.constant 194 : i32
    %sub3A_173 = arith.subi %sub3A_172, %add3A : i32
    %jit3A_174 = arith.constant 32 : i32
    %div3A_175 = arith.divsi %sub3A_173, %jit3A_174 : i32
    %sign3A_176 = arith.constant 0 : i32
    %sign3A_177 = arith.cmpi sgt, %sub3A_173, %sign3A_176 : i32
    %sign3A_178 = arith.extui %sign3A_177 : i1 to i32
    %sign3A_179 = arith.constant 0 : i32
    %sign3A_180 = arith.cmpi slt, %sub3A_173, %sign3A_179 : i32
    %sign3A_181 = arith.extui %sign3A_180 : i1 to i32
    %sign3A_182 = arith.subi %sign3A_178, %sign3A_181 : i32
    %sign3A_183 = arith.constant 0 : i32
    %sign3A_184 = arith.cmpi sgt, %jit3A_174, %sign3A_183 : i32
    %sign3A_185 = arith.extui %sign3A_184 : i1 to i32
    %sign3A_186 = arith.constant 0 : i32
    %sign3A_187 = arith.cmpi slt, %jit3A_174, %sign3A_186 : i32
    %sign3A_188 = arith.extui %sign3A_187 : i1 to i32
    %sign3A_189 = arith.subi %sign3A_185, %sign3A_188 : i32
    %ne3A_190 = arith.cmpi ne, %sign3A_182, %sign3A_189 : i32
    %rem3A_191 = arith.remsi %sub3A_173, %jit3A_174 : i32
    %ne3A_192 = arith.constant 0 : i32
    %ne3A_193 = arith.cmpi ne, %rem3A_191, %ne3A_192 : i32
    %and3A_194 = arith.andi %ne3A_190, %ne3A_193 : i1
    %sub3A_195 = arith.constant 1 : i32
    %sub3A_196 = arith.subi %div3A_175, %sub3A_195 : i32
    %select_n3A_197 = arith.select %and3A_194, %sub3A_196, %div3A_175 : i32
    %add3A_198 = arith.constant 1 : i32
    %add3A_199 = arith.addi %select_n3A_197, %add3A_198 : i32
    %sub3A_200 = arith.constant 1 : i32
    %sub3A_201 = arith.subi %add3A_199, %sub3A_200 : i32
    %min3A_202 = arith.constant 0 : i32
    %min3A_203 = arith.minsi %min3A_202, %sub3A_201 : i32
    %mul3A_204 = arith.constant 32 : i32
    %mul3A_205 = arith.muli %min3A_203, %mul3A_204 : i32
    %add3A_206 = arith.addi %add3A, %mul3A_205 : i32
    %mul3A_207 = arith.constant 512 : i32
    %mul3A_208 = arith.muli %add3A_206, %mul3A_207 : i32
    %dma_start3A_209 = arith.constant 0 : i32
    %dma_start3A_210 = arith.constant 0 : i32
    %dma_start3A_211 = tpu.memref_slice %arg4[%dma_start3A_209, %dma_start3A_210, %mul3A_208] : memref<4x8x100000xf32, #tpu.memory_space<hbm>> -> memref<4x8x512xf32, #tpu.memory_space<hbm>>
    %dma_start3A_212 = arith.constant 0 : i32
    %dma_start3A_213 = arith.constant 0 : i32
    %dma_start3A_214 = tpu.memref_slice %arg4[%dma_start3A_212, %dma_start3A_213, %mul3A_208] : memref<4x8x100000xf32, #tpu.memory_space<hbm>> -> memref<4x8x512xf32, #tpu.memory_space<hbm>>
    tpu.enqueue_dma source(%dma_start3A_214 : memref<4x8x512xf32, #tpu.memory_space<hbm>>) target(%arg8 : memref<4x8x512xf32, #tpu.memory_space<vmem>>) target_semaphore(%arg16 : memref<!tpu.dma_semaphore, #tpu.memory_space<semaphore_mem>>)
    %sub3A_215 = arith.constant 1 : i32
    %sub3A_216 = arith.subi %add3A_199, %sub3A_215 : i32
    %min3A_217 = arith.constant 1 : i32
    %min3A_218 = arith.minsi %min3A_217, %sub3A_216 : i32
    %mul3A_219 = arith.constant 32 : i32
    %mul3A_220 = arith.muli %min3A_218, %mul3A_219 : i32
    %add3A_221 = arith.addi %add3A, %mul3A_220 : i32
    %mul3A_222 = arith.constant 512 : i32
    %mul3A_223 = arith.muli %add3A_221, %mul3A_222 : i32
    %dma_start3A_224 = arith.constant 0 : i32
    %dma_start3A_225 = arith.constant 0 : i32
    %dma_start3A_226 = tpu.memref_slice %arg4[%dma_start3A_224, %dma_start3A_225, %mul3A_223] : memref<4x8x100000xf32, #tpu.memory_space<hbm>> -> memref<4x8x512xf32, #tpu.memory_space<hbm>>
    %dma_start3A_227 = arith.constant 0 : i32
    %dma_start3A_228 = arith.constant 0 : i32
    %dma_start3A_229 = tpu.memref_slice %arg4[%dma_start3A_227, %dma_start3A_228, %mul3A_223] : memref<4x8x100000xf32, #tpu.memory_space<hbm>> -> memref<4x8x512xf32, #tpu.memory_space<hbm>>
    tpu.enqueue_dma source(%dma_start3A_229 : memref<4x8x512xf32, #tpu.memory_space<hbm>>) target(%arg9 : memref<4x8x512xf32, #tpu.memory_space<vmem>>) target_semaphore(%arg17 : memref<!tpu.dma_semaphore, #tpu.memory_space<semaphore_mem>>)
    %scan3A_230 = arith.constant 0 : i32
    %scan3A_231 = arith.constant 0 : i32
    %scan3A_232 = arith.constant 8 : i32
    %scan3A_233 = arith.addi %scan3A_231, %scan3A_232 : i32
    %scan3A_234 = arith.constant 1 : i32
    %scan3A_235 = scf.for %scan3A_330 = %scan3A_231 to %scan3A_233 step %scan3A_234 iter_args(%scan3A_331 = %scan3A_230) -> (i32)  : i32 {
      %mul3A_332 = arith.constant 2048 : i32
      %mul3A_333 = arith.muli %scan3A_330, %mul3A_332 : i32
      "tpu.region"() ({
        %run_scoped3A = tpu.sem_alloc : memref<!tpu.dma_semaphore, #tpu.memory_space<semaphore_mem>>
        %dma_start3A_340 = tpu.memref_slice %arg5[%mul3A_333] : memref<16384xi32, #tpu.memory_space<hbm>> -> memref<2048xi32, #tpu.memory_space<hbm>>
        %dma_start3A_341 = tpu.memref_slice %arg5[%mul3A_333] : memref<16384xi32, #tpu.memory_space<hbm>> -> memref<2048xi32, #tpu.memory_space<hbm>>
        tpu.enqueue_dma source(%dma_start3A_341 : memref<2048xi32, #tpu.memory_space<hbm>>) target(%arg10 : memref<2048xi32, #tpu.memory_space<vmem>>) target_semaphore(%run_scoped3A : memref<!tpu.dma_semaphore, #tpu.memory_space<semaphore_mem>>)
        %dma_wait3A_342 = tpu.memref_slice %arg5[%mul3A_333] : memref<16384xi32, #tpu.memory_space<hbm>> -> memref<2048xi32, #tpu.memory_space<hbm>>
        %dma_wait3A_343 = tpu.memref_slice %arg5[%mul3A_333] : memref<16384xi32, #tpu.memory_space<hbm>> -> memref<2048xi32, #tpu.memory_space<hbm>>
        tpu.wait_dma2 semaphore(%run_scoped3A : memref<!tpu.dma_semaphore, #tpu.memory_space<semaphore_mem>>) src(%dma_wait3A_343 : memref<2048xi32, #tpu.memory_space<hbm>>) dst(%arg10 : memref<2048xi32, #tpu.memory_space<vmem>>)
        tpu.yield
      }) : () -> ()
      %scan3A_334 = arith.constant 0 : i32
      %scan3A_335 = arith.constant 128 : i32
      %scan3A_336 = arith.addi %scan3A_334, %scan3A_335 : i32
      %scan3A_337 = arith.constant 1 : i32
      %scan3A_338 = scf.for %scan3A_340 = %scan3A_334 to %scan3A_336 step %scan3A_337 iter_args(%scan3A_341 = %scan3A_331) -> (i32)  : i32 {
        %mul3A_342 = arith.constant 16 : i32
        %mul3A_343 = arith.muli %scan3A_340, %mul3A_342 : i32
        %get3A = arith.index_cast %mul3A_343 : i32 to index
        %get3A_344 = tpu.vector_load %arg10[%get3A] {strides = array<i32>} : memref<2048xi32, #tpu.memory_space<vmem>>, vector<16xi32>,
        %shift_right_logical3A_345 = arith.constant 9 : i32
        %shift_right_logical3A_346 = vector.broadcast %shift_right_logical3A_345 : i32 to vector<16xi32>
        %shift_right_logical3A_347 = arith.shrui %get3A_344, %shift_right_logical3A_346 : vector<16xi32>
        %and3A_348 = arith.constant 31 : i32
        %and3A_349 = vector.broadcast %and3A_348 : i32 to vector<16xi32>
        %and3A_350 = arith.andi %shift_right_logical3A_347, %and3A_349 : vector<16xi32>
        %eq3A = vector.broadcast %add3A : i32 to vector<16xi32>
        %eq3A_351 = arith.cmpi eq, %and3A_350, %eq3A : vector<16xi32>
        %lt3A = arith.constant 99840 : i32
        %lt3A_352 = vector.broadcast %lt3A : i32 to vector<16xi32>
        %lt3A_353 = arith.cmpi slt, %get3A_344, %lt3A_352 : vector<16xi32>
        %and3A_354 = arith.andi %eq3A_351, %lt3A_353 : vector<16xi1>
        %all_reduce_population_count3A = tpu.all_reduce %and3A_354 {dim = 0 : i64, kind = #tpu.reduction_kind<sum>} : vector<16xi1> -> vector<16xi32>
        %reduce_max3A = arith.constant true
        %reduce_max3A_355 = vector.broadcast %reduce_max3A : i1 to vector<16xi1>
        %reduce_max3A_356 = arith.constant -2147483648 : i32
        %reduce_max3A_357 = vector.broadcast %reduce_max3A_356 : i32 to vector<16xi32>
        %reduce_max3A_358 = arith.xori %all_reduce_population_count3A, %reduce_max3A_357 : vector<16xi32>
        %reduce_max3A_359 = tpu.scan <max>, %reduce_max3A_358 masked %reduce_max3A_355 : vector<16xi32>, vector<16xi1> -> vector<16xi32>
        %reduce_max3A_360 = arith.xori %reduce_max3A_359, %reduce_max3A_357 : vector<16xi32>
        %reduce_max3A_361 = vector.extract %reduce_max3A_360[15] : i32 from vector<16xi32>
        %mul3A_362 = arith.constant 2048 : i32
        %mul3A_363 = arith.muli %scan3A_330, %mul3A_362 : i32
        %mul3A_364 = arith.constant 16 : i32
        %mul3A_365 = arith.muli %scan3A_340, %mul3A_364 : i32
        %add3A_366 = arith.addi %mul3A_363, %mul3A_365 : i32
        %add3A_367 = vector.broadcast %add3A_366 : i32 to vector<16xi32>
        %add3A_368 = arith.addi %add3A_367, %iota3A_165 : vector<16xi32>
        %swap3A = arith.index_cast %scan3A_341 : i32 to index
        %swap3A_369 = tpu.vector_load %arg11[%swap3A] masked %and3A_354 {strides = array<i32>} : memref<16384xi32, #tpu.memory_space<vmem>>, vector<16xi32>, vector<16xi1>
        tpu.vector_store %arg11[%swap3A], %get3A_344 masked %and3A_354 {strides = array<i32>} : memref<16384xi32, #tpu.memory_space<vmem>>, vector<16xi32>, vector<16xi1>
        %swap3A_370 = arith.index_cast %scan3A_341 : i32 to index
        %swap3A_371 = tpu.vector_load %arg12[%swap3A_370] masked %and3A_354 {strides = array<i32>} : memref<16384xi32, #tpu.memory_space<vmem>>, vector<16xi32>, vector<16xi1>
        tpu.vector_store %arg12[%swap3A_370], %add3A_368 masked %and3A_354 {strides = array<i32>} : memref<16384xi32, #tpu.memory_space<vmem>>, vector<16xi32>, vector<16xi1>
        %add3A_372 = arith.addi %scan3A_341, %reduce_max3A_361 : i32
        scf.yield %add3A_372 : i32
      }
      %scan3A_339 = arith.constant 128 : i32
      scf.yield %scan3A_338 : i32
    }
    %scan3A_236 = arith.constant 8 : i32
    %add3A_237 = arith.constant 15 : i32
    %add3A_238 = arith.addi %scan3A_235, %add3A_237 : i32
    %jit3A_239 = arith.constant 16 : i32
    %div3A_240 = arith.divsi %add3A_238, %jit3A_239 : i32
    %sign3A_241 = arith.constant 0 : i32
    %sign3A_242 = arith.cmpi sgt, %add3A_238, %sign3A_241 : i32
    %sign3A_243 = arith.extui %sign3A_242 : i1 to i32
    %sign3A_244 = arith.constant 0 : i32
    %sign3A_245 = arith.cmpi slt, %add3A_238, %sign3A_244 : i32
    %sign3A_246 = arith.extui %sign3A_245 : i1 to i32
    %sign3A_247 = arith.subi %sign3A_243, %sign3A_246 : i32
    %sign3A_248 = arith.constant 0 : i32
    %sign3A_249 = arith.cmpi sgt, %jit3A_239, %sign3A_248 : i32
    %sign3A_250 = arith.extui %sign3A_249 : i1 to i32
    %sign3A_251 = arith.constant 0 : i32
    %sign3A_252 = arith.cmpi slt, %jit3A_239, %sign3A_251 : i32
    %sign3A_253 = arith.extui %sign3A_252 : i1 to i32
    %sign3A_254 = arith.subi %sign3A_250, %sign3A_253 : i32
    %ne3A_255 = arith.cmpi ne, %sign3A_247, %sign3A_254 : i32
    %rem3A_256 = arith.remsi %add3A_238, %jit3A_239 : i32
    %ne3A_257 = arith.constant 0 : i32
    %ne3A_258 = arith.cmpi ne, %rem3A_256, %ne3A_257 : i32
    %and3A_259 = arith.andi %ne3A_255, %ne3A_258 : i1
    %sub3A_260 = arith.constant 1 : i32
    %sub3A_261 = arith.subi %div3A_240, %sub3A_260 : i32
    %select_n3A_262 = arith.select %and3A_259, %sub3A_261, %div3A_240 : i32
    %shift_right_logical3A_263 = arith.constant 3 : i32
    %shift_right_logical3A_264 = vector.broadcast %shift_right_logical3A_263 : i32 to vector<16xi32>
    %shift_right_logical3A_265 = arith.shrui %iota3A_165, %shift_right_logical3A_264 : vector<16xi32>
    %and3A_266 = arith.constant 7 : i32
    %and3A_267 = vector.broadcast %and3A_266 : i32 to vector<16xi32>
    %and3A_268 = arith.andi %iota3A_165, %and3A_267 : vector<16xi32>
    %add3A_269 = arith.constant 1 : i32
    %add3A_270 = arith.addi %add3A_199, %add3A_269 : i32
    %jit3A_271 = arith.constant 2 : i32
    %div3A_272 = arith.divsi %add3A_270, %jit3A_271 : i32
    %sign3A_273 = arith.constant 0 : i32
    %sign3A_274 = arith.cmpi sgt, %add3A_270, %sign3A_273 : i32
    %sign3A_275 = arith.extui %sign3A_274 : i1 to i32
    %sign3A_276 = arith.constant 0 : i32
    %sign3A_277 = arith.cmpi slt, %add3A_270, %sign3A_276 : i32
    %sign3A_278 = arith.extui %sign3A_277 : i1 to i32
    %sign3A_279 = arith.subi %sign3A_275, %sign3A_278 : i32
    %sign3A_280 = arith.constant 0 : i32
    %sign3A_281 = arith.cmpi sgt, %jit3A_271, %sign3A_280 : i32
    %sign3A_282 = arith.extui %sign3A_281 : i1 to i32
    %sign3A_283 = arith.constant 0 : i32
    %sign3A_284 = arith.cmpi slt, %jit3A_271, %sign3A_283 : i32
    %sign3A_285 = arith.extui %sign3A_284 : i1 to i32
    %sign3A_286 = arith.subi %sign3A_282, %sign3A_285 : i32
    %ne3A_287 = arith.cmpi ne, %sign3A_279, %sign3A_286 : i32
    %rem3A_288 = arith.remsi %add3A_270, %jit3A_271 : i32
    %ne3A_289 = arith.constant 0 : i32
    %ne3A_290 = arith.cmpi ne, %rem3A_288, %ne3A_289 : i32
    %and3A_291 = arith.andi %ne3A_287, %ne3A_290 : i1
    %sub3A_292 = arith.constant 1 : i32
    %sub3A_293 = arith.subi %div3A_272, %sub3A_292 : i32
    %select_n3A_294 = arith.select %and3A_291, %sub3A_293, %div3A_272 : i32
    %while3A_295 = arith.constant 0 : i32
    %while3A_296 = arith.constant 0 : i32
    %while3A_297 = arith.subi %select_n3A_294, %while3A_295 : i32
    %while3A_298 = arith.addi %while3A_295, %while3A_297 : i32
    %while3A_299 = arith.constant 1 : i32
    %while3A_300 = arith.divsi %while3A_297, %while3A_299 : i32
    %while3A_301 = arith.muli %while3A_300, %while3A_299 : i32
    %while3A_302 = arith.addi %while3A_295, %while3A_301 : i32
    %while3A_303 = arith.constant 1 : i32
    %while3A_304 = scf.for %while3A_330 = %while3A_295 to %while3A_302 step %while3A_303 iter_args(%while3A_331 = %while3A_296) -> (i32)  : i32 {
      %mul3A_332 = arith.constant 2 : i32
      %mul3A_333 = arith.muli %mul3A_332, %while3A_330 : i32
      %dma_wait3A_334 = arith.constant 0 : i32
      %dma_wait3A_335 = arith.constant 0 : i32
      %dma_wait3A_336 = arith.constant 0 : i32
      %dma_wait3A_337 = tpu.memref_slice %arg4[%dma_wait3A_334, %dma_wait3A_335, %dma_wait3A_336] : memref<4x8x100000xf32, #tpu.memory_space<hbm>> -> memref<4x8x512xf32, #tpu.memory_space<hbm>>
      %dma_wait3A_338 = arith.constant 0 : i32
      %dma_wait3A_339 = arith.constant 0 : i32
      %dma_wait3A_340 = arith.constant 0 : i32
      %dma_wait3A_341 = tpu.memref_slice %arg4[%dma_wait3A_338, %dma_wait3A_339, %dma_wait3A_340] : memref<4x8x100000xf32, #tpu.memory_space<hbm>> -> memref<4x8x512xf32, #tpu.memory_space<hbm>>
      tpu.wait_dma2 semaphore(%arg16 : memref<!tpu.dma_semaphore, #tpu.memory_space<semaphore_mem>>) src(%dma_wait3A_341 : memref<4x8x512xf32, #tpu.memory_space<hbm>>) dst(%arg8 : memref<4x8x512xf32, #tpu.memory_space<vmem>>)
      %mul3A_342 = arith.constant 32 : i32
      %mul3A_343 = arith.muli %mul3A_333, %mul3A_342 : i32
      %add3A_344 = arith.addi %add3A, %mul3A_343 : i32
      %mul3A_345 = arith.constant 512 : i32
      %mul3A_346 = arith.muli %add3A_344, %mul3A_345 : i32
      %while3A_347 = arith.constant 0 : i32
      %while3A_348 = arith.subi %select_n3A_262, %while3A_347 : i32
      %while3A_349 = arith.addi %while3A_347, %while3A_348 : i32
      %while3A_350 = arith.constant 1 : i32
      %while3A_351 = arith.divsi %while3A_348, %while3A_350 : i32
      %while3A_352 = arith.muli %while3A_351, %while3A_350 : i32
      %while3A_353 = arith.addi %while3A_347, %while3A_352 : i32
      %while3A_354 = arith.constant 1 : i32
      %while3A_355 = scf.for %while3A_416 = %while3A_347 to %while3A_353 step %while3A_354 iter_args(%while3A_417 = %while3A_331) -> (i32)  : i32 {
        %mul3A_418 = arith.constant 16 : i32
        %mul3A_419 = arith.muli %while3A_416, %mul3A_418 : i32
        %get3A = arith.index_cast %mul3A_419 : i32 to index
        %get3A_420 = tpu.vector_load %arg11[%get3A] {strides = array<i32>} : memref<16384xi32, #tpu.memory_space<vmem>>, vector<16xi32>,
        %mul3A_421 = arith.constant 16 : i32
        %mul3A_422 = arith.muli %while3A_416, %mul3A_421 : i32
        %get3A_423 = arith.index_cast %mul3A_422 : i32 to index
        %get3A_424 = tpu.vector_load %arg12[%get3A_423] {strides = array<i32>} : memref<16384xi32, #tpu.memory_space<vmem>>, vector<16xi32>,
        %shift_right_logical3A_425 = arith.constant 9 : i32
        %shift_right_logical3A_426 = vector.broadcast %shift_right_logical3A_425 : i32 to vector<16xi32>
        %shift_right_logical3A_427 = arith.shrui %get3A_420, %shift_right_logical3A_426 : vector<16xi32>
        %eq3A = vector.broadcast %add3A_344 : i32 to vector<16xi32>
        %eq3A_428 = arith.cmpi eq, %shift_right_logical3A_427, %eq3A : vector<16xi32>
        %mul3A_429 = arith.constant 16 : i32
        %mul3A_430 = arith.muli %while3A_416, %mul3A_429 : i32
        %add3A_431 = vector.broadcast %mul3A_430 : i32 to vector<16xi32>
        %add3A_432 = arith.addi %add3A_431, %iota3A_165 : vector<16xi32>
        %lt3A = vector.broadcast %scan3A_235 : i32 to vector<16xi32>
        %lt3A_433 = arith.cmpi slt, %add3A_432, %lt3A : vector<16xi32>
        %and3A_434 = arith.andi %eq3A_428, %lt3A_433 : vector<16xi1>
        %all_reduce_population_count3A = tpu.all_reduce %and3A_434 {dim = 0 : i64, kind = #tpu.reduction_kind<sum>} : vector<16xi1> -> vector<16xi32>
        %reduce_max3A = arith.constant true
        %reduce_max3A_435 = vector.broadcast %reduce_max3A : i1 to vector<16xi1>
        %reduce_max3A_436 = arith.constant -2147483648 : i32
        %reduce_max3A_437 = vector.broadcast %reduce_max3A_436 : i32 to vector<16xi32>
        %reduce_max3A_438 = arith.xori %all_reduce_population_count3A, %reduce_max3A_437 : vector<16xi32>
        %reduce_max3A_439 = tpu.scan <max>, %reduce_max3A_438 masked %reduce_max3A_435 : vector<16xi32>, vector<16xi1> -> vector<16xi32>
        %reduce_max3A_440 = arith.xori %reduce_max3A_439, %reduce_max3A_437 : vector<16xi32>
        %reduce_max3A_441 = vector.extract %reduce_max3A_440[15] : i32 from vector<16xi32>
        %sub3A_442 = vector.broadcast %mul3A_346 : i32 to vector<16xi32>
        %sub3A_443 = arith.subi %get3A_420, %sub3A_442 : vector<16xi32>
        %swap3A = arith.index_cast %while3A_417 : i32 to index
        %swap3A_444 = tpu.vector_load %arg13[%swap3A] masked %and3A_434 {strides = array<i32>} : memref<272xi32, #tpu.memory_space<vmem>>, vector<16xi32>, vector<16xi1>
        tpu.vector_store %arg13[%swap3A], %sub3A_443 masked %and3A_434 {strides = array<i32>} : memref<272xi32, #tpu.memory_space<vmem>>, vector<16xi32>, vector<16xi1>
        %swap3A_445 = arith.index_cast %while3A_417 : i32 to index
        %swap3A_446 = tpu.vector_load %arg14[%swap3A_445] masked %and3A_434 {strides = array<i32>} : memref<256xi32, #tpu.memory_space<vmem>>, vector<16xi32>, vector<16xi1>
        tpu.vector_store %arg14[%swap3A_445], %get3A_424 masked %and3A_434 {strides = array<i32>} : memref<256xi32, #tpu.memory_space<vmem>>, vector<16xi32>, vector<16xi1>
        %add3A_447 = arith.addi %while3A_417, %reduce_max3A_441 : i32
        %while3A_448 = arith.constant 0 : i32
        %while3A_449 = arith.subi %add3A_447, %while3A_417 : i32
        %while3A_450 = arith.addi %while3A_417, %while3A_449 : i32
        %while3A_451 = arith.constant 1 : i32
        %while3A_452 = arith.divsi %while3A_449, %while3A_451 : i32
        %while3A_453 = arith.muli %while3A_452, %while3A_451 : i32
        %while3A_454 = arith.addi %while3A_417, %while3A_453 : i32
        %while3A_455 = arith.constant 1 : i32
        %while3A_456 = scf.for %while3A_463 = %while3A_417 to %while3A_454 step %while3A_455 iter_args(%while3A_464 = %while3A_448) -> (i32)  : i32 {
          %get3A_465 = arith.index_cast %while3A_463 : i32 to index
          %get3A_466 = tpu.vector_load %arg13[%get3A_465] {strides = array<i32>} : memref<272xi32, #tpu.memory_space<vmem>>, vector<16xi32>,
          %broadcast_in_dim3A = arith.constant 0 : i32
          %broadcast_in_dim3A_467 = vector.broadcast %broadcast_in_dim3A : i32 to vector<16x1xi32>
          %gather3A = vector.shape_cast %broadcast_in_dim3A_467 : vector<16x1xi32> to vector<16xi32>
          %gather3A_468 = tpu.dynamic_gather %get3A_466[%gather3A] in [0] : vector<16xi32>, vector<16xi32> -> vector<16xi32>
          %gather3A_469 = tpu.vector_load_idx %arg8[%shift_right_logical3A_265, %and3A_268, %gather3A_468] : memref<4x8x512xf32, #tpu.memory_space<vmem>>[vector<16xi32>, vector<16xi32>, vector<16xi32>], vector<16xf32>,
          %add3A_470 = arith.constant 2 : i32
          %add3A_471 = vector.broadcast %add3A_470 : i32 to vector<16xi32>
          %add3A_472 = arith.addi %shift_right_logical3A_265, %add3A_471 : vector<16xi32>
          %gather3A_473 = tpu.vector_load_idx %arg8[%add3A_472, %and3A_268, %gather3A_468] : memref<4x8x512xf32, #tpu.memory_space<vmem>>[vector<16xi32>, vector<16xi32>, vector<16xi32>], vector<16xf32>,
          %swap3A_474 = arith.constant 0 : i32
          %swap3A_475 = tpu.memref_slice %arg15[%while3A_463, %swap3A_474] : memref<256x128xf32, #tpu.memory_space<vmem>> -> memref<1x128xf32, #tpu.memory_space<vmem>>
          %swap3A_476 = tpu.memref_squeeze %swap3A_475 : memref<1x128xf32, #tpu.memory_space<vmem>> -> memref<128xf32, #tpu.memory_space<vmem>>
          %swap3A_477 = arith.constant 0 : index
          %swap3A_478 = tpu.vector_load %swap3A_476[%swap3A_477] {strides = array<i32>} : memref<128xf32, #tpu.memory_space<vmem>>, vector<16xf32>,
          tpu.vector_store %swap3A_476[%swap3A_477], %gather3A_469 {strides = array<i32>} : memref<128xf32, #tpu.memory_space<vmem>>, vector<16xf32>,
          %swap3A_479 = arith.constant 0 : i32
          %swap3A_480 = tpu.memref_slice %arg15[%while3A_463, %swap3A_479] : memref<256x128xf32, #tpu.memory_space<vmem>> -> memref<1x128xf32, #tpu.memory_space<vmem>>
          %swap3A_481 = tpu.memref_squeeze %swap3A_480 : memref<1x128xf32, #tpu.memory_space<vmem>> -> memref<128xf32, #tpu.memory_space<vmem>>
          %swap3A_482 = arith.constant 16 : index
          %swap3A_483 = tpu.vector_load %swap3A_481[%swap3A_482] {strides = array<i32>} : memref<128xf32, #tpu.memory_space<vmem>>, vector<16xf32>,
          tpu.vector_store %swap3A_481[%swap3A_482], %gather3A_473 {strides = array<i32>} : memref<128xf32, #tpu.memory_space<vmem>>, vector<16xf32>,
          %while3A_484 = arith.constant 0 : i32
          scf.yield %while3A_484 : i32
        }
        %while3A_457 = arith.constant 1 : i32
        %while3A_458 = scf.for %while3A_463 = %while3A_454 to %while3A_450 step %while3A_457 iter_args(%while3A_464 = %while3A_456) -> (i32)  : i32 {
          %get3A_465 = arith.index_cast %while3A_463 : i32 to index
          %get3A_466 = tpu.vector_load %arg13[%get3A_465] {strides = array<i32>} : memref<272xi32, #tpu.memory_space<vmem>>, vector<16xi32>,
          %broadcast_in_dim3A = arith.constant 0 : i32
          %broadcast_in_dim3A_467 = vector.broadcast %broadcast_in_dim3A : i32 to vector<16x1xi32>
          %gather3A = vector.shape_cast %broadcast_in_dim3A_467 : vector<16x1xi32> to vector<16xi32>
          %gather3A_468 = tpu.dynamic_gather %get3A_466[%gather3A] in [0] : vector<16xi32>, vector<16xi32> -> vector<16xi32>
          %gather3A_469 = tpu.vector_load_idx %arg8[%shift_right_logical3A_265, %and3A_268, %gather3A_468] : memref<4x8x512xf32, #tpu.memory_space<vmem>>[vector<16xi32>, vector<16xi32>, vector<16xi32>], vector<16xf32>,
          %add3A_470 = arith.constant 2 : i32
          %add3A_471 = vector.broadcast %add3A_470 : i32 to vector<16xi32>
          %add3A_472 = arith.addi %shift_right_logical3A_265, %add3A_471 : vector<16xi32>
          %gather3A_473 = tpu.vector_load_idx %arg8[%add3A_472, %and3A_268, %gather3A_468] : memref<4x8x512xf32, #tpu.memory_space<vmem>>[vector<16xi32>, vector<16xi32>, vector<16xi32>], vector<16xf32>,
          %swap3A_474 = arith.constant 0 : i32
          %swap3A_475 = tpu.memref_slice %arg15[%while3A_463, %swap3A_474] : memref<256x128xf32, #tpu.memory_space<vmem>> -> memref<1x128xf32, #tpu.memory_space<vmem>>
          %swap3A_476 = tpu.memref_squeeze %swap3A_475 : memref<1x128xf32, #tpu.memory_space<vmem>> -> memref<128xf32, #tpu.memory_space<vmem>>
          %swap3A_477 = arith.constant 0 : index
          %swap3A_478 = tpu.vector_load %swap3A_476[%swap3A_477] {strides = array<i32>} : memref<128xf32, #tpu.memory_space<vmem>>, vector<16xf32>,
          tpu.vector_store %swap3A_476[%swap3A_477], %gather3A_469 {strides = array<i32>} : memref<128xf32, #tpu.memory_space<vmem>>, vector<16xf32>,
          %swap3A_479 = arith.constant 0 : i32
          %swap3A_480 = tpu.memref_slice %arg15[%while3A_463, %swap3A_479] : memref<256x128xf32, #tpu.memory_space<vmem>> -> memref<1x128xf32, #tpu.memory_space<vmem>>
          %swap3A_481 = tpu.memref_squeeze %swap3A_480 : memref<1x128xf32, #tpu.memory_space<vmem>> -> memref<128xf32, #tpu.memory_space<vmem>>
          %swap3A_482 = arith.constant 16 : index
          %swap3A_483 = tpu.vector_load %swap3A_481[%swap3A_482] {strides = array<i32>} : memref<128xf32, #tpu.memory_space<vmem>>, vector<16xf32>,
          tpu.vector_store %swap3A_481[%swap3A_482], %gather3A_473 {strides = array<i32>} : memref<128xf32, #tpu.memory_space<vmem>>, vector<16xf32>,
          %while3A_484 = arith.constant 0 : i32
          scf.yield %while3A_484 : i32
        }
        %add3A_459 = arith.addi %while3A_417, %reduce_max3A_441 : i32
        %ge3A = arith.constant 240 : i32
        %ge3A_460 = arith.cmpi sge, %add3A_459, %ge3A : i32
        %convert_element_type3A = arith.extui %ge3A_460 : i1 to i32
        %cond3A = arith.constant 0 : i32
        %cond3A_461 = arith.cmpi ne, %convert_element_type3A, %cond3A : i32
        %cond3A_462 = scf.if %cond3A_461 -> (i32) {
          "tpu.region"() ({
            %run_scoped3A = tpu.sem_alloc : memref<!tpu.dma_semaphore, #tpu.memory_space<semaphore_mem>>
            %dma_start3A_471 = arith.constant 0 : i32
            %dma_start3A_472 = arith.constant 0 : i32
            %dma_start3A_473 = tpu.memref_slice %arg7[%dma_start3A_471, %dma_start3A_472] : memref<24576x128xf32, #tpu.memory_space<hbm>> -> memref<24576x128xf32, #tpu.memory_space<hbm>>
            tpu.enqueue_indirect_dma source(%arg15 : memref<256x128xf32, #tpu.memory_space<vmem>>) target(%dma_start3A_473 : memref<24576x128xf32, #tpu.memory_space<hbm>>) offsets(%arg14 : memref<256xi32, #tpu.memory_space<vmem>>) semaphore(%run_scoped3A : memref<!tpu.dma_semaphore, #tpu.memory_space<semaphore_mem>>)
            %dma_wait3A_474 = arith.constant 0 : i32
            %dma_wait3A_475 = arith.constant 0 : i32
            %dma_wait3A_476 = tpu.memref_slice %arg7[%dma_wait3A_474, %dma_wait3A_475] : memref<24576x128xf32, #tpu.memory_space<hbm>> -> memref<24576x128xf32, #tpu.memory_space<hbm>>
            tpu.wait_indirect_dma semaphore(%run_scoped3A : memref<!tpu.dma_semaphore, #tpu.memory_space<semaphore_mem>>) src(%arg15 : memref<256x128xf32, #tpu.memory_space<vmem>>) dst(%dma_wait3A_476 : memref<24576x128xf32, #tpu.memory_space<hbm>>)
            tpu.yield
          }) : () -> ()
          %scan3A_463 = arith.constant 0 : i32
          %scan3A_464 = arith.constant 0 : i32
          %scan3A_465 = arith.constant 16 : i32
          %scan3A_466 = arith.addi %scan3A_464, %scan3A_465 : i32
          %scan3A_467 = arith.constant 1 : i32
          %scan3A_468 = scf.for %scan3A_471 = %scan3A_464 to %scan3A_466 step %scan3A_467 iter_args(%scan3A_472 = %scan3A_463) -> (i32)  : i32 {
            %mul3A_473 = arith.constant 16 : i32
            %mul3A_474 = arith.muli %scan3A_471, %mul3A_473 : i32
            %add3A_475 = vector.broadcast %mul3A_474 : i32 to vector<16xi32>
            %add3A_476 = arith.addi %add3A_171, %add3A_475 : vector<16xi32>
            %mul3A_477 = arith.constant 16 : i32
            %mul3A_478 = arith.muli %scan3A_471, %mul3A_477 : i32
            %swap3A_479 = arith.index_cast %mul3A_478 : i32 to index
            %swap3A_480 = tpu.vector_load %arg14[%swap3A_479] {strides = array<i32>} : memref<256xi32, #tpu.memory_space<vmem>>, vector<16xi32>,
            tpu.vector_store %arg14[%swap3A_479], %add3A_476 {strides = array<i32>} : memref<256xi32, #tpu.memory_space<vmem>>, vector<16xi32>,
            %scan3A_481 = arith.constant 0 : i32
            scf.yield %scan3A_481 : i32
          }
          %scan3A_469 = arith.constant 16 : i32
          %cond3A_470 = arith.constant 0 : i32
          scf.yield %cond3A_470 : i32
        } else {
          scf.yield %add3A_459 : i32
        }
        scf.yield %cond3A_462 : i32
      }
      %while3A_356 = arith.constant 1 : i32
      %while3A_357 = scf.for %while3A_416 = %while3A_353 to %while3A_349 step %while3A_356 iter_args(%while3A_417 = %while3A_355) -> (i32)  : i32 {
        %mul3A_418 = arith.constant 16 : i32
        %mul3A_419 = arith.muli %while3A_416, %mul3A_418 : i32
        %get3A = arith.index_cast %mul3A_419 : i32 to index
        %get3A_420 = tpu.vector_load %arg11[%get3A] {strides = array<i32>} : memref<16384xi32, #tpu.memory_space<vmem>>, vector<16xi32>,
        %mul3A_421 = arith.constant 16 : i32
        %mul3A_422 = arith.muli %while3A_416, %mul3A_421 : i32
        %get3A_423 = arith.index_cast %mul3A_422 : i32 to index
        %get3A_424 = tpu.vector_load %arg12[%get3A_423] {strides = array<i32>} : memref<16384xi32, #tpu.memory_space<vmem>>, vector<16xi32>,
        %shift_right_logical3A_425 = arith.constant 9 : i32
        %shift_right_logical3A_426 = vector.broadcast %shift_right_logical3A_425 : i32 to vector<16xi32>
        %shift_right_logical3A_427 = arith.shrui %get3A_420, %shift_right_logical3A_426 : vector<16xi32>
        %eq3A = vector.broadcast %add3A_344 : i32 to vector<16xi32>
        %eq3A_428 = arith.cmpi eq, %shift_right_logical3A_427, %eq3A : vector<16xi32>
        %mul3A_429 = arith.constant 16 : i32
        %mul3A_430 = arith.muli %while3A_416, %mul3A_429 : i32
        %add3A_431 = vector.broadcast %mul3A_430 : i32 to vector<16xi32>
        %add3A_432 = arith.addi %add3A_431, %iota3A_165 : vector<16xi32>
        %lt3A = vector.broadcast %scan3A_235 : i32 to vector<16xi32>
        %lt3A_433 = arith.cmpi slt, %add3A_432, %lt3A : vector<16xi32>
        %and3A_434 = arith.andi %eq3A_428, %lt3A_433 : vector<16xi1>
        %all_reduce_population_count3A = tpu.all_reduce %and3A_434 {dim = 0 : i64, kind = #tpu.reduction_kind<sum>} : vector<16xi1> -> vector<16xi32>
        %reduce_max3A = arith.constant true
        %reduce_max3A_435 = vector.broadcast %reduce_max3A : i1 to vector<16xi1>
        %reduce_max3A_436 = arith.constant -2147483648 : i32
        %reduce_max3A_437 = vector.broadcast %reduce_max3A_436 : i32 to vector<16xi32>
        %reduce_max3A_438 = arith.xori %all_reduce_population_count3A, %reduce_max3A_437 : vector<16xi32>
        %reduce_max3A_439 = tpu.scan <max>, %reduce_max3A_438 masked %reduce_max3A_435 : vector<16xi32>, vector<16xi1> -> vector<16xi32>
        %reduce_max3A_440 = arith.xori %reduce_max3A_439, %reduce_max3A_437 : vector<16xi32>
        %reduce_max3A_441 = vector.extract %reduce_max3A_440[15] : i32 from vector<16xi32>
        %sub3A_442 = vector.broadcast %mul3A_346 : i32 to vector<16xi32>
        %sub3A_443 = arith.subi %get3A_420, %sub3A_442 : vector<16xi32>
        %swap3A = arith.index_cast %while3A_417 : i32 to index
        %swap3A_444 = tpu.vector_load %arg13[%swap3A] masked %and3A_434 {strides = array<i32>} : memref<272xi32, #tpu.memory_space<vmem>>, vector<16xi32>, vector<16xi1>
        tpu.vector_store %arg13[%swap3A], %sub3A_443 masked %and3A_434 {strides = array<i32>} : memref<272xi32, #tpu.memory_space<vmem>>, vector<16xi32>, vector<16xi1>
        %swap3A_445 = arith.index_cast %while3A_417 : i32 to index
        %swap3A_446 = tpu.vector_load %arg14[%swap3A_445] masked %and3A_434 {strides = array<i32>} : memref<256xi32, #tpu.memory_space<vmem>>, vector<16xi32>, vector<16xi1>
        tpu.vector_store %arg14[%swap3A_445], %get3A_424 masked %and3A_434 {strides = array<i32>} : memref<256xi32, #tpu.memory_space<vmem>>, vector<16xi32>, vector<16xi1>
        %add3A_447 = arith.addi %while3A_417, %reduce_max3A_441 : i32
        %while3A_448 = arith.constant 0 : i32
        %while3A_449 = arith.subi %add3A_447, %while3A_417 : i32
        %while3A_450 = arith.addi %while3A_417, %while3A_449 : i32
        %while3A_451 = arith.constant 1 : i32
        %while3A_452 = arith.divsi %while3A_449, %while3A_451 : i32
        %while3A_453 = arith.muli %while3A_452, %while3A_451 : i32
        %while3A_454 = arith.addi %while3A_417, %while3A_453 : i32
        %while3A_455 = arith.constant 1 : i32
        %while3A_456 = scf.for %while3A_463 = %while3A_417 to %while3A_454 step %while3A_455 iter_args(%while3A_464 = %while3A_448) -> (i32)  : i32 {
          %get3A_465 = arith.index_cast %while3A_463 : i32 to index
          %get3A_466 = tpu.vector_load %arg13[%get3A_465] {strides = array<i32>} : memref<272xi32, #tpu.memory_space<vmem>>, vector<16xi32>,
          %broadcast_in_dim3A = arith.constant 0 : i32
          %broadcast_in_dim3A_467 = vector.broadcast %broadcast_in_dim3A : i32 to vector<16x1xi32>
          %gather3A = vector.shape_cast %broadcast_in_dim3A_467 : vector<16x1xi32> to vector<16xi32>
          %gather3A_468 = tpu.dynamic_gather %get3A_466[%gather3A] in [0] : vector<16xi32>, vector<16xi32> -> vector<16xi32>
          %gather3A_469 = tpu.vector_load_idx %arg8[%shift_right_logical3A_265, %and3A_268, %gather3A_468] : memref<4x8x512xf32, #tpu.memory_space<vmem>>[vector<16xi32>, vector<16xi32>, vector<16xi32>], vector<16xf32>,
          %add3A_470 = arith.constant 2 : i32
          %add3A_471 = vector.broadcast %add3A_470 : i32 to vector<16xi32>
          %add3A_472 = arith.addi %shift_right_logical3A_265, %add3A_471 : vector<16xi32>
          %gather3A_473 = tpu.vector_load_idx %arg8[%add3A_472, %and3A_268, %gather3A_468] : memref<4x8x512xf32, #tpu.memory_space<vmem>>[vector<16xi32>, vector<16xi32>, vector<16xi32>], vector<16xf32>,
          %swap3A_474 = arith.constant 0 : i32
          %swap3A_475 = tpu.memref_slice %arg15[%while3A_463, %swap3A_474] : memref<256x128xf32, #tpu.memory_space<vmem>> -> memref<1x128xf32, #tpu.memory_space<vmem>>
          %swap3A_476 = tpu.memref_squeeze %swap3A_475 : memref<1x128xf32, #tpu.memory_space<vmem>> -> memref<128xf32, #tpu.memory_space<vmem>>
          %swap3A_477 = arith.constant 0 : index
          %swap3A_478 = tpu.vector_load %swap3A_476[%swap3A_477] {strides = array<i32>} : memref<128xf32, #tpu.memory_space<vmem>>, vector<16xf32>,
          tpu.vector_store %swap3A_476[%swap3A_477], %gather3A_469 {strides = array<i32>} : memref<128xf32, #tpu.memory_space<vmem>>, vector<16xf32>,
          %swap3A_479 = arith.constant 0 : i32
          %swap3A_480 = tpu.memref_slice %arg15[%while3A_463, %swap3A_479] : memref<256x128xf32, #tpu.memory_space<vmem>> -> memref<1x128xf32, #tpu.memory_space<vmem>>
          %swap3A_481 = tpu.memref_squeeze %swap3A_480 : memref<1x128xf32, #tpu.memory_space<vmem>> -> memref<128xf32, #tpu.memory_space<vmem>>
          %swap3A_482 = arith.constant 16 : index
          %swap3A_483 = tpu.vector_load %swap3A_481[%swap3A_482] {strides = array<i32>} : memref<128xf32, #tpu.memory_space<vmem>>, vector<16xf32>,
          tpu.vector_store %swap3A_481[%swap3A_482], %gather3A_473 {strides = array<i32>} : memref<128xf32, #tpu.memory_space<vmem>>, vector<16xf32>,
          %while3A_484 = arith.constant 0 : i32
          scf.yield %while3A_484 : i32
        }
        %while3A_457 = arith.constant 1 : i32
        %while3A_458 = scf.for %while3A_463 = %while3A_454 to %while3A_450 step %while3A_457 iter_args(%while3A_464 = %while3A_456) -> (i32)  : i32 {
          %get3A_465 = arith.index_cast %while3A_463 : i32 to index
          %get3A_466 = tpu.vector_load %arg13[%get3A_465] {strides = array<i32>} : memref<272xi32, #tpu.memory_space<vmem>>, vector<16xi32>,
          %broadcast_in_dim3A = arith.constant 0 : i32
          %broadcast_in_dim3A_467 = vector.broadcast %broadcast_in_dim3A : i32 to vector<16x1xi32>
          %gather3A = vector.shape_cast %broadcast_in_dim3A_467 : vector<16x1xi32> to vector<16xi32>
          %gather3A_468 = tpu.dynamic_gather %get3A_466[%gather3A] in [0] : vector<16xi32>, vector<16xi32> -> vector<16xi32>
          %gather3A_469 = tpu.vector_load_idx %arg8[%shift_right_logical3A_265, %and3A_268, %gather3A_468] : memref<4x8x512xf32, #tpu.memory_space<vmem>>[vector<16xi32>, vector<16xi32>, vector<16xi32>], vector<16xf32>,
          %add3A_470 = arith.constant 2 : i32
          %add3A_471 = vector.broadcast %add3A_470 : i32 to vector<16xi32>
          %add3A_472 = arith.addi %shift_right_logical3A_265, %add3A_471 : vector<16xi32>
          %gather3A_473 = tpu.vector_load_idx %arg8[%add3A_472, %and3A_268, %gather3A_468] : memref<4x8x512xf32, #tpu.memory_space<vmem>>[vector<16xi32>, vector<16xi32>, vector<16xi32>], vector<16xf32>,
          %swap3A_474 = arith.constant 0 : i32
          %swap3A_475 = tpu.memref_slice %arg15[%while3A_463, %swap3A_474] : memref<256x128xf32, #tpu.memory_space<vmem>> -> memref<1x128xf32, #tpu.memory_space<vmem>>
          %swap3A_476 = tpu.memref_squeeze %swap3A_475 : memref<1x128xf32, #tpu.memory_space<vmem>> -> memref<128xf32, #tpu.memory_space<vmem>>
          %swap3A_477 = arith.constant 0 : index
          %swap3A_478 = tpu.vector_load %swap3A_476[%swap3A_477] {strides = array<i32>} : memref<128xf32, #tpu.memory_space<vmem>>, vector<16xf32>,
          tpu.vector_store %swap3A_476[%swap3A_477], %gather3A_469 {strides = array<i32>} : memref<128xf32, #tpu.memory_space<vmem>>, vector<16xf32>,
          %swap3A_479 = arith.constant 0 : i32
          %swap3A_480 = tpu.memref_slice %arg15[%while3A_463, %swap3A_479] : memref<256x128xf32, #tpu.memory_space<vmem>> -> memref<1x128xf32, #tpu.memory_space<vmem>>
          %swap3A_481 = tpu.memref_squeeze %swap3A_480 : memref<1x128xf32, #tpu.memory_space<vmem>> -> memref<128xf32, #tpu.memory_space<vmem>>
          %swap3A_482 = arith.constant 16 : index
          %swap3A_483 = tpu.vector_load %swap3A_481[%swap3A_482] {strides = array<i32>} : memref<128xf32, #tpu.memory_space<vmem>>, vector<16xf32>,
          tpu.vector_store %swap3A_481[%swap3A_482], %gather3A_473 {strides = array<i32>} : memref<128xf32, #tpu.memory_space<vmem>>, vector<16xf32>,
          %while3A_484 = arith.constant 0 : i32
          scf.yield %while3A_484 : i32
        }
        %add3A_459 = arith.addi %while3A_417, %reduce_max3A_441 : i32
        %ge3A = arith.constant 240 : i32
        %ge3A_460 = arith.cmpi sge, %add3A_459, %ge3A : i32
        %convert_element_type3A = arith.extui %ge3A_460 : i1 to i32
        %cond3A = arith.constant 0 : i32
        %cond3A_461 = arith.cmpi ne, %convert_element_type3A, %cond3A : i32
        %cond3A_462 = scf.if %cond3A_461 -> (i32) {
          "tpu.region"() ({
            %run_scoped3A = tpu.sem_alloc : memref<!tpu.dma_semaphore, #tpu.memory_space<semaphore_mem>>
            %dma_start3A_471 = arith.constant 0 : i32
            %dma_start3A_472 = arith.constant 0 : i32
            %dma_start3A_473 = tpu.memref_slice %arg7[%dma_start3A_471, %dma_start3A_472] : memref<24576x128xf32, #tpu.memory_space<hbm>> -> memref<24576x128xf32, #tpu.memory_space<hbm>>
            tpu.enqueue_indirect_dma source(%arg15 : memref<256x128xf32, #tpu.memory_space<vmem>>) target(%dma_start3A_473 : memref<24576x128xf32, #tpu.memory_space<hbm>>) offsets(%arg14 : memref<256xi32, #tpu.memory_space<vmem>>) semaphore(%run_scoped3A : memref<!tpu.dma_semaphore, #tpu.memory_space<semaphore_mem>>)
            %dma_wait3A_474 = arith.constant 0 : i32
            %dma_wait3A_475 = arith.constant 0 : i32
            %dma_wait3A_476 = tpu.memref_slice %arg7[%dma_wait3A_474, %dma_wait3A_475] : memref<24576x128xf32, #tpu.memory_space<hbm>> -> memref<24576x128xf32, #tpu.memory_space<hbm>>
            tpu.wait_indirect_dma semaphore(%run_scoped3A : memref<!tpu.dma_semaphore, #tpu.memory_space<semaphore_mem>>) src(%arg15 : memref<256x128xf32, #tpu.memory_space<vmem>>) dst(%dma_wait3A_476 : memref<24576x128xf32, #tpu.memory_space<hbm>>)
            tpu.yield
          }) : () -> ()
          %scan3A_463 = arith.constant 0 : i32
          %scan3A_464 = arith.constant 0 : i32
          %scan3A_465 = arith.constant 16 : i32
          %scan3A_466 = arith.addi %scan3A_464, %scan3A_465 : i32
          %scan3A_467 = arith.constant 1 : i32
          %scan3A_468 = scf.for %scan3A_471 = %scan3A_464 to %scan3A_466 step %scan3A_467 iter_args(%scan3A_472 = %scan3A_463) -> (i32)  : i32 {
            %mul3A_473 = arith.constant 16 : i32
            %mul3A_474 = arith.muli %scan3A_471, %mul3A_473 : i32
            %add3A_475 = vector.broadcast %mul3A_474 : i32 to vector<16xi32>
            %add3A_476 = arith.addi %add3A_171, %add3A_475 : vector<16xi32>
            %mul3A_477 = arith.constant 16 : i32
            %mul3A_478 = arith.muli %scan3A_471, %mul3A_477 : i32
            %swap3A_479 = arith.index_cast %mul3A_478 : i32 to index
            %swap3A_480 = tpu.vector_load %arg14[%swap3A_479] {strides = array<i32>} : memref<256xi32, #tpu.memory_space<vmem>>, vector<16xi32>,
            tpu.vector_store %arg14[%swap3A_479], %add3A_476 {strides = array<i32>} : memref<256xi32, #tpu.memory_space<vmem>>, vector<16xi32>,
            %scan3A_481 = arith.constant 0 : i32
            scf.yield %scan3A_481 : i32
          }
          %scan3A_469 = arith.constant 16 : i32
          %cond3A_470 = arith.constant 0 : i32
          scf.yield %cond3A_470 : i32
        } else {
          scf.yield %add3A_459 : i32
        }
        scf.yield %cond3A_462 : i32
      }
      %add3A_358 = arith.constant 2 : i32
      %add3A_359 = arith.addi %mul3A_333, %add3A_358 : i32
      %sub3A_360 = arith.constant 1 : i32
      %sub3A_361 = arith.subi %add3A_199, %sub3A_360 : i32
      %min3A_362 = arith.minsi %add3A_359, %sub3A_361 : i32
      %mul3A_363 = arith.constant 32 : i32
      %mul3A_364 = arith.muli %min3A_362, %mul3A_363 : i32
      %add3A_365 = arith.addi %add3A, %mul3A_364 : i32
      %mul3A_366 = arith.constant 512 : i32
      %mul3A_367 = arith.muli %add3A_365, %mul3A_366 : i32
      %dma_start3A_368 = arith.constant 0 : i32
      %dma_start3A_369 = arith.constant 0 : i32
      %dma_start3A_370 = tpu.memref_slice %arg4[%dma_start3A_368, %dma_start3A_369, %mul3A_367] : memref<4x8x100000xf32, #tpu.memory_space<hbm>> -> memref<4x8x512xf32, #tpu.memory_space<hbm>>
      %dma_start3A_371 = arith.constant 0 : i32
      %dma_start3A_372 = arith.constant 0 : i32
      %dma_start3A_373 = tpu.memref_slice %arg4[%dma_start3A_371, %dma_start3A_372, %mul3A_367] : memref<4x8x100000xf32, #tpu.memory_space<hbm>> -> memref<4x8x512xf32, #tpu.memory_space<hbm>>
      tpu.enqueue_dma source(%dma_start3A_373 : memref<4x8x512xf32, #tpu.memory_space<hbm>>) target(%arg8 : memref<4x8x512xf32, #tpu.memory_space<vmem>>) target_semaphore(%arg16 : memref<!tpu.dma_semaphore, #tpu.memory_space<semaphore_mem>>)
      %dma_wait3A_374 = arith.constant 0 : i32
      %dma_wait3A_375 = arith.constant 0 : i32
      %dma_wait3A_376 = arith.constant 0 : i32
      %dma_wait3A_377 = tpu.memref_slice %arg4[%dma_wait3A_374, %dma_wait3A_375, %dma_wait3A_376] : memref<4x8x100000xf32, #tpu.memory_space<hbm>> -> memref<4x8x512xf32, #tpu.memory_space<hbm>>
      %dma_wait3A_378 = arith.constant 0 : i32
      %dma_wait3A_379 = arith.constant 0 : i32
      %dma_wait3A_380 = arith.constant 0 : i32
      %dma_wait3A_381 = tpu.memref_slice %arg4[%dma_wait3A_378, %dma_wait3A_379, %dma_wait3A_380] : memref<4x8x100000xf32, #tpu.memory_space<hbm>> -> memref<4x8x512xf32, #tpu.memory_space<hbm>>
      tpu.wait_dma2 semaphore(%arg17 : memref<!tpu.dma_semaphore, #tpu.memory_space<semaphore_mem>>) src(%dma_wait3A_381 : memref<4x8x512xf32, #tpu.memory_space<hbm>>) dst(%arg9 : memref<4x8x512xf32, #tpu.memory_space<vmem>>)
      %add3A_382 = arith.constant 1 : i32
      %add3A_383 = arith.addi %mul3A_333, %add3A_382 : i32
      %mul3A_384 = arith.constant 32 : i32
      %mul3A_385 = arith.muli %add3A_383, %mul3A_384 : i32
      %add3A_386 = arith.addi %add3A, %mul3A_385 : i32
      %mul3A_387 = arith.constant 512 : i32
      %mul3A_388 = arith.muli %add3A_386, %mul3A_387 : i32
      %while3A_389 = arith.constant 0 : i32
      %while3A_390 = arith.subi %select_n3A_262, %while3A_389 : i32
      %while3A_391 = arith.addi %while3A_389, %while3A_390 : i32
      %while3A_392 = arith.constant 1 : i32
      %while3A_393 = arith.divsi %while3A_390, %while3A_392 : i32
      %while3A_394 = arith.muli %while3A_393, %while3A_392 : i32
      %while3A_395 = arith.addi %while3A_389, %while3A_394 : i32
      %while3A_396 = arith.constant 1 : i32
      %while3A_397 = scf.for %while3A_416 = %while3A_389 to %while3A_395 step %while3A_396 iter_args(%while3A_417 = %while3A_357) -> (i32)  : i32 {
        %mul3A_418 = arith.constant 16 : i32
        %mul3A_419 = arith.muli %while3A_416, %mul3A_418 : i32
        %get3A = arith.index_cast %mul3A_419 : i32 to index
        %get3A_420 = tpu.vector_load %arg11[%get3A] {strides = array<i32>} : memref<16384xi32, #tpu.memory_space<vmem>>, vector<16xi32>,
        %mul3A_421 = arith.constant 16 : i32
        %mul3A_422 = arith.muli %while3A_416, %mul3A_421 : i32
        %get3A_423 = arith.index_cast %mul3A_422 : i32 to index
        %get3A_424 = tpu.vector_load %arg12[%get3A_423] {strides = array<i32>} : memref<16384xi32, #tpu.memory_space<vmem>>, vector<16xi32>,
        %shift_right_logical3A_425 = arith.constant 9 : i32
        %shift_right_logical3A_426 = vector.broadcast %shift_right_logical3A_425 : i32 to vector<16xi32>
        %shift_right_logical3A_427 = arith.shrui %get3A_420, %shift_right_logical3A_426 : vector<16xi32>
        %eq3A = vector.broadcast %add3A_386 : i32 to vector<16xi32>
        %eq3A_428 = arith.cmpi eq, %shift_right_logical3A_427, %eq3A : vector<16xi32>
        %mul3A_429 = arith.constant 16 : i32
        %mul3A_430 = arith.muli %while3A_416, %mul3A_429 : i32
        %add3A_431 = vector.broadcast %mul3A_430 : i32 to vector<16xi32>
        %add3A_432 = arith.addi %add3A_431, %iota3A_165 : vector<16xi32>
        %lt3A = vector.broadcast %scan3A_235 : i32 to vector<16xi32>
        %lt3A_433 = arith.cmpi slt, %add3A_432, %lt3A : vector<16xi32>
        %and3A_434 = arith.andi %eq3A_428, %lt3A_433 : vector<16xi1>
        %all_reduce_population_count3A = tpu.all_reduce %and3A_434 {dim = 0 : i64, kind = #tpu.reduction_kind<sum>} : vector<16xi1> -> vector<16xi32>
        %reduce_max3A = arith.constant true
        %reduce_max3A_435 = vector.broadcast %reduce_max3A : i1 to vector<16xi1>
        %reduce_max3A_436 = arith.constant -2147483648 : i32
        %reduce_max3A_437 = vector.broadcast %reduce_max3A_436 : i32 to vector<16xi32>
        %reduce_max3A_438 = arith.xori %all_reduce_population_count3A, %reduce_max3A_437 : vector<16xi32>
        %reduce_max3A_439 = tpu.scan <max>, %reduce_max3A_438 masked %reduce_max3A_435 : vector<16xi32>, vector<16xi1> -> vector<16xi32>
        %reduce_max3A_440 = arith.xori %reduce_max3A_439, %reduce_max3A_437 : vector<16xi32>
        %reduce_max3A_441 = vector.extract %reduce_max3A_440[15] : i32 from vector<16xi32>
        %sub3A_442 = vector.broadcast %mul3A_388 : i32 to vector<16xi32>
        %sub3A_443 = arith.subi %get3A_420, %sub3A_442 : vector<16xi32>
        %swap3A = arith.index_cast %while3A_417 : i32 to index
        %swap3A_444 = tpu.vector_load %arg13[%swap3A] masked %and3A_434 {strides = array<i32>} : memref<272xi32, #tpu.memory_space<vmem>>, vector<16xi32>, vector<16xi1>
        tpu.vector_store %arg13[%swap3A], %sub3A_443 masked %and3A_434 {strides = array<i32>} : memref<272xi32, #tpu.memory_space<vmem>>, vector<16xi32>, vector<16xi1>
        %swap3A_445 = arith.index_cast %while3A_417 : i32 to index
        %swap3A_446 = tpu.vector_load %arg14[%swap3A_445] masked %and3A_434 {strides = array<i32>} : memref<256xi32, #tpu.memory_space<vmem>>, vector<16xi32>, vector<16xi1>
        tpu.vector_store %arg14[%swap3A_445], %get3A_424 masked %and3A_434 {strides = array<i32>} : memref<256xi32, #tpu.memory_space<vmem>>, vector<16xi32>, vector<16xi1>
        %add3A_447 = arith.addi %while3A_417, %reduce_max3A_441 : i32
        %while3A_448 = arith.constant 0 : i32
        %while3A_449 = arith.subi %add3A_447, %while3A_417 : i32
        %while3A_450 = arith.addi %while3A_417, %while3A_449 : i32
        %while3A_451 = arith.constant 1 : i32
        %while3A_452 = arith.divsi %while3A_449, %while3A_451 : i32
        %while3A_453 = arith.muli %while3A_452, %while3A_451 : i32
        %while3A_454 = arith.addi %while3A_417, %while3A_453 : i32
        %while3A_455 = arith.constant 1 : i32
        %while3A_456 = scf.for %while3A_463 = %while3A_417 to %while3A_454 step %while3A_455 iter_args(%while3A_464 = %while3A_448) -> (i32)  : i32 {
          %get3A_465 = arith.index_cast %while3A_463 : i32 to index
          %get3A_466 = tpu.vector_load %arg13[%get3A_465] {strides = array<i32>} : memref<272xi32, #tpu.memory_space<vmem>>, vector<16xi32>,
          %broadcast_in_dim3A = arith.constant 0 : i32
          %broadcast_in_dim3A_467 = vector.broadcast %broadcast_in_dim3A : i32 to vector<16x1xi32>
          %gather3A = vector.shape_cast %broadcast_in_dim3A_467 : vector<16x1xi32> to vector<16xi32>
          %gather3A_468 = tpu.dynamic_gather %get3A_466[%gather3A] in [0] : vector<16xi32>, vector<16xi32> -> vector<16xi32>
          %gather3A_469 = tpu.vector_load_idx %arg9[%shift_right_logical3A_265, %and3A_268, %gather3A_468] : memref<4x8x512xf32, #tpu.memory_space<vmem>>[vector<16xi32>, vector<16xi32>, vector<16xi32>], vector<16xf32>,
          %add3A_470 = arith.constant 2 : i32
          %add3A_471 = vector.broadcast %add3A_470 : i32 to vector<16xi32>
          %add3A_472 = arith.addi %shift_right_logical3A_265, %add3A_471 : vector<16xi32>
          %gather3A_473 = tpu.vector_load_idx %arg9[%add3A_472, %and3A_268, %gather3A_468] : memref<4x8x512xf32, #tpu.memory_space<vmem>>[vector<16xi32>, vector<16xi32>, vector<16xi32>], vector<16xf32>,
          %swap3A_474 = arith.constant 0 : i32
          %swap3A_475 = tpu.memref_slice %arg15[%while3A_463, %swap3A_474] : memref<256x128xf32, #tpu.memory_space<vmem>> -> memref<1x128xf32, #tpu.memory_space<vmem>>
          %swap3A_476 = tpu.memref_squeeze %swap3A_475 : memref<1x128xf32, #tpu.memory_space<vmem>> -> memref<128xf32, #tpu.memory_space<vmem>>
          %swap3A_477 = arith.constant 0 : index
          %swap3A_478 = tpu.vector_load %swap3A_476[%swap3A_477] {strides = array<i32>} : memref<128xf32, #tpu.memory_space<vmem>>, vector<16xf32>,
          tpu.vector_store %swap3A_476[%swap3A_477], %gather3A_469 {strides = array<i32>} : memref<128xf32, #tpu.memory_space<vmem>>, vector<16xf32>,
          %swap3A_479 = arith.constant 0 : i32
          %swap3A_480 = tpu.memref_slice %arg15[%while3A_463, %swap3A_479] : memref<256x128xf32, #tpu.memory_space<vmem>> -> memref<1x128xf32, #tpu.memory_space<vmem>>
          %swap3A_481 = tpu.memref_squeeze %swap3A_480 : memref<1x128xf32, #tpu.memory_space<vmem>> -> memref<128xf32, #tpu.memory_space<vmem>>
          %swap3A_482 = arith.constant 16 : index
          %swap3A_483 = tpu.vector_load %swap3A_481[%swap3A_482] {strides = array<i32>} : memref<128xf32, #tpu.memory_space<vmem>>, vector<16xf32>,
          tpu.vector_store %swap3A_481[%swap3A_482], %gather3A_473 {strides = array<i32>} : memref<128xf32, #tpu.memory_space<vmem>>, vector<16xf32>,
          %while3A_484 = arith.constant 0 : i32
          scf.yield %while3A_484 : i32
        }
        %while3A_457 = arith.constant 1 : i32
        %while3A_458 = scf.for %while3A_463 = %while3A_454 to %while3A_450 step %while3A_457 iter_args(%while3A_464 = %while3A_456) -> (i32)  : i32 {
          %get3A_465 = arith.index_cast %while3A_463 : i32 to index
          %get3A_466 = tpu.vector_load %arg13[%get3A_465] {strides = array<i32>} : memref<272xi32, #tpu.memory_space<vmem>>, vector<16xi32>,
          %broadcast_in_dim3A = arith.constant 0 : i32
          %broadcast_in_dim3A_467 = vector.broadcast %broadcast_in_dim3A : i32 to vector<16x1xi32>
          %gather3A = vector.shape_cast %broadcast_in_dim3A_467 : vector<16x1xi32> to vector<16xi32>
          %gather3A_468 = tpu.dynamic_gather %get3A_466[%gather3A] in [0] : vector<16xi32>, vector<16xi32> -> vector<16xi32>
          %gather3A_469 = tpu.vector_load_idx %arg9[%shift_right_logical3A_265, %and3A_268, %gather3A_468] : memref<4x8x512xf32, #tpu.memory_space<vmem>>[vector<16xi32>, vector<16xi32>, vector<16xi32>], vector<16xf32>,
          %add3A_470 = arith.constant 2 : i32
          %add3A_471 = vector.broadcast %add3A_470 : i32 to vector<16xi32>
          %add3A_472 = arith.addi %shift_right_logical3A_265, %add3A_471 : vector<16xi32>
          %gather3A_473 = tpu.vector_load_idx %arg9[%add3A_472, %and3A_268, %gather3A_468] : memref<4x8x512xf32, #tpu.memory_space<vmem>>[vector<16xi32>, vector<16xi32>, vector<16xi32>], vector<16xf32>,
          %swap3A_474 = arith.constant 0 : i32
          %swap3A_475 = tpu.memref_slice %arg15[%while3A_463, %swap3A_474] : memref<256x128xf32, #tpu.memory_space<vmem>> -> memref<1x128xf32, #tpu.memory_space<vmem>>
          %swap3A_476 = tpu.memref_squeeze %swap3A_475 : memref<1x128xf32, #tpu.memory_space<vmem>> -> memref<128xf32, #tpu.memory_space<vmem>>
          %swap3A_477 = arith.constant 0 : index
          %swap3A_478 = tpu.vector_load %swap3A_476[%swap3A_477] {strides = array<i32>} : memref<128xf32, #tpu.memory_space<vmem>>, vector<16xf32>,
          tpu.vector_store %swap3A_476[%swap3A_477], %gather3A_469 {strides = array<i32>} : memref<128xf32, #tpu.memory_space<vmem>>, vector<16xf32>,
          %swap3A_479 = arith.constant 0 : i32
          %swap3A_480 = tpu.memref_slice %arg15[%while3A_463, %swap3A_479] : memref<256x128xf32, #tpu.memory_space<vmem>> -> memref<1x128xf32, #tpu.memory_space<vmem>>
          %swap3A_481 = tpu.memref_squeeze %swap3A_480 : memref<1x128xf32, #tpu.memory_space<vmem>> -> memref<128xf32, #tpu.memory_space<vmem>>
          %swap3A_482 = arith.constant 16 : index
          %swap3A_483 = tpu.vector_load %swap3A_481[%swap3A_482] {strides = array<i32>} : memref<128xf32, #tpu.memory_space<vmem>>, vector<16xf32>,
          tpu.vector_store %swap3A_481[%swap3A_482], %gather3A_473 {strides = array<i32>} : memref<128xf32, #tpu.memory_space<vmem>>, vector<16xf32>,
          %while3A_484 = arith.constant 0 : i32
          scf.yield %while3A_484 : i32
        }
        %add3A_459 = arith.addi %while3A_417, %reduce_max3A_441 : i32
        %ge3A = arith.constant 240 : i32
        %ge3A_460 = arith.cmpi sge, %add3A_459, %ge3A : i32
        %convert_element_type3A = arith.extui %ge3A_460 : i1 to i32
        %cond3A = arith.constant 0 : i32
        %cond3A_461 = arith.cmpi ne, %convert_element_type3A, %cond3A : i32
        %cond3A_462 = scf.if %cond3A_461 -> (i32) {
          "tpu.region"() ({
            %run_scoped3A = tpu.sem_alloc : memref<!tpu.dma_semaphore, #tpu.memory_space<semaphore_mem>>
            %dma_start3A_471 = arith.constant 0 : i32
            %dma_start3A_472 = arith.constant 0 : i32
            %dma_start3A_473 = tpu.memref_slice %arg7[%dma_start3A_471, %dma_start3A_472] : memref<24576x128xf32, #tpu.memory_space<hbm>> -> memref<24576x128xf32, #tpu.memory_space<hbm>>
            tpu.enqueue_indirect_dma source(%arg15 : memref<256x128xf32, #tpu.memory_space<vmem>>) target(%dma_start3A_473 : memref<24576x128xf32, #tpu.memory_space<hbm>>) offsets(%arg14 : memref<256xi32, #tpu.memory_space<vmem>>) semaphore(%run_scoped3A : memref<!tpu.dma_semaphore, #tpu.memory_space<semaphore_mem>>)
            %dma_wait3A_474 = arith.constant 0 : i32
            %dma_wait3A_475 = arith.constant 0 : i32
            %dma_wait3A_476 = tpu.memref_slice %arg7[%dma_wait3A_474, %dma_wait3A_475] : memref<24576x128xf32, #tpu.memory_space<hbm>> -> memref<24576x128xf32, #tpu.memory_space<hbm>>
            tpu.wait_indirect_dma semaphore(%run_scoped3A : memref<!tpu.dma_semaphore, #tpu.memory_space<semaphore_mem>>) src(%arg15 : memref<256x128xf32, #tpu.memory_space<vmem>>) dst(%dma_wait3A_476 : memref<24576x128xf32, #tpu.memory_space<hbm>>)
            tpu.yield
          }) : () -> ()
          %scan3A_463 = arith.constant 0 : i32
          %scan3A_464 = arith.constant 0 : i32
          %scan3A_465 = arith.constant 16 : i32
          %scan3A_466 = arith.addi %scan3A_464, %scan3A_465 : i32
          %scan3A_467 = arith.constant 1 : i32
          %scan3A_468 = scf.for %scan3A_471 = %scan3A_464 to %scan3A_466 step %scan3A_467 iter_args(%scan3A_472 = %scan3A_463) -> (i32)  : i32 {
            %mul3A_473 = arith.constant 16 : i32
            %mul3A_474 = arith.muli %scan3A_471, %mul3A_473 : i32
            %add3A_475 = vector.broadcast %mul3A_474 : i32 to vector<16xi32>
            %add3A_476 = arith.addi %add3A_171, %add3A_475 : vector<16xi32>
            %mul3A_477 = arith.constant 16 : i32
            %mul3A_478 = arith.muli %scan3A_471, %mul3A_477 : i32
            %swap3A_479 = arith.index_cast %mul3A_478 : i32 to index
            %swap3A_480 = tpu.vector_load %arg14[%swap3A_479] {strides = array<i32>} : memref<256xi32, #tpu.memory_space<vmem>>, vector<16xi32>,
            tpu.vector_store %arg14[%swap3A_479], %add3A_476 {strides = array<i32>} : memref<256xi32, #tpu.memory_space<vmem>>, vector<16xi32>,
            %scan3A_481 = arith.constant 0 : i32
            scf.yield %scan3A_481 : i32
          }
          %scan3A_469 = arith.constant 16 : i32
          %cond3A_470 = arith.constant 0 : i32
          scf.yield %cond3A_470 : i32
        } else {
          scf.yield %add3A_459 : i32
        }
        scf.yield %cond3A_462 : i32
      }
      %while3A_398 = arith.constant 1 : i32
      %while3A_399 = scf.for %while3A_416 = %while3A_395 to %while3A_391 step %while3A_398 iter_args(%while3A_417 = %while3A_397) -> (i32)  : i32 {
        %mul3A_418 = arith.constant 16 : i32
        %mul3A_419 = arith.muli %while3A_416, %mul3A_418 : i32
        %get3A = arith.index_cast %mul3A_419 : i32 to index
        %get3A_420 = tpu.vector_load %arg11[%get3A] {strides = array<i32>} : memref<16384xi32, #tpu.memory_space<vmem>>, vector<16xi32>,
        %mul3A_421 = arith.constant 16 : i32
        %mul3A_422 = arith.muli %while3A_416, %mul3A_421 : i32
        %get3A_423 = arith.index_cast %mul3A_422 : i32 to index
        %get3A_424 = tpu.vector_load %arg12[%get3A_423] {strides = array<i32>} : memref<16384xi32, #tpu.memory_space<vmem>>, vector<16xi32>,
        %shift_right_logical3A_425 = arith.constant 9 : i32
        %shift_right_logical3A_426 = vector.broadcast %shift_right_logical3A_425 : i32 to vector<16xi32>
        %shift_right_logical3A_427 = arith.shrui %get3A_420, %shift_right_logical3A_426 : vector<16xi32>
        %eq3A = vector.broadcast %add3A_386 : i32 to vector<16xi32>
        %eq3A_428 = arith.cmpi eq, %shift_right_logical3A_427, %eq3A : vector<16xi32>
        %mul3A_429 = arith.constant 16 : i32
        %mul3A_430 = arith.muli %while3A_416, %mul3A_429 : i32
        %add3A_431 = vector.broadcast %mul3A_430 : i32 to vector<16xi32>
        %add3A_432 = arith.addi %add3A_431, %iota3A_165 : vector<16xi32>
        %lt3A = vector.broadcast %scan3A_235 : i32 to vector<16xi32>
        %lt3A_433 = arith.cmpi slt, %add3A_432, %lt3A : vector<16xi32>
        %and3A_434 = arith.andi %eq3A_428, %lt3A_433 : vector<16xi1>
        %all_reduce_population_count3A = tpu.all_reduce %and3A_434 {dim = 0 : i64, kind = #tpu.reduction_kind<sum>} : vector<16xi1> -> vector<16xi32>
        %reduce_max3A = arith.constant true
        %reduce_max3A_435 = vector.broadcast %reduce_max3A : i1 to vector<16xi1>
        %reduce_max3A_436 = arith.constant -2147483648 : i32
        %reduce_max3A_437 = vector.broadcast %reduce_max3A_436 : i32 to vector<16xi32>
        %reduce_max3A_438 = arith.xori %all_reduce_population_count3A, %reduce_max3A_437 : vector<16xi32>
        %reduce_max3A_439 = tpu.scan <max>, %reduce_max3A_438 masked %reduce_max3A_435 : vector<16xi32>, vector<16xi1> -> vector<16xi32>
        %reduce_max3A_440 = arith.xori %reduce_max3A_439, %reduce_max3A_437 : vector<16xi32>
        %reduce_max3A_441 = vector.extract %reduce_max3A_440[15] : i32 from vector<16xi32>
        %sub3A_442 = vector.broadcast %mul3A_388 : i32 to vector<16xi32>
        %sub3A_443 = arith.subi %get3A_420, %sub3A_442 : vector<16xi32>
        %swap3A = arith.index_cast %while3A_417 : i32 to index
        %swap3A_444 = tpu.vector_load %arg13[%swap3A] masked %and3A_434 {strides = array<i32>} : memref<272xi32, #tpu.memory_space<vmem>>, vector<16xi32>, vector<16xi1>
        tpu.vector_store %arg13[%swap3A], %sub3A_443 masked %and3A_434 {strides = array<i32>} : memref<272xi32, #tpu.memory_space<vmem>>, vector<16xi32>, vector<16xi1>
        %swap3A_445 = arith.index_cast %while3A_417 : i32 to index
        %swap3A_446 = tpu.vector_load %arg14[%swap3A_445] masked %and3A_434 {strides = array<i32>} : memref<256xi32, #tpu.memory_space<vmem>>, vector<16xi32>, vector<16xi1>
        tpu.vector_store %arg14[%swap3A_445], %get3A_424 masked %and3A_434 {strides = array<i32>} : memref<256xi32, #tpu.memory_space<vmem>>, vector<16xi32>, vector<16xi1>
        %add3A_447 = arith.addi %while3A_417, %reduce_max3A_441 : i32
        %while3A_448 = arith.constant 0 : i32
        %while3A_449 = arith.subi %add3A_447, %while3A_417 : i32
        %while3A_450 = arith.addi %while3A_417, %while3A_449 : i32
        %while3A_451 = arith.constant 1 : i32
        %while3A_452 = arith.divsi %while3A_449, %while3A_451 : i32
        %while3A_453 = arith.muli %while3A_452, %while3A_451 : i32
        %while3A_454 = arith.addi %while3A_417, %while3A_453 : i32
        %while3A_455 = arith.constant 1 : i32
        %while3A_456 = scf.for %while3A_463 = %while3A_417 to %while3A_454 step %while3A_455 iter_args(%while3A_464 = %while3A_448) -> (i32)  : i32 {
          %get3A_465 = arith.index_cast %while3A_463 : i32 to index
          %get3A_466 = tpu.vector_load %arg13[%get3A_465] {strides = array<i32>} : memref<272xi32, #tpu.memory_space<vmem>>, vector<16xi32>,
          %broadcast_in_dim3A = arith.constant 0 : i32
          %broadcast_in_dim3A_467 = vector.broadcast %broadcast_in_dim3A : i32 to vector<16x1xi32>
          %gather3A = vector.shape_cast %broadcast_in_dim3A_467 : vector<16x1xi32> to vector<16xi32>
          %gather3A_468 = tpu.dynamic_gather %get3A_466[%gather3A] in [0] : vector<16xi32>, vector<16xi32> -> vector<16xi32>
          %gather3A_469 = tpu.vector_load_idx %arg9[%shift_right_logical3A_265, %and3A_268, %gather3A_468] : memref<4x8x512xf32, #tpu.memory_space<vmem>>[vector<16xi32>, vector<16xi32>, vector<16xi32>], vector<16xf32>,
          %add3A_470 = arith.constant 2 : i32
          %add3A_471 = vector.broadcast %add3A_470 : i32 to vector<16xi32>
          %add3A_472 = arith.addi %shift_right_logical3A_265, %add3A_471 : vector<16xi32>
          %gather3A_473 = tpu.vector_load_idx %arg9[%add3A_472, %and3A_268, %gather3A_468] : memref<4x8x512xf32, #tpu.memory_space<vmem>>[vector<16xi32>, vector<16xi32>, vector<16xi32>], vector<16xf32>,
          %swap3A_474 = arith.constant 0 : i32
          %swap3A_475 = tpu.memref_slice %arg15[%while3A_463, %swap3A_474] : memref<256x128xf32, #tpu.memory_space<vmem>> -> memref<1x128xf32, #tpu.memory_space<vmem>>
          %swap3A_476 = tpu.memref_squeeze %swap3A_475 : memref<1x128xf32, #tpu.memory_space<vmem>> -> memref<128xf32, #tpu.memory_space<vmem>>
          %swap3A_477 = arith.constant 0 : index
          %swap3A_478 = tpu.vector_load %swap3A_476[%swap3A_477] {strides = array<i32>} : memref<128xf32, #tpu.memory_space<vmem>>, vector<16xf32>,
          tpu.vector_store %swap3A_476[%swap3A_477], %gather3A_469 {strides = array<i32>} : memref<128xf32, #tpu.memory_space<vmem>>, vector<16xf32>,
          %swap3A_479 = arith.constant 0 : i32
          %swap3A_480 = tpu.memref_slice %arg15[%while3A_463, %swap3A_479] : memref<256x128xf32, #tpu.memory_space<vmem>> -> memref<1x128xf32, #tpu.memory_space<vmem>>
          %swap3A_481 = tpu.memref_squeeze %swap3A_480 : memref<1x128xf32, #tpu.memory_space<vmem>> -> memref<128xf32, #tpu.memory_space<vmem>>
          %swap3A_482 = arith.constant 16 : index
          %swap3A_483 = tpu.vector_load %swap3A_481[%swap3A_482] {strides = array<i32>} : memref<128xf32, #tpu.memory_space<vmem>>, vector<16xf32>,
          tpu.vector_store %swap3A_481[%swap3A_482], %gather3A_473 {strides = array<i32>} : memref<128xf32, #tpu.memory_space<vmem>>, vector<16xf32>,
          %while3A_484 = arith.constant 0 : i32
          scf.yield %while3A_484 : i32
        }
        %while3A_457 = arith.constant 1 : i32
        %while3A_458 = scf.for %while3A_463 = %while3A_454 to %while3A_450 step %while3A_457 iter_args(%while3A_464 = %while3A_456) -> (i32)  : i32 {
          %get3A_465 = arith.index_cast %while3A_463 : i32 to index
          %get3A_466 = tpu.vector_load %arg13[%get3A_465] {strides = array<i32>} : memref<272xi32, #tpu.memory_space<vmem>>, vector<16xi32>,
          %broadcast_in_dim3A = arith.constant 0 : i32
          %broadcast_in_dim3A_467 = vector.broadcast %broadcast_in_dim3A : i32 to vector<16x1xi32>
          %gather3A = vector.shape_cast %broadcast_in_dim3A_467 : vector<16x1xi32> to vector<16xi32>
          %gather3A_468 = tpu.dynamic_gather %get3A_466[%gather3A] in [0] : vector<16xi32>, vector<16xi32> -> vector<16xi32>
          %gather3A_469 = tpu.vector_load_idx %arg9[%shift_right_logical3A_265, %and3A_268, %gather3A_468] : memref<4x8x512xf32, #tpu.memory_space<vmem>>[vector<16xi32>, vector<16xi32>, vector<16xi32>], vector<16xf32>,
          %add3A_470 = arith.constant 2 : i32
          %add3A_471 = vector.broadcast %add3A_470 : i32 to vector<16xi32>
          %add3A_472 = arith.addi %shift_right_logical3A_265, %add3A_471 : vector<16xi32>
          %gather3A_473 = tpu.vector_load_idx %arg9[%add3A_472, %and3A_268, %gather3A_468] : memref<4x8x512xf32, #tpu.memory_space<vmem>>[vector<16xi32>, vector<16xi32>, vector<16xi32>], vector<16xf32>,
          %swap3A_474 = arith.constant 0 : i32
          %swap3A_475 = tpu.memref_slice %arg15[%while3A_463, %swap3A_474] : memref<256x128xf32, #tpu.memory_space<vmem>> -> memref<1x128xf32, #tpu.memory_space<vmem>>
          %swap3A_476 = tpu.memref_squeeze %swap3A_475 : memref<1x128xf32, #tpu.memory_space<vmem>> -> memref<128xf32, #tpu.memory_space<vmem>>
          %swap3A_477 = arith.constant 0 : index
          %swap3A_478 = tpu.vector_load %swap3A_476[%swap3A_477] {strides = array<i32>} : memref<128xf32, #tpu.memory_space<vmem>>, vector<16xf32>,
          tpu.vector_store %swap3A_476[%swap3A_477], %gather3A_469 {strides = array<i32>} : memref<128xf32, #tpu.memory_space<vmem>>, vector<16xf32>,
          %swap3A_479 = arith.constant 0 : i32
          %swap3A_480 = tpu.memref_slice %arg15[%while3A_463, %swap3A_479] : memref<256x128xf32, #tpu.memory_space<vmem>> -> memref<1x128xf32, #tpu.memory_space<vmem>>
          %swap3A_481 = tpu.memref_squeeze %swap3A_480 : memref<1x128xf32, #tpu.memory_space<vmem>> -> memref<128xf32, #tpu.memory_space<vmem>>
          %swap3A_482 = arith.constant 16 : index
          %swap3A_483 = tpu.vector_load %swap3A_481[%swap3A_482] {strides = array<i32>} : memref<128xf32, #tpu.memory_space<vmem>>, vector<16xf32>,
          tpu.vector_store %swap3A_481[%swap3A_482], %gather3A_473 {strides = array<i32>} : memref<128xf32, #tpu.memory_space<vmem>>, vector<16xf32>,
          %while3A_484 = arith.constant 0 : i32
          scf.yield %while3A_484 : i32
        }
        %add3A_459 = arith.addi %while3A_417, %reduce_max3A_441 : i32
        %ge3A = arith.constant 240 : i32
        %ge3A_460 = arith.cmpi sge, %add3A_459, %ge3A : i32
        %convert_element_type3A = arith.extui %ge3A_460 : i1 to i32
        %cond3A = arith.constant 0 : i32
        %cond3A_461 = arith.cmpi ne, %convert_element_type3A, %cond3A : i32
        %cond3A_462 = scf.if %cond3A_461 -> (i32) {
          "tpu.region"() ({
            %run_scoped3A = tpu.sem_alloc : memref<!tpu.dma_semaphore, #tpu.memory_space<semaphore_mem>>
            %dma_start3A_471 = arith.constant 0 : i32
            %dma_start3A_472 = arith.constant 0 : i32
            %dma_start3A_473 = tpu.memref_slice %arg7[%dma_start3A_471, %dma_start3A_472] : memref<24576x128xf32, #tpu.memory_space<hbm>> -> memref<24576x128xf32, #tpu.memory_space<hbm>>
            tpu.enqueue_indirect_dma source(%arg15 : memref<256x128xf32, #tpu.memory_space<vmem>>) target(%dma_start3A_473 : memref<24576x128xf32, #tpu.memory_space<hbm>>) offsets(%arg14 : memref<256xi32, #tpu.memory_space<vmem>>) semaphore(%run_scoped3A : memref<!tpu.dma_semaphore, #tpu.memory_space<semaphore_mem>>)
            %dma_wait3A_474 = arith.constant 0 : i32
            %dma_wait3A_475 = arith.constant 0 : i32
            %dma_wait3A_476 = tpu.memref_slice %arg7[%dma_wait3A_474, %dma_wait3A_475] : memref<24576x128xf32, #tpu.memory_space<hbm>> -> memref<24576x128xf32, #tpu.memory_space<hbm>>
            tpu.wait_indirect_dma semaphore(%run_scoped3A : memref<!tpu.dma_semaphore, #tpu.memory_space<semaphore_mem>>) src(%arg15 : memref<256x128xf32, #tpu.memory_space<vmem>>) dst(%dma_wait3A_476 : memref<24576x128xf32, #tpu.memory_space<hbm>>)
            tpu.yield
          }) : () -> ()
          %scan3A_463 = arith.constant 0 : i32
          %scan3A_464 = arith.constant 0 : i32
          %scan3A_465 = arith.constant 16 : i32
          %scan3A_466 = arith.addi %scan3A_464, %scan3A_465 : i32
          %scan3A_467 = arith.constant 1 : i32
          %scan3A_468 = scf.for %scan3A_471 = %scan3A_464 to %scan3A_466 step %scan3A_467 iter_args(%scan3A_472 = %scan3A_463) -> (i32)  : i32 {
            %mul3A_473 = arith.constant 16 : i32
            %mul3A_474 = arith.muli %scan3A_471, %mul3A_473 : i32
            %add3A_475 = vector.broadcast %mul3A_474 : i32 to vector<16xi32>
            %add3A_476 = arith.addi %add3A_171, %add3A_475 : vector<16xi32>
            %mul3A_477 = arith.constant 16 : i32
            %mul3A_478 = arith.muli %scan3A_471, %mul3A_477 : i32
            %swap3A_479 = arith.index_cast %mul3A_478 : i32 to index
            %swap3A_480 = tpu.vector_load %arg14[%swap3A_479] {strides = array<i32>} : memref<256xi32, #tpu.memory_space<vmem>>, vector<16xi32>,
            tpu.vector_store %arg14[%swap3A_479], %add3A_476 {strides = array<i32>} : memref<256xi32, #tpu.memory_space<vmem>>, vector<16xi32>,
            %scan3A_481 = arith.constant 0 : i32
            scf.yield %scan3A_481 : i32
          }
          %scan3A_469 = arith.constant 16 : i32
          %cond3A_470 = arith.constant 0 : i32
          scf.yield %cond3A_470 : i32
        } else {
          scf.yield %add3A_459 : i32
        }
        scf.yield %cond3A_462 : i32
      }
      %add3A_400 = arith.constant 3 : i32
      %add3A_401 = arith.addi %mul3A_333, %add3A_400 : i32
      %sub3A_402 = arith.constant 1 : i32
      %sub3A_403 = arith.subi %add3A_199, %sub3A_402 : i32
      %min3A_404 = arith.minsi %add3A_401, %sub3A_403 : i32
      %mul3A_405 = arith.constant 32 : i32
      %mul3A_406 = arith.muli %min3A_404, %mul3A_405 : i32
      %add3A_407 = arith.addi %add3A, %mul3A_406 : i32
      %mul3A_408 = arith.constant 512 : i32
      %mul3A_409 = arith.muli %add3A_407, %mul3A_408 : i32
      %dma_start3A_410 = arith.constant 0 : i32
      %dma_start3A_411 = arith.constant 0 : i32
      %dma_start3A_412 = tpu.memref_slice %arg4[%dma_start3A_410, %dma_start3A_411, %mul3A_409] : memref<4x8x100000xf32, #tpu.memory_space<hbm>> -> memref<4x8x512xf32, #tpu.memory_space<hbm>>
      %dma_start3A_413 = arith.constant 0 : i32
      %dma_start3A_414 = arith.constant 0 : i32
      %dma_start3A_415 = tpu.memref_slice %arg4[%dma_start3A_413, %dma_start3A_414, %mul3A_409] : memref<4x8x100000xf32, #tpu.memory_space<hbm>> -> memref<4x8x512xf32, #tpu.memory_space<hbm>>
      tpu.enqueue_dma source(%dma_start3A_415 : memref<4x8x512xf32, #tpu.memory_space<hbm>>) target(%arg9 : memref<4x8x512xf32, #tpu.memory_space<vmem>>) target_semaphore(%arg17 : memref<!tpu.dma_semaphore, #tpu.memory_space<semaphore_mem>>)
      scf.yield %while3A_399 : i32
    }
    %while3A_305 = arith.constant 1 : i32
    %while3A_306 = scf.for %while3A_330 = %while3A_302 to %while3A_298 step %while3A_305 iter_args(%while3A_331 = %while3A_304) -> (i32)  : i32 {
      %mul3A_332 = arith.constant 2 : i32
      %mul3A_333 = arith.muli %mul3A_332, %while3A_330 : i32
      %dma_wait3A_334 = arith.constant 0 : i32
      %dma_wait3A_335 = arith.constant 0 : i32
      %dma_wait3A_336 = arith.constant 0 : i32
      %dma_wait3A_337 = tpu.memref_slice %arg4[%dma_wait3A_334, %dma_wait3A_335, %dma_wait3A_336] : memref<4x8x100000xf32, #tpu.memory_space<hbm>> -> memref<4x8x512xf32, #tpu.memory_space<hbm>>
      %dma_wait3A_338 = arith.constant 0 : i32
      %dma_wait3A_339 = arith.constant 0 : i32
      %dma_wait3A_340 = arith.constant 0 : i32
      %dma_wait3A_341 = tpu.memref_slice %arg4[%dma_wait3A_338, %dma_wait3A_339, %dma_wait3A_340] : memref<4x8x100000xf32, #tpu.memory_space<hbm>> -> memref<4x8x512xf32, #tpu.memory_space<hbm>>
      tpu.wait_dma2 semaphore(%arg16 : memref<!tpu.dma_semaphore, #tpu.memory_space<semaphore_mem>>) src(%dma_wait3A_341 : memref<4x8x512xf32, #tpu.memory_space<hbm>>) dst(%arg8 : memref<4x8x512xf32, #tpu.memory_space<vmem>>)
      %mul3A_342 = arith.constant 32 : i32
      %mul3A_343 = arith.muli %mul3A_333, %mul3A_342 : i32
      %add3A_344 = arith.addi %add3A, %mul3A_343 : i32
      %mul3A_345 = arith.constant 512 : i32
      %mul3A_346 = arith.muli %add3A_344, %mul3A_345 : i32
      %while3A_347 = arith.constant 0 : i32
      %while3A_348 = arith.subi %select_n3A_262, %while3A_347 : i32
      %while3A_349 = arith.addi %while3A_347, %while3A_348 : i32
      %while3A_350 = arith.constant 1 : i32
      %while3A_351 = arith.divsi %while3A_348, %while3A_350 : i32
      %while3A_352 = arith.muli %while3A_351, %while3A_350 : i32
      %while3A_353 = arith.addi %while3A_347, %while3A_352 : i32
      %while3A_354 = arith.constant 1 : i32
      %while3A_355 = scf.for %while3A_416 = %while3A_347 to %while3A_353 step %while3A_354 iter_args(%while3A_417 = %while3A_331) -> (i32)  : i32 {
        %mul3A_418 = arith.constant 16 : i32
        %mul3A_419 = arith.muli %while3A_416, %mul3A_418 : i32
        %get3A = arith.index_cast %mul3A_419 : i32 to index
        %get3A_420 = tpu.vector_load %arg11[%get3A] {strides = array<i32>} : memref<16384xi32, #tpu.memory_space<vmem>>, vector<16xi32>,
        %mul3A_421 = arith.constant 16 : i32
        %mul3A_422 = arith.muli %while3A_416, %mul3A_421 : i32
        %get3A_423 = arith.index_cast %mul3A_422 : i32 to index
        %get3A_424 = tpu.vector_load %arg12[%get3A_423] {strides = array<i32>} : memref<16384xi32, #tpu.memory_space<vmem>>, vector<16xi32>,
        %shift_right_logical3A_425 = arith.constant 9 : i32
        %shift_right_logical3A_426 = vector.broadcast %shift_right_logical3A_425 : i32 to vector<16xi32>
        %shift_right_logical3A_427 = arith.shrui %get3A_420, %shift_right_logical3A_426 : vector<16xi32>
        %eq3A = vector.broadcast %add3A_344 : i32 to vector<16xi32>
        %eq3A_428 = arith.cmpi eq, %shift_right_logical3A_427, %eq3A : vector<16xi32>
        %mul3A_429 = arith.constant 16 : i32
        %mul3A_430 = arith.muli %while3A_416, %mul3A_429 : i32
        %add3A_431 = vector.broadcast %mul3A_430 : i32 to vector<16xi32>
        %add3A_432 = arith.addi %add3A_431, %iota3A_165 : vector<16xi32>
        %lt3A = vector.broadcast %scan3A_235 : i32 to vector<16xi32>
        %lt3A_433 = arith.cmpi slt, %add3A_432, %lt3A : vector<16xi32>
        %and3A_434 = arith.andi %eq3A_428, %lt3A_433 : vector<16xi1>
        %all_reduce_population_count3A = tpu.all_reduce %and3A_434 {dim = 0 : i64, kind = #tpu.reduction_kind<sum>} : vector<16xi1> -> vector<16xi32>
        %reduce_max3A = arith.constant true
        %reduce_max3A_435 = vector.broadcast %reduce_max3A : i1 to vector<16xi1>
        %reduce_max3A_436 = arith.constant -2147483648 : i32
        %reduce_max3A_437 = vector.broadcast %reduce_max3A_436 : i32 to vector<16xi32>
        %reduce_max3A_438 = arith.xori %all_reduce_population_count3A, %reduce_max3A_437 : vector<16xi32>
        %reduce_max3A_439 = tpu.scan <max>, %reduce_max3A_438 masked %reduce_max3A_435 : vector<16xi32>, vector<16xi1> -> vector<16xi32>
        %reduce_max3A_440 = arith.xori %reduce_max3A_439, %reduce_max3A_437 : vector<16xi32>
        %reduce_max3A_441 = vector.extract %reduce_max3A_440[15] : i32 from vector<16xi32>
        %sub3A_442 = vector.broadcast %mul3A_346 : i32 to vector<16xi32>
        %sub3A_443 = arith.subi %get3A_420, %sub3A_442 : vector<16xi32>
        %swap3A = arith.index_cast %while3A_417 : i32 to index
        %swap3A_444 = tpu.vector_load %arg13[%swap3A] masked %and3A_434 {strides = array<i32>} : memref<272xi32, #tpu.memory_space<vmem>>, vector<16xi32>, vector<16xi1>
        tpu.vector_store %arg13[%swap3A], %sub3A_443 masked %and3A_434 {strides = array<i32>} : memref<272xi32, #tpu.memory_space<vmem>>, vector<16xi32>, vector<16xi1>
        %swap3A_445 = arith.index_cast %while3A_417 : i32 to index
        %swap3A_446 = tpu.vector_load %arg14[%swap3A_445] masked %and3A_434 {strides = array<i32>} : memref<256xi32, #tpu.memory_space<vmem>>, vector<16xi32>, vector<16xi1>
        tpu.vector_store %arg14[%swap3A_445], %get3A_424 masked %and3A_434 {strides = array<i32>} : memref<256xi32, #tpu.memory_space<vmem>>, vector<16xi32>, vector<16xi1>
        %add3A_447 = arith.addi %while3A_417, %reduce_max3A_441 : i32
        %while3A_448 = arith.constant 0 : i32
        %while3A_449 = arith.subi %add3A_447, %while3A_417 : i32
        %while3A_450 = arith.addi %while3A_417, %while3A_449 : i32
        %while3A_451 = arith.constant 1 : i32
        %while3A_452 = arith.divsi %while3A_449, %while3A_451 : i32
        %while3A_453 = arith.muli %while3A_452, %while3A_451 : i32
        %while3A_454 = arith.addi %while3A_417, %while3A_453 : i32
        %while3A_455 = arith.constant 1 : i32
        %while3A_456 = scf.for %while3A_463 = %while3A_417 to %while3A_454 step %while3A_455 iter_args(%while3A_464 = %while3A_448) -> (i32)  : i32 {
          %get3A_465 = arith.index_cast %while3A_463 : i32 to index
          %get3A_466 = tpu.vector_load %arg13[%get3A_465] {strides = array<i32>} : memref<272xi32, #tpu.memory_space<vmem>>, vector<16xi32>,
          %broadcast_in_dim3A = arith.constant 0 : i32
          %broadcast_in_dim3A_467 = vector.broadcast %broadcast_in_dim3A : i32 to vector<16x1xi32>
          %gather3A = vector.shape_cast %broadcast_in_dim3A_467 : vector<16x1xi32> to vector<16xi32>
          %gather3A_468 = tpu.dynamic_gather %get3A_466[%gather3A] in [0] : vector<16xi32>, vector<16xi32> -> vector<16xi32>
          %gather3A_469 = tpu.vector_load_idx %arg8[%shift_right_logical3A_265, %and3A_268, %gather3A_468] : memref<4x8x512xf32, #tpu.memory_space<vmem>>[vector<16xi32>, vector<16xi32>, vector<16xi32>], vector<16xf32>,
          %add3A_470 = arith.constant 2 : i32
          %add3A_471 = vector.broadcast %add3A_470 : i32 to vector<16xi32>
          %add3A_472 = arith.addi %shift_right_logical3A_265, %add3A_471 : vector<16xi32>
          %gather3A_473 = tpu.vector_load_idx %arg8[%add3A_472, %and3A_268, %gather3A_468] : memref<4x8x512xf32, #tpu.memory_space<vmem>>[vector<16xi32>, vector<16xi32>, vector<16xi32>], vector<16xf32>,
          %swap3A_474 = arith.constant 0 : i32
          %swap3A_475 = tpu.memref_slice %arg15[%while3A_463, %swap3A_474] : memref<256x128xf32, #tpu.memory_space<vmem>> -> memref<1x128xf32, #tpu.memory_space<vmem>>
          %swap3A_476 = tpu.memref_squeeze %swap3A_475 : memref<1x128xf32, #tpu.memory_space<vmem>> -> memref<128xf32, #tpu.memory_space<vmem>>
          %swap3A_477 = arith.constant 0 : index
          %swap3A_478 = tpu.vector_load %swap3A_476[%swap3A_477] {strides = array<i32>} : memref<128xf32, #tpu.memory_space<vmem>>, vector<16xf32>,
          tpu.vector_store %swap3A_476[%swap3A_477], %gather3A_469 {strides = array<i32>} : memref<128xf32, #tpu.memory_space<vmem>>, vector<16xf32>,
          %swap3A_479 = arith.constant 0 : i32
          %swap3A_480 = tpu.memref_slice %arg15[%while3A_463, %swap3A_479] : memref<256x128xf32, #tpu.memory_space<vmem>> -> memref<1x128xf32, #tpu.memory_space<vmem>>
          %swap3A_481 = tpu.memref_squeeze %swap3A_480 : memref<1x128xf32, #tpu.memory_space<vmem>> -> memref<128xf32, #tpu.memory_space<vmem>>
          %swap3A_482 = arith.constant 16 : index
          %swap3A_483 = tpu.vector_load %swap3A_481[%swap3A_482] {strides = array<i32>} : memref<128xf32, #tpu.memory_space<vmem>>, vector<16xf32>,
          tpu.vector_store %swap3A_481[%swap3A_482], %gather3A_473 {strides = array<i32>} : memref<128xf32, #tpu.memory_space<vmem>>, vector<16xf32>,
          %while3A_484 = arith.constant 0 : i32
          scf.yield %while3A_484 : i32
        }
        %while3A_457 = arith.constant 1 : i32
        %while3A_458 = scf.for %while3A_463 = %while3A_454 to %while3A_450 step %while3A_457 iter_args(%while3A_464 = %while3A_456) -> (i32)  : i32 {
          %get3A_465 = arith.index_cast %while3A_463 : i32 to index
          %get3A_466 = tpu.vector_load %arg13[%get3A_465] {strides = array<i32>} : memref<272xi32, #tpu.memory_space<vmem>>, vector<16xi32>,
          %broadcast_in_dim3A = arith.constant 0 : i32
          %broadcast_in_dim3A_467 = vector.broadcast %broadcast_in_dim3A : i32 to vector<16x1xi32>
          %gather3A = vector.shape_cast %broadcast_in_dim3A_467 : vector<16x1xi32> to vector<16xi32>
          %gather3A_468 = tpu.dynamic_gather %get3A_466[%gather3A] in [0] : vector<16xi32>, vector<16xi32> -> vector<16xi32>
          %gather3A_469 = tpu.vector_load_idx %arg8[%shift_right_logical3A_265, %and3A_268, %gather3A_468] : memref<4x8x512xf32, #tpu.memory_space<vmem>>[vector<16xi32>, vector<16xi32>, vector<16xi32>], vector<16xf32>,
          %add3A_470 = arith.constant 2 : i32
          %add3A_471 = vector.broadcast %add3A_470 : i32 to vector<16xi32>
          %add3A_472 = arith.addi %shift_right_logical3A_265, %add3A_471 : vector<16xi32>
          %gather3A_473 = tpu.vector_load_idx %arg8[%add3A_472, %and3A_268, %gather3A_468] : memref<4x8x512xf32, #tpu.memory_space<vmem>>[vector<16xi32>, vector<16xi32>, vector<16xi32>], vector<16xf32>,
          %swap3A_474 = arith.constant 0 : i32
          %swap3A_475 = tpu.memref_slice %arg15[%while3A_463, %swap3A_474] : memref<256x128xf32, #tpu.memory_space<vmem>> -> memref<1x128xf32, #tpu.memory_space<vmem>>
          %swap3A_476 = tpu.memref_squeeze %swap3A_475 : memref<1x128xf32, #tpu.memory_space<vmem>> -> memref<128xf32, #tpu.memory_space<vmem>>
          %swap3A_477 = arith.constant 0 : index
          %swap3A_478 = tpu.vector_load %swap3A_476[%swap3A_477] {strides = array<i32>} : memref<128xf32, #tpu.memory_space<vmem>>, vector<16xf32>,
          tpu.vector_store %swap3A_476[%swap3A_477], %gather3A_469 {strides = array<i32>} : memref<128xf32, #tpu.memory_space<vmem>>, vector<16xf32>,
          %swap3A_479 = arith.constant 0 : i32
          %swap3A_480 = tpu.memref_slice %arg15[%while3A_463, %swap3A_479] : memref<256x128xf32, #tpu.memory_space<vmem>> -> memref<1x128xf32, #tpu.memory_space<vmem>>
          %swap3A_481 = tpu.memref_squeeze %swap3A_480 : memref<1x128xf32, #tpu.memory_space<vmem>> -> memref<128xf32, #tpu.memory_space<vmem>>
          %swap3A_482 = arith.constant 16 : index
          %swap3A_483 = tpu.vector_load %swap3A_481[%swap3A_482] {strides = array<i32>} : memref<128xf32, #tpu.memory_space<vmem>>, vector<16xf32>,
          tpu.vector_store %swap3A_481[%swap3A_482], %gather3A_473 {strides = array<i32>} : memref<128xf32, #tpu.memory_space<vmem>>, vector<16xf32>,
          %while3A_484 = arith.constant 0 : i32
          scf.yield %while3A_484 : i32
        }
        %add3A_459 = arith.addi %while3A_417, %reduce_max3A_441 : i32
        %ge3A = arith.constant 240 : i32
        %ge3A_460 = arith.cmpi sge, %add3A_459, %ge3A : i32
        %convert_element_type3A = arith.extui %ge3A_460 : i1 to i32
        %cond3A = arith.constant 0 : i32
        %cond3A_461 = arith.cmpi ne, %convert_element_type3A, %cond3A : i32
        %cond3A_462 = scf.if %cond3A_461 -> (i32) {
          "tpu.region"() ({
            %run_scoped3A = tpu.sem_alloc : memref<!tpu.dma_semaphore, #tpu.memory_space<semaphore_mem>>
            %dma_start3A_471 = arith.constant 0 : i32
            %dma_start3A_472 = arith.constant 0 : i32
            %dma_start3A_473 = tpu.memref_slice %arg7[%dma_start3A_471, %dma_start3A_472] : memref<24576x128xf32, #tpu.memory_space<hbm>> -> memref<24576x128xf32, #tpu.memory_space<hbm>>
            tpu.enqueue_indirect_dma source(%arg15 : memref<256x128xf32, #tpu.memory_space<vmem>>) target(%dma_start3A_473 : memref<24576x128xf32, #tpu.memory_space<hbm>>) offsets(%arg14 : memref<256xi32, #tpu.memory_space<vmem>>) semaphore(%run_scoped3A : memref<!tpu.dma_semaphore, #tpu.memory_space<semaphore_mem>>)
            %dma_wait3A_474 = arith.constant 0 : i32
            %dma_wait3A_475 = arith.constant 0 : i32
            %dma_wait3A_476 = tpu.memref_slice %arg7[%dma_wait3A_474, %dma_wait3A_475] : memref<24576x128xf32, #tpu.memory_space<hbm>> -> memref<24576x128xf32, #tpu.memory_space<hbm>>
            tpu.wait_indirect_dma semaphore(%run_scoped3A : memref<!tpu.dma_semaphore, #tpu.memory_space<semaphore_mem>>) src(%arg15 : memref<256x128xf32, #tpu.memory_space<vmem>>) dst(%dma_wait3A_476 : memref<24576x128xf32, #tpu.memory_space<hbm>>)
            tpu.yield
          }) : () -> ()
          %scan3A_463 = arith.constant 0 : i32
          %scan3A_464 = arith.constant 0 : i32
          %scan3A_465 = arith.constant 16 : i32
          %scan3A_466 = arith.addi %scan3A_464, %scan3A_465 : i32
          %scan3A_467 = arith.constant 1 : i32
          %scan3A_468 = scf.for %scan3A_471 = %scan3A_464 to %scan3A_466 step %scan3A_467 iter_args(%scan3A_472 = %scan3A_463) -> (i32)  : i32 {
            %mul3A_473 = arith.constant 16 : i32
            %mul3A_474 = arith.muli %scan3A_471, %mul3A_473 : i32
            %add3A_475 = vector.broadcast %mul3A_474 : i32 to vector<16xi32>
            %add3A_476 = arith.addi %add3A_171, %add3A_475 : vector<16xi32>
            %mul3A_477 = arith.constant 16 : i32
            %mul3A_478 = arith.muli %scan3A_471, %mul3A_477 : i32
            %swap3A_479 = arith.index_cast %mul3A_478 : i32 to index
            %swap3A_480 = tpu.vector_load %arg14[%swap3A_479] {strides = array<i32>} : memref<256xi32, #tpu.memory_space<vmem>>, vector<16xi32>,
            tpu.vector_store %arg14[%swap3A_479], %add3A_476 {strides = array<i32>} : memref<256xi32, #tpu.memory_space<vmem>>, vector<16xi32>,
            %scan3A_481 = arith.constant 0 : i32
            scf.yield %scan3A_481 : i32
          }
          %scan3A_469 = arith.constant 16 : i32
          %cond3A_470 = arith.constant 0 : i32
          scf.yield %cond3A_470 : i32
        } else {
          scf.yield %add3A_459 : i32
        }
        scf.yield %cond3A_462 : i32
      }
      %while3A_356 = arith.constant 1 : i32
      %while3A_357 = scf.for %while3A_416 = %while3A_353 to %while3A_349 step %while3A_356 iter_args(%while3A_417 = %while3A_355) -> (i32)  : i32 {
        %mul3A_418 = arith.constant 16 : i32
        %mul3A_419 = arith.muli %while3A_416, %mul3A_418 : i32
        %get3A = arith.index_cast %mul3A_419 : i32 to index
        %get3A_420 = tpu.vector_load %arg11[%get3A] {strides = array<i32>} : memref<16384xi32, #tpu.memory_space<vmem>>, vector<16xi32>,
        %mul3A_421 = arith.constant 16 : i32
        %mul3A_422 = arith.muli %while3A_416, %mul3A_421 : i32
        %get3A_423 = arith.index_cast %mul3A_422 : i32 to index
        %get3A_424 = tpu.vector_load %arg12[%get3A_423] {strides = array<i32>} : memref<16384xi32, #tpu.memory_space<vmem>>, vector<16xi32>,
        %shift_right_logical3A_425 = arith.constant 9 : i32
        %shift_right_logical3A_426 = vector.broadcast %shift_right_logical3A_425 : i32 to vector<16xi32>
        %shift_right_logical3A_427 = arith.shrui %get3A_420, %shift_right_logical3A_426 : vector<16xi32>
        %eq3A = vector.broadcast %add3A_344 : i32 to vector<16xi32>
        %eq3A_428 = arith.cmpi eq, %shift_right_logical3A_427, %eq3A : vector<16xi32>
        %mul3A_429 = arith.constant 16 : i32
        %mul3A_430 = arith.muli %while3A_416, %mul3A_429 : i32
        %add3A_431 = vector.broadcast %mul3A_430 : i32 to vector<16xi32>
        %add3A_432 = arith.addi %add3A_431, %iota3A_165 : vector<16xi32>
        %lt3A = vector.broadcast %scan3A_235 : i32 to vector<16xi32>
        %lt3A_433 = arith.cmpi slt, %add3A_432, %lt3A : vector<16xi32>
        %and3A_434 = arith.andi %eq3A_428, %lt3A_433 : vector<16xi1>
        %all_reduce_population_count3A = tpu.all_reduce %and3A_434 {dim = 0 : i64, kind = #tpu.reduction_kind<sum>} : vector<16xi1> -> vector<16xi32>
        %reduce_max3A = arith.constant true
        %reduce_max3A_435 = vector.broadcast %reduce_max3A : i1 to vector<16xi1>
        %reduce_max3A_436 = arith.constant -2147483648 : i32
        %reduce_max3A_437 = vector.broadcast %reduce_max3A_436 : i32 to vector<16xi32>
        %reduce_max3A_438 = arith.xori %all_reduce_population_count3A, %reduce_max3A_437 : vector<16xi32>
        %reduce_max3A_439 = tpu.scan <max>, %reduce_max3A_438 masked %reduce_max3A_435 : vector<16xi32>, vector<16xi1> -> vector<16xi32>
        %reduce_max3A_440 = arith.xori %reduce_max3A_439, %reduce_max3A_437 : vector<16xi32>
        %reduce_max3A_441 = vector.extract %reduce_max3A_440[15] : i32 from vector<16xi32>
        %sub3A_442 = vector.broadcast %mul3A_346 : i32 to vector<16xi32>
        %sub3A_443 = arith.subi %get3A_420, %sub3A_442 : vector<16xi32>
        %swap3A = arith.index_cast %while3A_417 : i32 to index
        %swap3A_444 = tpu.vector_load %arg13[%swap3A] masked %and3A_434 {strides = array<i32>} : memref<272xi32, #tpu.memory_space<vmem>>, vector<16xi32>, vector<16xi1>
        tpu.vector_store %arg13[%swap3A], %sub3A_443 masked %and3A_434 {strides = array<i32>} : memref<272xi32, #tpu.memory_space<vmem>>, vector<16xi32>, vector<16xi1>
        %swap3A_445 = arith.index_cast %while3A_417 : i32 to index
        %swap3A_446 = tpu.vector_load %arg14[%swap3A_445] masked %and3A_434 {strides = array<i32>} : memref<256xi32, #tpu.memory_space<vmem>>, vector<16xi32>, vector<16xi1>
        tpu.vector_store %arg14[%swap3A_445], %get3A_424 masked %and3A_434 {strides = array<i32>} : memref<256xi32, #tpu.memory_space<vmem>>, vector<16xi32>, vector<16xi1>
        %add3A_447 = arith.addi %while3A_417, %reduce_max3A_441 : i32
        %while3A_448 = arith.constant 0 : i32
        %while3A_449 = arith.subi %add3A_447, %while3A_417 : i32
        %while3A_450 = arith.addi %while3A_417, %while3A_449 : i32
        %while3A_451 = arith.constant 1 : i32
        %while3A_452 = arith.divsi %while3A_449, %while3A_451 : i32
        %while3A_453 = arith.muli %while3A_452, %while3A_451 : i32
        %while3A_454 = arith.addi %while3A_417, %while3A_453 : i32
        %while3A_455 = arith.constant 1 : i32
        %while3A_456 = scf.for %while3A_463 = %while3A_417 to %while3A_454 step %while3A_455 iter_args(%while3A_464 = %while3A_448) -> (i32)  : i32 {
          %get3A_465 = arith.index_cast %while3A_463 : i32 to index
          %get3A_466 = tpu.vector_load %arg13[%get3A_465] {strides = array<i32>} : memref<272xi32, #tpu.memory_space<vmem>>, vector<16xi32>,
          %broadcast_in_dim3A = arith.constant 0 : i32
          %broadcast_in_dim3A_467 = vector.broadcast %broadcast_in_dim3A : i32 to vector<16x1xi32>
          %gather3A = vector.shape_cast %broadcast_in_dim3A_467 : vector<16x1xi32> to vector<16xi32>
          %gather3A_468 = tpu.dynamic_gather %get3A_466[%gather3A] in [0] : vector<16xi32>, vector<16xi32> -> vector<16xi32>
          %gather3A_469 = tpu.vector_load_idx %arg8[%shift_right_logical3A_265, %and3A_268, %gather3A_468] : memref<4x8x512xf32, #tpu.memory_space<vmem>>[vector<16xi32>, vector<16xi32>, vector<16xi32>], vector<16xf32>,
          %add3A_470 = arith.constant 2 : i32
          %add3A_471 = vector.broadcast %add3A_470 : i32 to vector<16xi32>
          %add3A_472 = arith.addi %shift_right_logical3A_265, %add3A_471 : vector<16xi32>
          %gather3A_473 = tpu.vector_load_idx %arg8[%add3A_472, %and3A_268, %gather3A_468] : memref<4x8x512xf32, #tpu.memory_space<vmem>>[vector<16xi32>, vector<16xi32>, vector<16xi32>], vector<16xf32>,
          %swap3A_474 = arith.constant 0 : i32
          %swap3A_475 = tpu.memref_slice %arg15[%while3A_463, %swap3A_474] : memref<256x128xf32, #tpu.memory_space<vmem>> -> memref<1x128xf32, #tpu.memory_space<vmem>>
          %swap3A_476 = tpu.memref_squeeze %swap3A_475 : memref<1x128xf32, #tpu.memory_space<vmem>> -> memref<128xf32, #tpu.memory_space<vmem>>
          %swap3A_477 = arith.constant 0 : index
          %swap3A_478 = tpu.vector_load %swap3A_476[%swap3A_477] {strides = array<i32>} : memref<128xf32, #tpu.memory_space<vmem>>, vector<16xf32>,
          tpu.vector_store %swap3A_476[%swap3A_477], %gather3A_469 {strides = array<i32>} : memref<128xf32, #tpu.memory_space<vmem>>, vector<16xf32>,
          %swap3A_479 = arith.constant 0 : i32
          %swap3A_480 = tpu.memref_slice %arg15[%while3A_463, %swap3A_479] : memref<256x128xf32, #tpu.memory_space<vmem>> -> memref<1x128xf32, #tpu.memory_space<vmem>>
          %swap3A_481 = tpu.memref_squeeze %swap3A_480 : memref<1x128xf32, #tpu.memory_space<vmem>> -> memref<128xf32, #tpu.memory_space<vmem>>
          %swap3A_482 = arith.constant 16 : index
          %swap3A_483 = tpu.vector_load %swap3A_481[%swap3A_482] {strides = array<i32>} : memref<128xf32, #tpu.memory_space<vmem>>, vector<16xf32>,
          tpu.vector_store %swap3A_481[%swap3A_482], %gather3A_473 {strides = array<i32>} : memref<128xf32, #tpu.memory_space<vmem>>, vector<16xf32>,
          %while3A_484 = arith.constant 0 : i32
          scf.yield %while3A_484 : i32
        }
        %while3A_457 = arith.constant 1 : i32
        %while3A_458 = scf.for %while3A_463 = %while3A_454 to %while3A_450 step %while3A_457 iter_args(%while3A_464 = %while3A_456) -> (i32)  : i32 {
          %get3A_465 = arith.index_cast %while3A_463 : i32 to index
          %get3A_466 = tpu.vector_load %arg13[%get3A_465] {strides = array<i32>} : memref<272xi32, #tpu.memory_space<vmem>>, vector<16xi32>,
          %broadcast_in_dim3A = arith.constant 0 : i32
          %broadcast_in_dim3A_467 = vector.broadcast %broadcast_in_dim3A : i32 to vector<16x1xi32>
          %gather3A = vector.shape_cast %broadcast_in_dim3A_467 : vector<16x1xi32> to vector<16xi32>
          %gather3A_468 = tpu.dynamic_gather %get3A_466[%gather3A] in [0] : vector<16xi32>, vector<16xi32> -> vector<16xi32>
          %gather3A_469 = tpu.vector_load_idx %arg8[%shift_right_logical3A_265, %and3A_268, %gather3A_468] : memref<4x8x512xf32, #tpu.memory_space<vmem>>[vector<16xi32>, vector<16xi32>, vector<16xi32>], vector<16xf32>,
          %add3A_470 = arith.constant 2 : i32
          %add3A_471 = vector.broadcast %add3A_470 : i32 to vector<16xi32>
          %add3A_472 = arith.addi %shift_right_logical3A_265, %add3A_471 : vector<16xi32>
          %gather3A_473 = tpu.vector_load_idx %arg8[%add3A_472, %and3A_268, %gather3A_468] : memref<4x8x512xf32, #tpu.memory_space<vmem>>[vector<16xi32>, vector<16xi32>, vector<16xi32>], vector<16xf32>,
          %swap3A_474 = arith.constant 0 : i32
          %swap3A_475 = tpu.memref_slice %arg15[%while3A_463, %swap3A_474] : memref<256x128xf32, #tpu.memory_space<vmem>> -> memref<1x128xf32, #tpu.memory_space<vmem>>
          %swap3A_476 = tpu.memref_squeeze %swap3A_475 : memref<1x128xf32, #tpu.memory_space<vmem>> -> memref<128xf32, #tpu.memory_space<vmem>>
          %swap3A_477 = arith.constant 0 : index
          %swap3A_478 = tpu.vector_load %swap3A_476[%swap3A_477] {strides = array<i32>} : memref<128xf32, #tpu.memory_space<vmem>>, vector<16xf32>,
          tpu.vector_store %swap3A_476[%swap3A_477], %gather3A_469 {strides = array<i32>} : memref<128xf32, #tpu.memory_space<vmem>>, vector<16xf32>,
          %swap3A_479 = arith.constant 0 : i32
          %swap3A_480 = tpu.memref_slice %arg15[%while3A_463, %swap3A_479] : memref<256x128xf32, #tpu.memory_space<vmem>> -> memref<1x128xf32, #tpu.memory_space<vmem>>
          %swap3A_481 = tpu.memref_squeeze %swap3A_480 : memref<1x128xf32, #tpu.memory_space<vmem>> -> memref<128xf32, #tpu.memory_space<vmem>>
          %swap3A_482 = arith.constant 16 : index
          %swap3A_483 = tpu.vector_load %swap3A_481[%swap3A_482] {strides = array<i32>} : memref<128xf32, #tpu.memory_space<vmem>>, vector<16xf32>,
          tpu.vector_store %swap3A_481[%swap3A_482], %gather3A_473 {strides = array<i32>} : memref<128xf32, #tpu.memory_space<vmem>>, vector<16xf32>,
          %while3A_484 = arith.constant 0 : i32
          scf.yield %while3A_484 : i32
        }
        %add3A_459 = arith.addi %while3A_417, %reduce_max3A_441 : i32
        %ge3A = arith.constant 240 : i32
        %ge3A_460 = arith.cmpi sge, %add3A_459, %ge3A : i32
        %convert_element_type3A = arith.extui %ge3A_460 : i1 to i32
        %cond3A = arith.constant 0 : i32
        %cond3A_461 = arith.cmpi ne, %convert_element_type3A, %cond3A : i32
        %cond3A_462 = scf.if %cond3A_461 -> (i32) {
          "tpu.region"() ({
            %run_scoped3A = tpu.sem_alloc : memref<!tpu.dma_semaphore, #tpu.memory_space<semaphore_mem>>
            %dma_start3A_471 = arith.constant 0 : i32
            %dma_start3A_472 = arith.constant 0 : i32
            %dma_start3A_473 = tpu.memref_slice %arg7[%dma_start3A_471, %dma_start3A_472] : memref<24576x128xf32, #tpu.memory_space<hbm>> -> memref<24576x128xf32, #tpu.memory_space<hbm>>
            tpu.enqueue_indirect_dma source(%arg15 : memref<256x128xf32, #tpu.memory_space<vmem>>) target(%dma_start3A_473 : memref<24576x128xf32, #tpu.memory_space<hbm>>) offsets(%arg14 : memref<256xi32, #tpu.memory_space<vmem>>) semaphore(%run_scoped3A : memref<!tpu.dma_semaphore, #tpu.memory_space<semaphore_mem>>)
            %dma_wait3A_474 = arith.constant 0 : i32
            %dma_wait3A_475 = arith.constant 0 : i32
            %dma_wait3A_476 = tpu.memref_slice %arg7[%dma_wait3A_474, %dma_wait3A_475] : memref<24576x128xf32, #tpu.memory_space<hbm>> -> memref<24576x128xf32, #tpu.memory_space<hbm>>
            tpu.wait_indirect_dma semaphore(%run_scoped3A : memref<!tpu.dma_semaphore, #tpu.memory_space<semaphore_mem>>) src(%arg15 : memref<256x128xf32, #tpu.memory_space<vmem>>) dst(%dma_wait3A_476 : memref<24576x128xf32, #tpu.memory_space<hbm>>)
            tpu.yield
          }) : () -> ()
          %scan3A_463 = arith.constant 0 : i32
          %scan3A_464 = arith.constant 0 : i32
          %scan3A_465 = arith.constant 16 : i32
          %scan3A_466 = arith.addi %scan3A_464, %scan3A_465 : i32
          %scan3A_467 = arith.constant 1 : i32
          %scan3A_468 = scf.for %scan3A_471 = %scan3A_464 to %scan3A_466 step %scan3A_467 iter_args(%scan3A_472 = %scan3A_463) -> (i32)  : i32 {
            %mul3A_473 = arith.constant 16 : i32
            %mul3A_474 = arith.muli %scan3A_471, %mul3A_473 : i32
            %add3A_475 = vector.broadcast %mul3A_474 : i32 to vector<16xi32>
            %add3A_476 = arith.addi %add3A_171, %add3A_475 : vector<16xi32>
            %mul3A_477 = arith.constant 16 : i32
            %mul3A_478 = arith.muli %scan3A_471, %mul3A_477 : i32
            %swap3A_479 = arith.index_cast %mul3A_478 : i32 to index
            %swap3A_480 = tpu.vector_load %arg14[%swap3A_479] {strides = array<i32>} : memref<256xi32, #tpu.memory_space<vmem>>, vector<16xi32>,
            tpu.vector_store %arg14[%swap3A_479], %add3A_476 {strides = array<i32>} : memref<256xi32, #tpu.memory_space<vmem>>, vector<16xi32>,
            %scan3A_481 = arith.constant 0 : i32
            scf.yield %scan3A_481 : i32
          }
          %scan3A_469 = arith.constant 16 : i32
          %cond3A_470 = arith.constant 0 : i32
          scf.yield %cond3A_470 : i32
        } else {
          scf.yield %add3A_459 : i32
        }
        scf.yield %cond3A_462 : i32
      }
      %add3A_358 = arith.constant 2 : i32
      %add3A_359 = arith.addi %mul3A_333, %add3A_358 : i32
      %sub3A_360 = arith.constant 1 : i32
      %sub3A_361 = arith.subi %add3A_199, %sub3A_360 : i32
      %min3A_362 = arith.minsi %add3A_359, %sub3A_361 : i32
      %mul3A_363 = arith.constant 32 : i32
      %mul3A_364 = arith.muli %min3A_362, %mul3A_363 : i32
      %add3A_365 = arith.addi %add3A, %mul3A_364 : i32
      %mul3A_366 = arith.constant 512 : i32
      %mul3A_367 = arith.muli %add3A_365, %mul3A_366 : i32
      %dma_start3A_368 = arith.constant 0 : i32
      %dma_start3A_369 = arith.constant 0 : i32
      %dma_start3A_370 = tpu.memref_slice %arg4[%dma_start3A_368, %dma_start3A_369, %mul3A_367] : memref<4x8x100000xf32, #tpu.memory_space<hbm>> -> memref<4x8x512xf32, #tpu.memory_space<hbm>>
      %dma_start3A_371 = arith.constant 0 : i32
      %dma_start3A_372 = arith.constant 0 : i32
      %dma_start3A_373 = tpu.memref_slice %arg4[%dma_start3A_371, %dma_start3A_372, %mul3A_367] : memref<4x8x100000xf32, #tpu.memory_space<hbm>> -> memref<4x8x512xf32, #tpu.memory_space<hbm>>
      tpu.enqueue_dma source(%dma_start3A_373 : memref<4x8x512xf32, #tpu.memory_space<hbm>>) target(%arg8 : memref<4x8x512xf32, #tpu.memory_space<vmem>>) target_semaphore(%arg16 : memref<!tpu.dma_semaphore, #tpu.memory_space<semaphore_mem>>)
      %dma_wait3A_374 = arith.constant 0 : i32
      %dma_wait3A_375 = arith.constant 0 : i32
      %dma_wait3A_376 = arith.constant 0 : i32
      %dma_wait3A_377 = tpu.memref_slice %arg4[%dma_wait3A_374, %dma_wait3A_375, %dma_wait3A_376] : memref<4x8x100000xf32, #tpu.memory_space<hbm>> -> memref<4x8x512xf32, #tpu.memory_space<hbm>>
      %dma_wait3A_378 = arith.constant 0 : i32
      %dma_wait3A_379 = arith.constant 0 : i32
      %dma_wait3A_380 = arith.constant 0 : i32
      %dma_wait3A_381 = tpu.memref_slice %arg4[%dma_wait3A_378, %dma_wait3A_379, %dma_wait3A_380] : memref<4x8x100000xf32, #tpu.memory_space<hbm>> -> memref<4x8x512xf32, #tpu.memory_space<hbm>>
      tpu.wait_dma2 semaphore(%arg17 : memref<!tpu.dma_semaphore, #tpu.memory_space<semaphore_mem>>) src(%dma_wait3A_381 : memref<4x8x512xf32, #tpu.memory_space<hbm>>) dst(%arg9 : memref<4x8x512xf32, #tpu.memory_space<vmem>>)
      %add3A_382 = arith.constant 1 : i32
      %add3A_383 = arith.addi %mul3A_333, %add3A_382 : i32
      %mul3A_384 = arith.constant 32 : i32
      %mul3A_385 = arith.muli %add3A_383, %mul3A_384 : i32
      %add3A_386 = arith.addi %add3A, %mul3A_385 : i32
      %mul3A_387 = arith.constant 512 : i32
      %mul3A_388 = arith.muli %add3A_386, %mul3A_387 : i32
      %while3A_389 = arith.constant 0 : i32
      %while3A_390 = arith.subi %select_n3A_262, %while3A_389 : i32
      %while3A_391 = arith.addi %while3A_389, %while3A_390 : i32
      %while3A_392 = arith.constant 1 : i32
      %while3A_393 = arith.divsi %while3A_390, %while3A_392 : i32
      %while3A_394 = arith.muli %while3A_393, %while3A_392 : i32
      %while3A_395 = arith.addi %while3A_389, %while3A_394 : i32
      %while3A_396 = arith.constant 1 : i32
      %while3A_397 = scf.for %while3A_416 = %while3A_389 to %while3A_395 step %while3A_396 iter_args(%while3A_417 = %while3A_357) -> (i32)  : i32 {
        %mul3A_418 = arith.constant 16 : i32
        %mul3A_419 = arith.muli %while3A_416, %mul3A_418 : i32
        %get3A = arith.index_cast %mul3A_419 : i32 to index
        %get3A_420 = tpu.vector_load %arg11[%get3A] {strides = array<i32>} : memref<16384xi32, #tpu.memory_space<vmem>>, vector<16xi32>,
        %mul3A_421 = arith.constant 16 : i32
        %mul3A_422 = arith.muli %while3A_416, %mul3A_421 : i32
        %get3A_423 = arith.index_cast %mul3A_422 : i32 to index
        %get3A_424 = tpu.vector_load %arg12[%get3A_423] {strides = array<i32>} : memref<16384xi32, #tpu.memory_space<vmem>>, vector<16xi32>,
        %shift_right_logical3A_425 = arith.constant 9 : i32
        %shift_right_logical3A_426 = vector.broadcast %shift_right_logical3A_425 : i32 to vector<16xi32>
        %shift_right_logical3A_427 = arith.shrui %get3A_420, %shift_right_logical3A_426 : vector<16xi32>
        %eq3A = vector.broadcast %add3A_386 : i32 to vector<16xi32>
        %eq3A_428 = arith.cmpi eq, %shift_right_logical3A_427, %eq3A : vector<16xi32>
        %mul3A_429 = arith.constant 16 : i32
        %mul3A_430 = arith.muli %while3A_416, %mul3A_429 : i32
        %add3A_431 = vector.broadcast %mul3A_430 : i32 to vector<16xi32>
        %add3A_432 = arith.addi %add3A_431, %iota3A_165 : vector<16xi32>
        %lt3A = vector.broadcast %scan3A_235 : i32 to vector<16xi32>
        %lt3A_433 = arith.cmpi slt, %add3A_432, %lt3A : vector<16xi32>
        %and3A_434 = arith.andi %eq3A_428, %lt3A_433 : vector<16xi1>
        %all_reduce_population_count3A = tpu.all_reduce %and3A_434 {dim = 0 : i64, kind = #tpu.reduction_kind<sum>} : vector<16xi1> -> vector<16xi32>
        %reduce_max3A = arith.constant true
        %reduce_max3A_435 = vector.broadcast %reduce_max3A : i1 to vector<16xi1>
        %reduce_max3A_436 = arith.constant -2147483648 : i32
        %reduce_max3A_437 = vector.broadcast %reduce_max3A_436 : i32 to vector<16xi32>
        %reduce_max3A_438 = arith.xori %all_reduce_population_count3A, %reduce_max3A_437 : vector<16xi32>
        %reduce_max3A_439 = tpu.scan <max>, %reduce_max3A_438 masked %reduce_max3A_435 : vector<16xi32>, vector<16xi1> -> vector<16xi32>
        %reduce_max3A_440 = arith.xori %reduce_max3A_439, %reduce_max3A_437 : vector<16xi32>
        %reduce_max3A_441 = vector.extract %reduce_max3A_440[15] : i32 from vector<16xi32>
        %sub3A_442 = vector.broadcast %mul3A_388 : i32 to vector<16xi32>
        %sub3A_443 = arith.subi %get3A_420, %sub3A_442 : vector<16xi32>
        %swap3A = arith.index_cast %while3A_417 : i32 to index
        %swap3A_444 = tpu.vector_load %arg13[%swap3A] masked %and3A_434 {strides = array<i32>} : memref<272xi32, #tpu.memory_space<vmem>>, vector<16xi32>, vector<16xi1>
        tpu.vector_store %arg13[%swap3A], %sub3A_443 masked %and3A_434 {strides = array<i32>} : memref<272xi32, #tpu.memory_space<vmem>>, vector<16xi32>, vector<16xi1>
        %swap3A_445 = arith.index_cast %while3A_417 : i32 to index
        %swap3A_446 = tpu.vector_load %arg14[%swap3A_445] masked %and3A_434 {strides = array<i32>} : memref<256xi32, #tpu.memory_space<vmem>>, vector<16xi32>, vector<16xi1>
        tpu.vector_store %arg14[%swap3A_445], %get3A_424 masked %and3A_434 {strides = array<i32>} : memref<256xi32, #tpu.memory_space<vmem>>, vector<16xi32>, vector<16xi1>
        %add3A_447 = arith.addi %while3A_417, %reduce_max3A_441 : i32
        %while3A_448 = arith.constant 0 : i32
        %while3A_449 = arith.subi %add3A_447, %while3A_417 : i32
        %while3A_450 = arith.addi %while3A_417, %while3A_449 : i32
        %while3A_451 = arith.constant 1 : i32
        %while3A_452 = arith.divsi %while3A_449, %while3A_451 : i32
        %while3A_453 = arith.muli %while3A_452, %while3A_451 : i32
        %while3A_454 = arith.addi %while3A_417, %while3A_453 : i32
        %while3A_455 = arith.constant 1 : i32
        %while3A_456 = scf.for %while3A_463 = %while3A_417 to %while3A_454 step %while3A_455 iter_args(%while3A_464 = %while3A_448) -> (i32)  : i32 {
          %get3A_465 = arith.index_cast %while3A_463 : i32 to index
          %get3A_466 = tpu.vector_load %arg13[%get3A_465] {strides = array<i32>} : memref<272xi32, #tpu.memory_space<vmem>>, vector<16xi32>,
          %broadcast_in_dim3A = arith.constant 0 : i32
          %broadcast_in_dim3A_467 = vector.broadcast %broadcast_in_dim3A : i32 to vector<16x1xi32>
          %gather3A = vector.shape_cast %broadcast_in_dim3A_467 : vector<16x1xi32> to vector<16xi32>
          %gather3A_468 = tpu.dynamic_gather %get3A_466[%gather3A] in [0] : vector<16xi32>, vector<16xi32> -> vector<16xi32>
          %gather3A_469 = tpu.vector_load_idx %arg9[%shift_right_logical3A_265, %and3A_268, %gather3A_468] : memref<4x8x512xf32, #tpu.memory_space<vmem>>[vector<16xi32>, vector<16xi32>, vector<16xi32>], vector<16xf32>,
          %add3A_470 = arith.constant 2 : i32
          %add3A_471 = vector.broadcast %add3A_470 : i32 to vector<16xi32>
          %add3A_472 = arith.addi %shift_right_logical3A_265, %add3A_471 : vector<16xi32>
          %gather3A_473 = tpu.vector_load_idx %arg9[%add3A_472, %and3A_268, %gather3A_468] : memref<4x8x512xf32, #tpu.memory_space<vmem>>[vector<16xi32>, vector<16xi32>, vector<16xi32>], vector<16xf32>,
          %swap3A_474 = arith.constant 0 : i32
          %swap3A_475 = tpu.memref_slice %arg15[%while3A_463, %swap3A_474] : memref<256x128xf32, #tpu.memory_space<vmem>> -> memref<1x128xf32, #tpu.memory_space<vmem>>
          %swap3A_476 = tpu.memref_squeeze %swap3A_475 : memref<1x128xf32, #tpu.memory_space<vmem>> -> memref<128xf32, #tpu.memory_space<vmem>>
          %swap3A_477 = arith.constant 0 : index
          %swap3A_478 = tpu.vector_load %swap3A_476[%swap3A_477] {strides = array<i32>} : memref<128xf32, #tpu.memory_space<vmem>>, vector<16xf32>,
          tpu.vector_store %swap3A_476[%swap3A_477], %gather3A_469 {strides = array<i32>} : memref<128xf32, #tpu.memory_space<vmem>>, vector<16xf32>,
          %swap3A_479 = arith.constant 0 : i32
          %swap3A_480 = tpu.memref_slice %arg15[%while3A_463, %swap3A_479] : memref<256x128xf32, #tpu.memory_space<vmem>> -> memref<1x128xf32, #tpu.memory_space<vmem>>
          %swap3A_481 = tpu.memref_squeeze %swap3A_480 : memref<1x128xf32, #tpu.memory_space<vmem>> -> memref<128xf32, #tpu.memory_space<vmem>>
          %swap3A_482 = arith.constant 16 : index
          %swap3A_483 = tpu.vector_load %swap3A_481[%swap3A_482] {strides = array<i32>} : memref<128xf32, #tpu.memory_space<vmem>>, vector<16xf32>,
          tpu.vector_store %swap3A_481[%swap3A_482], %gather3A_473 {strides = array<i32>} : memref<128xf32, #tpu.memory_space<vmem>>, vector<16xf32>,
          %while3A_484 = arith.constant 0 : i32
          scf.yield %while3A_484 : i32
        }
        %while3A_457 = arith.constant 1 : i32
        %while3A_458 = scf.for %while3A_463 = %while3A_454 to %while3A_450 step %while3A_457 iter_args(%while3A_464 = %while3A_456) -> (i32)  : i32 {
          %get3A_465 = arith.index_cast %while3A_463 : i32 to index
          %get3A_466 = tpu.vector_load %arg13[%get3A_465] {strides = array<i32>} : memref<272xi32, #tpu.memory_space<vmem>>, vector<16xi32>,
          %broadcast_in_dim3A = arith.constant 0 : i32
          %broadcast_in_dim3A_467 = vector.broadcast %broadcast_in_dim3A : i32 to vector<16x1xi32>
          %gather3A = vector.shape_cast %broadcast_in_dim3A_467 : vector<16x1xi32> to vector<16xi32>
          %gather3A_468 = tpu.dynamic_gather %get3A_466[%gather3A] in [0] : vector<16xi32>, vector<16xi32> -> vector<16xi32>
          %gather3A_469 = tpu.vector_load_idx %arg9[%shift_right_logical3A_265, %and3A_268, %gather3A_468] : memref<4x8x512xf32, #tpu.memory_space<vmem>>[vector<16xi32>, vector<16xi32>, vector<16xi32>], vector<16xf32>,
          %add3A_470 = arith.constant 2 : i32
          %add3A_471 = vector.broadcast %add3A_470 : i32 to vector<16xi32>
          %add3A_472 = arith.addi %shift_right_logical3A_265, %add3A_471 : vector<16xi32>
          %gather3A_473 = tpu.vector_load_idx %arg9[%add3A_472, %and3A_268, %gather3A_468] : memref<4x8x512xf32, #tpu.memory_space<vmem>>[vector<16xi32>, vector<16xi32>, vector<16xi32>], vector<16xf32>,
          %swap3A_474 = arith.constant 0 : i32
          %swap3A_475 = tpu.memref_slice %arg15[%while3A_463, %swap3A_474] : memref<256x128xf32, #tpu.memory_space<vmem>> -> memref<1x128xf32, #tpu.memory_space<vmem>>
          %swap3A_476 = tpu.memref_squeeze %swap3A_475 : memref<1x128xf32, #tpu.memory_space<vmem>> -> memref<128xf32, #tpu.memory_space<vmem>>
          %swap3A_477 = arith.constant 0 : index
          %swap3A_478 = tpu.vector_load %swap3A_476[%swap3A_477] {strides = array<i32>} : memref<128xf32, #tpu.memory_space<vmem>>, vector<16xf32>,
          tpu.vector_store %swap3A_476[%swap3A_477], %gather3A_469 {strides = array<i32>} : memref<128xf32, #tpu.memory_space<vmem>>, vector<16xf32>,
          %swap3A_479 = arith.constant 0 : i32
          %swap3A_480 = tpu.memref_slice %arg15[%while3A_463, %swap3A_479] : memref<256x128xf32, #tpu.memory_space<vmem>> -> memref<1x128xf32, #tpu.memory_space<vmem>>
          %swap3A_481 = tpu.memref_squeeze %swap3A_480 : memref<1x128xf32, #tpu.memory_space<vmem>> -> memref<128xf32, #tpu.memory_space<vmem>>
          %swap3A_482 = arith.constant 16 : index
          %swap3A_483 = tpu.vector_load %swap3A_481[%swap3A_482] {strides = array<i32>} : memref<128xf32, #tpu.memory_space<vmem>>, vector<16xf32>,
          tpu.vector_store %swap3A_481[%swap3A_482], %gather3A_473 {strides = array<i32>} : memref<128xf32, #tpu.memory_space<vmem>>, vector<16xf32>,
          %while3A_484 = arith.constant 0 : i32
          scf.yield %while3A_484 : i32
        }
        %add3A_459 = arith.addi %while3A_417, %reduce_max3A_441 : i32
        %ge3A = arith.constant 240 : i32
        %ge3A_460 = arith.cmpi sge, %add3A_459, %ge3A : i32
        %convert_element_type3A = arith.extui %ge3A_460 : i1 to i32
        %cond3A = arith.constant 0 : i32
        %cond3A_461 = arith.cmpi ne, %convert_element_type3A, %cond3A : i32
        %cond3A_462 = scf.if %cond3A_461 -> (i32) {
          "tpu.region"() ({
            %run_scoped3A = tpu.sem_alloc : memref<!tpu.dma_semaphore, #tpu.memory_space<semaphore_mem>>
            %dma_start3A_471 = arith.constant 0 : i32
            %dma_start3A_472 = arith.constant 0 : i32
            %dma_start3A_473 = tpu.memref_slice %arg7[%dma_start3A_471, %dma_start3A_472] : memref<24576x128xf32, #tpu.memory_space<hbm>> -> memref<24576x128xf32, #tpu.memory_space<hbm>>
            tpu.enqueue_indirect_dma source(%arg15 : memref<256x128xf32, #tpu.memory_space<vmem>>) target(%dma_start3A_473 : memref<24576x128xf32, #tpu.memory_space<hbm>>) offsets(%arg14 : memref<256xi32, #tpu.memory_space<vmem>>) semaphore(%run_scoped3A : memref<!tpu.dma_semaphore, #tpu.memory_space<semaphore_mem>>)
            %dma_wait3A_474 = arith.constant 0 : i32
            %dma_wait3A_475 = arith.constant 0 : i32
            %dma_wait3A_476 = tpu.memref_slice %arg7[%dma_wait3A_474, %dma_wait3A_475] : memref<24576x128xf32, #tpu.memory_space<hbm>> -> memref<24576x128xf32, #tpu.memory_space<hbm>>
            tpu.wait_indirect_dma semaphore(%run_scoped3A : memref<!tpu.dma_semaphore, #tpu.memory_space<semaphore_mem>>) src(%arg15 : memref<256x128xf32, #tpu.memory_space<vmem>>) dst(%dma_wait3A_476 : memref<24576x128xf32, #tpu.memory_space<hbm>>)
            tpu.yield
          }) : () -> ()
          %scan3A_463 = arith.constant 0 : i32
          %scan3A_464 = arith.constant 0 : i32
          %scan3A_465 = arith.constant 16 : i32
          %scan3A_466 = arith.addi %scan3A_464, %scan3A_465 : i32
          %scan3A_467 = arith.constant 1 : i32
          %scan3A_468 = scf.for %scan3A_471 = %scan3A_464 to %scan3A_466 step %scan3A_467 iter_args(%scan3A_472 = %scan3A_463) -> (i32)  : i32 {
            %mul3A_473 = arith.constant 16 : i32
            %mul3A_474 = arith.muli %scan3A_471, %mul3A_473 : i32
            %add3A_475 = vector.broadcast %mul3A_474 : i32 to vector<16xi32>
            %add3A_476 = arith.addi %add3A_171, %add3A_475 : vector<16xi32>
            %mul3A_477 = arith.constant 16 : i32
            %mul3A_478 = arith.muli %scan3A_471, %mul3A_477 : i32
            %swap3A_479 = arith.index_cast %mul3A_478 : i32 to index
            %swap3A_480 = tpu.vector_load %arg14[%swap3A_479] {strides = array<i32>} : memref<256xi32, #tpu.memory_space<vmem>>, vector<16xi32>,
            tpu.vector_store %arg14[%swap3A_479], %add3A_476 {strides = array<i32>} : memref<256xi32, #tpu.memory_space<vmem>>, vector<16xi32>,
            %scan3A_481 = arith.constant 0 : i32
            scf.yield %scan3A_481 : i32
          }
          %scan3A_469 = arith.constant 16 : i32
          %cond3A_470 = arith.constant 0 : i32
          scf.yield %cond3A_470 : i32
        } else {
          scf.yield %add3A_459 : i32
        }
        scf.yield %cond3A_462 : i32
      }
      %while3A_398 = arith.constant 1 : i32
      %while3A_399 = scf.for %while3A_416 = %while3A_395 to %while3A_391 step %while3A_398 iter_args(%while3A_417 = %while3A_397) -> (i32)  : i32 {
        %mul3A_418 = arith.constant 16 : i32
        %mul3A_419 = arith.muli %while3A_416, %mul3A_418 : i32
        %get3A = arith.index_cast %mul3A_419 : i32 to index
        %get3A_420 = tpu.vector_load %arg11[%get3A] {strides = array<i32>} : memref<16384xi32, #tpu.memory_space<vmem>>, vector<16xi32>,
        %mul3A_421 = arith.constant 16 : i32
        %mul3A_422 = arith.muli %while3A_416, %mul3A_421 : i32
        %get3A_423 = arith.index_cast %mul3A_422 : i32 to index
        %get3A_424 = tpu.vector_load %arg12[%get3A_423] {strides = array<i32>} : memref<16384xi32, #tpu.memory_space<vmem>>, vector<16xi32>,
        %shift_right_logical3A_425 = arith.constant 9 : i32
        %shift_right_logical3A_426 = vector.broadcast %shift_right_logical3A_425 : i32 to vector<16xi32>
        %shift_right_logical3A_427 = arith.shrui %get3A_420, %shift_right_logical3A_426 : vector<16xi32>
        %eq3A = vector.broadcast %add3A_386 : i32 to vector<16xi32>
        %eq3A_428 = arith.cmpi eq, %shift_right_logical3A_427, %eq3A : vector<16xi32>
        %mul3A_429 = arith.constant 16 : i32
        %mul3A_430 = arith.muli %while3A_416, %mul3A_429 : i32
        %add3A_431 = vector.broadcast %mul3A_430 : i32 to vector<16xi32>
        %add3A_432 = arith.addi %add3A_431, %iota3A_165 : vector<16xi32>
        %lt3A = vector.broadcast %scan3A_235 : i32 to vector<16xi32>
        %lt3A_433 = arith.cmpi slt, %add3A_432, %lt3A : vector<16xi32>
        %and3A_434 = arith.andi %eq3A_428, %lt3A_433 : vector<16xi1>
        %all_reduce_population_count3A = tpu.all_reduce %and3A_434 {dim = 0 : i64, kind = #tpu.reduction_kind<sum>} : vector<16xi1> -> vector<16xi32>
        %reduce_max3A = arith.constant true
        %reduce_max3A_435 = vector.broadcast %reduce_max3A : i1 to vector<16xi1>
        %reduce_max3A_436 = arith.constant -2147483648 : i32
        %reduce_max3A_437 = vector.broadcast %reduce_max3A_436 : i32 to vector<16xi32>
        %reduce_max3A_438 = arith.xori %all_reduce_population_count3A, %reduce_max3A_437 : vector<16xi32>
        %reduce_max3A_439 = tpu.scan <max>, %reduce_max3A_438 masked %reduce_max3A_435 : vector<16xi32>, vector<16xi1> -> vector<16xi32>
        %reduce_max3A_440 = arith.xori %reduce_max3A_439, %reduce_max3A_437 : vector<16xi32>
        %reduce_max3A_441 = vector.extract %reduce_max3A_440[15] : i32 from vector<16xi32>
        %sub3A_442 = vector.broadcast %mul3A_388 : i32 to vector<16xi32>
        %sub3A_443 = arith.subi %get3A_420, %sub3A_442 : vector<16xi32>
        %swap3A = arith.index_cast %while3A_417 : i32 to index
        %swap3A_444 = tpu.vector_load %arg13[%swap3A] masked %and3A_434 {strides = array<i32>} : memref<272xi32, #tpu.memory_space<vmem>>, vector<16xi32>, vector<16xi1>
        tpu.vector_store %arg13[%swap3A], %sub3A_443 masked %and3A_434 {strides = array<i32>} : memref<272xi32, #tpu.memory_space<vmem>>, vector<16xi32>, vector<16xi1>
        %swap3A_445 = arith.index_cast %while3A_417 : i32 to index
        %swap3A_446 = tpu.vector_load %arg14[%swap3A_445] masked %and3A_434 {strides = array<i32>} : memref<256xi32, #tpu.memory_space<vmem>>, vector<16xi32>, vector<16xi1>
        tpu.vector_store %arg14[%swap3A_445], %get3A_424 masked %and3A_434 {strides = array<i32>} : memref<256xi32, #tpu.memory_space<vmem>>, vector<16xi32>, vector<16xi1>
        %add3A_447 = arith.addi %while3A_417, %reduce_max3A_441 : i32
        %while3A_448 = arith.constant 0 : i32
        %while3A_449 = arith.subi %add3A_447, %while3A_417 : i32
        %while3A_450 = arith.addi %while3A_417, %while3A_449 : i32
        %while3A_451 = arith.constant 1 : i32
        %while3A_452 = arith.divsi %while3A_449, %while3A_451 : i32
        %while3A_453 = arith.muli %while3A_452, %while3A_451 : i32
        %while3A_454 = arith.addi %while3A_417, %while3A_453 : i32
        %while3A_455 = arith.constant 1 : i32
        %while3A_456 = scf.for %while3A_463 = %while3A_417 to %while3A_454 step %while3A_455 iter_args(%while3A_464 = %while3A_448) -> (i32)  : i32 {
          %get3A_465 = arith.index_cast %while3A_463 : i32 to index
          %get3A_466 = tpu.vector_load %arg13[%get3A_465] {strides = array<i32>} : memref<272xi32, #tpu.memory_space<vmem>>, vector<16xi32>,
          %broadcast_in_dim3A = arith.constant 0 : i32
          %broadcast_in_dim3A_467 = vector.broadcast %broadcast_in_dim3A : i32 to vector<16x1xi32>
          %gather3A = vector.shape_cast %broadcast_in_dim3A_467 : vector<16x1xi32> to vector<16xi32>
          %gather3A_468 = tpu.dynamic_gather %get3A_466[%gather3A] in [0] : vector<16xi32>, vector<16xi32> -> vector<16xi32>
          %gather3A_469 = tpu.vector_load_idx %arg9[%shift_right_logical3A_265, %and3A_268, %gather3A_468] : memref<4x8x512xf32, #tpu.memory_space<vmem>>[vector<16xi32>, vector<16xi32>, vector<16xi32>], vector<16xf32>,
          %add3A_470 = arith.constant 2 : i32
          %add3A_471 = vector.broadcast %add3A_470 : i32 to vector<16xi32>
          %add3A_472 = arith.addi %shift_right_logical3A_265, %add3A_471 : vector<16xi32>
          %gather3A_473 = tpu.vector_load_idx %arg9[%add3A_472, %and3A_268, %gather3A_468] : memref<4x8x512xf32, #tpu.memory_space<vmem>>[vector<16xi32>, vector<16xi32>, vector<16xi32>], vector<16xf32>,
          %swap3A_474 = arith.constant 0 : i32
          %swap3A_475 = tpu.memref_slice %arg15[%while3A_463, %swap3A_474] : memref<256x128xf32, #tpu.memory_space<vmem>> -> memref<1x128xf32, #tpu.memory_space<vmem>>
          %swap3A_476 = tpu.memref_squeeze %swap3A_475 : memref<1x128xf32, #tpu.memory_space<vmem>> -> memref<128xf32, #tpu.memory_space<vmem>>
          %swap3A_477 = arith.constant 0 : index
          %swap3A_478 = tpu.vector_load %swap3A_476[%swap3A_477] {strides = array<i32>} : memref<128xf32, #tpu.memory_space<vmem>>, vector<16xf32>,
          tpu.vector_store %swap3A_476[%swap3A_477], %gather3A_469 {strides = array<i32>} : memref<128xf32, #tpu.memory_space<vmem>>, vector<16xf32>,
          %swap3A_479 = arith.constant 0 : i32
          %swap3A_480 = tpu.memref_slice %arg15[%while3A_463, %swap3A_479] : memref<256x128xf32, #tpu.memory_space<vmem>> -> memref<1x128xf32, #tpu.memory_space<vmem>>
          %swap3A_481 = tpu.memref_squeeze %swap3A_480 : memref<1x128xf32, #tpu.memory_space<vmem>> -> memref<128xf32, #tpu.memory_space<vmem>>
          %swap3A_482 = arith.constant 16 : index
          %swap3A_483 = tpu.vector_load %swap3A_481[%swap3A_482] {strides = array<i32>} : memref<128xf32, #tpu.memory_space<vmem>>, vector<16xf32>,
          tpu.vector_store %swap3A_481[%swap3A_482], %gather3A_473 {strides = array<i32>} : memref<128xf32, #tpu.memory_space<vmem>>, vector<16xf32>,
          %while3A_484 = arith.constant 0 : i32
          scf.yield %while3A_484 : i32
        }
        %while3A_457 = arith.constant 1 : i32
        %while3A_458 = scf.for %while3A_463 = %while3A_454 to %while3A_450 step %while3A_457 iter_args(%while3A_464 = %while3A_456) -> (i32)  : i32 {
          %get3A_465 = arith.index_cast %while3A_463 : i32 to index
          %get3A_466 = tpu.vector_load %arg13[%get3A_465] {strides = array<i32>} : memref<272xi32, #tpu.memory_space<vmem>>, vector<16xi32>,
          %broadcast_in_dim3A = arith.constant 0 : i32
          %broadcast_in_dim3A_467 = vector.broadcast %broadcast_in_dim3A : i32 to vector<16x1xi32>
          %gather3A = vector.shape_cast %broadcast_in_dim3A_467 : vector<16x1xi32> to vector<16xi32>
          %gather3A_468 = tpu.dynamic_gather %get3A_466[%gather3A] in [0] : vector<16xi32>, vector<16xi32> -> vector<16xi32>
          %gather3A_469 = tpu.vector_load_idx %arg9[%shift_right_logical3A_265, %and3A_268, %gather3A_468] : memref<4x8x512xf32, #tpu.memory_space<vmem>>[vector<16xi32>, vector<16xi32>, vector<16xi32>], vector<16xf32>,
          %add3A_470 = arith.constant 2 : i32
          %add3A_471 = vector.broadcast %add3A_470 : i32 to vector<16xi32>
          %add3A_472 = arith.addi %shift_right_logical3A_265, %add3A_471 : vector<16xi32>
          %gather3A_473 = tpu.vector_load_idx %arg9[%add3A_472, %and3A_268, %gather3A_468] : memref<4x8x512xf32, #tpu.memory_space<vmem>>[vector<16xi32>, vector<16xi32>, vector<16xi32>], vector<16xf32>,
          %swap3A_474 = arith.constant 0 : i32
          %swap3A_475 = tpu.memref_slice %arg15[%while3A_463, %swap3A_474] : memref<256x128xf32, #tpu.memory_space<vmem>> -> memref<1x128xf32, #tpu.memory_space<vmem>>
          %swap3A_476 = tpu.memref_squeeze %swap3A_475 : memref<1x128xf32, #tpu.memory_space<vmem>> -> memref<128xf32, #tpu.memory_space<vmem>>
          %swap3A_477 = arith.constant 0 : index
          %swap3A_478 = tpu.vector_load %swap3A_476[%swap3A_477] {strides = array<i32>} : memref<128xf32, #tpu.memory_space<vmem>>, vector<16xf32>,
          tpu.vector_store %swap3A_476[%swap3A_477], %gather3A_469 {strides = array<i32>} : memref<128xf32, #tpu.memory_space<vmem>>, vector<16xf32>,
          %swap3A_479 = arith.constant 0 : i32
          %swap3A_480 = tpu.memref_slice %arg15[%while3A_463, %swap3A_479] : memref<256x128xf32, #tpu.memory_space<vmem>> -> memref<1x128xf32, #tpu.memory_space<vmem>>
          %swap3A_481 = tpu.memref_squeeze %swap3A_480 : memref<1x128xf32, #tpu.memory_space<vmem>> -> memref<128xf32, #tpu.memory_space<vmem>>
          %swap3A_482 = arith.constant 16 : index
          %swap3A_483 = tpu.vector_load %swap3A_481[%swap3A_482] {strides = array<i32>} : memref<128xf32, #tpu.memory_space<vmem>>, vector<16xf32>,
          tpu.vector_store %swap3A_481[%swap3A_482], %gather3A_473 {strides = array<i32>} : memref<128xf32, #tpu.memory_space<vmem>>, vector<16xf32>,
          %while3A_484 = arith.constant 0 : i32
          scf.yield %while3A_484 : i32
        }
        %add3A_459 = arith.addi %while3A_417, %reduce_max3A_441 : i32
        %ge3A = arith.constant 240 : i32
        %ge3A_460 = arith.cmpi sge, %add3A_459, %ge3A : i32
        %convert_element_type3A = arith.extui %ge3A_460 : i1 to i32
        %cond3A = arith.constant 0 : i32
        %cond3A_461 = arith.cmpi ne, %convert_element_type3A, %cond3A : i32
        %cond3A_462 = scf.if %cond3A_461 -> (i32) {
          "tpu.region"() ({
            %run_scoped3A = tpu.sem_alloc : memref<!tpu.dma_semaphore, #tpu.memory_space<semaphore_mem>>
            %dma_start3A_471 = arith.constant 0 : i32
            %dma_start3A_472 = arith.constant 0 : i32
            %dma_start3A_473 = tpu.memref_slice %arg7[%dma_start3A_471, %dma_start3A_472] : memref<24576x128xf32, #tpu.memory_space<hbm>> -> memref<24576x128xf32, #tpu.memory_space<hbm>>
            tpu.enqueue_indirect_dma source(%arg15 : memref<256x128xf32, #tpu.memory_space<vmem>>) target(%dma_start3A_473 : memref<24576x128xf32, #tpu.memory_space<hbm>>) offsets(%arg14 : memref<256xi32, #tpu.memory_space<vmem>>) semaphore(%run_scoped3A : memref<!tpu.dma_semaphore, #tpu.memory_space<semaphore_mem>>)
            %dma_wait3A_474 = arith.constant 0 : i32
            %dma_wait3A_475 = arith.constant 0 : i32
            %dma_wait3A_476 = tpu.memref_slice %arg7[%dma_wait3A_474, %dma_wait3A_475] : memref<24576x128xf32, #tpu.memory_space<hbm>> -> memref<24576x128xf32, #tpu.memory_space<hbm>>
            tpu.wait_indirect_dma semaphore(%run_scoped3A : memref<!tpu.dma_semaphore, #tpu.memory_space<semaphore_mem>>) src(%arg15 : memref<256x128xf32, #tpu.memory_space<vmem>>) dst(%dma_wait3A_476 : memref<24576x128xf32, #tpu.memory_space<hbm>>)
            tpu.yield
          }) : () -> ()
          %scan3A_463 = arith.constant 0 : i32
          %scan3A_464 = arith.constant 0 : i32
          %scan3A_465 = arith.constant 16 : i32
          %scan3A_466 = arith.addi %scan3A_464, %scan3A_465 : i32
          %scan3A_467 = arith.constant 1 : i32
          %scan3A_468 = scf.for %scan3A_471 = %scan3A_464 to %scan3A_466 step %scan3A_467 iter_args(%scan3A_472 = %scan3A_463) -> (i32)  : i32 {
            %mul3A_473 = arith.constant 16 : i32
            %mul3A_474 = arith.muli %scan3A_471, %mul3A_473 : i32
            %add3A_475 = vector.broadcast %mul3A_474 : i32 to vector<16xi32>
            %add3A_476 = arith.addi %add3A_171, %add3A_475 : vector<16xi32>
            %mul3A_477 = arith.constant 16 : i32
            %mul3A_478 = arith.muli %scan3A_471, %mul3A_477 : i32
            %swap3A_479 = arith.index_cast %mul3A_478 : i32 to index
            %swap3A_480 = tpu.vector_load %arg14[%swap3A_479] {strides = array<i32>} : memref<256xi32, #tpu.memory_space<vmem>>, vector<16xi32>,
            tpu.vector_store %arg14[%swap3A_479], %add3A_476 {strides = array<i32>} : memref<256xi32, #tpu.memory_space<vmem>>, vector<16xi32>,
            %scan3A_481 = arith.constant 0 : i32
            scf.yield %scan3A_481 : i32
          }
          %scan3A_469 = arith.constant 16 : i32
          %cond3A_470 = arith.constant 0 : i32
          scf.yield %cond3A_470 : i32
        } else {
          scf.yield %add3A_459 : i32
        }
        scf.yield %cond3A_462 : i32
      }
      %add3A_400 = arith.constant 3 : i32
      %add3A_401 = arith.addi %mul3A_333, %add3A_400 : i32
      %sub3A_402 = arith.constant 1 : i32
      %sub3A_403 = arith.subi %add3A_199, %sub3A_402 : i32
      %min3A_404 = arith.minsi %add3A_401, %sub3A_403 : i32
      %mul3A_405 = arith.constant 32 : i32
      %mul3A_406 = arith.muli %min3A_404, %mul3A_405 : i32
      %add3A_407 = arith.addi %add3A, %mul3A_406 : i32
      %mul3A_408 = arith.constant 512 : i32
      %mul3A_409 = arith.muli %add3A_407, %mul3A_408 : i32
      %dma_start3A_410 = arith.constant 0 : i32
      %dma_start3A_411 = arith.constant 0 : i32
      %dma_start3A_412 = tpu.memref_slice %arg4[%dma_start3A_410, %dma_start3A_411, %mul3A_409] : memref<4x8x100000xf32, #tpu.memory_space<hbm>> -> memref<4x8x512xf32, #tpu.memory_space<hbm>>
      %dma_start3A_413 = arith.constant 0 : i32
      %dma_start3A_414 = arith.constant 0 : i32
      %dma_start3A_415 = tpu.memref_slice %arg4[%dma_start3A_413, %dma_start3A_414, %mul3A_409] : memref<4x8x100000xf32, #tpu.memory_space<hbm>> -> memref<4x8x512xf32, #tpu.memory_space<hbm>>
      tpu.enqueue_dma source(%dma_start3A_415 : memref<4x8x512xf32, #tpu.memory_space<hbm>>) target(%arg9 : memref<4x8x512xf32, #tpu.memory_space<vmem>>) target_semaphore(%arg17 : memref<!tpu.dma_semaphore, #tpu.memory_space<semaphore_mem>>)
      scf.yield %while3A_399 : i32
    }
    %dma_wait3A_307 = arith.constant 0 : i32
    %dma_wait3A_308 = arith.constant 0 : i32
    %dma_wait3A_309 = arith.constant 0 : i32
    %dma_wait3A_310 = tpu.memref_slice %arg4[%dma_wait3A_307, %dma_wait3A_308, %dma_wait3A_309] : memref<4x8x100000xf32, #tpu.memory_space<hbm>> -> memref<4x8x512xf32, #tpu.memory_space<hbm>>
    %dma_wait3A_311 = arith.constant 0 : i32
    %dma_wait3A_312 = arith.constant 0 : i32
    %dma_wait3A_313 = arith.constant 0 : i32
    %dma_wait3A_314 = tpu.memref_slice %arg4[%dma_wait3A_311, %dma_wait3A_312, %dma_wait3A_313] : memref<4x8x100000xf32, #tpu.memory_space<hbm>> -> memref<4x8x512xf32, #tpu.memory_space<hbm>>
    tpu.wait_dma2 semaphore(%arg16 : memref<!tpu.dma_semaphore, #tpu.memory_space<semaphore_mem>>) src(%dma_wait3A_314 : memref<4x8x512xf32, #tpu.memory_space<hbm>>) dst(%arg8 : memref<4x8x512xf32, #tpu.memory_space<vmem>>)
    %dma_wait3A_315 = arith.constant 0 : i32
    %dma_wait3A_316 = arith.constant 0 : i32
    %dma_wait3A_317 = arith.constant 0 : i32
    %dma_wait3A_318 = tpu.memref_slice %arg4[%dma_wait3A_315, %dma_wait3A_316, %dma_wait3A_317] : memref<4x8x100000xf32, #tpu.memory_space<hbm>> -> memref<4x8x512xf32, #tpu.memory_space<hbm>>
    %dma_wait3A_319 = arith.constant 0 : i32
    %dma_wait3A_320 = arith.constant 0 : i32
    %dma_wait3A_321 = arith.constant 0 : i32
    %dma_wait3A_322 = tpu.memref_slice %arg4[%dma_wait3A_319, %dma_wait3A_320, %dma_wait3A_321] : memref<4x8x100000xf32, #tpu.memory_space<hbm>> -> memref<4x8x512xf32, #tpu.memory_space<hbm>>
    tpu.wait_dma2 semaphore(%arg17 : memref<!tpu.dma_semaphore, #tpu.memory_space<semaphore_mem>>) src(%dma_wait3A_322 : memref<4x8x512xf32, #tpu.memory_space<hbm>>) dst(%arg9 : memref<4x8x512xf32, #tpu.memory_space<vmem>>)
    "tpu.region"() ({
      %run_scoped3A = tpu.sem_alloc : memref<!tpu.dma_semaphore, #tpu.memory_space<semaphore_mem>>
      %dma_start3A_330 = arith.constant 0 : i32
      %dma_start3A_331 = arith.constant 0 : i32
      %dma_start3A_332 = tpu.memref_slice %arg7[%dma_start3A_330, %dma_start3A_331] : memref<24576x128xf32, #tpu.memory_space<hbm>> -> memref<24576x128xf32, #tpu.memory_space<hbm>>
      tpu.enqueue_indirect_dma source(%arg15 : memref<256x128xf32, #tpu.memory_space<vmem>>) target(%dma_start3A_332 : memref<24576x128xf32, #tpu.memory_space<hbm>>) offsets(%arg14 : memref<256xi32, #tpu.memory_space<vmem>>) semaphore(%run_scoped3A : memref<!tpu.dma_semaphore, #tpu.memory_space<semaphore_mem>>)
      %dma_wait3A_333 = arith.constant 0 : i32
      %dma_wait3A_334 = arith.constant 0 : i32
      %dma_wait3A_335 = tpu.memref_slice %arg7[%dma_wait3A_333, %dma_wait3A_334] : memref<24576x128xf32, #tpu.memory_space<hbm>> -> memref<24576x128xf32, #tpu.memory_space<hbm>>
      tpu.wait_indirect_dma semaphore(%run_scoped3A : memref<!tpu.dma_semaphore, #tpu.memory_space<semaphore_mem>>) src(%arg15 : memref<256x128xf32, #tpu.memory_space<vmem>>) dst(%dma_wait3A_335 : memref<24576x128xf32, #tpu.memory_space<hbm>>)
      tpu.yield
    }) : () -> ()
    %scan3A_323 = arith.constant 0 : i32
    %scan3A_324 = arith.constant 0 : i32
    %scan3A_325 = arith.constant 16 : i32
    %scan3A_326 = arith.addi %scan3A_324, %scan3A_325 : i32
    %scan3A_327 = arith.constant 1 : i32
    %scan3A_328 = scf.for %scan3A_330 = %scan3A_324 to %scan3A_326 step %scan3A_327 iter_args(%scan3A_331 = %scan3A_323) -> (i32)  : i32 {
      %mul3A_332 = arith.constant 16 : i32
      %mul3A_333 = arith.muli %scan3A_330, %mul3A_332 : i32
      %add3A_334 = vector.broadcast %mul3A_333 : i32 to vector<16xi32>
      %add3A_335 = arith.addi %add3A_171, %add3A_334 : vector<16xi32>
      %mul3A_336 = arith.constant 16 : i32
      %mul3A_337 = arith.muli %scan3A_330, %mul3A_336 : i32
      %swap3A = arith.index_cast %mul3A_337 : i32 to index
      %swap3A_338 = tpu.vector_load %arg14[%swap3A] {strides = array<i32>} : memref<256xi32, #tpu.memory_space<vmem>>, vector<16xi32>,
      tpu.vector_store %arg14[%swap3A], %add3A_335 {strides = array<i32>} : memref<256xi32, #tpu.memory_space<vmem>>, vector<16xi32>,
      %scan3A_339 = arith.constant 0 : i32
      scf.yield %scan3A_339 : i32
    }
    %scan3A_329 = arith.constant 16 : i32
    return
  }
}

module attributes {stable_mosaic.version = 14 : i64} {
  func.func @_tower_body(%arg0: i32, %arg1: memref<2048x128xf32, #tpu.memory_space<vmem>>, %arg2: memref<2048x16xf32, #tpu.memory_space<vmem>>, %arg3: memref<2048x1xi32, #tpu.memory_space<vmem>>, %arg4: memref<256x32xf32, #tpu.memory_space<vmem>>, %arg5: memref<2048x128xf32, #tpu.memory_space<vmem>>, %arg6: memref<2048x16xf32, #tpu.memory_space<vmem>>, %arg7: memref<2048x1xi32, #tpu.memory_space<vmem>>, %arg8: memref<256x32xf32, #tpu.memory_space<vmem>>, %arg9: memref<32x32xf32, #tpu.memory_space<vmem>>, %arg10: memref<16x32xf32, #tpu.memory_space<vmem>>, %arg11: memref<32x32xf32, #tpu.memory_space<vmem>>, %arg12: memref<16x32xf32, #tpu.memory_space<vmem>>, %arg13: memref<1x32xf32, #tpu.memory_space<vmem>>, %arg14: memref<1x32xf32, #tpu.memory_space<vmem>>, %arg15: memref<2048xf32, #tpu.memory_space<vmem>>) attributes {dimension_semantics = [#tpu.dimension_semantics<arbitrary>], iteration_bounds = array<i64: 8>, scalar_prefetch = 0 : i64, scratch_operands = 0 : i64, tpu.core_type = #tpu.core_type<tc>, window_params = [{transform_indices = @transform_0, window_bounds = array<i64: 2048, 128>}, {transform_indices = @transform_1, window_bounds = array<i64: 2048, 16>}, {transform_indices = @transform_2, window_bounds = array<i64: 2048, 1>}, {pipeline_mode = #tpu.pipeline_mode<synchronous>, transform_indices = @transform_3, window_bounds = array<i64: 256, 32>}, {transform_indices = @transform_4, window_bounds = array<i64: 2048, 128>}, {transform_indices = @transform_5, window_bounds = array<i64: 2048, 16>}, {transform_indices = @transform_6, window_bounds = array<i64: 2048, 1>}, {pipeline_mode = #tpu.pipeline_mode<synchronous>, transform_indices = @transform_7, window_bounds = array<i64: 256, 32>}, {pipeline_mode = #tpu.pipeline_mode<synchronous>, transform_indices = @transform_8, window_bounds = array<i64: 32, 32>}, {pipeline_mode = #tpu.pipeline_mode<synchronous>, transform_indices = @transform_9, window_bounds = array<i64: 16, 32>}, {pipeline_mode = #tpu.pipeline_mode<synchronous>, transform_indices = @transform_10, window_bounds = array<i64: 32, 32>}, {pipeline_mode = #tpu.pipeline_mode<synchronous>, transform_indices = @transform_11, window_bounds = array<i64: 16, 32>}, {pipeline_mode = #tpu.pipeline_mode<synchronous>, transform_indices = @transform_12, window_bounds = array<i64: 1, 32>}, {pipeline_mode = #tpu.pipeline_mode<synchronous>, transform_indices = @transform_13, window_bounds = array<i64: 1, 32>}, {transform_indices = @transform_14, window_bounds = array<i64: 2048>}]} {
    %iota3A = tpu.iota {dimensions = array<i32: 1>} : vector<2048x256xi32>
    %get3A = arith.constant 0 : index
    %get3A_0 = arith.constant 0 : index
    %get3A_1 = vector.load %arg3[%get3A, %get3A_0] : memref<2048x1xi32, #tpu.memory_space<vmem>>, vector<2048x1xi32>
    %sub3A = arith.constant 999936 : i32
    %sub3A_2 = vector.broadcast %sub3A : i32 to vector<2048x1xi32>
    %sub3A_3 = arith.subi %get3A_1, %sub3A_2 : vector<2048x1xi32>
    %eq3A = vector.broadcast %sub3A_3 : vector<2048x1xi32> to vector<2048x256xi32>
    %eq3A_4 = arith.cmpi eq, %iota3A, %eq3A : vector<2048x256xi32>
    %convert_element_type3A = arith.extui %eq3A_4 : vector<2048x256xi1> to vector<2048x256xi32>
    %convert_element_type3A_5 = arith.sitofp %convert_element_type3A : vector<2048x256xi32> to vector<2048x256xf32>
    %get3A_6 = arith.constant 0 : index
    %get3A_7 = arith.constant 0 : index
    %get3A_8 = vector.load %arg7[%get3A_6, %get3A_7] : memref<2048x1xi32, #tpu.memory_space<vmem>>, vector<2048x1xi32>
    %sub3A_9 = arith.constant 99840 : i32
    %sub3A_10 = vector.broadcast %sub3A_9 : i32 to vector<2048x1xi32>
    %sub3A_11 = arith.subi %get3A_8, %sub3A_10 : vector<2048x1xi32>
    %eq3A_12 = vector.broadcast %sub3A_11 : vector<2048x1xi32> to vector<2048x256xi32>
    %eq3A_13 = arith.cmpi eq, %iota3A, %eq3A_12 : vector<2048x256xi32>
    %convert_element_type3A_14 = arith.extui %eq3A_13 : vector<2048x256xi1> to vector<2048x256xi32>
    %convert_element_type3A_15 = arith.sitofp %convert_element_type3A_14 : vector<2048x256xi32> to vector<2048x256xf32>
    %get3A_16 = arith.constant 0 : index
    %get3A_17 = arith.constant 0 : index
    %get3A_18 = vector.load %arg3[%get3A_16, %get3A_17] : memref<2048x1xi32, #tpu.memory_space<vmem>>, vector<2048x1xi32>
    %ge3A = arith.constant 999936 : i32
    %ge3A_19 = vector.broadcast %ge3A : i32 to vector<2048x1xi32>
    %ge3A_20 = arith.cmpi sge, %get3A_18, %ge3A_19 : vector<2048x1xi32>
    %get3A_21 = arith.constant 0 : index
    %get3A_22 = arith.constant 0 : index
    %get3A_23 = vector.load %arg4[%get3A_21, %get3A_22] : memref<256x32xf32, #tpu.memory_space<vmem>>, vector<256x32xf32>
    %dot_general3A = arith.constant dense<0.000000e+00> : vector<2048x32xf32>
    %dot_general3A_24 = tpu.matmul %convert_element_type3A_5, %get3A_23, %dot_general3A {dimension_numbers = #tpu.dot_dimension_numbers<[1], [0], [0], [1], [0, 0, 1, 1], [], []>, transpose_lhs_hint = false} : vector<2048x256xf32>, vector<256x32xf32>, vector<2048x32xf32> -> vector<2048x32xf32>
    %get3A_25 = arith.constant 0 : index
    %get3A_26 = arith.constant 0 : index
    %get3A_27 = vector.load %arg1[%get3A_25, %get3A_26] : memref<2048x128xf32, #tpu.memory_space<vmem>>, vector<2048x32xf32>
    %broadcast_in_dim3A = vector.shape_cast %ge3A_20 : vector<2048x1xi1> to vector<2048x1xi1>
    %broadcast_in_dim3A_28 = vector.broadcast %broadcast_in_dim3A : vector<2048x1xi1> to vector<2048x32xi1>
    %select_n3A = arith.select %broadcast_in_dim3A_28, %dot_general3A_24, %get3A_27 : vector<2048x32xi1>, vector<2048x32xf32>
    %get3A_29 = arith.constant 0 : index
    %get3A_30 = arith.constant 0 : index
    %get3A_31 = vector.load %arg7[%get3A_29, %get3A_30] : memref<2048x1xi32, #tpu.memory_space<vmem>>, vector<2048x1xi32>
    %ge3A_32 = arith.constant 99840 : i32
    %ge3A_33 = vector.broadcast %ge3A_32 : i32 to vector<2048x1xi32>
    %ge3A_34 = arith.cmpi sge, %get3A_31, %ge3A_33 : vector<2048x1xi32>
    %get3A_35 = arith.constant 0 : index
    %get3A_36 = arith.constant 0 : index
    %get3A_37 = vector.load %arg8[%get3A_35, %get3A_36] : memref<256x32xf32, #tpu.memory_space<vmem>>, vector<256x32xf32>
    %dot_general3A_38 = arith.constant dense<0.000000e+00> : vector<2048x32xf32>
    %dot_general3A_39 = tpu.matmul %convert_element_type3A_15, %get3A_37, %dot_general3A_38 {dimension_numbers = #tpu.dot_dimension_numbers<[1], [0], [0], [1], [0, 0, 1, 1], [], []>, transpose_lhs_hint = false} : vector<2048x256xf32>, vector<256x32xf32>, vector<2048x32xf32> -> vector<2048x32xf32>
    %get3A_40 = arith.constant 0 : index
    %get3A_41 = arith.constant 0 : index
    %get3A_42 = vector.load %arg5[%get3A_40, %get3A_41] : memref<2048x128xf32, #tpu.memory_space<vmem>>, vector<2048x32xf32>
    %broadcast_in_dim3A_43 = vector.shape_cast %ge3A_34 : vector<2048x1xi1> to vector<2048x1xi1>
    %broadcast_in_dim3A_44 = vector.broadcast %broadcast_in_dim3A_43 : vector<2048x1xi1> to vector<2048x32xi1>
    %select_n3A_45 = arith.select %broadcast_in_dim3A_44, %dot_general3A_39, %get3A_42 : vector<2048x32xi1>, vector<2048x32xf32>
    %get3A_46 = arith.constant 0 : index
    %get3A_47 = arith.constant 0 : index
    %get3A_48 = vector.load %arg9[%get3A_46, %get3A_47] : memref<32x32xf32, #tpu.memory_space<vmem>>, vector<32x32xf32>
    %dot_general3A_49 = arith.constant dense<0.000000e+00> : vector<2048x32xf32>
    %dot_general3A_50 = tpu.matmul %select_n3A, %get3A_48, %dot_general3A_49 {dimension_numbers = #tpu.dot_dimension_numbers<[1], [0], [0], [1], [0, 0, 1, 1], [], []>, transpose_lhs_hint = false} : vector<2048x32xf32>, vector<32x32xf32>, vector<2048x32xf32> -> vector<2048x32xf32>
    %get3A_51 = arith.constant 0 : index
    %get3A_52 = arith.constant 0 : index
    %get3A_53 = vector.load %arg2[%get3A_51, %get3A_52] : memref<2048x16xf32, #tpu.memory_space<vmem>>, vector<2048x16xf32>
    %get3A_54 = arith.constant 0 : index
    %get3A_55 = arith.constant 0 : index
    %get3A_56 = vector.load %arg10[%get3A_54, %get3A_55] : memref<16x32xf32, #tpu.memory_space<vmem>>, vector<16x32xf32>
    %dot_general3A_57 = arith.constant dense<0.000000e+00> : vector<2048x32xf32>
    %dot_general3A_58 = tpu.matmul %get3A_53, %get3A_56, %dot_general3A_57 {dimension_numbers = #tpu.dot_dimension_numbers<[1], [0], [0], [1], [0, 0, 1, 1], [], []>, transpose_lhs_hint = false} : vector<2048x16xf32>, vector<16x32xf32>, vector<2048x32xf32> -> vector<2048x32xf32>
    %add3A = arith.addf %dot_general3A_50, %dot_general3A_58 : vector<2048x32xf32>
    %get3A_59 = arith.constant 0 : index
    %get3A_60 = arith.constant 0 : index
    %get3A_61 = vector.load %arg13[%get3A_59, %get3A_60] : memref<1x32xf32, #tpu.memory_space<vmem>>, vector<1x32xf32>
    %add3A_62 = vector.broadcast %get3A_61 : vector<1x32xf32> to vector<2048x32xf32>
    %add3A_63 = arith.addf %add3A, %add3A_62 : vector<2048x32xf32>
    %max3A = arith.constant 0.000000e+00 : f32
    %max3A_64 = vector.broadcast %max3A : f32 to vector<2048x32xf32>
    %max3A_65 = arith.maximumf %add3A_63, %max3A_64 : vector<2048x32xf32>
    %get3A_66 = arith.constant 0 : index
    %get3A_67 = arith.constant 0 : index
    %get3A_68 = vector.load %arg11[%get3A_66, %get3A_67] : memref<32x32xf32, #tpu.memory_space<vmem>>, vector<32x32xf32>
    %dot_general3A_69 = arith.constant dense<0.000000e+00> : vector<2048x32xf32>
    %dot_general3A_70 = tpu.matmul %select_n3A_45, %get3A_68, %dot_general3A_69 {dimension_numbers = #tpu.dot_dimension_numbers<[1], [0], [0], [1], [0, 0, 1, 1], [], []>, transpose_lhs_hint = false} : vector<2048x32xf32>, vector<32x32xf32>, vector<2048x32xf32> -> vector<2048x32xf32>
    %get3A_71 = arith.constant 0 : index
    %get3A_72 = arith.constant 0 : index
    %get3A_73 = vector.load %arg6[%get3A_71, %get3A_72] : memref<2048x16xf32, #tpu.memory_space<vmem>>, vector<2048x16xf32>
    %get3A_74 = arith.constant 0 : index
    %get3A_75 = arith.constant 0 : index
    %get3A_76 = vector.load %arg12[%get3A_74, %get3A_75] : memref<16x32xf32, #tpu.memory_space<vmem>>, vector<16x32xf32>
    %dot_general3A_77 = arith.constant dense<0.000000e+00> : vector<2048x32xf32>
    %dot_general3A_78 = tpu.matmul %get3A_73, %get3A_76, %dot_general3A_77 {dimension_numbers = #tpu.dot_dimension_numbers<[1], [0], [0], [1], [0, 0, 1, 1], [], []>, transpose_lhs_hint = false} : vector<2048x16xf32>, vector<16x32xf32>, vector<2048x32xf32> -> vector<2048x32xf32>
    %add3A_79 = arith.addf %dot_general3A_70, %dot_general3A_78 : vector<2048x32xf32>
    %get3A_80 = arith.constant 0 : index
    %get3A_81 = arith.constant 0 : index
    %get3A_82 = vector.load %arg14[%get3A_80, %get3A_81] : memref<1x32xf32, #tpu.memory_space<vmem>>, vector<1x32xf32>
    %add3A_83 = vector.broadcast %get3A_82 : vector<1x32xf32> to vector<2048x32xf32>
    %add3A_84 = arith.addf %add3A_79, %add3A_83 : vector<2048x32xf32>
    %max3A_85 = arith.constant 0.000000e+00 : f32
    %max3A_86 = vector.broadcast %max3A_85 : f32 to vector<2048x32xf32>
    %max3A_87 = arith.maximumf %add3A_84, %max3A_86 : vector<2048x32xf32>
    %mul3A = arith.mulf %max3A_65, %max3A_87 : vector<2048x32xf32>
    %reduce_sum3A = arith.constant dense<0.000000e+00> : vector<2048xf32>
    %reduce_sum3A_88 = vector.multi_reduction <add>, %mul3A, %reduce_sum3A [1] : vector<2048x32xf32> to vector<2048xf32>
    %swap3A = arith.constant 0 : index
    %swap3A_89 = vector.load %arg15[%swap3A] : memref<2048xf32, #tpu.memory_space<vmem>>, vector<2048xf32>
    tpu.vector_store %arg15[%swap3A], %reduce_sum3A_88 {strides = array<i32>} : memref<2048xf32, #tpu.memory_space<vmem>>, vector<2048xf32>,
    return
  }
  func.func @transform_0(%arg0: i32) -> (i32, i32) {
    %c0_i32 = arith.constant 0 : i32
    %c0_i32_0 = arith.constant 0 : i32
    return %arg0, %c0_i32 : i32, i32
  }
  func.func @transform_1(%arg0: i32) -> (i32, i32) {
    %c0_i32 = arith.constant 0 : i32
    %c0_i32_0 = arith.constant 0 : i32
    return %arg0, %c0_i32 : i32, i32
  }
  func.func @transform_2(%arg0: i32) -> (i32, i32) {
    %c0_i32 = arith.constant 0 : i32
    %c0_i32_0 = arith.constant 0 : i32
    return %arg0, %c0_i32 : i32, i32
  }
  func.func @transform_3(%arg0: i32) -> (i32, i32) {
    %c0_i32 = arith.constant 0 : i32
    %c0_i32_0 = arith.constant 0 : i32
    %c0_i32_1 = arith.constant 0 : i32
    return %c0_i32, %c0_i32_0 : i32, i32
  }
  func.func @transform_4(%arg0: i32) -> (i32, i32) {
    %c0_i32 = arith.constant 0 : i32
    %c0_i32_0 = arith.constant 0 : i32
    return %arg0, %c0_i32 : i32, i32
  }
  func.func @transform_5(%arg0: i32) -> (i32, i32) {
    %c0_i32 = arith.constant 0 : i32
    %c0_i32_0 = arith.constant 0 : i32
    return %arg0, %c0_i32 : i32, i32
  }
  func.func @transform_6(%arg0: i32) -> (i32, i32) {
    %c0_i32 = arith.constant 0 : i32
    %c0_i32_0 = arith.constant 0 : i32
    return %arg0, %c0_i32 : i32, i32
  }
  func.func @transform_7(%arg0: i32) -> (i32, i32) {
    %c0_i32 = arith.constant 0 : i32
    %c0_i32_0 = arith.constant 0 : i32
    %c0_i32_1 = arith.constant 0 : i32
    return %c0_i32, %c0_i32_0 : i32, i32
  }
  func.func @transform_8(%arg0: i32) -> (i32, i32) {
    %c0_i32 = arith.constant 0 : i32
    %c0_i32_0 = arith.constant 0 : i32
    %c0_i32_1 = arith.constant 0 : i32
    return %c0_i32, %c0_i32_0 : i32, i32
  }
  func.func @transform_9(%arg0: i32) -> (i32, i32) {
    %c0_i32 = arith.constant 0 : i32
    %c0_i32_0 = arith.constant 0 : i32
    %c0_i32_1 = arith.constant 0 : i32
    return %c0_i32, %c0_i32_0 : i32, i32
  }
  func.func @transform_10(%arg0: i32) -> (i32, i32) {
    %c0_i32 = arith.constant 0 : i32
    %c0_i32_0 = arith.constant 0 : i32
    %c0_i32_1 = arith.constant 0 : i32
    return %c0_i32, %c0_i32_0 : i32, i32
  }
  func.func @transform_11(%arg0: i32) -> (i32, i32) {
    %c0_i32 = arith.constant 0 : i32
    %c0_i32_0 = arith.constant 0 : i32
    %c0_i32_1 = arith.constant 0 : i32
    return %c0_i32, %c0_i32_0 : i32, i32
  }
  func.func @transform_12(%arg0: i32) -> (i32, i32) {
    %c0_i32 = arith.constant 0 : i32
    %c0_i32_0 = arith.constant 0 : i32
    %c0_i32_1 = arith.constant 0 : i32
    return %c0_i32, %c0_i32_0 : i32, i32
  }
  func.func @transform_13(%arg0: i32) -> (i32, i32) {
    %c0_i32 = arith.constant 0 : i32
    %c0_i32_0 = arith.constant 0 : i32
    %c0_i32_1 = arith.constant 0 : i32
    return %c0_i32, %c0_i32_0 : i32, i32
  }
  func.func @transform_14(%arg0: i32) -> i32 {
    %c0_i32 = arith.constant 0 : i32
    return %arg0 : i32
  }
}

</mosaic_0001>

<sc_bundles>
// kernel: kernel.4.cloned.1.call-start
scs
__scs_entry_jumppad:
0x0: {  	(pc) =	sbr.rel $0x88, $3  }
0x1: {  	(tag) =	ssettag $0x0;
	lr =	simm.s32 $0x1  }
0x2: {  	[smem:$0x3F97] =	sst lr;
	_ =	strace $0xD0000000  }
0x3: {  	_ = 	snop  }
0x4: {  	_ = 	snop  }
0x5: {  	_ = 	snop  }
0x6: {  	_ = 	snop  }
0x7: {  	_ = 	snop  }
__scs_overlays_trampoline_lowered:
0x8: {  	[smem:$0x3FA6] =	sst s0  }
0x9: {  	[smem:$0x3FA7] =	sst s1  }
0xa: {  	[smem:$0x3FA8] =	sst s2  }
0xb: {  	[smem:$0x3FA9] =	sst s3  }
0xc: {  	[smem:$0x3FAA] =	sst s4  }
0xd: {  	[smem:$0x3FAB] =	sst s5  }
0xe: {  	[smem:$0x3FAC] =	sst s6  }
0xf: {  	[smem:$0x3FAD] =	sst s7  }
0x10: {  	[smem:$0x3FAE] =	sst s8  }
0x11: {  	[smem:$0x3FAF] =	sst s9;
	s0 =	simm.s32 @!p0 $0x0  }
0x12: {  	s1 =	sld [smem:$0x3F95];
	s0 =	simm.s32 @p0 $0x1  }
0x13: {  	[smem:$0x3FB0] =	sst s0;
	s0 =	simm.s32 @!p1 $0x0  }
0x14: {  	s2 =	sld [smem:$0x3F94];
	s0 =	simm.s32 @p1 $0x1  }
0x15: {  	[smem:$0x3FB1] =	sst s0;
	s0 =	simm.s32 @!p2 $0x0  }
0x16: {  	s3 =	sld [smem:$0x3FDB];
	s0 =	simm.s32 @p2 $0x1  }
0x17: {  	s4 =	simm.s32 $0x1BF5;
	[smem:$0x3FB3] =	sst s0  }
0x18: {  	s0 =	sld [smem:$0x3F96];
	_ =	swait.ge [sflag:s4], $0x0  }
0x19: {  	s7 =	sld [smem:$0x3F97]  }
0x1a: {  	s8 =	sadd.s32 $0xFFFFE003, lr  }
0x1b: {  	s9 =	sadd.s32 $0xFFFFFEF7, lr;
	s5 =	simm.s32 $0xFFFFFFFF;
	p2 =	slt.u32 s8, $0xFFFFF086  }
0x1c: {  	p1 =	slt.u32 s9, $0xF7A;
	s5 =	simm.s32 @!p2 $0x0  }
0x1d: {  	s5 =	simm.s32 @p1 $0x1;
	p0 =	seq.s32 s7, s2  }
0x1e: {  	s7 =	smul.u32 @!p0 $0xF7A, s2;
	p2 =	seq.s32 @!p0 s5, $0x0  }
0x1f: {  	s9 =	smul.u32 $0xF7A, s1;
	s8 =	simm.s32 @!p0 $0x1BF5;
	p2 =	por !p2, p0  }
0x20: {  	[sflag:s8] =	ssyncset.s32 @!p0 $0xFFFFF086;
	s6 =	sadd.s32 @!p0 s3, s7;
	s7 =	simm.s32 @!p0 $0x108  }
0x21: {  	s3 =	sadd.s32 s3, s9;
	s6 =	sadd.s32 @!p0 $0x88, s6;
	s7 =	simm.s32 @p2 $0x1082  }
0x22: {  	[simem:s7], [sflag:s8] =	dma.local @!p0 [hbm:s6], $0xF7A  }
0x23: {  	s9 =	sor.u32 $0xD0000000, s2;
	s6 =	simm.s32 $0x108;
	_ =	swait.ge @!p0 [sflag:s8], $0x0  }
0x24: {  	s3 =	sadd.s32 $0x88, s3;
	s6 =	simm.s32 @!p1 $0x1082;
	[sflag:s4] =	ssyncset.s32 $0xFFFFF086  }
0x25: {  	[simem:s6], [sflag:s4] =	dma.local [hbm:s3], $0xF7A  }
0x26: {  	[smem:$0x3F97] =	sst s1;
	(tag) =	ssettag s2;
	_ =	strace s9  }
0x27: {  	s1 =	sld [smem:$0x3FA7]  }
0x28: {  	s2 =	sld [smem:$0x3FA8]  }
0x29: {  	s4 =	sld [smem:$0x3FAA]  }
0x2a: {  	p0 =	seq.s32 s5, $0x0;
	s5 =	sld [smem:$0x3FAB]  }
0x2b: {  	s6 =	sld [smem:$0x3FAC]  }
0x2c: {  	s7 =	sld [smem:$0x3FAD]  }
0x2d: {  	s3 =	simm.s32 $0x108;
	s8 =	sld [smem:$0x3FAE]  }
0x2e: {  	s3 =	simm.s32 @!p0 $0x1082;
	s9 =	sld [smem:$0x3FAF]  }
0x2f: {  	lr =	sadd.s32 s0, s3;
	s0 =	sld [smem:$0x3FA6]  }
0x30: {  	s3 =	sld [smem:$0x3FA9]  }
0x31: {  	[smem:$0x3FB2] =	sst s10  }
0x32: {  	s10 =	sld [smem:$0x3FB0];
	_ =	sdelay $0x3  }
0x33: {  	p0 =	seq.s32 s10, $0x1;
	s10 =	sld [smem:$0x3FB2];
	_ =	sdelay $0x3  }
0x34: {  	[smem:$0x3FB2] =	sst s10  }
0x35: {  	s10 =	sld [smem:$0x3FB1];
	_ =	sdelay $0x3  }
0x36: {  	p1 =	seq.s32 s10, $0x1;
	s10 =	sld [smem:$0x3FB2];
	_ =	sdelay $0x3  }
0x37: {  	[smem:$0x3FB2] =	sst s10  }
0x38: {  	s10 =	sld [smem:$0x3FB3]  }
0x39: {  	_ = 	snop;
	(pc) =	sbr.ind lr, $3  }
0x3a: {  	_ = 	snop  }
0x3b: {  	_ = 	snop  }
0x3c: {  	p2 =	seq.s32 s10, $0x1;
	s10 =	sld [smem:$0x3FB2]  }
0x3d: {  	_ =	shalt  }
0x3e: {  	_ =	shalt  }
0x3f: {  	_ =	shalt  }
0x40: {  	_ =	shalt  }
0x41: {  	_ =	shalt  }
0x42: {  	_ =	shalt  }
0x43: {  	_ =	shalt  }
0x44: {  	_ =	shalt  }
0x45: {  	_ =	shalt  }
0x46: {  	_ =	shalt  }
0x47: {  	_ =	shalt  }
0x48: {  	_ =	shalt  }
0x49: {  	_ =	shalt  }
0x4a: {  	_ =	shalt  }
0x4b: {  	_ =	shalt  }
0x4c: {  	_ =	shalt  }
0x4d: {  	_ =	shalt  }
0x4e: {  	_ =	shalt  }
0x4f: {  	_ =	shalt  }
0x50: {  	_ =	shalt  }
0x51: {  	_ =	shalt  }
0x52: {  	_ =	shalt  }
0x53: {  	_ =	shalt  }
0x54: {  	_ =	shalt  }
0x55: {  	_ =	shalt  }
0x56: {  	_ =	shalt  }
0x57: {  	_ =	shalt  }
0x58: {  	_ =	shalt  }
0x59: {  	_ =	shalt  }
0x5a: {  	_ =	shalt  }
0x5b: {  	_ =	shalt  }
0x5c: {  	_ =	shalt  }
0x5d: {  	_ =	shalt  }
0x5e: {  	_ =	shalt  }
0x5f: {  	_ =	shalt  }
0x60: {  	_ =	shalt  }
0x61: {  	_ =	shalt  }
0x62: {  	_ =	shalt  }
0x63: {  	_ =	shalt  }
0x64: {  	_ =	shalt  }
0x65: {  	_ =	shalt  }
0x66: {  	_ =	shalt  }
0x67: {  	_ =	shalt  }
0x68: {  	_ =	shalt  }
0x69: {  	_ =	shalt  }
0x6a: {  	_ =	shalt  }
0x6b: {  	_ =	shalt  }
0x6c: {  	_ =	shalt  }
0x6d: {  	_ =	shalt  }
0x6e: {  	_ =	shalt  }
0x6f: {  	_ =	shalt  }
0x70: {  	_ =	shalt  }
0x71: {  	_ =	shalt  }
0x72: {  	_ =	shalt  }
0x73: {  	_ =	shalt  }
0x74: {  	_ =	shalt  }
0x75: {  	_ =	shalt  }
0x76: {  	_ =	shalt  }
0x77: {  	_ =	shalt  }
0x78: {  	_ =	shalt  }
0x79: {  	_ =	shalt  }
0x7a: {  	_ =	shalt  }
0x7b: {  	_ =	shalt  }
0x7c: {  	_ =	shalt  }
0x7d: {  	_ =	shalt  }
0x7e: {  	_ =	shalt  }
0x7f: {  	_ =	shalt  }
0x80: {  	_ =	shalt  }
0x81: {  	_ =	shalt  }
0x82: {  	_ =	shalt  }
0x83: {  	_ =	shalt  }
0x84: {  	_ =	shalt  }
0x85: {  	_ =	shalt  }
0x86: {  	_ =	shalt  }
0x87: {  	_ =	shalt  }
.Lfunc_end0:
.L_simem_size_0:
called_computation_lowered:
.L_overlay_start_0:
0x88: {  	s2 =	sld [smem:$0x3FD9]  }
0x89: {  	s3 =	sld [smem:$0x3FFE];
	_ =	sdelay $0x1  }
0x8a: {  	s1 =	srdreg.scid  }
0x8b: {  	s0 =	sand.u32 $0x1, s1  }
0x8c: {  	s17 =	sshll.u32 s0, $0xA;
	s2 =	sadd.s32 s3, s2  }
0x8d: {  	s2 =	sadd.s32 s2, s17  }
0x8e: {  	[smem:$0x3FBE] =	sst s2  }
0x8f: {  	_ = 	snop  }
0x90: {  	s2 =	sld [smem:$0x3FC9]  }
0x91: {  	s18 =	sld [smem:$0x3FC7]  }
0x92: {  	s4 =	sld [smem:$0x3FC5]  }
0x93: {  	s5 =	sld [smem:$0x3FC2];
	(tm) =	ssettm $0x1  }
0x94: {  	s6 =	sld [smem:$0x3FFB];
	_ =	sdelay $0x3  }
0x95: {  	_ =	strace s6  }
0x96: {  	s6 =	sld [smem:$0x3FFC];
	_ =	sdelay $0x3  }
0x97: {  	_ =	strace s6  }
0x98: {  	s6 =	sld [smem:$0x3FFD];
	_ =	sdelay $0x3  }
0x99: {  	_ =	strace s6  }
0x9a: {  	_ =	strace $0x8FFFFFFF  }
0x9b: {  	s19 =	sld [smem:$0x3FDB];
	_ =	sdelay $0x1  }
0x9c: {  	s7 =	simm.s32 $_scs_section_size  }
0x9d: {  	s8 =	simm.s32 $_size__tile_overlayer_lowered;
	s9 =	simm.s32 $_tile_overlayer_lowered  }
0x9e: {  	s22 =	simm.s32 $0x1BFF;
	s21 =	sshll.u32 s9, $0x1;
	s6 =	sadd.s32 s7, s19  }
0x9f: {  	s10 =	simm.s32 $0x0;
	s20 =	sshll.u32 s8, $0x1;
	s8 =	sadd.s32 s21, s6  }
0xa0: {  	[timem:s10], [sflag:s22] =	dma.local [hbm:s8], s20  }
0xa1: {  	_ =	swait.ge [sflag:s22], s20  }
0xa2: {  	s7 =	ssub.s32 $0x0, s20;
	[sflag:s22] =	ssyncset.done $0x0  }
0xa3: {  	[sflag:s22] =	ssyncadd.s32 s7;
	_ =	sdelay $0x1  }
0xa4: {  	s23 =	simm.s32 $0x1B8B  }
0xa5: {  	_ =	swait.ge [sflag:s23], $0x1  }
0xa6: {  	[sflag:s23] =	ssyncset.done $0x0  }
0xa7: {  	s25 =	simm.s32 $0x1B8E;
	s24 =	sld [smem:$0x3FFE];
	[sflag:s23] =	ssyncadd.s32 $0xFFFFFFFF  }
0xa8: {  	s26 =	simm.s32 $execute0_lowered;
	[smem:$0x3FD2] =	sst s25  }
0xa9: {  	s8 =	sshll.u32 s26, $0x1;
	_ =	strace $0x80000046;
	[dreg:$0x1] =	wrdreg $0xFFFFFFFF  }
0xaa: {  	s28 =	simm.s32 $_size_execute0_lowered;
	s6 =	sadd.s32 s6, s8;
	[dreg:$0x0] =	wrdreg $0x0  }
0xab: {  	s8 =	sshll.u32 s28, $0x1;
	[dreg:$0x2] =	wrdreg s6  }
0xac: {  	[dreg:$0x3] =	wrdreg s8  }
0xad: {  	[dreg:$0x4] =	wrdreg $0xC0  }
0xae: {  	_ =	task [dreg:s10], $0x5FFFF  }
0xaf: {  	[dreg:$0x1] =	wrdreg $0xFFFFFFFF  }
0xb0: {  	[dreg:$0x0] =	wrdreg $0x60  }
0xb1: {  	[dreg:$0x2] =	wrdreg s4  }
0xb2: {  	[dreg:$0x3] =	wrdreg s2  }
0xb3: {  	[dreg:$0x4] =	wrdreg s5  }
0xb4: {  	[dreg:$0x5] =	wrdreg s18  }
0xb5: {  	[dreg:$0x6] =	wrdreg s24  }
0xb6: {  	[dreg:$0x7] =	wrdreg $0x9  }
0xb7: {  	_ =	task.clear_ibuf [dreg:s10], $0x8FFFF;
	_ =	strace $0x90000046  }
0xb8: {  	s29 =	simm.s32 $0x9;
	_ =	strace $0x80000048  }
0xb9: {  	_ =	swait.ge [sflag:s29], $0x1  }
0xba: {  	[sflag:s29] =	ssyncadd.s32 $0xFFFFFFFF  }
0xbb: {  	_ =	strace $0x90000048  }
0xbc: {  	_ =	sfence  }
0xbd: {  	s30 =	sld [smem:$0x0];
	_ =	sdelay $0x2  }
0xbe: {  	s31 =	sshll.u32 s1, $0xD;
	s1 =	sshrl.u32 s1, $0x2  }
0xbf: {  	s3 =	sand.u32 $0x4000, s31;
	s1 =	sadd.s32 s1, s30  }
0xc0: {  	s0 =	sor.u32 s3, s0;
	s1 =	sshll.u32 s1, $0x11  }
0xc1: {  	s0 =	sor.u32 s1, s0  }
0xc2: {  	s0 =	sadd.s32 $0x8F2B, s0  }
0xc3: {  	[sflag:s0] =	ssyncadd.remote.s32 $0x1  }
0xc4: {  	_ =	sfence.sel $0xFFFF  }
0xc5: {  	[dreg:$0x0] =	wrdreg $0xFFFFFFFF;
	(pc) =	sbr.abs _section_cstart, $3  }
0xc6: {  	[dreg:$0x1] =	wrdreg $0xFFFFFFFF  }
0xc7: {  	_ =	task.clear_ibuf [dreg:s10], $0x2FFFF;
	_ =	strace $0x9FFFFFFF  }
0xc8: {  	(tm) =	ssettm $0x7FFFFFFF  }
0xc9: {  	_ =	shalt  }
tec
execute0_lowered:
.L_overlay_start_1:
0x0: {  	(tag) =	ssettag $0x1  }
0x1: {  	s5 =	rddreg [dreg:$0x0]  }
0x2: {  	s30 =	rddreg [dreg:$0x1]  }
0x3: {  	s3 =	rddreg [dreg:$0x2];
	v3 =	vimm.s32 $0x1380;
	vm0 =	vcmask $0x300;
	v4 =	vimm.s32 $0x3380  }
0x4: {  	s0 =	srdreg.scid;
	s4 =	rddreg [dreg:$0x3];
	vm1 =	vcmask $0x704;
	vm15 =	vcmask $0xB08;
	vm4 =	vcmask $0xF0C  }
0x5: {  	s1 =	stileid.u32;
	s20 =	rddreg [dreg:$0x4];
	s6 =	simm.s32 $0x0;
	vm5 =	vcmask $0x1310;
	v3 =	vsel vm0, $0x0, v3;
	v4 =	vsel vm0, $0x2000, v4  }
0x6: {  	vm6 =	vcmask $0x1714;
	s19 =	simm.s32 $0x1000;
	s28 =	simm.s32 $0x2;
	s29 =	simm.s32 $0xC3800;
	v3 =	vsel vm1, $0x80, v3;
	v4 =	vsel vm1, $0x2080, v4  }
0x7: {  	vm7 =	vcmask $0x1B18;
	s0 =	sand.u32 $0x1, s0;
	s1 =	sshll.u32 s1, $0x1;
	[smem:$0x7FF] =	sst s6;
	v3 =	vsel vm15, $0x100, v3;
	v4 =	vsel vm15, $0x2100, v4  }
0x8: {  	v0 =	vlaneseq.u32;
	s7 =	sadd.s32 $0x1800, s20;
	s8 =	sadd.s32 $0x61800, s20;
	s20 =	simm.s32 $0x7A1400;
	v3 =	vsel vm4, $0x180, v3;
	v4 =	vsel vm4, $0x2180, v4  }
0x9: {  	vm8 =	vcmask $0x1F1C;
	s1 =	sor.u32 s0, s1;
	_ =	strace $0x80000047;
	s0 =	ssub.s32 $0x2, s0;
	v3 =	vsel vm5, $0x200, v3;
	v4 =	vsel vm5, $0x2200, v4  }
0xa: {  	vm9 =	vcmask $0x2320;
	s2 =	sshll.u32 s1, $0x8;
	s21 =	sshrl.u32 s0, $0x1;
	s22 =	ssub.s32 $0x7A0, s1;
	v3 =	vsel vm6, $0x280, v3;
	v4 =	vsel vm6, $0x2280, v4  }
0xb: {  	vm10 =	vcmask $0x2724;
	s13 =	sshll.u32 s1, $0x9;
	s23 =	ssub.s32 $0xC2, s1;
	s11 =	sshll.u32 s1, $0xC;
	v3 =	vsel vm7, $0x300, v3;
	v4 =	vsel vm7, $0x2300, v4  }
0xc: {  	vm11 =	vcmask $0x2B28;
	s18 =	sor.u32 $0x20, s1;
	s2 =	sor.u32 $0x4000, s2;
	s0 =	ssub.s32 s0, s21;
	v3 =	vsel vm8, $0x380, v3;
	v4 =	vsel vm8, $0x2380, v4  }
0xd: {  	vm12 =	vcmask $0x2F2C;
	s9 =	sshrl.u32 s22, $0x5;
	s10 =	sadd.s32 s5, s13;
	s14 =	sor.u32 $0x4000, s13;
	v3 =	vsel vm9, $0x1000, v3;
	v4 =	vsel vm9, $0x3000, v4  }
0xe: {  	vm13 =	vcmask $0x3330;
	s12 =	sshrl.u32 s23, $0x5;
	s25 =	sadd.s32 s3, s13;
	s21 =	simm.s32 $0x4000;
	v3 =	vsel vm10, $0x1080, v3;
	v4 =	vsel vm10, $0x3080, v4  }
0xf: {  	vm14 =	vcmask $0x3734;
	s22 =	simm.s32 $0x8000;
	s23 =	simm.s32 $0x3;
	s24 =	sadd.s32 s5, s14;
	v3 =	vsel vm11, $0x1100, v3;
	v4 =	vsel vm11, $0x3100, v4  }
0x10: {  	v2 =	vmov s1;
	[dreg:$0x7] =	wrdreg s25;
	s26 =	sadd.s32 $0x2, s12;
	s31 =	sadd.s32 s3, s14;
	v3 =	vsel vm12, $0x1180, v3;
	v4 =	vsel vm12, $0x3180, v4  }
0x11: {  	vm15 =	vcmask $0x3B38;
	s0 =	smax.u32 s0, $0x1;
	s25 =	simm.s32 $0x100;
	[dreg:$0x6] =	wrdreg s24;
	v3 =	vsel vm13, $0x1200, v3;
	v4 =	vsel vm13, $0x3200, v4  }
0x12: {  	v1 =	vor.u32 s2, v0;
	s2 =	simm.s32 $0x0;
	[dreg:$0x8] =	wrdreg s31;
	s16 =	sshrl.u32 s26, $0x1;
	v5 =	vsel vm14, $0x1280, v3;
	v6 =	vsel vm14, $0x3280, v4  }
0x13: {  	[dreg:$0x9] =	wrdreg s0;
	s24 =	simm.s32 $0x1;
	s26 =	simm.s32 $0x10A80;
	v3 =	vimm.s32 $0x0;
	v4 =	vsel vm15, $0x1300, v5;
	v5 =	vsel vm15, $0x3300, v6  }
.LBB2_1:
0x14: {  	s0 =	simm.s32 $0x10980;
	v6 =	vor.u32 s6, v1  }
0x15: {  	[dreg:$0xa] =	wrdreg s2;
	s2 =	simm.s32 $0x10;
	[tilespmem:s0+$0x0] =	vst v6  }
.LBB2_2:
0x16: {  	p0 =	sne.s32 s2, $0xF0  }
.Ltmp0:
0x17: {  	_ = 	snop;
	(pc) =	sbr.rel @p0 .LBB2_2-.Ltmp0, $3  }
0x18: {  	_ =	sdelay $0x1  }
0x19: {  	v6 =	vor.u32 s2, v1;
	s2 =	sadd.s32 $0x10, s2;
	s0 =	sadd.s32 $0x10, s0  }
0x1a: {  	[tilespmem:s0+$0x0] =	vst v6  }
0x1b: {  	s0 =	simm.s32 $0x0;
	s2 =	rddreg [dreg:$0x6]  }
0x1c: {  	[tilespmem:s0], [sflag:$0x1] =	stream.strided.gather [hbm4b:s10+s19], $0x4000, s20, s19, $0x38;
	[tilespmem:$0x18A80] =	vst v63  }
0x1d: {  	s5 =	simm.s32 $0x0;
	s13 =	simm.s32 $0x0;
	s14 =	simm.s32 $0x0  }
0x1e: {  	[tilespmem:s21], [sflag:$0x2] =	stream.strided.gather [hbm4b:s2+s19], $0x4000, s20, s19, $0x38;
	[tilespmem:$0x18A80] =	vst v63  }
.LBB2_4:
0x1f: {  	s2 =	sshll.u32 s14, $0x8  }
0x20: {  	s2 =	sadd.s32 s30, s2  }
0x21: {  	[tilespmem:s22], [sflag:$0x3] =	stream.linear.gather [hbm4b:s2+s0], $0x800, $0x38;
	[tilespmem:$0x18A80] =	vst v63  }
0x22: {  	_ =	swait.ge [sflag:s23], $0x800  }
0x23: {  	[sflag:s23] =	ssyncset.done $0x0  }
0x24: {  	s31 =	simm.s32 $0x0;
	[sflag:s23] =	ssyncadd.s32 $0xFFFFF800  }
0x25: {  	v6 =	vld [tilespmem:s31+$0x8000];
	_ =	sdelay $0x4  }
0x26: {  	v7 =	vshrl.u32 v6, $0x9  }
0x27: {  	v7 =	vand.u32 $0x1F, v7  }
0x28: {  	vm1 =	vlt.s32 v6, $0xF4200;
	vm0 =	veq.s32 v7, v2  }
0x29: {  	vm0 =	vmand vm1, vm0  }
0x2a: {  	v7 =	vmpcnt.ones.xlane vm0;
	_ =	sdelay $0x1  }
0x2b: {  	v7 =	vxor.u32 $0x80000000, v7  }
0x2c: {  	(xrf0) =	vmax.scan.msk.u32 $0xffff, v7;
	_ =	sdelay $0x5  }
0x2d: {  	[tilespmem:s13+$0x8800] =	vst.msk vm0, v6;
	v7 =	vor.u32 s5, v0;
	v6, _, _ =	vpop (xrf0)  }
0x2e: {  	s17 =	simm.s32 $0x80;
	s15 =	smov.u32 s5;
	s2 =	simm.s32 $0x10;
	[tilespmem:s13+$0xC800] =	vst.msk vm0, v7;
	(v2sf) =	vpush v6, $0xF  }
.LBB2_5:
0x2f: {  	p0 =	sne.s32 s17, $0x1FC0;
	v6 =	vld [tilespmem:s2+$0x8000];
	_ =	sdelay $0x4  }
0x30: {  	v7 =	vshrl.u32 v6, $0x9  }
0x31: {  	v7 =	vand.u32 $0x1F, v7  }
0x32: {  	vm1 =	vlt.s32 v6, $0xF4200;
	vm0 =	veq.s32 v7, v2  }
0x33: {  	vm0 =	vmand vm1, vm0  }
0x34: {  	v7 =	vmpcnt.ones.xlane vm0;
	_ =	sdelay $0x1  }
0x35: {  	v7 =	vxor.u32 $0x80000000, v7  }
0x36: {  	(xrf0) =	vmax.scan.msk.u32 $0xffff, v7;
	_ =	sdelay $0x1  }
0x37: {  	s2 =	spop (v2sf)  }
.Ltmp1:
0x38: {  	s2 =	sadd.s32 s2, s13;
	(pc) =	sbr.rel @p0 .LBB2_5-.Ltmp1, $4  }
0x39: {  	s15 =	sadd.s32 $0x10, s15;
	s13 =	sadd.s32 $0x80000000, s2  }
0x3a: {  	v7 =	vor.u32 s15, v0;
	[tilespmem:s13+$0x8800] =	vst.msk vm0, v6  }
0x3b: {  	[tilespmem:s13+$0xC800] =	vst.msk vm0, v7;
	v6, _, _ =	vpop (xrf0)  }
0x3c: {  	s2 =	sshra.s32 s17, $0x2;
	s17 =	sadd.s32 $0x40, s17;
	(v2sf) =	vpush v6, $0xF  }
0x3d: {  	v6 =	vld [tilespmem:s2+$0x8000];
	_ =	sdelay $0x4  }
0x3e: {  	v7 =	vshrl.u32 v6, $0x9  }
0x3f: {  	v7 =	vand.u32 $0x1F, v7  }
0x40: {  	vm1 =	vlt.s32 v6, $0xF4200;
	vm0 =	veq.s32 v7, v2  }
0x41: {  	vm0 =	vmand vm1, vm0  }
0x42: {  	v7 =	vmpcnt.ones.xlane vm0;
	_ =	sdelay $0x1  }
0x43: {  	v7 =	vxor.u32 $0x80000000, v7  }
0x44: {  	(xrf0) =	vmax.scan.msk.u32 $0xffff, v7;
	_ =	sdelay $0x5  }
0x45: {  	v7, _, _ =	vpop (xrf0)  }
0x46: {  	(v2sf) =	vpush v7, $0xF;
	_ =	sdelay $0xa  }
0x47: {  	s14 =	sadd.s32 $0x1, s14  }
0x48: {  	p0 =	sne.s32 s14, $0x8  }
.Ltmp2:
0x49: {  	s31 =	spop (v2sf);
	(pc) =	sbr.rel @p0 .LBB2_4-.Ltmp2, $4  }
0x4a: {  	s2 =	sadd.s32 s31, s13  }
0x4b: {  	s15 =	sadd.s32 $0x10, s15;
	s2 =	sadd.s32 $0x80000000, s2;
	s17 =	spop (v2sf)  }
0x4c: {  	[tilespmem:s2+$0x8800] =	vst.msk vm0, v6;
	v7 =	vor.u32 s15, v0;
	s31 =	sadd.s32 s17, s2  }
0x4d: {  	s5 =	sadd.s32 $0x800, s5;
	[tilespmem:s2+$0xC800] =	vst.msk vm0, v7;
	s13 =	sadd.s32 $0x80000000, s31  }
0x4e: {  	s0 =	sadd.s32 $0xF, s13  }
0x4f: {  	s2 =	sand.u32 $0xF, s0  }
0x50: {  	s30 =	sshra.s32 s0, $0x1F;
	p1 =	slt.s32 s0, $0x1;
	p0 =	sne.s32 s2, $0x0  }
.Ltmp3:
0x51: {  	s2 =	sshrl.u32 s30, $0x1C;
	p0 =	por !p1, !p0;
	(pc) =	sbr.rel .LBB2_8-.Ltmp3, $4  }
0x52: {  	s0 =	sadd.s32 s2, s0;
	s2 =	simm.s32 $0x1;
	p0 =	por !p0, !p0  }
0x53: {  	s0 =	sshra.s32 s0, $0x4;
	s2 =	simm.s32 @!p0 $0x0  }
0x54: {  	s5 =	ssub.s32 s0, s2  }
0x55: {  	v6 =	vmov s13;
	s31 =	simm.s32 $0x0;
	s0 =	simm.s32 $0x0;
	p0 =	slt.s32 s5, $0x1  }
.LBB2_20:
0x56: {  	s0 =	smov.u32 s13  }
.LBB2_30:
0x57: {  	s31 =	sadd.s32 $0x1, s31  }
0x58: {  	p1 =	sne.s32 s31, $0x1F  }
.Ltmp4:
0x59: {  	s2 =	sadd.s32 $0x3, s15;
	(pc) =	sbr.rel @!p1 .LBB2_31-.Ltmp4, $4  }
0x5a: {  	s2 =	smin.u32 s2, s9  }
0x5b: {  	s2 =	sshll.u32 s2, $0xE  }
0x5c: {  	s2 =	sadd.s32 s2, s10  }
0x5d: {  	[tilespmem:s21], [sflag:$0x2] =	stream.strided.gather [hbm4b:s2+s19], $0x4000, s20, s19, $0x38;
	[tilespmem:$0x18A80] =	vst v63  }
.LBB2_8:
.Ltmp5:
0x5e: {  	(pc) =	sbr.rel @p0 .LBB2_9-.Ltmp5, $4  }
0x5f: {  	_ = 	snop  }
0x60: {  	_ =	swait.ge [sflag:s24], $0x4000  }
0x61: {  	[sflag:s24] =	ssyncset.done $0x0  }
0x62: {  	s14 =	sshll.u32 s31, $0x6;
	[sflag:s24] =	ssyncadd.s32 $0xFFFFC000  }
.Ltmp6:
0x63: {  	(pc) =	sbr.rel .LBB2_11-.Ltmp6, $4  }
0x64: {  	_ = 	snop  }
0x65: {  	s2 =	sor.u32 s1, s14  }
0x66: {  	s13 =	sshll.u32 s2, $0x9  }
0x67: {  	s15 =	simm.s32 $0x0;
	v7 =	vmov s2;
	v8 =	vmov s13  }
.LBB2_18:
0x68: {  	p1 =	sgt.s32 s13, $0xEF;
	s15 =	sadd.s32 $0x1, s15  }
0x69: {  	s13 =	simm.s32 @p1 $0x0;
	p1 =	sne.s32 s15, s5  }
.Ltmp7:
0x6a: {  	_ = 	snop;
	(pc) =	sbr.rel @!p1 .LBB2_19-.Ltmp7, $2  }
0x6b: {  	_ =	sdelay $0x2  }
0x6c: {  	s0 =	smov.u32 s13  }
.LBB2_11:
0x6d: {  	s2 =	sshll.u32 s15, $0x4  }
0x6e: {  	v9 =	vld [tilespmem:s2+$0x8800];
	_ =	sdelay $0x4  }
0x6f: {  	v11 =	vor.u32 s2, v0;
	v10 =	vshrl.u32 v9, $0x9  }
0x70: {  	vm1 =	vlt.s32 v11, v6;
	vm0 =	veq.s32 v10, v7  }
0x71: {  	vm0 =	vmand vm1, vm0  }
0x72: {  	v10 =	vmpcnt.ones.xlane vm0;
	_ =	sdelay $0x1  }
0x73: {  	v10 =	vxor.u32 $0x80000000, v10  }
0x74: {  	(xrf0) =	vmax.scan.msk.u32 $0xffff, v10;
	_ =	sdelay $0x5  }
0x75: {  	v10, _, _ =	vpop (xrf0)  }
0x76: {  	(v2sf) =	vpush v10, $0xF;
	_ =	sdelay $0xe  }
0x77: {  	v10 =	vld [tilespmem:s2+$0xC800];
	s2 =	spop (v2sf)  }
0x78: {  	s13 =	sadd.s32 s2, s0  }
0x79: {  	s13 =	sadd.s32 $0x80000000, s13  }
0x7a: {  	p1 =	sge.s32 s0, s13  }
.Ltmp8:
0x7b: {  	_ = 	snop;
	(pc) =	sbr.rel @p1 .LBB2_15-.Ltmp8, $4  }
0x7c: {  	_ = 	snop  }
0x7d: {  	v9 =	vsub.s32 v9, v8  }
0x7e: {  	[tilespmem:s0+$0x10800] =	vst.msk vm0, v9  }
0x7f: {  	[tilespmem:s0+$0x10980] =	vst.msk vm0, v10  }
0x80: {  	s17 =	sshll.u32 s0, $0x2  }
0x81: {  	s17 =	sshra.s32 s17, $0x2  }
0x82: {  	s17 =	sadd.s32 $0x10800, s17  }
0x83: {  	v9 =	vld [tilespmem:s17+$0x0];
	_ =	sdelay $0x4  }
0x84: {  	v9 =	vperm.xlane v9, v3;
	_ =	sdelay $0x1  }
0x85: {  	v10 =	vshll.u32 v9, $0x3  }
0x86: {  	v9 =	vand.u32 $0x7F, v9;
	v10 =	vand.u32 $0xFFFFFC00, v10  }
0x87: {  	v9 =	vor.u32 v9, v10  }
0x88: {  	s30 =	sadd.s32 $0x80000000, s2;
	v10 =	vadd.s32 v4, v9  }
0x89: {  	p1 =	sne.s32 s30, $0x1;
	v9 =	vadd.s32 v5, v9  }
.Ltmp9:
0x8a: {  	_ = 	snop;
	(pc) =	sbr.rel @!p1 .LBB2_14-.Ltmp9, $4  }
0x8b: {  	s0 =	sshll.u32 s0, $0x9  }
0x8c: {  	s0 =	sshra.s32 s0, $0x2  }
0x8d: {  	s2 =	sadd.s32 $0x10A90, s0;
	v10 =	vld.idx.msk [tilespmem:v10+s6+$0x0], $0xffff  }
0x8e: {  	s30 =	sadd.s32 $0xFFFFFFFF, s30;
	s0 =	smov.u32 s2;
	v9 =	vld.idx.msk [tilespmem:v9+s6+$0x0], $0xffff  }
.LBB2_13:
0x8f: {  	_ =	sdelay $0x2  }
0x90: {  	p1 =	sne.s32 s30, $0x1;
	s0 =	sadd.s32 $0x80, s0;
	s17 =	sadd.s32 $0x1, s17;
	[tilespmem:s2+$0xFFFFFFF0] =	vst v10  }
0x91: {  	s30 =	sadd.s32 $0xFFFFFFFF, s30;
	[tilespmem:s2+$0x0] =	vst v9;
	s2 =	smov.u32 s0  }
0x92: {  	v9 =	vld [tilespmem:s17+$0x0];
	_ =	sdelay $0x4  }
0x93: {  	v9 =	vperm.xlane v9, v3;
	_ =	sdelay $0x1  }
0x94: {  	v10 =	vshll.u32 v9, $0x3  }
0x95: {  	v9 =	vand.u32 $0x7F, v9;
	v10 =	vand.u32 $0xFFFFFC00, v10  }
0x96: {  	v9 =	vor.u32 v9, v10  }
0x97: {  	v10 =	vadd.s32 v4, v9;
	v9 =	vadd.s32 v5, v9;
	_ =	sdelay $0x1  }
.Ltmp10:
0x98: {  	(pc) =	sbr.rel @p1 .LBB2_13-.Ltmp10, $3  }
0x99: {  	_ =	sdelay $0x1  }
0x9a: {  	v10 =	vld.idx.msk [tilespmem:v10+s6+$0x0], $0xffff  }
0x9b: {  	v9 =	vld.idx.msk [tilespmem:v9+s6+$0x0], $0xffff  }
.LBB2_14:
0x9c: {  	_ =	sdelay $0x2  }
0x9d: {  	[tilespmem:s2+$0xFFFFFFF0] =	vst v10  }
0x9e: {  	[tilespmem:s2+$0x0] =	vst v9  }
.LBB2_15:
0x9f: {  	p1 =	slt.s32 s13, $0xF0  }
.Ltmp11:
0xa0: {  	_ = 	snop;
	(pc) =	sbr.rel @p1 .LBB2_18-.Ltmp11, $1  }
0xa1: {  	_ =	sdelay $0x3  }
0xa2: {  	s0 =	simm.s32 $0x10980  }
0xa3: {  	[hbm4b:s7+s25] =	stream.indirect.scatter [tilespmem:s26], [sflag:$0x3], $0x80, s0, s25, $0xb8;
	[tilespmem:$0x18A80] =	vst v63  }
0xa4: {  	_ =	swait.ge [sflag:s23], $0x8000  }
0xa5: {  	s2 =	simm.s32 $0x0;
	[sflag:s23] =	ssyncset.done $0x0  }
0xa6: {  	v9 =	vor.u32 s2, v1;
	[sflag:s23] =	ssyncadd.s32 $0xFFFF8000  }
0xa7: {  	s2 =	simm.s32 $0x10;
	[tilespmem:s0+$0x0] =	vst v9  }
.LBB2_17:
0xa8: {  	p1 =	sne.s32 s2, $0xF0  }
.Ltmp12:
0xa9: {  	_ = 	snop;
	(pc) =	sbr.rel @p1 .LBB2_17-.Ltmp12, $3  }
0xaa: {  	_ =	sdelay $0x1  }
0xab: {  	v9 =	vor.u32 s2, v1;
	s2 =	sadd.s32 $0x10, s2;
	s0 =	sadd.s32 $0x10, s0  }
0xac: {  	[tilespmem:s0+$0x0] =	vst v9  }
.Ltmp13:
0xad: {  	_ = 	snop;
	(pc) =	sbr.rel .LBB2_18-.Ltmp13, $1  }
0xae: {  	_ =	sdelay $0x3  }
.LBB2_9:
0xaf: {  	s13 =	smov.u32 s0  }
.LBB2_19:
0xb0: {  	s15 =	sshll.u32 s31, $0x1  }
0xb1: {  	s0 =	sadd.s32 $0x2, s15  }
0xb2: {  	s0 =	smin.u32 s0, s9  }
0xb3: {  	s0 =	sshll.u32 s0, $0xE  }
.Ltmp14:
0xb4: {  	s0 =	sadd.s32 s0, s10;
	(pc) =	sbr.rel @p0 .LBB2_20-.Ltmp14, $4  }
0xb5: {  	[tilespmem:s6], [sflag:$0x1] =	stream.strided.gather [hbm4b:s0+s19], $0x4000, s20, s19, $0x38;
	[tilespmem:$0x18A80] =	vst v63  }
0xb6: {  	_ =	swait.ge [sflag:s28], $0x4000  }
0xb7: {  	[sflag:s28] =	ssyncset.done $0x0  }
0xb8: {  	[sflag:s28] =	ssyncadd.s32 $0xFFFFC000  }
.Ltmp15:
0xb9: {  	(pc) =	sbr.rel .LBB2_22-.Ltmp15, $4  }
0xba: {  	_ = 	snop  }
0xbb: {  	s0 =	sor.u32 s18, s14  }
0xbc: {  	s2 =	sshll.u32 s0, $0x9  }
0xbd: {  	s14 =	simm.s32 $0x0;
	v7 =	vmov s0;
	v8 =	vmov s2  }
.LBB2_29:
0xbe: {  	p1 =	sgt.s32 s0, $0xEF;
	s14 =	sadd.s32 $0x1, s14  }
0xbf: {  	s0 =	simm.s32 @p1 $0x0;
	p1 =	sne.s32 s14, s5  }
.Ltmp16:
0xc0: {  	_ = 	snop;
	(pc) =	sbr.rel @!p1 .LBB2_30-.Ltmp16, $2  }
0xc1: {  	_ =	sdelay $0x2  }
0xc2: {  	s13 =	smov.u32 s0  }
.LBB2_22:
0xc3: {  	s0 =	sshll.u32 s14, $0x4  }
0xc4: {  	v9 =	vld [tilespmem:s0+$0x8800];
	_ =	sdelay $0x4  }
0xc5: {  	v11 =	vor.u32 s0, v0;
	v10 =	vshrl.u32 v9, $0x9  }
0xc6: {  	vm1 =	vlt.s32 v11, v6;
	vm0 =	veq.s32 v10, v7  }
0xc7: {  	vm0 =	vmand vm1, vm0  }
0xc8: {  	v10 =	vmpcnt.ones.xlane vm0;
	_ =	sdelay $0x1  }
0xc9: {  	v10 =	vxor.u32 $0x80000000, v10  }
0xca: {  	(xrf0) =	vmax.scan.msk.u32 $0xffff, v10;
	_ =	sdelay $0x5  }
0xcb: {  	v10, _, _ =	vpop (xrf0)  }
0xcc: {  	(v2sf) =	vpush v10, $0xF;
	_ =	sdelay $0xe  }
0xcd: {  	s2 =	spop (v2sf)  }
0xce: {  	s30 =	sadd.s32 s2, s13  }
0xcf: {  	v10 =	vld [tilespmem:s0+$0xC800];
	s0 =	sadd.s32 $0x80000000, s30  }
0xd0: {  	p1 =	sge.s32 s13, s0  }
.Ltmp17:
0xd1: {  	_ = 	snop;
	(pc) =	sbr.rel @p1 .LBB2_26-.Ltmp17, $4  }
0xd2: {  	_ = 	snop  }
0xd3: {  	v9 =	vsub.s32 v9, v8  }
0xd4: {  	[tilespmem:s13+$0x10800] =	vst.msk vm0, v9  }
0xd5: {  	[tilespmem:s13+$0x10980] =	vst.msk vm0, v10  }
0xd6: {  	s17 =	sshll.u32 s13, $0x2  }
0xd7: {  	s17 =	sshra.s32 s17, $0x2  }
0xd8: {  	s17 =	sadd.s32 $0x10800, s17  }
0xd9: {  	v9 =	vld [tilespmem:s17+$0x0];
	_ =	sdelay $0x4  }
0xda: {  	v9 =	vperm.xlane v9, v3;
	_ =	sdelay $0x1  }
0xdb: {  	v10 =	vshll.u32 v9, $0x3  }
0xdc: {  	v9 =	vand.u32 $0x7F, v9;
	v10 =	vand.u32 $0xFFFFFC00, v10  }
0xdd: {  	v9 =	vor.u32 v9, v10  }
0xde: {  	s2 =	sadd.s32 $0x80000000, s2;
	v10 =	vadd.s32 v4, v9  }
0xdf: {  	p1 =	sne.s32 s2, $0x1;
	v9 =	vadd.s32 v5, v9  }
.Ltmp18:
0xe0: {  	_ = 	snop;
	(pc) =	sbr.rel @!p1 .LBB2_25-.Ltmp18, $4  }
0xe1: {  	s13 =	sshll.u32 s13, $0x9  }
0xe2: {  	s13 =	sshra.s32 s13, $0x2  }
0xe3: {  	s13 =	sadd.s32 $0x10A90, s13;
	v10 =	vld.idx.msk [tilespmem:v10+s21+$0x0], $0xffff  }
0xe4: {  	s30 =	sadd.s32 $0xFFFFFFFF, s2;
	s2 =	smov.u32 s13;
	v9 =	vld.idx.msk [tilespmem:v9+s21+$0x0], $0xffff  }
.LBB2_24:
0xe5: {  	_ =	sdelay $0x2  }
0xe6: {  	p1 =	sne.s32 s30, $0x1;
	s2 =	sadd.s32 $0x80, s2;
	s17 =	sadd.s32 $0x1, s17;
	[tilespmem:s13+$0xFFFFFFF0] =	vst v10  }
0xe7: {  	s30 =	sadd.s32 $0xFFFFFFFF, s30;
	[tilespmem:s13+$0x0] =	vst v9;
	s13 =	smov.u32 s2  }
0xe8: {  	v9 =	vld [tilespmem:s17+$0x0];
	_ =	sdelay $0x4  }
0xe9: {  	v9 =	vperm.xlane v9, v3;
	_ =	sdelay $0x1  }
0xea: {  	v10 =	vshll.u32 v9, $0x3  }
0xeb: {  	v9 =	vand.u32 $0x7F, v9;
	v10 =	vand.u32 $0xFFFFFC00, v10  }
0xec: {  	v9 =	vor.u32 v9, v10  }
0xed: {  	v10 =	vadd.s32 v4, v9;
	v9 =	vadd.s32 v5, v9;
	_ =	sdelay $0x1  }
.Ltmp19:
0xee: {  	(pc) =	sbr.rel @p1 .LBB2_24-.Ltmp19, $3  }
0xef: {  	_ =	sdelay $0x1  }
0xf0: {  	v10 =	vld.idx.msk [tilespmem:v10+s21+$0x0], $0xffff  }
0xf1: {  	v9 =	vld.idx.msk [tilespmem:v9+s21+$0x0], $0xffff  }
.LBB2_25:
0xf2: {  	_ =	sdelay $0x2  }
0xf3: {  	[tilespmem:s13+$0xFFFFFFF0] =	vst v10  }
0xf4: {  	[tilespmem:s13+$0x0] =	vst v9  }
.LBB2_26:
0xf5: {  	p1 =	slt.s32 s0, $0xF0  }
.Ltmp20:
0xf6: {  	_ = 	snop;
	(pc) =	sbr.rel @p1 .LBB2_29-.Ltmp20, $1  }
0xf7: {  	_ =	sdelay $0x3  }
0xf8: {  	s2 =	simm.s32 $0x10980  }
0xf9: {  	[hbm4b:s7+s25] =	stream.indirect.scatter [tilespmem:s26], [sflag:$0x3], $0x80, s2, s25, $0xb8;
	[tilespmem:$0x18A80] =	vst v63  }
0xfa: {  	_ =	swait.ge [sflag:s23], $0x8000  }
0xfb: {  	s13 =	simm.s32 $0x0;
	[sflag:s23] =	ssyncset.done $0x0  }
0xfc: {  	v9 =	vor.u32 s13, v1;
	[sflag:s23] =	ssyncadd.s32 $0xFFFF8000  }
0xfd: {  	s13 =	simm.s32 $0x10;
	[tilespmem:s2+$0x0] =	vst v9  }
.LBB2_28:
0xfe: {  	p1 =	sne.s32 s13, $0xF0  }
.Ltmp21:
0xff: {  	_ = 	snop;
	(pc) =	sbr.rel @p1 .LBB2_28-.Ltmp21, $3  }
0x100: {  	_ =	sdelay $0x1  }
0x101: {  	v9 =	vor.u32 s13, v1;
	s13 =	sadd.s32 $0x10, s13;
	s2 =	sadd.s32 $0x10, s2  }
0x102: {  	[tilespmem:s2+$0x0] =	vst v9  }
.Ltmp22:
0x103: {  	_ = 	snop;
	(pc) =	sbr.rel .LBB2_29-.Ltmp22, $1  }
0x104: {  	_ =	sdelay $0x3  }
.LBB2_31:
0x105: {  	_ =	swait.ge [sflag:s24], $0x4000  }
0x106: {  	[sflag:s24] =	ssyncset.done $0x0  }
0x107: {  	[sflag:s24] =	ssyncadd.s32 $0xFFFFC000  }
0x108: {  	_ =	swait.ge [sflag:s28], $0x4000  }
0x109: {  	[sflag:s28] =	ssyncset.done $0x0  }
0x10a: {  	s0 =	simm.s32 $0x10980;
	[sflag:s28] =	ssyncadd.s32 $0xFFFFC000  }
0x10b: {  	[hbm4b:s7+s25] =	stream.indirect.scatter [tilespmem:s26], [sflag:$0x3], $0x80, s0, s25, $0xb8;
	[tilespmem:$0x18A80] =	vst v63  }
0x10c: {  	_ =	swait.ge [sflag:s23], $0x8000  }
0x10d: {  	s2 =	simm.s32 $0x0;
	[sflag:s23] =	ssyncset.done $0x0  }
0x10e: {  	v6 =	vor.u32 s2, v1;
	[sflag:s23] =	ssyncadd.s32 $0xFFFF8000  }
0x10f: {  	s2 =	simm.s32 $0x10;
	[tilespmem:s0+$0x0] =	vst v6  }
.LBB2_32:
0x110: {  	p0 =	sne.s32 s2, $0xF0  }
.Ltmp23:
0x111: {  	_ = 	snop;
	(pc) =	sbr.rel @p0 .LBB2_32-.Ltmp23, $3  }
0x112: {  	_ =	sdelay $0x1  }
0x113: {  	v6 =	vor.u32 s2, v1;
	s2 =	sadd.s32 $0x10, s2;
	s0 =	sadd.s32 $0x10, s0  }
0x114: {  	[tilespmem:s0+$0x0] =	vst v6  }
0x115: {  	s2 =	rddreg [dreg:$0x7]  }
0x116: {  	s0 =	simm.s32 $0x0;
	s31 =	rddreg [dreg:$0x8]  }
0x117: {  	[tilespmem:s0], [sflag:$0x1] =	stream.strided.gather [hbm4b:s2+s19], $0x4000, s29, s19, $0x38;
	[tilespmem:$0x18A80] =	vst v63  }
0x118: {  	s13 =	simm.s32 $0x0;
	s5 =	simm.s32 $0x0;
	s14 =	simm.s32 $0x0  }
0x119: {  	[tilespmem:s21], [sflag:$0x2] =	stream.strided.gather [hbm4b:s31+s19], $0x4000, s29, s19, $0x38;
	[tilespmem:$0x18A80] =	vst v63  }
.LBB2_34:
0x11a: {  	s2 =	sshll.u32 s14, $0x8  }
0x11b: {  	s2 =	sadd.s32 s4, s2  }
0x11c: {  	[tilespmem:s22], [sflag:$0x3] =	stream.linear.gather [hbm4b:s2+s0], $0x800, $0x38;
	[tilespmem:$0x18A80] =	vst v63  }
0x11d: {  	_ =	swait.ge [sflag:s23], $0x800  }
0x11e: {  	[sflag:s23] =	ssyncset.done $0x0  }
0x11f: {  	s31 =	simm.s32 $0x0;
	[sflag:s23] =	ssyncadd.s32 $0xFFFFF800  }
0x120: {  	v6 =	vld [tilespmem:s31+$0x8000];
	_ =	sdelay $0x4  }
0x121: {  	v7 =	vshrl.u32 v6, $0x9  }
0x122: {  	v7 =	vand.u32 $0x1F, v7  }
0x123: {  	vm1 =	vlt.s32 v6, $0x18600;
	vm0 =	veq.s32 v7, v2  }
0x124: {  	vm0 =	vmand vm1, vm0  }
0x125: {  	v7 =	vmpcnt.ones.xlane vm0;
	_ =	sdelay $0x1  }
0x126: {  	v7 =	vxor.u32 $0x80000000, v7  }
0x127: {  	(xrf0) =	vmax.scan.msk.u32 $0xffff, v7;
	_ =	sdelay $0x5  }
0x128: {  	[tilespmem:s5+$0x8800] =	vst.msk vm0, v6;
	v7 =	vor.u32 s13, v0;
	v6, _, _ =	vpop (xrf0)  }
0x129: {  	s17 =	simm.s32 $0x80;
	s15 =	smov.u32 s13;
	s2 =	simm.s32 $0x10;
	[tilespmem:s5+$0xC800] =	vst.msk vm0, v7;
	(v2sf) =	vpush v6, $0xF  }
.LBB2_35:
0x12a: {  	p0 =	sne.s32 s17, $0x1FC0;
	v6 =	vld [tilespmem:s2+$0x8000];
	_ =	sdelay $0x4  }
0x12b: {  	v7 =	vshrl.u32 v6, $0x9  }
0x12c: {  	v7 =	vand.u32 $0x1F, v7  }
0x12d: {  	vm1 =	vlt.s32 v6, $0x18600;
	vm0 =	veq.s32 v7, v2  }
0x12e: {  	vm0 =	vmand vm1, vm0  }
0x12f: {  	v7 =	vmpcnt.ones.xlane vm0;
	_ =	sdelay $0x1  }
0x130: {  	v7 =	vxor.u32 $0x80000000, v7  }
0x131: {  	(xrf0) =	vmax.scan.msk.u32 $0xffff, v7;
	_ =	sdelay $0x1  }
0x132: {  	s2 =	spop (v2sf)  }
.Ltmp24:
0x133: {  	s2 =	sadd.s32 s2, s5;
	(pc) =	sbr.rel @p0 .LBB2_35-.Ltmp24, $4  }
0x134: {  	s15 =	sadd.s32 $0x10, s15;
	s5 =	sadd.s32 $0x80000000, s2  }
0x135: {  	v7 =	vor.u32 s15, v0;
	[tilespmem:s5+$0x8800] =	vst.msk vm0, v6  }
0x136: {  	[tilespmem:s5+$0xC800] =	vst.msk vm0, v7;
	v6, _, _ =	vpop (xrf0)  }
0x137: {  	s2 =	sshra.s32 s17, $0x2;
	s17 =	sadd.s32 $0x40, s17;
	(v2sf) =	vpush v6, $0xF  }
0x138: {  	v6 =	vld [tilespmem:s2+$0x8000];
	_ =	sdelay $0x4  }
0x139: {  	v7 =	vshrl.u32 v6, $0x9  }
0x13a: {  	v7 =	vand.u32 $0x1F, v7  }
0x13b: {  	vm1 =	vlt.s32 v6, $0x18600;
	vm0 =	veq.s32 v7, v2  }
0x13c: {  	vm0 =	vmand vm1, vm0  }
0x13d: {  	v7 =	vmpcnt.ones.xlane vm0;
	_ =	sdelay $0x1  }
0x13e: {  	v7 =	vxor.u32 $0x80000000, v7  }
0x13f: {  	(xrf0) =	vmax.scan.msk.u32 $0xffff, v7;
	_ =	sdelay $0x5  }
0x140: {  	v7, _, _ =	vpop (xrf0)  }
0x141: {  	(v2sf) =	vpush v7, $0xF;
	_ =	sdelay $0xa  }
0x142: {  	s14 =	sadd.s32 $0x1, s14  }
0x143: {  	p0 =	sne.s32 s14, $0x8  }
.Ltmp25:
0x144: {  	s31 =	spop (v2sf);
	(pc) =	sbr.rel @p0 .LBB2_34-.Ltmp25, $4  }
0x145: {  	s2 =	sadd.s32 s31, s5  }
0x146: {  	s17 =	sadd.s32 $0x10, s15;
	s2 =	sadd.s32 $0x80000000, s2;
	s30 =	spop (v2sf)  }
0x147: {  	[tilespmem:s2+$0x8800] =	vst.msk vm0, v6;
	v7 =	vor.u32 s17, v0;
	s31 =	sadd.s32 s30, s2  }
0x148: {  	s13 =	sadd.s32 $0x800, s13;
	[tilespmem:s2+$0xC800] =	vst.msk vm0, v7;
	s5 =	sadd.s32 $0x80000000, s31  }
0x149: {  	s0 =	sadd.s32 $0xF, s5  }
0x14a: {  	s2 =	sand.u32 $0xF, s0  }
0x14b: {  	s30 =	sshra.s32 s0, $0x1F;
	p1 =	slt.s32 s0, $0x1;
	p0 =	sne.s32 s2, $0x0  }
.Ltmp26:
0x14c: {  	s2 =	sshrl.u32 s30, $0x1C;
	p0 =	por !p1, !p0;
	(pc) =	sbr.rel .LBB2_38-.Ltmp26, $4  }
0x14d: {  	s0 =	sadd.s32 s2, s0;
	s2 =	simm.s32 $0x1;
	p0 =	por !p0, !p0  }
0x14e: {  	s0 =	sshra.s32 s0, $0x4;
	s2 =	simm.s32 @!p0 $0x0  }
0x14f: {  	s31 =	ssub.s32 s0, s2  }
0x150: {  	v6 =	vmov s5;
	s13 =	simm.s32 $0x0;
	s5 =	simm.s32 $0x0;
	p0 =	slt.s32 s31, $0x1  }
.LBB2_50:
0x151: {  	s13 =	smov.u32 s0  }
.LBB2_60:
0x152: {  	s0 =	sadd.s32 $0x3, s15  }
0x153: {  	s2 =	smov.u32 s12;
	s5 =	sadd.s32 $0x1, s5;
	p1 =	slt.s32 s0, s12  }
0x154: {  	s2 =	smov.u32 @p1 s0;
	p1 =	sne.s32 s5, s16  }
.Ltmp27:
0x155: {  	s0 =	sshll.u32 s2, $0x11;
	(pc) =	sbr.rel @!p1 .LBB2_61-.Ltmp27, $4  }
0x156: {  	s0 =	sor.u32 s11, s0  }
0x157: {  	s0 =	sshrl.u32 s0, $0x3  }
0x158: {  	s0 =	sadd.s32 s3, s0  }
0x159: {  	[tilespmem:s21], [sflag:$0x2] =	stream.strided.gather [hbm4b:s0+s19], $0x4000, s29, s19, $0x38;
	[tilespmem:$0x18A80] =	vst v63  }
.LBB2_38:
.Ltmp28:
0x15a: {  	(pc) =	sbr.rel @p0 .LBB2_39-.Ltmp28, $4  }
0x15b: {  	_ = 	snop  }
0x15c: {  	_ =	swait.ge [sflag:s24], $0x4000  }
0x15d: {  	[sflag:s24] =	ssyncset.done $0x0  }
0x15e: {  	s14 =	sshll.u32 s5, $0x6;
	[sflag:s24] =	ssyncadd.s32 $0xFFFFC000  }
.Ltmp29:
0x15f: {  	(pc) =	sbr.rel .LBB2_41-.Ltmp29, $4  }
0x160: {  	_ = 	snop  }
0x161: {  	s0 =	sor.u32 s1, s14  }
0x162: {  	s2 =	sshll.u32 s0, $0x9  }
0x163: {  	s15 =	simm.s32 $0x0;
	v7 =	vmov s0;
	v8 =	vmov s2  }
.LBB2_48:
0x164: {  	p1 =	sgt.s32 s0, $0xEF;
	s15 =	sadd.s32 $0x1, s15  }
0x165: {  	s0 =	simm.s32 @p1 $0x0;
	p1 =	sne.s32 s15, s31  }
.Ltmp30:
0x166: {  	_ = 	snop;
	(pc) =	sbr.rel @!p1 .LBB2_49-.Ltmp30, $2  }
0x167: {  	_ =	sdelay $0x2  }
0x168: {  	s13 =	smov.u32 s0  }
.LBB2_41:
0x169: {  	s0 =	sshll.u32 s15, $0x4  }
0x16a: {  	v9 =	vld [tilespmem:s0+$0x8800];
	_ =	sdelay $0x4  }
0x16b: {  	v11 =	vor.u32 s0, v0;
	v10 =	vshrl.u32 v9, $0x9  }
0x16c: {  	vm1 =	vlt.s32 v11, v6;
	vm0 =	veq.s32 v10, v7  }
0x16d: {  	vm0 =	vmand vm1, vm0  }
0x16e: {  	v10 =	vmpcnt.ones.xlane vm0;
	_ =	sdelay $0x1  }
0x16f: {  	v10 =	vxor.u32 $0x80000000, v10  }
0x170: {  	(xrf0) =	vmax.scan.msk.u32 $0xffff, v10;
	_ =	sdelay $0x5  }
0x171: {  	v10, _, _ =	vpop (xrf0)  }
0x172: {  	(v2sf) =	vpush v10, $0xF;
	_ =	sdelay $0xe  }
0x173: {  	s2 =	spop (v2sf)  }
0x174: {  	s30 =	sadd.s32 s2, s13  }
0x175: {  	v10 =	vld [tilespmem:s0+$0xC800];
	s0 =	sadd.s32 $0x80000000, s30  }
0x176: {  	p1 =	sge.s32 s13, s0  }
.Ltmp31:
0x177: {  	_ = 	snop;
	(pc) =	sbr.rel @p1 .LBB2_45-.Ltmp31, $4  }
0x178: {  	_ = 	snop  }
0x179: {  	v9 =	vsub.s32 v9, v8  }
0x17a: {  	[tilespmem:s13+$0x10800] =	vst.msk vm0, v9  }
0x17b: {  	[tilespmem:s13+$0x10980] =	vst.msk vm0, v10  }
0x17c: {  	s17 =	sshll.u32 s13, $0x2  }
0x17d: {  	s17 =	sshra.s32 s17, $0x2  }
0x17e: {  	s17 =	sadd.s32 $0x10800, s17  }
0x17f: {  	v9 =	vld [tilespmem:s17+$0x0];
	_ =	sdelay $0x4  }
0x180: {  	v9 =	vperm.xlane v9, v3;
	_ =	sdelay $0x1  }
0x181: {  	v10 =	vshll.u32 v9, $0x3  }
0x182: {  	v9 =	vand.u32 $0x7F, v9;
	v10 =	vand.u32 $0xFFFFFC00, v10  }
0x183: {  	v9 =	vor.u32 v9, v10  }
0x184: {  	s2 =	sadd.s32 $0x80000000, s2;
	v10 =	vadd.s32 v4, v9  }
0x185: {  	p1 =	sne.s32 s2, $0x1;
	v9 =	vadd.s32 v5, v9  }
.Ltmp32:
0x186: {  	_ = 	snop;
	(pc) =	sbr.rel @!p1 .LBB2_44-.Ltmp32, $4  }
0x187: {  	s13 =	sshll.u32 s13, $0x9  }
0x188: {  	s13 =	sshra.s32 s13, $0x2  }
0x189: {  	s13 =	sadd.s32 $0x10A90, s13;
	v10 =	vld.idx.msk [tilespmem:v10+s6+$0x0], $0xffff  }
0x18a: {  	s30 =	sadd.s32 $0xFFFFFFFF, s2;
	s2 =	smov.u32 s13;
	v9 =	vld.idx.msk [tilespmem:v9+s6+$0x0], $0xffff  }
.LBB2_43:
0x18b: {  	_ =	sdelay $0x2  }
0x18c: {  	p1 =	sne.s32 s30, $0x1;
	s2 =	sadd.s32 $0x80, s2;
	s17 =	sadd.s32 $0x1, s17;
	[tilespmem:s13+$0xFFFFFFF0] =	vst v10  }
0x18d: {  	s30 =	sadd.s32 $0xFFFFFFFF, s30;
	[tilespmem:s13+$0x0] =	vst v9;
	s13 =	smov.u32 s2  }
0x18e: {  	v9 =	vld [tilespmem:s17+$0x0];
	_ =	sdelay $0x4  }
0x18f: {  	v9 =	vperm.xlane v9, v3;
	_ =	sdelay $0x1  }
0x190: {  	v10 =	vshll.u32 v9, $0x3  }
0x191: {  	v9 =	vand.u32 $0x7F, v9;
	v10 =	vand.u32 $0xFFFFFC00, v10  }
0x192: {  	v9 =	vor.u32 v9, v10  }
0x193: {  	v10 =	vadd.s32 v4, v9;
	v9 =	vadd.s32 v5, v9;
	_ =	sdelay $0x1  }
.Ltmp33:
0x194: {  	(pc) =	sbr.rel @p1 .LBB2_43-.Ltmp33, $3  }
0x195: {  	_ =	sdelay $0x1  }
0x196: {  	v10 =	vld.idx.msk [tilespmem:v10+s6+$0x0], $0xffff  }
0x197: {  	v9 =	vld.idx.msk [tilespmem:v9+s6+$0x0], $0xffff  }
.LBB2_44:
0x198: {  	_ =	sdelay $0x2  }
0x199: {  	[tilespmem:s13+$0xFFFFFFF0] =	vst v10  }
0x19a: {  	[tilespmem:s13+$0x0] =	vst v9  }
.LBB2_45:
0x19b: {  	p1 =	slt.s32 s0, $0xF0  }
.Ltmp34:
0x19c: {  	_ = 	snop;
	(pc) =	sbr.rel @p1 .LBB2_48-.Ltmp34, $1  }
0x19d: {  	_ =	sdelay $0x3  }
0x19e: {  	s2 =	simm.s32 $0x10980  }
0x19f: {  	[hbm4b:s8+s25] =	stream.indirect.scatter [tilespmem:s26], [sflag:$0x3], $0x80, s2, s25, $0xb8;
	[tilespmem:$0x18A80] =	vst v63  }
0x1a0: {  	_ =	swait.ge [sflag:s23], $0x8000  }
0x1a1: {  	s13 =	simm.s32 $0x0;
	[sflag:s23] =	ssyncset.done $0x0  }
0x1a2: {  	v9 =	vor.u32 s13, v1;
	[sflag:s23] =	ssyncadd.s32 $0xFFFF8000  }
0x1a3: {  	s13 =	simm.s32 $0x10;
	[tilespmem:s2+$0x0] =	vst v9  }
.LBB2_47:
0x1a4: {  	p1 =	sne.s32 s13, $0xF0  }
.Ltmp35:
0x1a5: {  	_ = 	snop;
	(pc) =	sbr.rel @p1 .LBB2_47-.Ltmp35, $3  }
0x1a6: {  	_ =	sdelay $0x1  }
0x1a7: {  	v9 =	vor.u32 s13, v1;
	s13 =	sadd.s32 $0x10, s13;
	s2 =	sadd.s32 $0x10, s2  }
0x1a8: {  	[tilespmem:s2+$0x0] =	vst v9  }
.Ltmp36:
0x1a9: {  	_ = 	snop;
	(pc) =	sbr.rel .LBB2_48-.Ltmp36, $1  }
0x1aa: {  	_ =	sdelay $0x3  }
.LBB2_39:
0x1ab: {  	s0 =	smov.u32 s13  }
.LBB2_49:
0x1ac: {  	s15 =	sshll.u32 s5, $0x1  }
0x1ad: {  	s2 =	sadd.s32 $0x2, s15  }
0x1ae: {  	s13 =	smov.u32 s12;
	p1 =	slt.s32 s2, s12  }
0x1af: {  	s13 =	smov.u32 @p1 s2  }
0x1b0: {  	s2 =	sshll.u32 s13, $0x11  }
0x1b1: {  	s2 =	sor.u32 s11, s2  }
0x1b2: {  	s2 =	sshrl.u32 s2, $0x3  }
.Ltmp37:
0x1b3: {  	s2 =	sadd.s32 s3, s2;
	(pc) =	sbr.rel @p0 .LBB2_50-.Ltmp37, $4  }
0x1b4: {  	[tilespmem:s6], [sflag:$0x1] =	stream.strided.gather [hbm4b:s2+s19], $0x4000, s29, s19, $0x38;
	[tilespmem:$0x18A80] =	vst v63  }
0x1b5: {  	_ =	swait.ge [sflag:s28], $0x4000  }
0x1b6: {  	[sflag:s28] =	ssyncset.done $0x0  }
0x1b7: {  	[sflag:s28] =	ssyncadd.s32 $0xFFFFC000  }
.Ltmp38:
0x1b8: {  	(pc) =	sbr.rel .LBB2_52-.Ltmp38, $4  }
0x1b9: {  	_ = 	snop  }
0x1ba: {  	s2 =	sor.u32 s18, s14  }
0x1bb: {  	s13 =	sshll.u32 s2, $0x9  }
0x1bc: {  	s14 =	simm.s32 $0x0;
	v7 =	vmov s2;
	v8 =	vmov s13  }
.LBB2_59:
0x1bd: {  	p1 =	sgt.s32 s13, $0xEF;
	s14 =	sadd.s32 $0x1, s14  }
0x1be: {  	s13 =	simm.s32 @p1 $0x0;
	p1 =	sne.s32 s14, s31  }
.Ltmp39:
0x1bf: {  	_ = 	snop;
	(pc) =	sbr.rel @!p1 .LBB2_60-.Ltmp39, $2  }
0x1c0: {  	_ =	sdelay $0x2  }
0x1c1: {  	s0 =	smov.u32 s13  }
.LBB2_52:
0x1c2: {  	s2 =	sshll.u32 s14, $0x4  }
0x1c3: {  	v9 =	vld [tilespmem:s2+$0x8800];
	_ =	sdelay $0x4  }
0x1c4: {  	v11 =	vor.u32 s2, v0;
	v10 =	vshrl.u32 v9, $0x9  }
0x1c5: {  	vm1 =	vlt.s32 v11, v6;
	vm0 =	veq.s32 v10, v7  }
0x1c6: {  	vm0 =	vmand vm1, vm0  }
0x1c7: {  	v10 =	vmpcnt.ones.xlane vm0;
	_ =	sdelay $0x1  }
0x1c8: {  	v10 =	vxor.u32 $0x80000000, v10  }
0x1c9: {  	(xrf0) =	vmax.scan.msk.u32 $0xffff, v10;
	_ =	sdelay $0x5  }
0x1ca: {  	v10, _, _ =	vpop (xrf0)  }
0x1cb: {  	(v2sf) =	vpush v10, $0xF;
	_ =	sdelay $0xe  }
0x1cc: {  	v10 =	vld [tilespmem:s2+$0xC800];
	s2 =	spop (v2sf)  }
0x1cd: {  	s13 =	sadd.s32 s2, s0  }
0x1ce: {  	s13 =	sadd.s32 $0x80000000, s13  }
0x1cf: {  	p1 =	sge.s32 s0, s13  }
.Ltmp40:
0x1d0: {  	_ = 	snop;
	(pc) =	sbr.rel @p1 .LBB2_56-.Ltmp40, $4  }
0x1d1: {  	_ = 	snop  }
0x1d2: {  	v9 =	vsub.s32 v9, v8  }
0x1d3: {  	[tilespmem:s0+$0x10800] =	vst.msk vm0, v9  }
0x1d4: {  	[tilespmem:s0+$0x10980] =	vst.msk vm0, v10  }
0x1d5: {  	s17 =	sshll.u32 s0, $0x2  }
0x1d6: {  	s17 =	sshra.s32 s17, $0x2  }
0x1d7: {  	s17 =	sadd.s32 $0x10800, s17  }
0x1d8: {  	v9 =	vld [tilespmem:s17+$0x0];
	_ =	sdelay $0x4  }
0x1d9: {  	v9 =	vperm.xlane v9, v3;
	_ =	sdelay $0x1  }
0x1da: {  	v10 =	vshll.u32 v9, $0x3  }
0x1db: {  	v9 =	vand.u32 $0x7F, v9;
	v10 =	vand.u32 $0xFFFFFC00, v10  }
0x1dc: {  	v9 =	vor.u32 v9, v10  }
0x1dd: {  	s2 =	sadd.s32 $0x80000000, s2;
	v10 =	vadd.s32 v4, v9  }
0x1de: {  	p1 =	sne.s32 s2, $0x1;
	v9 =	vadd.s32 v5, v9  }
.Ltmp41:
0x1df: {  	_ = 	snop;
	(pc) =	sbr.rel @!p1 .LBB2_55-.Ltmp41, $4  }
0x1e0: {  	s0 =	sshll.u32 s0, $0x9  }
0x1e1: {  	s0 =	sshra.s32 s0, $0x2  }
0x1e2: {  	s0 =	sadd.s32 $0x10A90, s0;
	v10 =	vld.idx.msk [tilespmem:v10+s21+$0x0], $0xffff  }
0x1e3: {  	s30 =	sadd.s32 $0xFFFFFFFF, s2;
	s2 =	smov.u32 s0;
	v9 =	vld.idx.msk [tilespmem:v9+s21+$0x0], $0xffff  }
.LBB2_54:
0x1e4: {  	_ =	sdelay $0x2  }
0x1e5: {  	p1 =	sne.s32 s30, $0x1;
	s2 =	sadd.s32 $0x80, s2;
	s17 =	sadd.s32 $0x1, s17;
	[tilespmem:s0+$0xFFFFFFF0] =	vst v10  }
0x1e6: {  	s30 =	sadd.s32 $0xFFFFFFFF, s30;
	[tilespmem:s0+$0x0] =	vst v9;
	s0 =	smov.u32 s2  }
0x1e7: {  	v9 =	vld [tilespmem:s17+$0x0];
	_ =	sdelay $0x4  }
0x1e8: {  	v9 =	vperm.xlane v9, v3;
	_ =	sdelay $0x1  }
0x1e9: {  	v10 =	vshll.u32 v9, $0x3  }
0x1ea: {  	v9 =	vand.u32 $0x7F, v9;
	v10 =	vand.u32 $0xFFFFFC00, v10  }
0x1eb: {  	v9 =	vor.u32 v9, v10  }
0x1ec: {  	v10 =	vadd.s32 v4, v9;
	v9 =	vadd.s32 v5, v9;
	_ =	sdelay $0x1  }
.Ltmp42:
0x1ed: {  	(pc) =	sbr.rel @p1 .LBB2_54-.Ltmp42, $3  }
0x1ee: {  	_ =	sdelay $0x1  }
0x1ef: {  	v10 =	vld.idx.msk [tilespmem:v10+s21+$0x0], $0xffff  }
0x1f0: {  	v9 =	vld.idx.msk [tilespmem:v9+s21+$0x0], $0xffff  }
.LBB2_55:
0x1f1: {  	_ =	sdelay $0x2  }
0x1f2: {  	[tilespmem:s0+$0xFFFFFFF0] =	vst v10  }
0x1f3: {  	[tilespmem:s0+$0x0] =	vst v9  }
.LBB2_56:
0x1f4: {  	p1 =	slt.s32 s13, $0xF0  }
.Ltmp43:
0x1f5: {  	_ = 	snop;
	(pc) =	sbr.rel @p1 .LBB2_59-.Ltmp43, $1  }
0x1f6: {  	_ =	sdelay $0x3  }
0x1f7: {  	s0 =	simm.s32 $0x10980  }
0x1f8: {  	[hbm4b:s8+s25] =	stream.indirect.scatter [tilespmem:s26], [sflag:$0x3], $0x80, s0, s25, $0xb8;
	[tilespmem:$0x18A80] =	vst v63  }
0x1f9: {  	_ =	swait.ge [sflag:s23], $0x8000  }
0x1fa: {  	s2 =	simm.s32 $0x0;
	[sflag:s23] =	ssyncset.done $0x0  }
0x1fb: {  	v9 =	vor.u32 s2, v1;
	[sflag:s23] =	ssyncadd.s32 $0xFFFF8000  }
0x1fc: {  	s2 =	simm.s32 $0x10;
	[tilespmem:s0+$0x0] =	vst v9  }
.LBB2_58:
0x1fd: {  	p1 =	sne.s32 s2, $0xF0  }
.Ltmp44:
0x1fe: {  	_ = 	snop;
	(pc) =	sbr.rel @p1 .LBB2_58-.Ltmp44, $3  }
0x1ff: {  	_ =	sdelay $0x1  }
0x200: {  	v9 =	vor.u32 s2, v1;
	s2 =	sadd.s32 $0x10, s2;
	s0 =	sadd.s32 $0x10, s0  }
0x201: {  	[tilespmem:s0+$0x0] =	vst v9  }
.Ltmp45:
0x202: {  	_ = 	snop;
	(pc) =	sbr.rel .LBB2_59-.Ltmp45, $1  }
0x203: {  	_ =	sdelay $0x3  }
.LBB2_61:
0x204: {  	_ =	swait.ge [sflag:s24], $0x4000  }
0x205: {  	[sflag:s24] =	ssyncset.done $0x0  }
0x206: {  	[sflag:s24] =	ssyncadd.s32 $0xFFFFC000  }
0x207: {  	_ =	swait.ge [sflag:s28], $0x4000  }
0x208: {  	[sflag:s28] =	ssyncset.done $0x0  }
0x209: {  	s0 =	simm.s32 $0x10980;
	[sflag:s28] =	ssyncadd.s32 $0xFFFFC000  }
0x20a: {  	[hbm4b:s8+s25] =	stream.indirect.scatter [tilespmem:s26], [sflag:$0x3], $0x80, s0, s25, $0xb8;
	[tilespmem:$0x18A80] =	vst v63  }
0x20b: {  	_ =	swait.ge [sflag:s23], $0x8000  }
0x20c: {  	s2 =	simm.s32 $0x0;
	[sflag:s23] =	ssyncset.done $0x0  }
0x20d: {  	v6 =	vor.u32 s2, v1;
	[sflag:s23] =	ssyncadd.s32 $0xFFFF8000  }
0x20e: {  	s2 =	simm.s32 $0x10;
	[tilespmem:s0+$0x0] =	vst v6  }
.LBB2_62:
0x20f: {  	p0 =	sne.s32 s2, $0xF0  }
.Ltmp46:
0x210: {  	_ = 	snop;
	(pc) =	sbr.rel @p0 .LBB2_62-.Ltmp46, $3  }
0x211: {  	_ =	sdelay $0x1  }
0x212: {  	v6 =	vor.u32 s2, v1;
	s2 =	sadd.s32 $0x10, s2;
	s0 =	sadd.s32 $0x10, s0  }
0x213: {  	[tilespmem:s0+$0x0] =	vst v6  }
0x214: {  	s2 =	rddreg [dreg:$0xa]  }
0x215: {  	s0 =	rddreg [dreg:$0x9];
	s2 =	sadd.s32 $0x1, s2  }
0x216: {  	p0 =	sne.s32 s2, s0  }
.Ltmp47:
0x217: {  	_ = 	snop;
	(pc) =	sbr.rel @p0 .LBB2_1-.Ltmp47, $2  }
0x218: {  	_ =	sdelay $0x2  }
0x219: {  	s30 =	rddreg [dreg:$0x1]  }
0x21a: {  	_ =	sfence.sel $0x180000  }
0x21b: {  	[bflag:$0x0] =	sbarrier.arrive $0xFFFF  }
0x21c: {  	_ =	strace $0x90000047  }
0x21d: {  	s0 =	stileid.u32;
	[bflag:$0x2] =	sbarrier.arrive $0xFFFF  }
0x21e: {  	p0 =	sne.s32 s0, $0x0;
	s0 =	rddreg [dreg:$0x5]  }
0x21f: {  	s0 =	sadd.s32 @!p0 $0x100000, s0  }
0x220: {  	[sflag:s0] =	ssyncadd.tile.s32 @!p0 $0x1;
	_ =	shalt  }
.Lfunc_end2:
_tile_overlayer_lowered:
.L_overlay_start_2:
0x221: {  	(tag) =	ssettag $0x2  }
0x222: {  	s0 =	rddreg [dreg:$0x0];
	s2 =	stileid.u32  }
0x223: {  	s1 =	rddreg [dreg:$0x1];
	p0 =	sne.s32 s2, $0x0  }
0x224: {  	s3 =	rddreg [dreg:$0x2];
	[bflag:$0x3] =	sbarrier.arrive $0xFFFF;
	s2 =	simm.s32 @!p0 $0x1C03  }
0x225: {  	[timem:s3], [sflag:s2] =	dma.local @!p0 [hbm:s0], s1  }
0x226: {  	s0 =	simm.s32 @!p0 $0x3  }
0x227: {  	_ =	swait.ge @!p0 [sflag:s0], s1  }
0x228: {  	s1 =	ssub.s32 @!p0 $0x0, s1;
	[sflag:s0] =	ssyncset.done @!p0 $0x0  }
0x229: {  	[sflag:s0] =	ssyncadd.s32 @!p0 s1  }
0x22a: {  	[bflag:$0x3] =	sbarrier.arrive $0xFFFF  }
0x22b: {  	_ =	shalt  }

</sc_bundles>
